<compile_context>
chip_gen: v7x
topology: tpu7x:2x2x1
jax: 0.10.2.dev20260603
libtpu: 0.0.44.dev20260713+nightly
codegen_flags: <defaults>
</compile_context>

<pallas_src>
import functools

import jax
import jax.numpy as jnp
from jax import lax
from jax.experimental import pallas as pl
from jax.experimental.pallas import tpu as pltpu
from jax.experimental.pallas import tpu_sc as plsc

N = 50000
E = 800000
IN_DIM = 128
H = 108
OUT_DIM = 108

DP = 128
ONES_COL = 108
BR = 1024
NP = 50176
NBLK = NP // BR

NUM_CHUNKS = 8
CHUNK = NP // NUM_CHUNKS
PASSES = NUM_CHUNKS // 2
ACC_ROWS = CHUNK + 128
ZPT = 80
CPT = 56

FIRE = 128
STCAP = 272
EROWS = 6272
EP = EROWS * 128
TROWS = EROWS // 16
BLKR = 56
NBLKS = TROWS // BLKR

_f32 = jnp.float32



def _mm(a, b):
    return lax.dot(a, b, precision=lax.Precision.HIGHEST,
                   preferred_element_type=_f32)


def _ones_col(m):
    col = lax.broadcasted_iota(jnp.int32, m.shape, 1)
    return jnp.where(col == ONES_COL, 1.0, m)


def _embed_pool_body(x_ref, we_ref, be_ref, wp_ref, bp_ref, h_ref, m_ref):
    h = _mm(x_ref[...], we_ref[...]) + be_ref[...]
    h_ref[...] = h
    m = jnp.maximum(_mm(h, wp_ref[...]) + bp_ref[...], 0.0)
    m_ref[...] = _ones_col(m)


def _apply_block(h, s, wah, wac, ba):
    deg = s[:, ONES_COL:ONES_COL + 1]
    c = s * (1.0 / jnp.maximum(deg, 1.0))
    bundle = _mm(h, wah) + _mm(c, wac) + ba
    nrm = jnp.sqrt(jnp.sum(bundle * bundle, axis=1, keepdims=True))
    bundle = bundle / jnp.maximum(nrm, 1e-12)
    return h + jnp.maximum(bundle, 0.0)


def _apply_pool_body(h_ref, s_ref, wah_ref, wac_ref, ba_ref, wp_ref, bp_ref,
                     h1_ref, m1_ref):
    h1 = _apply_block(h_ref[...], s_ref[...], wah_ref[...], wac_ref[...],
                      ba_ref[...])
    h1_ref[...] = h1
    m = jnp.maximum(_mm(h1, wp_ref[...]) + bp_ref[...], 0.0)
    m1_ref[...] = _ones_col(m)


def _final_body(h_ref, s_ref, wah_ref, wac_ref, ba_ref, out_ref):
    pi = pl.program_id(0)
    h2 = _apply_block(h_ref[...], s_ref[...], wah_ref[...], wac_ref[...],
                      ba_ref[...])
    row = pi * BR + lax.broadcasted_iota(jnp.int32, h2.shape, 0)
    h2 = jnp.where(row < N, h2, 0.0)
    part = jnp.sum(h2, axis=0, keepdims=True)

    @pl.when(pi == 0)
    def _():
        out_ref[...] = jnp.zeros_like(out_ref)

    acc = out_ref[...] + part

    @pl.when(pi == NBLK - 1)
    def _():
        out_ref[...] = acc * (1.0 / N)

    @pl.when(pi < NBLK - 1)
    def _():
        out_ref[...] = acc


def _row_spec(i):
    return (i, 0)


def _fixed_spec(i):
    return (0, 0)


def _embed_pool(x, we, be, wp, bp):
    return pl.pallas_call(
        _embed_pool_body,
        grid=(NBLK,),
        in_specs=[
            pl.BlockSpec((BR, IN_DIM), _row_spec),
            pl.BlockSpec((IN_DIM, DP), _fixed_spec),
            pl.BlockSpec((1, DP), _fixed_spec),
            pl.BlockSpec((DP, DP), _fixed_spec),
            pl.BlockSpec((1, DP), _fixed_spec),
        ],
        out_specs=[pl.BlockSpec((BR, DP), _row_spec),
                   pl.BlockSpec((BR, DP), _row_spec)],
        out_shape=[jax.ShapeDtypeStruct((NP, DP), _f32)] * 2,
    )(x, we, be, wp, bp)


def _apply_pool(h, s, wah, wac, ba, wp, bp):
    return pl.pallas_call(
        _apply_pool_body,
        grid=(NBLK,),
        in_specs=[
            pl.BlockSpec((BR, DP), _row_spec),
            pl.BlockSpec((BR, DP), _row_spec),
            pl.BlockSpec((DP, DP), _fixed_spec),
            pl.BlockSpec((DP, DP), _fixed_spec),
            pl.BlockSpec((1, DP), _fixed_spec),
            pl.BlockSpec((DP, DP), _fixed_spec),
            pl.BlockSpec((1, DP), _fixed_spec),
        ],
        out_specs=[pl.BlockSpec((BR, DP), _row_spec),
                   pl.BlockSpec((BR, DP), _row_spec)],
        out_shape=[jax.ShapeDtypeStruct((NP, DP), _f32)] * 2,
    )(h, s, wah, wac, ba, wp, bp)


def _final(h, s, wah, wac, ba):
    return pl.pallas_call(
        _final_body,
        grid=(NBLK,),
        in_specs=[
            pl.BlockSpec((BR, DP), _row_spec),
            pl.BlockSpec((BR, DP), _row_spec),
            pl.BlockSpec((DP, DP), _fixed_spec),
            pl.BlockSpec((DP, DP), _fixed_spec),
            pl.BlockSpec((1, DP), _fixed_spec),
        ],
        out_specs=pl.BlockSpec((1, DP), _fixed_spec),
        out_shape=jax.ShapeDtypeStruct((1, DP), _f32),
    )(h, s, wah, wac, ba)



_SC_MESH = plsc.VectorSubcoreMesh(core_axis_name="c", subcore_axis_name="s")


@functools.partial(
    pl.kernel,
    out_type=jax.ShapeDtypeStruct((NP, DP), _f32),
    mesh=_SC_MESH,
    scratch_types=[
        pltpu.VMEM_SHARED((ACC_ROWS, DP), _f32),
        pltpu.VMEM((2, FIRE, DP), _f32),
        pltpu.VMEM((2 * BLKR, 128), jnp.int32),
        pltpu.VMEM((2 * BLKR, 128), jnp.int32),
        pltpu.VMEM((STCAP,), jnp.int32),
        pltpu.VMEM((STCAP,), jnp.int32),
        pltpu.VMEM((2, FIRE), jnp.int32),
        pltpu.VMEM((2, FIRE), jnp.int32),
        pltpu.SemaphoreType.DMA,
        pltpu.SemaphoreType.DMA,
        pltpu.SemaphoreType.DMA,
    ],
    compiler_params=pltpu.CompilerParams(needs_layout_passes=False),
)
def _edge_pass(src_hbm, dst_hbm, m_hbm, out_hbm,
               acc, rows_v, bsrc, bdst, st_src, st_dst, f_src, f_dst,
               sem_s, sem_g, sem_i):
    cid = lax.axis_index("c")
    sid = lax.axis_index("s")

    def scatter_wait():
        pltpu.make_async_copy(rows_v.at[0], acc.at[f_dst.at[0]], sem_s).wait()

    def gather_wait():
        pltpu.make_async_copy(m_hbm.at[f_src.at[0]], rows_v.at[0],
                              sem_g).wait()

    def fire(b, pad_cnt):
        scatter_wait()
        for j in range(FIRE // 16):
            sv = st_src[pl.ds(j * 16, 16)]
            dv = st_dst[pl.ds(j * 16, 16)]
            if pad_cnt is not None:
                i16 = lax.broadcasted_iota(jnp.int32, (16,), 0)
                keep = (j * 16 + i16) < pad_cnt
                sv = jnp.where(keep, sv, 0)
                dv = jnp.where(keep, dv, CHUNK)
            f_src[b, pl.ds(j * 16, 16)] = sv
            f_dst[b, pl.ds(j * 16, 16)] = dv
        h = FIRE // 2
        c0 = pltpu.async_copy(m_hbm.at[f_src.at[b, pl.ds(0, h)]],
                              rows_v.at[b, pl.ds(0, h)], sem_g)
        c1 = pltpu.async_copy(m_hbm.at[f_src.at[b, pl.ds(h, h)]],
                              rows_v.at[b, pl.ds(h, h)], sem_g)
        c0.wait()
        c1.wait()
        pltpu.async_copy(rows_v.at[b], acc.at[f_dst.at[b]], sem_s, add=True)

    def chunk_body(p, _):
        lo = (cid * PASSES + p) * CHUNK

        def zrow(i, carry):
            for j in range(DP // 16):
                rows_v[0, i, pl.ds(j * 16, 16)] = jnp.zeros((16,), _f32)
            return carry
        lax.fori_loop(0, FIRE, zrow, 0)

        def zspan(i, carry):
            pltpu.sync_copy(rows_v.at[0, pl.ds(0, ZPT)],
                            acc.at[pl.ds(sid * (5 * ZPT) + i * ZPT, ZPT)])
            return carry
        lax.fori_loop(0, 5, zspan, 0)
        plsc.subcore_barrier()

        for j in range(FIRE // 16):
            f_dst[0, pl.ds(j * 16, 16)] = jnp.full((16,), CHUNK, jnp.int32)
            f_dst[1, pl.ds(j * 16, 16)] = jnp.full((16,), CHUNK, jnp.int32)
        pltpu.async_copy(rows_v.at[0], acc.at[f_dst.at[0]], sem_s, add=True)
        pltpu.async_copy(rows_v.at[1], acc.at[f_dst.at[1]], sem_s, add=True)
        row0 = sid * TROWS
        pltpu.async_copy(src_hbm.at[pl.ds(row0, BLKR)],
                         bsrc.at[pl.ds(0, BLKR)], sem_i)
        pltpu.async_copy(dst_hbm.at[pl.ds(row0, BLKR)],
                         bdst.at[pl.ds(0, BLKR)], sem_i)

        def blk_body(blk, carry):
            boff = pl.multiple_of(lax.rem(blk, 2) * BLKR, 8)
            pltpu.make_async_copy(src_hbm.at[pl.ds(0, BLKR)],
                                  bsrc.at[pl.ds(0, BLKR)], sem_i).wait()
            pltpu.make_async_copy(dst_hbm.at[pl.ds(0, BLKR)],
                                  bdst.at[pl.ds(0, BLKR)], sem_i).wait()

            def prefetch(_):
                nxt = sid * TROWS + (blk + 1) * BLKR
                noff = pl.multiple_of(lax.rem(blk + 1, 2) * BLKR, 8)
                pltpu.async_copy(src_hbm.at[pl.ds(nxt, BLKR)],
                                 bsrc.at[pl.ds(noff, BLKR)], sem_i)
                pltpu.async_copy(dst_hbm.at[pl.ds(nxt, BLKR)],
                                 bdst.at[pl.ds(noff, BLKR)], sem_i)
                return 0

            lax.cond(blk + 1 < NBLKS, prefetch, lambda _: 0, 0)

            def row_body(r, rc):
                cnt, k = rc
                for j in range(8):
                    s16 = bsrc[boff + r, pl.ds(j * 16, 16)]
                    d16 = bdst[boff + r, pl.ds(j * 16, 16)]
                    dl = d16 - lo
                    ok = dl.astype(jnp.uint32) < jnp.uint32(CHUNK)
                    plsc.store_compressed(st_src.at[pl.ds(cnt, 16)], s16,
                                          mask=ok)
                    plsc.store_compressed(st_dst.at[pl.ds(cnt, 16)], dl,
                                          mask=ok)
                    cnt = cnt + jnp.sum(jnp.where(ok, 1, 0))

                def do_fire(args):
                    cnt, k = args

                    def f0(_):
                        fire(0, None)
                        return 0

                    def f1(_):
                        fire(1, None)
                        return 0

                    lax.cond(lax.rem(k, 2) == 0, f0, f1, 0)
                    for j in range(8):
                        v = st_src[pl.ds(FIRE + j * 16, 16)]
                        st_src[pl.ds(j * 16, 16)] = v
                        v = st_dst[pl.ds(FIRE + j * 16, 16)]
                        st_dst[pl.ds(j * 16, 16)] = v
                    return cnt - FIRE, k + 1

                return lax.cond(cnt >= FIRE, do_fire, lambda a: a, (cnt, k))

            return lax.fori_loop(0, BLKR, row_body, carry)

        cnt, k = lax.fori_loop(0, NBLKS, blk_body, (jnp.int32(0), jnp.int32(0)))

        def g0(c):
            fire(0, c)
            return 0

        def g1(c):
            fire(1, c)
            return 0

        lax.cond(lax.rem(k, 2) == 0, g0, g1, cnt)
        scatter_wait()
        scatter_wait()
        plsc.subcore_barrier()

        def cspan(i, carry):
            start = sid * (7 * CPT) + i * CPT
            pltpu.sync_copy(acc.at[pl.ds(start, CPT)],
                            out_hbm.at[pl.ds(lo + start, CPT)])
            return carry
        lax.fori_loop(0, 7, cspan, 0)
        plsc.subcore_barrier()
        return _

    lax.fori_loop(0, PASSES, chunk_body, 0)



def _pad_w(w):
    return jnp.pad(w, ((0, DP - w.shape[0]), (0, DP - w.shape[1])))


def _pad_b(b):
    return jnp.pad(b, (0, DP - b.shape[0])).reshape(1, DP)


def kernel(nodes_feat, edge_index, edges_feat, nodes_num_norm_sqrt,
           edges_num_norm_sqrt, W_emb, b_emb, W_pool0, b_pool0, W_apply0,
           b_apply0, W_pool1, b_pool1, W_apply1, b_apply1):
    x = jnp.pad(nodes_feat, ((0, NP - N), (0, 0)))
    we = jnp.pad(W_emb, ((0, 0), (0, DP - H)))
    be = _pad_b(b_emb)
    wp0, bp0 = _pad_w(W_pool0), _pad_b(b_pool0)
    wp1, bp1 = _pad_w(W_pool1), _pad_b(b_pool1)
    wah0, wac0 = _pad_w(W_apply0[:H]), _pad_w(W_apply0[H:])
    ba0 = _pad_b(b_apply0)
    wah1, wac1 = _pad_w(W_apply1[:H]), _pad_w(W_apply1[H:])
    ba1 = _pad_b(b_apply1)

    src = jnp.pad(edge_index[0], (0, EP - E)).reshape(EROWS, 128)
    dst = jnp.pad(edge_index[1], (0, EP - E),
                  constant_values=jnp.int32(1 << 30)).reshape(EROWS, 128)

    h, m0 = _embed_pool(x, we, be, wp0, bp0)
    sums0 = _edge_pass(src, dst, m0)
    h1, m1 = _apply_pool(h, sums0, wah0, wac0, ba0, wp1, bp1)
    sums1 = _edge_pass(src, dst, m1)
    out = _final(h1, sums1, wah1, wac1, ba1)
    return out[:, :OUT_DIM]

# --- scband reference (transcript-rebuilt; emitter-appended) ---
"""Pipeline reference for scband-graph-sage-net1-83073257439659 (READ-ONLY COPY).

The authoritative reference and input builder live on the scoring server;
editing this copy changes nothing except your own understanding.
"""

import jax, jax.numpy as jnp
import numpy as np

N = 50000
E = 800000
IN_DIM = 128
H = 108
OUT_DIM = 108


def setup_inputs(seed: int = 0) -> dict:
    key = jax.random.key(seed)
    ks = jax.random.split(key, 20)
    inp = {}
    inp["nodes_feat"] = jax.random.normal(ks[0], (N, IN_DIM), dtype=jnp.float32)
    inp["edge_index"] = jax.random.randint(ks[1], (2, E), 0, N, dtype=jnp.int32)
    inp["edges_feat"] = jax.random.normal(ks[2], (E, 4), dtype=jnp.float32)
    inp["nodes_num_norm_sqrt"] = jax.random.uniform(ks[3], (N, 1), dtype=jnp.float32)
    inp["edges_num_norm_sqrt"] = jax.random.uniform(ks[4], (E, 1), dtype=jnp.float32)
    # learned parameters
    inp["W_emb"] = jax.random.normal(ks[5], (IN_DIM, H), dtype=jnp.float32) * 0.05
    inp["b_emb"] = jnp.zeros((H,), dtype=jnp.float32)
    inp["W_pool0"] = jax.random.normal(ks[6], (H, H), dtype=jnp.float32) * 0.05
    inp["b_pool0"] = jnp.zeros((H,), dtype=jnp.float32)
    inp["W_apply0"] = jax.random.normal(ks[7], (2 * H, H), dtype=jnp.float32) * 0.05
    inp["b_apply0"] = jnp.zeros((H,), dtype=jnp.float32)
    inp["W_pool1"] = jax.random.normal(ks[8], (H, H), dtype=jnp.float32) * 0.05
    inp["b_pool1"] = jnp.zeros((H,), dtype=jnp.float32)
    inp["W_apply1"] = jax.random.normal(ks[9], (2 * H, OUT_DIM), dtype=jnp.float32) * 0.05
    inp["b_apply1"] = jnp.zeros((OUT_DIM,), dtype=jnp.float32)
    return inp


def _sage_layer(h, src, dst, W_pool, b_pool, W_apply, b_apply):
    # GraphSage 'meanpool' aggregator with residual, as in benchmarking-gnns
    h_in = h
    # pool transform applied per-neighbor (linear + relu commute with gather)
    m = jax.nn.relu(h @ W_pool + b_pool)
    msg = jnp.take(m, src, axis=0)
    sums = jax.ops.segment_sum(msg, dst, num_segments=N)
    deg = jax.ops.segment_sum(jnp.ones((E,), dtype=jnp.float32), dst, num_segments=N)
    c = sums / jnp.maximum(deg, 1.0)[:, None]
    # NodeApply: concat(h, c) -> linear -> L2 normalize -> relu
    bundle = jnp.concatenate([h, c], axis=1) @ W_apply + b_apply
    nrm = jnp.sqrt(jnp.sum(bundle * bundle, axis=1, keepdims=True))
    bundle = bundle / jnp.maximum(nrm, 1e-12)
    h = jax.nn.relu(bundle)
    return h_in + h  # residual


def reference(nodes_feat, edge_index, edges_feat, nodes_num_norm_sqrt,
              edges_num_norm_sqrt, W_emb, b_emb, W_pool0, b_pool0, W_apply0,
              b_apply0, W_pool1, b_pool1, W_apply1, b_apply1):
    src = edge_index[0]
    dst = edge_index[1]
    h = nodes_feat @ W_emb + b_emb  # embedding_h
    h = _sage_layer(h, src, dst, W_pool0, b_pool0, W_apply0, b_apply0)
    h = _sage_layer(h, src, dst, W_pool1, b_pool1, W_apply1, b_apply1)
    # dgl.mean_nodes over a single graph -> [1, out_dim]
    hg = jnp.mean(h, axis=0, keepdims=True)
    return hg

if __name__ == "__main__":
    import jax
    _d = setup_inputs()
    print(jax.jit(kernel)(*tuple(_d.values())))

</pallas_src>

<mosaic_0001>
#map = affine_map<(d0, d1) -> (0, 0)>
module attributes {stable_mosaic.version = 14 : i64} {
  func.func @_edge_pass(%arg0: i32, %arg1: i32, %arg2: memref<6272x128xi32, #tpu.memory_space<hbm>>, %arg3: memref<6272x128xi32, #tpu.memory_space<hbm>>, %arg4: memref<50176x128xf32, #tpu.memory_space<hbm>>, %arg5: memref<50176x128xf32, #tpu.memory_space<hbm>>, %arg6: memref<6400x128xf32, #tpu.memory_space<vmem_shared>>, %arg7: memref<2x128x128xf32, #tpu.memory_space<vmem>>, %arg8: memref<112x128xi32, #tpu.memory_space<vmem>>, %arg9: memref<112x128xi32, #tpu.memory_space<vmem>>, %arg10: memref<272xi32, #tpu.memory_space<vmem>>, %arg11: memref<272xi32, #tpu.memory_space<vmem>>, %arg12: memref<2x128xi32, #tpu.memory_space<vmem>>, %arg13: memref<2x128xi32, #tpu.memory_space<vmem>>, %arg14: memref<!tpu.dma_semaphore, #tpu.memory_space<semaphore_mem>>, %arg15: memref<!tpu.dma_semaphore, #tpu.memory_space<semaphore_mem>>, %arg16: memref<!tpu.dma_semaphore, #tpu.memory_space<semaphore_mem>>) attributes {dimension_semantics = [#tpu.dimension_semantics<core_parallel>, #tpu.dimension_semantics<subcore_parallel>], iteration_bounds = array<i64: 2, 16>, scalar_prefetch = 0 : i64, scratch_operands = 11 : i64, tpu.core_type = #tpu.core_type<sc_vector_subcore>, window_params = [{transform_indices = #map}, {transform_indices = #map}, {transform_indices = #map}, {transform_indices = #map}]} {
    %scan3A = arith.constant 0 : i32
    %scan3A_0 = arith.constant 0 : i32
    %scan3A_1 = arith.constant 4 : i32
    %scan3A_2 = arith.addi %scan3A_0, %scan3A_1 : i32
    %scan3A_3 = arith.constant 1 : i32
    scf.for %scan3A_5 = %scan3A_0 to %scan3A_2 step %scan3A_3  : i32 {
      %mul3A = arith.constant 4 : i32
      %mul3A_6 = arith.muli %arg0, %mul3A : i32
      %add3A = arith.addi %mul3A_6, %scan3A_5 : i32
      %mul3A_7 = arith.constant 6272 : i32
      %mul3A_8 = arith.muli %add3A, %mul3A_7 : i32
      %scan3A_9 = arith.constant 0 : i32
      %scan3A_10 = arith.constant 0 : i32
      %scan3A_11 = arith.constant 128 : i32
      %scan3A_12 = arith.addi %scan3A_10, %scan3A_11 : i32
      %scan3A_13 = arith.constant 1 : i32
      scf.for %scan3A_203 = %scan3A_10 to %scan3A_12 step %scan3A_13  : i32 {
        %broadcast_in_dim3A_204 = arith.constant 0.000000e+00 : f32
        %broadcast_in_dim3A_205 = vector.broadcast %broadcast_in_dim3A_204 : f32 to vector<16xf32>
        %swap3A_206 = arith.constant 0 : i32
        %swap3A_207 = arith.index_cast %swap3A_206 : i32 to index
        %swap3A_208 = arith.index_cast %scan3A_203 : i32 to index
        %swap3A_209 = arith.constant 0 : index
        %swap3A_210 = tpu.vector_load %arg7[%swap3A_207, %swap3A_208, %swap3A_209] {strides = array<i32>} : memref<2x128x128xf32, #tpu.memory_space<vmem>>, vector<16xf32>,
        tpu.vector_store %arg7[%swap3A_207, %swap3A_208, %swap3A_209], %broadcast_in_dim3A_205 {strides = array<i32>} : memref<2x128x128xf32, #tpu.memory_space<vmem>>, vector<16xf32>,
        %broadcast_in_dim3A_211 = arith.constant 0.000000e+00 : f32
        %broadcast_in_dim3A_212 = vector.broadcast %broadcast_in_dim3A_211 : f32 to vector<16xf32>
        %swap3A_213 = arith.constant 0 : i32
        %swap3A_214 = arith.index_cast %swap3A_213 : i32 to index
        %swap3A_215 = arith.index_cast %scan3A_203 : i32 to index
        %swap3A_216 = arith.constant 16 : index
        %swap3A_217 = tpu.vector_load %arg7[%swap3A_214, %swap3A_215, %swap3A_216] {strides = array<i32>} : memref<2x128x128xf32, #tpu.memory_space<vmem>>, vector<16xf32>,
        tpu.vector_store %arg7[%swap3A_214, %swap3A_215, %swap3A_216], %broadcast_in_dim3A_212 {strides = array<i32>} : memref<2x128x128xf32, #tpu.memory_space<vmem>>, vector<16xf32>,
        %broadcast_in_dim3A_218 = arith.constant 0.000000e+00 : f32
        %broadcast_in_dim3A_219 = vector.broadcast %broadcast_in_dim3A_218 : f32 to vector<16xf32>
        %swap3A_220 = arith.constant 0 : i32
        %swap3A_221 = arith.index_cast %swap3A_220 : i32 to index
        %swap3A_222 = arith.index_cast %scan3A_203 : i32 to index
        %swap3A_223 = arith.constant 32 : index
        %swap3A_224 = tpu.vector_load %arg7[%swap3A_221, %swap3A_222, %swap3A_223] {strides = array<i32>} : memref<2x128x128xf32, #tpu.memory_space<vmem>>, vector<16xf32>,
        tpu.vector_store %arg7[%swap3A_221, %swap3A_222, %swap3A_223], %broadcast_in_dim3A_219 {strides = array<i32>} : memref<2x128x128xf32, #tpu.memory_space<vmem>>, vector<16xf32>,
        %broadcast_in_dim3A_225 = arith.constant 0.000000e+00 : f32
        %broadcast_in_dim3A_226 = vector.broadcast %broadcast_in_dim3A_225 : f32 to vector<16xf32>
        %swap3A_227 = arith.constant 0 : i32
        %swap3A_228 = arith.index_cast %swap3A_227 : i32 to index
        %swap3A_229 = arith.index_cast %scan3A_203 : i32 to index
        %swap3A_230 = arith.constant 48 : index
        %swap3A_231 = tpu.vector_load %arg7[%swap3A_228, %swap3A_229, %swap3A_230] {strides = array<i32>} : memref<2x128x128xf32, #tpu.memory_space<vmem>>, vector<16xf32>,
        tpu.vector_store %arg7[%swap3A_228, %swap3A_229, %swap3A_230], %broadcast_in_dim3A_226 {strides = array<i32>} : memref<2x128x128xf32, #tpu.memory_space<vmem>>, vector<16xf32>,
        %broadcast_in_dim3A_232 = arith.constant 0.000000e+00 : f32
        %broadcast_in_dim3A_233 = vector.broadcast %broadcast_in_dim3A_232 : f32 to vector<16xf32>
        %swap3A_234 = arith.constant 0 : i32
        %swap3A_235 = arith.index_cast %swap3A_234 : i32 to index
        %swap3A_236 = arith.index_cast %scan3A_203 : i32 to index
        %swap3A_237 = arith.constant 64 : index
        %swap3A_238 = tpu.vector_load %arg7[%swap3A_235, %swap3A_236, %swap3A_237] {strides = array<i32>} : memref<2x128x128xf32, #tpu.memory_space<vmem>>, vector<16xf32>,
        tpu.vector_store %arg7[%swap3A_235, %swap3A_236, %swap3A_237], %broadcast_in_dim3A_233 {strides = array<i32>} : memref<2x128x128xf32, #tpu.memory_space<vmem>>, vector<16xf32>,
        %broadcast_in_dim3A_239 = arith.constant 0.000000e+00 : f32
        %broadcast_in_dim3A_240 = vector.broadcast %broadcast_in_dim3A_239 : f32 to vector<16xf32>
        %swap3A_241 = arith.constant 0 : i32
        %swap3A_242 = arith.index_cast %swap3A_241 : i32 to index
        %swap3A_243 = arith.index_cast %scan3A_203 : i32 to index
        %swap3A_244 = arith.constant 80 : index
        %swap3A_245 = tpu.vector_load %arg7[%swap3A_242, %swap3A_243, %swap3A_244] {strides = array<i32>} : memref<2x128x128xf32, #tpu.memory_space<vmem>>, vector<16xf32>,
        tpu.vector_store %arg7[%swap3A_242, %swap3A_243, %swap3A_244], %broadcast_in_dim3A_240 {strides = array<i32>} : memref<2x128x128xf32, #tpu.memory_space<vmem>>, vector<16xf32>,
        %broadcast_in_dim3A_246 = arith.constant 0.000000e+00 : f32
        %broadcast_in_dim3A_247 = vector.broadcast %broadcast_in_dim3A_246 : f32 to vector<16xf32>
        %swap3A_248 = arith.constant 0 : i32
        %swap3A_249 = arith.index_cast %swap3A_248 : i32 to index
        %swap3A_250 = arith.index_cast %scan3A_203 : i32 to index
        %swap3A_251 = arith.constant 96 : index
        %swap3A_252 = tpu.vector_load %arg7[%swap3A_249, %swap3A_250, %swap3A_251] {strides = array<i32>} : memref<2x128x128xf32, #tpu.memory_space<vmem>>, vector<16xf32>,
        tpu.vector_store %arg7[%swap3A_249, %swap3A_250, %swap3A_251], %broadcast_in_dim3A_247 {strides = array<i32>} : memref<2x128x128xf32, #tpu.memory_space<vmem>>, vector<16xf32>,
        %broadcast_in_dim3A_253 = arith.constant 0.000000e+00 : f32
        %broadcast_in_dim3A_254 = vector.broadcast %broadcast_in_dim3A_253 : f32 to vector<16xf32>
        %swap3A_255 = arith.constant 0 : i32
        %swap3A_256 = arith.index_cast %swap3A_255 : i32 to index
        %swap3A_257 = arith.index_cast %scan3A_203 : i32 to index
        %swap3A_258 = arith.constant 112 : index
        %swap3A_259 = tpu.vector_load %arg7[%swap3A_256, %swap3A_257, %swap3A_258] {strides = array<i32>} : memref<2x128x128xf32, #tpu.memory_space<vmem>>, vector<16xf32>,
        tpu.vector_store %arg7[%swap3A_256, %swap3A_257, %swap3A_258], %broadcast_in_dim3A_254 {strides = array<i32>} : memref<2x128x128xf32, #tpu.memory_space<vmem>>, vector<16xf32>,
      }
      %scan3A_14 = arith.constant 128 : i32
      %scan3A_15 = arith.constant 0 : i32
      %scan3A_16 = arith.constant 0 : i32
      %scan3A_17 = arith.constant 5 : i32
      %scan3A_18 = arith.addi %scan3A_16, %scan3A_17 : i32
      %scan3A_19 = arith.constant 1 : i32
      scf.for %scan3A_203 = %scan3A_16 to %scan3A_18 step %scan3A_19  : i32 {
        %mul3A_204 = arith.constant 400 : i32
        %mul3A_205 = arith.muli %arg1, %mul3A_204 : i32
        %mul3A_206 = arith.constant 80 : i32
        %mul3A_207 = arith.muli %scan3A_203, %mul3A_206 : i32
        %add3A_208 = arith.addi %mul3A_205, %mul3A_207 : i32
        %run_scoped3A = arith.constant 0 : i32
        "tpu.region"() ({
          %run_scoped3A_209 = tpu.sem_alloc : memref<!tpu.dma_semaphore, #tpu.memory_space<semaphore_mem>>
          %dma_start3A_210 = arith.constant 0 : i32
          %dma_start3A_211 = arith.constant 0 : i32
          %dma_start3A_212 = tpu.memref_slice %arg7[%run_scoped3A, %dma_start3A_210, %dma_start3A_211] : memref<2x128x128xf32, #tpu.memory_space<vmem>> -> memref<1x80x128xf32, #tpu.memory_space<vmem>>
          %dma_start3A_213 = tpu.memref_squeeze %dma_start3A_212 : memref<1x80x128xf32, #tpu.memory_space<vmem>> -> memref<80x128xf32, #tpu.memory_space<vmem>>
          %dma_start3A_214 = arith.constant 0 : i32
          %dma_start3A_215 = tpu.memref_slice %arg6[%add3A_208, %dma_start3A_214] : memref<6400x128xf32, #tpu.memory_space<vmem_shared>> -> memref<80x128xf32, #tpu.memory_space<vmem_shared>>
          %dma_start3A_216 = arith.constant 0 : i32
          %dma_start3A_217 = tpu.memref_slice %arg6[%add3A_208, %dma_start3A_216] : memref<6400x128xf32, #tpu.memory_space<vmem_shared>> -> memref<80x128xf32, #tpu.memory_space<vmem_shared>>
          %dma_start3A_218 = arith.constant 0 : i32
          %dma_start3A_219 = arith.constant 0 : i32
          %dma_start3A_220 = tpu.memref_slice %arg7[%run_scoped3A, %dma_start3A_218, %dma_start3A_219] : memref<2x128x128xf32, #tpu.memory_space<vmem>> -> memref<1x80x128xf32, #tpu.memory_space<vmem>>
          %dma_start3A_221 = tpu.memref_squeeze %dma_start3A_220 : memref<1x80x128xf32, #tpu.memory_space<vmem>> -> memref<80x128xf32, #tpu.memory_space<vmem>>
          tpu.enqueue_dma source(%dma_start3A_221 : memref<80x128xf32, #tpu.memory_space<vmem>>) target(%dma_start3A_217 : memref<80x128xf32, #tpu.memory_space<vmem_shared>>) target_semaphore(%run_scoped3A_209 : memref<!tpu.dma_semaphore, #tpu.memory_space<semaphore_mem>>)
          %dma_wait3A_222 = arith.constant 0 : i32
          %dma_wait3A_223 = arith.constant 0 : i32
          %dma_wait3A_224 = tpu.memref_slice %arg7[%run_scoped3A, %dma_wait3A_222, %dma_wait3A_223] : memref<2x128x128xf32, #tpu.memory_space<vmem>> -> memref<1x80x128xf32, #tpu.memory_space<vmem>>
          %dma_wait3A_225 = tpu.memref_squeeze %dma_wait3A_224 : memref<1x80x128xf32, #tpu.memory_space<vmem>> -> memref<80x128xf32, #tpu.memory_space<vmem>>
          %dma_wait3A_226 = arith.constant 0 : i32
          %dma_wait3A_227 = tpu.memref_slice %arg6[%add3A_208, %dma_wait3A_226] : memref<6400x128xf32, #tpu.memory_space<vmem_shared>> -> memref<80x128xf32, #tpu.memory_space<vmem_shared>>
          %dma_wait3A_228 = arith.constant 0 : i32
          %dma_wait3A_229 = tpu.memref_slice %arg6[%add3A_208, %dma_wait3A_228] : memref<6400x128xf32, #tpu.memory_space<vmem_shared>> -> memref<80x128xf32, #tpu.memory_space<vmem_shared>>
          %dma_wait3A_230 = arith.constant 0 : i32
          %dma_wait3A_231 = arith.constant 0 : i32
          %dma_wait3A_232 = tpu.memref_slice %arg7[%run_scoped3A, %dma_wait3A_230, %dma_wait3A_231] : memref<2x128x128xf32, #tpu.memory_space<vmem>> -> memref<1x80x128xf32, #tpu.memory_space<vmem>>
          %dma_wait3A_233 = tpu.memref_squeeze %dma_wait3A_232 : memref<1x80x128xf32, #tpu.memory_space<vmem>> -> memref<80x128xf32, #tpu.memory_space<vmem>>
          tpu.wait_dma2 semaphore(%run_scoped3A_209 : memref<!tpu.dma_semaphore, #tpu.memory_space<semaphore_mem>>) src(%dma_wait3A_233 : memref<80x128xf32, #tpu.memory_space<vmem>>) dst(%dma_wait3A_229 : memref<80x128xf32, #tpu.memory_space<vmem_shared>>)
          tpu.yield
        }) : () -> ()
      }
      %scan3A_20 = arith.constant 5 : i32
      %barrier3A = arith.constant 0 : index
      tpu.barrier barrier_id(%barrier3A)
      %broadcast_in_dim3A = arith.constant 6272 : i32
      %broadcast_in_dim3A_21 = vector.broadcast %broadcast_in_dim3A : i32 to vector<16xi32>
      %swap3A = arith.constant 0 : i32
      %swap3A_22 = arith.index_cast %swap3A : i32 to index
      %swap3A_23 = arith.constant 0 : index
      %swap3A_24 = tpu.vector_load %arg13[%swap3A_22, %swap3A_23] {strides = array<i32>} : memref<2x128xi32, #tpu.memory_space<vmem>>, vector<16xi32>,
      tpu.vector_store %arg13[%swap3A_22, %swap3A_23], %broadcast_in_dim3A_21 {strides = array<i32>} : memref<2x128xi32, #tpu.memory_space<vmem>>, vector<16xi32>,
      %broadcast_in_dim3A_25 = arith.constant 6272 : i32
      %broadcast_in_dim3A_26 = vector.broadcast %broadcast_in_dim3A_25 : i32 to vector<16xi32>
      %swap3A_27 = arith.constant 1 : i32
      %swap3A_28 = arith.index_cast %swap3A_27 : i32 to index
      %swap3A_29 = arith.constant 0 : index
      %swap3A_30 = tpu.vector_load %arg13[%swap3A_28, %swap3A_29] {strides = array<i32>} : memref<2x128xi32, #tpu.memory_space<vmem>>, vector<16xi32>,
      tpu.vector_store %arg13[%swap3A_28, %swap3A_29], %broadcast_in_dim3A_26 {strides = array<i32>} : memref<2x128xi32, #tpu.memory_space<vmem>>, vector<16xi32>,
      %broadcast_in_dim3A_31 = arith.constant 6272 : i32
      %broadcast_in_dim3A_32 = vector.broadcast %broadcast_in_dim3A_31 : i32 to vector<16xi32>
      %swap3A_33 = arith.constant 0 : i32
      %swap3A_34 = arith.index_cast %swap3A_33 : i32 to index
      %swap3A_35 = arith.constant 16 : index
      %swap3A_36 = tpu.vector_load %arg13[%swap3A_34, %swap3A_35] {strides = array<i32>} : memref<2x128xi32, #tpu.memory_space<vmem>>, vector<16xi32>,
      tpu.vector_store %arg13[%swap3A_34, %swap3A_35], %broadcast_in_dim3A_32 {strides = array<i32>} : memref<2x128xi32, #tpu.memory_space<vmem>>, vector<16xi32>,
      %broadcast_in_dim3A_37 = arith.constant 6272 : i32
      %broadcast_in_dim3A_38 = vector.broadcast %broadcast_in_dim3A_37 : i32 to vector<16xi32>
      %swap3A_39 = arith.constant 1 : i32
      %swap3A_40 = arith.index_cast %swap3A_39 : i32 to index
      %swap3A_41 = arith.constant 16 : index
      %swap3A_42 = tpu.vector_load %arg13[%swap3A_40, %swap3A_41] {strides = array<i32>} : memref<2x128xi32, #tpu.memory_space<vmem>>, vector<16xi32>,
      tpu.vector_store %arg13[%swap3A_40, %swap3A_41], %broadcast_in_dim3A_38 {strides = array<i32>} : memref<2x128xi32, #tpu.memory_space<vmem>>, vector<16xi32>,
      %broadcast_in_dim3A_43 = arith.constant 6272 : i32
      %broadcast_in_dim3A_44 = vector.broadcast %broadcast_in_dim3A_43 : i32 to vector<16xi32>
      %swap3A_45 = arith.constant 0 : i32
      %swap3A_46 = arith.index_cast %swap3A_45 : i32 to index
      %swap3A_47 = arith.constant 32 : index
      %swap3A_48 = tpu.vector_load %arg13[%swap3A_46, %swap3A_47] {strides = array<i32>} : memref<2x128xi32, #tpu.memory_space<vmem>>, vector<16xi32>,
      tpu.vector_store %arg13[%swap3A_46, %swap3A_47], %broadcast_in_dim3A_44 {strides = array<i32>} : memref<2x128xi32, #tpu.memory_space<vmem>>, vector<16xi32>,
      %broadcast_in_dim3A_49 = arith.constant 6272 : i32
      %broadcast_in_dim3A_50 = vector.broadcast %broadcast_in_dim3A_49 : i32 to vector<16xi32>
      %swap3A_51 = arith.constant 1 : i32
      %swap3A_52 = arith.index_cast %swap3A_51 : i32 to index
      %swap3A_53 = arith.constant 32 : index
      %swap3A_54 = tpu.vector_load %arg13[%swap3A_52, %swap3A_53] {strides = array<i32>} : memref<2x128xi32, #tpu.memory_space<vmem>>, vector<16xi32>,
      tpu.vector_store %arg13[%swap3A_52, %swap3A_53], %broadcast_in_dim3A_50 {strides = array<i32>} : memref<2x128xi32, #tpu.memory_space<vmem>>, vector<16xi32>,
      %broadcast_in_dim3A_55 = arith.constant 6272 : i32
      %broadcast_in_dim3A_56 = vector.broadcast %broadcast_in_dim3A_55 : i32 to vector<16xi32>
      %swap3A_57 = arith.constant 0 : i32
      %swap3A_58 = arith.index_cast %swap3A_57 : i32 to index
      %swap3A_59 = arith.constant 48 : index
      %swap3A_60 = tpu.vector_load %arg13[%swap3A_58, %swap3A_59] {strides = array<i32>} : memref<2x128xi32, #tpu.memory_space<vmem>>, vector<16xi32>,
      tpu.vector_store %arg13[%swap3A_58, %swap3A_59], %broadcast_in_dim3A_56 {strides = array<i32>} : memref<2x128xi32, #tpu.memory_space<vmem>>, vector<16xi32>,
      %broadcast_in_dim3A_61 = arith.constant 6272 : i32
      %broadcast_in_dim3A_62 = vector.broadcast %broadcast_in_dim3A_61 : i32 to vector<16xi32>
      %swap3A_63 = arith.constant 1 : i32
      %swap3A_64 = arith.index_cast %swap3A_63 : i32 to index
      %swap3A_65 = arith.constant 48 : index
      %swap3A_66 = tpu.vector_load %arg13[%swap3A_64, %swap3A_65] {strides = array<i32>} : memref<2x128xi32, #tpu.memory_space<vmem>>, vector<16xi32>,
      tpu.vector_store %arg13[%swap3A_64, %swap3A_65], %broadcast_in_dim3A_62 {strides = array<i32>} : memref<2x128xi32, #tpu.memory_space<vmem>>, vector<16xi32>,
      %broadcast_in_dim3A_67 = arith.constant 6272 : i32
      %broadcast_in_dim3A_68 = vector.broadcast %broadcast_in_dim3A_67 : i32 to vector<16xi32>
      %swap3A_69 = arith.constant 0 : i32
      %swap3A_70 = arith.index_cast %swap3A_69 : i32 to index
      %swap3A_71 = arith.constant 64 : index
      %swap3A_72 = tpu.vector_load %arg13[%swap3A_70, %swap3A_71] {strides = array<i32>} : memref<2x128xi32, #tpu.memory_space<vmem>>, vector<16xi32>,
      tpu.vector_store %arg13[%swap3A_70, %swap3A_71], %broadcast_in_dim3A_68 {strides = array<i32>} : memref<2x128xi32, #tpu.memory_space<vmem>>, vector<16xi32>,
      %broadcast_in_dim3A_73 = arith.constant 6272 : i32
      %broadcast_in_dim3A_74 = vector.broadcast %broadcast_in_dim3A_73 : i32 to vector<16xi32>
      %swap3A_75 = arith.constant 1 : i32
      %swap3A_76 = arith.index_cast %swap3A_75 : i32 to index
      %swap3A_77 = arith.constant 64 : index
      %swap3A_78 = tpu.vector_load %arg13[%swap3A_76, %swap3A_77] {strides = array<i32>} : memref<2x128xi32, #tpu.memory_space<vmem>>, vector<16xi32>,
      tpu.vector_store %arg13[%swap3A_76, %swap3A_77], %broadcast_in_dim3A_74 {strides = array<i32>} : memref<2x128xi32, #tpu.memory_space<vmem>>, vector<16xi32>,
      %broadcast_in_dim3A_79 = arith.constant 6272 : i32
      %broadcast_in_dim3A_80 = vector.broadcast %broadcast_in_dim3A_79 : i32 to vector<16xi32>
      %swap3A_81 = arith.constant 0 : i32
      %swap3A_82 = arith.index_cast %swap3A_81 : i32 to index
      %swap3A_83 = arith.constant 80 : index
      %swap3A_84 = tpu.vector_load %arg13[%swap3A_82, %swap3A_83] {strides = array<i32>} : memref<2x128xi32, #tpu.memory_space<vmem>>, vector<16xi32>,
      tpu.vector_store %arg13[%swap3A_82, %swap3A_83], %broadcast_in_dim3A_80 {strides = array<i32>} : memref<2x128xi32, #tpu.memory_space<vmem>>, vector<16xi32>,
      %broadcast_in_dim3A_85 = arith.constant 6272 : i32
      %broadcast_in_dim3A_86 = vector.broadcast %broadcast_in_dim3A_85 : i32 to vector<16xi32>
      %swap3A_87 = arith.constant 1 : i32
      %swap3A_88 = arith.index_cast %swap3A_87 : i32 to index
      %swap3A_89 = arith.constant 80 : index
      %swap3A_90 = tpu.vector_load %arg13[%swap3A_88, %swap3A_89] {strides = array<i32>} : memref<2x128xi32, #tpu.memory_space<vmem>>, vector<16xi32>,
      tpu.vector_store %arg13[%swap3A_88, %swap3A_89], %broadcast_in_dim3A_86 {strides = array<i32>} : memref<2x128xi32, #tpu.memory_space<vmem>>, vector<16xi32>,
      %broadcast_in_dim3A_91 = arith.constant 6272 : i32
      %broadcast_in_dim3A_92 = vector.broadcast %broadcast_in_dim3A_91 : i32 to vector<16xi32>
      %swap3A_93 = arith.constant 0 : i32
      %swap3A_94 = arith.index_cast %swap3A_93 : i32 to index
      %swap3A_95 = arith.constant 96 : index
      %swap3A_96 = tpu.vector_load %arg13[%swap3A_94, %swap3A_95] {strides = array<i32>} : memref<2x128xi32, #tpu.memory_space<vmem>>, vector<16xi32>,
      tpu.vector_store %arg13[%swap3A_94, %swap3A_95], %broadcast_in_dim3A_92 {strides = array<i32>} : memref<2x128xi32, #tpu.memory_space<vmem>>, vector<16xi32>,
      %broadcast_in_dim3A_97 = arith.constant 6272 : i32
      %broadcast_in_dim3A_98 = vector.broadcast %broadcast_in_dim3A_97 : i32 to vector<16xi32>
      %swap3A_99 = arith.constant 1 : i32
      %swap3A_100 = arith.index_cast %swap3A_99 : i32 to index
      %swap3A_101 = arith.constant 96 : index
      %swap3A_102 = tpu.vector_load %arg13[%swap3A_100, %swap3A_101] {strides = array<i32>} : memref<2x128xi32, #tpu.memory_space<vmem>>, vector<16xi32>,
      tpu.vector_store %arg13[%swap3A_100, %swap3A_101], %broadcast_in_dim3A_98 {strides = array<i32>} : memref<2x128xi32, #tpu.memory_space<vmem>>, vector<16xi32>,
      %broadcast_in_dim3A_103 = arith.constant 6272 : i32
      %broadcast_in_dim3A_104 = vector.broadcast %broadcast_in_dim3A_103 : i32 to vector<16xi32>
      %swap3A_105 = arith.constant 0 : i32
      %swap3A_106 = arith.index_cast %swap3A_105 : i32 to index
      %swap3A_107 = arith.constant 112 : index
      %swap3A_108 = tpu.vector_load %arg13[%swap3A_106, %swap3A_107] {strides = array<i32>} : memref<2x128xi32, #tpu.memory_space<vmem>>, vector<16xi32>,
      tpu.vector_store %arg13[%swap3A_106, %swap3A_107], %broadcast_in_dim3A_104 {strides = array<i32>} : memref<2x128xi32, #tpu.memory_space<vmem>>, vector<16xi32>,
      %broadcast_in_dim3A_109 = arith.constant 6272 : i32
      %broadcast_in_dim3A_110 = vector.broadcast %broadcast_in_dim3A_109 : i32 to vector<16xi32>
      %swap3A_111 = arith.constant 1 : i32
      %swap3A_112 = arith.index_cast %swap3A_111 : i32 to index
      %swap3A_113 = arith.constant 112 : index
      %swap3A_114 = tpu.vector_load %arg13[%swap3A_112, %swap3A_113] {strides = array<i32>} : memref<2x128xi32, #tpu.memory_space<vmem>>, vector<16xi32>,
      tpu.vector_store %arg13[%swap3A_112, %swap3A_113], %broadcast_in_dim3A_110 {strides = array<i32>} : memref<2x128xi32, #tpu.memory_space<vmem>>, vector<16xi32>,
      %dma_start3A = arith.constant 0 : i32
      %dma_start3A_115 = arith.constant 0 : i32
      %dma_start3A_116 = arith.constant 0 : i32
      %dma_start3A_117 = arith.constant 0 : i32
      %dma_start3A_118 = tpu.memref_slice %arg7[%dma_start3A, %dma_start3A_116, %dma_start3A_117] : memref<2x128x128xf32, #tpu.memory_space<vmem>> -> memref<1x128x128xf32, #tpu.memory_space<vmem>>
      %dma_start3A_119 = tpu.memref_squeeze %dma_start3A_118 : memref<1x128x128xf32, #tpu.memory_space<vmem>> -> memref<128x128xf32, #tpu.memory_space<vmem>>
      %dma_start3A_120 = arith.constant 0 : i32
      %dma_start3A_121 = tpu.memref_slice %arg13[%dma_start3A_115, %dma_start3A_120] : memref<2x128xi32, #tpu.memory_space<vmem>> -> memref<1x128xi32, #tpu.memory_space<vmem>>
      %dma_start3A_122 = tpu.memref_squeeze %dma_start3A_121 : memref<1x128xi32, #tpu.memory_space<vmem>> -> memref<128xi32, #tpu.memory_space<vmem>>
      %dma_start3A_123 = arith.constant 0 : i32
      %dma_start3A_124 = arith.constant 0 : i32
      %dma_start3A_125 = tpu.memref_slice %arg6[%dma_start3A_123, %dma_start3A_124] : memref<6400x128xf32, #tpu.memory_space<vmem_shared>> -> memref<6400x128xf32, #tpu.memory_space<vmem_shared>>
      tpu.enqueue_indirect_dma source(%dma_start3A_119 : memref<128x128xf32, #tpu.memory_space<vmem>>) target(%dma_start3A_125 : memref<6400x128xf32, #tpu.memory_space<vmem_shared>>) offsets(%dma_start3A_122 : memref<128xi32, #tpu.memory_space<vmem>>) semaphore(%arg14 : memref<!tpu.dma_semaphore, #tpu.memory_space<semaphore_mem>>) {add = true}
      %dma_start3A_126 = arith.constant 1 : i32
      %dma_start3A_127 = arith.constant 1 : i32
      %dma_start3A_128 = arith.constant 0 : i32
      %dma_start3A_129 = arith.constant 0 : i32
      %dma_start3A_130 = tpu.memref_slice %arg7[%dma_start3A_126, %dma_start3A_128, %dma_start3A_129] : memref<2x128x128xf32, #tpu.memory_space<vmem>> -> memref<1x128x128xf32, #tpu.memory_space<vmem>>
      %dma_start3A_131 = tpu.memref_squeeze %dma_start3A_130 : memref<1x128x128xf32, #tpu.memory_space<vmem>> -> memref<128x128xf32, #tpu.memory_space<vmem>>
      %dma_start3A_132 = arith.constant 0 : i32
      %dma_start3A_133 = tpu.memref_slice %arg13[%dma_start3A_127, %dma_start3A_132] : memref<2x128xi32, #tpu.memory_space<vmem>> -> memref<1x128xi32, #tpu.memory_space<vmem>>
      %dma_start3A_134 = tpu.memref_squeeze %dma_start3A_133 : memref<1x128xi32, #tpu.memory_space<vmem>> -> memref<128xi32, #tpu.memory_space<vmem>>
      %dma_start3A_135 = arith.constant 0 : i32
      %dma_start3A_136 = arith.constant 0 : i32
      %dma_start3A_137 = tpu.memref_slice %arg6[%dma_start3A_135, %dma_start3A_136] : memref<6400x128xf32, #tpu.memory_space<vmem_shared>> -> memref<6400x128xf32, #tpu.memory_space<vmem_shared>>
      tpu.enqueue_indirect_dma source(%dma_start3A_131 : memref<128x128xf32, #tpu.memory_space<vmem>>) target(%dma_start3A_137 : memref<6400x128xf32, #tpu.memory_space<vmem_shared>>) offsets(%dma_start3A_134 : memref<128xi32, #tpu.memory_space<vmem>>) semaphore(%arg14 : memref<!tpu.dma_semaphore, #tpu.memory_space<semaphore_mem>>) {add = true}
      %mul3A_138 = arith.constant 392 : i32
      %mul3A_139 = arith.muli %arg1, %mul3A_138 : i32
      %dma_start3A_140 = arith.constant 0 : i32
      %dma_start3A_141 = arith.constant 0 : i32
      %dma_start3A_142 = tpu.memref_slice %arg8[%dma_start3A_140, %dma_start3A_141] : memref<112x128xi32, #tpu.memory_space<vmem>> -> memref<56x128xi32, #tpu.memory_space<vmem>>
      %dma_start3A_143 = arith.constant 0 : i32
      %dma_start3A_144 = tpu.memref_slice %arg2[%mul3A_139, %dma_start3A_143] : memref<6272x128xi32, #tpu.memory_space<hbm>> -> memref<56x128xi32, #tpu.memory_space<hbm>>
      %dma_start3A_145 = arith.constant 0 : i32
      %dma_start3A_146 = arith.constant 0 : i32
      %dma_start3A_147 = tpu.memref_slice %arg8[%dma_start3A_145, %dma_start3A_146] : memref<112x128xi32, #tpu.memory_space<vmem>> -> memref<56x128xi32, #tpu.memory_space<vmem>>
      %dma_start3A_148 = arith.constant 0 : i32
      %dma_start3A_149 = tpu.memref_slice %arg2[%mul3A_139, %dma_start3A_148] : memref<6272x128xi32, #tpu.memory_space<hbm>> -> memref<56x128xi32, #tpu.memory_space<hbm>>
      tpu.enqueue_dma source(%dma_start3A_149 : memref<56x128xi32, #tpu.memory_space<hbm>>) target(%dma_start3A_147 : memref<56x128xi32, #tpu.memory_space<vmem>>) target_semaphore(%arg16 : memref<!tpu.dma_semaphore, #tpu.memory_space<semaphore_mem>>)
      %dma_start3A_150 = arith.constant 0 : i32
      %dma_start3A_151 = arith.constant 0 : i32
      %dma_start3A_152 = tpu.memref_slice %arg9[%dma_start3A_150, %dma_start3A_151] : memref<112x128xi32, #tpu.memory_space<vmem>> -> memref<56x128xi32, #tpu.memory_space<vmem>>
      %dma_start3A_153 = arith.constant 0 : i32
      %dma_start3A_154 = tpu.memref_slice %arg3[%mul3A_139, %dma_start3A_153] : memref<6272x128xi32, #tpu.memory_space<hbm>> -> memref<56x128xi32, #tpu.memory_space<hbm>>
      %dma_start3A_155 = arith.constant 0 : i32
      %dma_start3A_156 = arith.constant 0 : i32
      %dma_start3A_157 = tpu.memref_slice %arg9[%dma_start3A_155, %dma_start3A_156] : memref<112x128xi32, #tpu.memory_space<vmem>> -> memref<56x128xi32, #tpu.memory_space<vmem>>
      %dma_start3A_158 = arith.constant 0 : i32
      %dma_start3A_159 = tpu.memref_slice %arg3[%mul3A_139, %dma_start3A_158] : memref<6272x128xi32, #tpu.memory_space<hbm>> -> memref<56x128xi32, #tpu.memory_space<hbm>>
      tpu.enqueue_dma source(%dma_start3A_159 : memref<56x128xi32, #tpu.memory_space<hbm>>) target(%dma_start3A_157 : memref<56x128xi32, #tpu.memory_space<vmem>>) target_semaphore(%arg16 : memref<!tpu.dma_semaphore, #tpu.memory_space<semaphore_mem>>)
      %scan3A_160 = arith.constant 0 : i32
      %scan3A_161 = arith.constant 0 : i32
      %scan3A_162 = arith.constant 0 : i32
      %scan3A_163 = arith.constant 7 : i32
      %scan3A_164 = arith.addi %scan3A_162, %scan3A_163 : i32
      %scan3A_165 = arith.constant 1 : i32
      %scan3A_166:2 = scf.for %scan3A_203 = %scan3A_162 to %scan3A_164 step %scan3A_165 iter_args(%scan3A_204 = %scan3A_160, %scan3A_205 = %scan3A_161) -> (i32, i32)  : i32 {
        %rem3A_206 = arith.constant 2 : i32
        %rem3A_207 = arith.remsi %scan3A_203, %rem3A_206 : i32
        %mul3A_208 = arith.constant 56 : i32
        %mul3A_209 = arith.muli %rem3A_207, %mul3A_208 : i32
        %multiple_of3A = tpu.assume_multiple %mul3A_209, 8 : i32
        %dma_wait3A_210 = arith.constant 0 : i32
        %dma_wait3A_211 = arith.constant 0 : i32
        %dma_wait3A_212 = tpu.memref_slice %arg8[%dma_wait3A_210, %dma_wait3A_211] : memref<112x128xi32, #tpu.memory_space<vmem>> -> memref<56x128xi32, #tpu.memory_space<vmem>>
        %dma_wait3A_213 = arith.constant 0 : i32
        %dma_wait3A_214 = arith.constant 0 : i32
        %dma_wait3A_215 = tpu.memref_slice %arg2[%dma_wait3A_213, %dma_wait3A_214] : memref<6272x128xi32, #tpu.memory_space<hbm>> -> memref<56x128xi32, #tpu.memory_space<hbm>>
        %dma_wait3A_216 = arith.constant 0 : i32
        %dma_wait3A_217 = arith.constant 0 : i32
        %dma_wait3A_218 = tpu.memref_slice %arg8[%dma_wait3A_216, %dma_wait3A_217] : memref<112x128xi32, #tpu.memory_space<vmem>> -> memref<56x128xi32, #tpu.memory_space<vmem>>
        %dma_wait3A_219 = arith.constant 0 : i32
        %dma_wait3A_220 = arith.constant 0 : i32
        %dma_wait3A_221 = tpu.memref_slice %arg2[%dma_wait3A_219, %dma_wait3A_220] : memref<6272x128xi32, #tpu.memory_space<hbm>> -> memref<56x128xi32, #tpu.memory_space<hbm>>
        tpu.wait_dma2 semaphore(%arg16 : memref<!tpu.dma_semaphore, #tpu.memory_space<semaphore_mem>>) src(%dma_wait3A_221 : memref<56x128xi32, #tpu.memory_space<hbm>>) dst(%dma_wait3A_218 : memref<56x128xi32, #tpu.memory_space<vmem>>)
        %dma_wait3A_222 = arith.constant 0 : i32
        %dma_wait3A_223 = arith.constant 0 : i32
        %dma_wait3A_224 = tpu.memref_slice %arg9[%dma_wait3A_222, %dma_wait3A_223] : memref<112x128xi32, #tpu.memory_space<vmem>> -> memref<56x128xi32, #tpu.memory_space<vmem>>
        %dma_wait3A_225 = arith.constant 0 : i32
        %dma_wait3A_226 = arith.constant 0 : i32
        %dma_wait3A_227 = tpu.memref_slice %arg3[%dma_wait3A_225, %dma_wait3A_226] : memref<6272x128xi32, #tpu.memory_space<hbm>> -> memref<56x128xi32, #tpu.memory_space<hbm>>
        %dma_wait3A_228 = arith.constant 0 : i32
        %dma_wait3A_229 = arith.constant 0 : i32
        %dma_wait3A_230 = tpu.memref_slice %arg9[%dma_wait3A_228, %dma_wait3A_229] : memref<112x128xi32, #tpu.memory_space<vmem>> -> memref<56x128xi32, #tpu.memory_space<vmem>>
        %dma_wait3A_231 = arith.constant 0 : i32
        %dma_wait3A_232 = arith.constant 0 : i32
        %dma_wait3A_233 = tpu.memref_slice %arg3[%dma_wait3A_231, %dma_wait3A_232] : memref<6272x128xi32, #tpu.memory_space<hbm>> -> memref<56x128xi32, #tpu.memory_space<hbm>>
        tpu.wait_dma2 semaphore(%arg16 : memref<!tpu.dma_semaphore, #tpu.memory_space<semaphore_mem>>) src(%dma_wait3A_233 : memref<56x128xi32, #tpu.memory_space<hbm>>) dst(%dma_wait3A_230 : memref<56x128xi32, #tpu.memory_space<vmem>>)
        %add3A_234 = arith.constant 1 : i32
        %add3A_235 = arith.addi %scan3A_203, %add3A_234 : i32
        %lt3A = arith.constant 7 : i32
        %lt3A_236 = arith.cmpi slt, %add3A_235, %lt3A : i32
        %convert_element_type3A_237 = arith.extui %lt3A_236 : i1 to i32
        %cond3A_238 = arith.constant 0 : i32
        %cond3A_239 = arith.constant 0 : i32
        %cond3A_240 = arith.cmpi ne, %convert_element_type3A_237, %cond3A_239 : i32
        %cond3A_241 = scf.if %cond3A_240 -> (i32) {
          %mul3A_248 = arith.constant 392 : i32
          %mul3A_249 = arith.muli %arg1, %mul3A_248 : i32
          %add3A_250 = arith.constant 1 : i32
          %add3A_251 = arith.addi %scan3A_203, %add3A_250 : i32
          %mul3A_252 = arith.constant 56 : i32
          %mul3A_253 = arith.muli %add3A_251, %mul3A_252 : i32
          %add3A_254 = arith.addi %mul3A_249, %mul3A_253 : i32
          %add3A_255 = arith.constant 1 : i32
          %add3A_256 = arith.addi %scan3A_203, %add3A_255 : i32
          %rem3A_257 = arith.constant 2 : i32
          %rem3A_258 = arith.remsi %add3A_256, %rem3A_257 : i32
          %mul3A_259 = arith.constant 56 : i32
          %mul3A_260 = arith.muli %rem3A_258, %mul3A_259 : i32
          %multiple_of3A_261 = tpu.assume_multiple %mul3A_260, 8 : i32
          %dma_start3A_262 = arith.constant 0 : i32
          %dma_start3A_263 = tpu.memref_slice %arg8[%multiple_of3A_261, %dma_start3A_262] : memref<112x128xi32, #tpu.memory_space<vmem>> -> memref<56x128xi32, #tpu.memory_space<vmem>>
          %dma_start3A_264 = arith.constant 0 : i32
          %dma_start3A_265 = tpu.memref_slice %arg2[%add3A_254, %dma_start3A_264] : memref<6272x128xi32, #tpu.memory_space<hbm>> -> memref<56x128xi32, #tpu.memory_space<hbm>>
          %dma_start3A_266 = arith.constant 0 : i32
          %dma_start3A_267 = tpu.memref_slice %arg8[%multiple_of3A_261, %dma_start3A_266] : memref<112x128xi32, #tpu.memory_space<vmem>> -> memref<56x128xi32, #tpu.memory_space<vmem>>
          %dma_start3A_268 = arith.constant 0 : i32
          %dma_start3A_269 = tpu.memref_slice %arg2[%add3A_254, %dma_start3A_268] : memref<6272x128xi32, #tpu.memory_space<hbm>> -> memref<56x128xi32, #tpu.memory_space<hbm>>
          tpu.enqueue_dma source(%dma_start3A_269 : memref<56x128xi32, #tpu.memory_space<hbm>>) target(%dma_start3A_267 : memref<56x128xi32, #tpu.memory_space<vmem>>) target_semaphore(%arg16 : memref<!tpu.dma_semaphore, #tpu.memory_space<semaphore_mem>>)
          %dma_start3A_270 = arith.constant 0 : i32
          %dma_start3A_271 = tpu.memref_slice %arg9[%multiple_of3A_261, %dma_start3A_270] : memref<112x128xi32, #tpu.memory_space<vmem>> -> memref<56x128xi32, #tpu.memory_space<vmem>>
          %dma_start3A_272 = arith.constant 0 : i32
          %dma_start3A_273 = tpu.memref_slice %arg3[%add3A_254, %dma_start3A_272] : memref<6272x128xi32, #tpu.memory_space<hbm>> -> memref<56x128xi32, #tpu.memory_space<hbm>>
          %dma_start3A_274 = arith.constant 0 : i32
          %dma_start3A_275 = tpu.memref_slice %arg9[%multiple_of3A_261, %dma_start3A_274] : memref<112x128xi32, #tpu.memory_space<vmem>> -> memref<56x128xi32, #tpu.memory_space<vmem>>
          %dma_start3A_276 = arith.constant 0 : i32
          %dma_start3A_277 = tpu.memref_slice %arg3[%add3A_254, %dma_start3A_276] : memref<6272x128xi32, #tpu.memory_space<hbm>> -> memref<56x128xi32, #tpu.memory_space<hbm>>
          tpu.enqueue_dma source(%dma_start3A_277 : memref<56x128xi32, #tpu.memory_space<hbm>>) target(%dma_start3A_275 : memref<56x128xi32, #tpu.memory_space<vmem>>) target_semaphore(%arg16 : memref<!tpu.dma_semaphore, #tpu.memory_space<semaphore_mem>>)
          %cond3A_278 = arith.constant 0 : i32
          scf.yield %cond3A_278 : i32
        } else {
          %cond3A_248 = arith.constant 0 : i32
          scf.yield %cond3A_248 : i32
        }
        %scan3A_242 = arith.constant 0 : i32
        %scan3A_243 = arith.constant 56 : i32
        %scan3A_244 = arith.addi %scan3A_242, %scan3A_243 : i32
        %scan3A_245 = arith.constant 1 : i32
        %scan3A_246:2 = scf.for %scan3A_248 = %scan3A_242 to %scan3A_244 step %scan3A_245 iter_args(%scan3A_249 = %scan3A_204, %scan3A_250 = %scan3A_205) -> (i32, i32)  : i32 {
          %add3A_251 = arith.addi %multiple_of3A, %scan3A_248 : i32
          %get3A = arith.index_cast %add3A_251 : i32 to index
          %get3A_252 = arith.constant 0 : index
          %get3A_253 = tpu.vector_load %arg8[%get3A, %get3A_252] {strides = array<i32>} : memref<112x128xi32, #tpu.memory_space<vmem>>, vector<16xi32>,
          %add3A_254 = arith.addi %multiple_of3A, %scan3A_248 : i32
          %get3A_255 = arith.index_cast %add3A_254 : i32 to index
          %get3A_256 = arith.constant 0 : index
          %get3A_257 = tpu.vector_load %arg9[%get3A_255, %get3A_256] {strides = array<i32>} : memref<112x128xi32, #tpu.memory_space<vmem>>, vector<16xi32>,
          %sub3A = vector.broadcast %mul3A_8 : i32 to vector<16xi32>
          %sub3A_258 = arith.subi %get3A_257, %sub3A : vector<16xi32>
          %lt3A_259 = arith.constant 6272 : i32
          %lt3A_260 = vector.broadcast %lt3A_259 : i32 to vector<16xi32>
          %lt3A_261 = arith.cmpi ult, %sub3A_258, %lt3A_260 : vector<16xi32>
          %swap3A_262 = arith.index_cast %scan3A_249 : i32 to index
          %swap3A_263 = tpu.vector_load %arg10[%swap3A_262] masked %lt3A_261 {strides = array<i32>} : memref<272xi32, #tpu.memory_space<vmem>>, vector<16xi32>, vector<16xi1>
          tpu.vector_store %arg10[%swap3A_262], %get3A_253 masked %lt3A_261 {strides = array<i32>} : memref<272xi32, #tpu.memory_space<vmem>>, vector<16xi32>, vector<16xi1>
          %swap3A_264 = arith.index_cast %scan3A_249 : i32 to index
          %swap3A_265 = tpu.vector_load %arg11[%swap3A_264] masked %lt3A_261 {strides = array<i32>} : memref<272xi32, #tpu.memory_space<vmem>>, vector<16xi32>, vector<16xi1>
          tpu.vector_store %arg11[%swap3A_264], %sub3A_258 masked %lt3A_261 {strides = array<i32>} : memref<272xi32, #tpu.memory_space<vmem>>, vector<16xi32>, vector<16xi1>
          %jit3A = arith.constant 1 : i32
          %jit3A_266 = arith.constant 0 : i32
          %broadcast_in_dim3A_267 = vector.broadcast %jit3A : i32 to vector<16xi32>
          %broadcast_in_dim3A_268 = vector.broadcast %jit3A_266 : i32 to vector<16xi32>
          %select_n3A = arith.select %lt3A_261, %broadcast_in_dim3A_267, %broadcast_in_dim3A_268 : vector<16xi1>, vector<16xi32>
          %reduce_sum3A = arith.constant true
          %reduce_sum3A_269 = vector.broadcast %reduce_sum3A : i1 to vector<16xi1>
          %reduce_sum3A_270 = tpu.scan <sum>, %select_n3A masked %reduce_sum3A_269 : vector<16xi32>, vector<16xi1> -> vector<16xi32>
          %reduce_sum3A_271 = vector.extract %reduce_sum3A_270[15] : i32 from vector<16xi32>
          %add3A_272 = arith.addi %scan3A_249, %reduce_sum3A_271 : i32
          %add3A_273 = arith.addi %multiple_of3A, %scan3A_248 : i32
          %get3A_274 = arith.index_cast %add3A_273 : i32 to index
          %get3A_275 = arith.constant 16 : index
          %get3A_276 = tpu.vector_load %arg8[%get3A_274, %get3A_275] {strides = array<i32>} : memref<112x128xi32, #tpu.memory_space<vmem>>, vector<16xi32>,
          %add3A_277 = arith.addi %multiple_of3A, %scan3A_248 : i32
          %get3A_278 = arith.index_cast %add3A_277 : i32 to index
          %get3A_279 = arith.constant 16 : index
          %get3A_280 = tpu.vector_load %arg9[%get3A_278, %get3A_279] {strides = array<i32>} : memref<112x128xi32, #tpu.memory_space<vmem>>, vector<16xi32>,
          %sub3A_281 = vector.broadcast %mul3A_8 : i32 to vector<16xi32>
          %sub3A_282 = arith.subi %get3A_280, %sub3A_281 : vector<16xi32>
          %lt3A_283 = arith.constant 6272 : i32
          %lt3A_284 = vector.broadcast %lt3A_283 : i32 to vector<16xi32>
          %lt3A_285 = arith.cmpi ult, %sub3A_282, %lt3A_284 : vector<16xi32>
          %swap3A_286 = arith.index_cast %add3A_272 : i32 to index
          %swap3A_287 = tpu.vector_load %arg10[%swap3A_286] masked %lt3A_285 {strides = array<i32>} : memref<272xi32, #tpu.memory_space<vmem>>, vector<16xi32>, vector<16xi1>
          tpu.vector_store %arg10[%swap3A_286], %get3A_276 masked %lt3A_285 {strides = array<i32>} : memref<272xi32, #tpu.memory_space<vmem>>, vector<16xi32>, vector<16xi1>
          %swap3A_288 = arith.index_cast %add3A_272 : i32 to index
          %swap3A_289 = tpu.vector_load %arg11[%swap3A_288] masked %lt3A_285 {strides = array<i32>} : memref<272xi32, #tpu.memory_space<vmem>>, vector<16xi32>, vector<16xi1>
          tpu.vector_store %arg11[%swap3A_288], %sub3A_282 masked %lt3A_285 {strides = array<i32>} : memref<272xi32, #tpu.memory_space<vmem>>, vector<16xi32>, vector<16xi1>
          %jit3A_290 = arith.constant 1 : i32
          %jit3A_291 = arith.constant 0 : i32
          %broadcast_in_dim3A_292 = vector.broadcast %jit3A_290 : i32 to vector<16xi32>
          %broadcast_in_dim3A_293 = vector.broadcast %jit3A_291 : i32 to vector<16xi32>
          %select_n3A_294 = arith.select %lt3A_285, %broadcast_in_dim3A_292, %broadcast_in_dim3A_293 : vector<16xi1>, vector<16xi32>
          %reduce_sum3A_295 = arith.constant true
          %reduce_sum3A_296 = vector.broadcast %reduce_sum3A_295 : i1 to vector<16xi1>
          %reduce_sum3A_297 = tpu.scan <sum>, %select_n3A_294 masked %reduce_sum3A_296 : vector<16xi32>, vector<16xi1> -> vector<16xi32>
          %reduce_sum3A_298 = vector.extract %reduce_sum3A_297[15] : i32 from vector<16xi32>
          %add3A_299 = arith.addi %add3A_272, %reduce_sum3A_298 : i32
          %add3A_300 = arith.addi %multiple_of3A, %scan3A_248 : i32
          %get3A_301 = arith.index_cast %add3A_300 : i32 to index
          %get3A_302 = arith.constant 32 : index
          %get3A_303 = tpu.vector_load %arg8[%get3A_301, %get3A_302] {strides = array<i32>} : memref<112x128xi32, #tpu.memory_space<vmem>>, vector<16xi32>,
          %add3A_304 = arith.addi %multiple_of3A, %scan3A_248 : i32
          %get3A_305 = arith.index_cast %add3A_304 : i32 to index
          %get3A_306 = arith.constant 32 : index
          %get3A_307 = tpu.vector_load %arg9[%get3A_305, %get3A_306] {strides = array<i32>} : memref<112x128xi32, #tpu.memory_space<vmem>>, vector<16xi32>,
          %sub3A_308 = vector.broadcast %mul3A_8 : i32 to vector<16xi32>
          %sub3A_309 = arith.subi %get3A_307, %sub3A_308 : vector<16xi32>
          %lt3A_310 = arith.constant 6272 : i32
          %lt3A_311 = vector.broadcast %lt3A_310 : i32 to vector<16xi32>
          %lt3A_312 = arith.cmpi ult, %sub3A_309, %lt3A_311 : vector<16xi32>
          %swap3A_313 = arith.index_cast %add3A_299 : i32 to index
          %swap3A_314 = tpu.vector_load %arg10[%swap3A_313] masked %lt3A_312 {strides = array<i32>} : memref<272xi32, #tpu.memory_space<vmem>>, vector<16xi32>, vector<16xi1>
          tpu.vector_store %arg10[%swap3A_313], %get3A_303 masked %lt3A_312 {strides = array<i32>} : memref<272xi32, #tpu.memory_space<vmem>>, vector<16xi32>, vector<16xi1>
          %swap3A_315 = arith.index_cast %add3A_299 : i32 to index
          %swap3A_316 = tpu.vector_load %arg11[%swap3A_315] masked %lt3A_312 {strides = array<i32>} : memref<272xi32, #tpu.memory_space<vmem>>, vector<16xi32>, vector<16xi1>
          tpu.vector_store %arg11[%swap3A_315], %sub3A_309 masked %lt3A_312 {strides = array<i32>} : memref<272xi32, #tpu.memory_space<vmem>>, vector<16xi32>, vector<16xi1>
          %jit3A_317 = arith.constant 1 : i32
          %jit3A_318 = arith.constant 0 : i32
          %broadcast_in_dim3A_319 = vector.broadcast %jit3A_317 : i32 to vector<16xi32>
          %broadcast_in_dim3A_320 = vector.broadcast %jit3A_318 : i32 to vector<16xi32>
          %select_n3A_321 = arith.select %lt3A_312, %broadcast_in_dim3A_319, %broadcast_in_dim3A_320 : vector<16xi1>, vector<16xi32>
          %reduce_sum3A_322 = arith.constant true
          %reduce_sum3A_323 = vector.broadcast %reduce_sum3A_322 : i1 to vector<16xi1>
          %reduce_sum3A_324 = tpu.scan <sum>, %select_n3A_321 masked %reduce_sum3A_323 : vector<16xi32>, vector<16xi1> -> vector<16xi32>
          %reduce_sum3A_325 = vector.extract %reduce_sum3A_324[15] : i32 from vector<16xi32>
          %add3A_326 = arith.addi %add3A_299, %reduce_sum3A_325 : i32
          %add3A_327 = arith.addi %multiple_of3A, %scan3A_248 : i32
          %get3A_328 = arith.index_cast %add3A_327 : i32 to index
          %get3A_329 = arith.constant 48 : index
          %get3A_330 = tpu.vector_load %arg8[%get3A_328, %get3A_329] {strides = array<i32>} : memref<112x128xi32, #tpu.memory_space<vmem>>, vector<16xi32>,
          %add3A_331 = arith.addi %multiple_of3A, %scan3A_248 : i32
          %get3A_332 = arith.index_cast %add3A_331 : i32 to index
          %get3A_333 = arith.constant 48 : index
          %get3A_334 = tpu.vector_load %arg9[%get3A_332, %get3A_333] {strides = array<i32>} : memref<112x128xi32, #tpu.memory_space<vmem>>, vector<16xi32>,
          %sub3A_335 = vector.broadcast %mul3A_8 : i32 to vector<16xi32>
          %sub3A_336 = arith.subi %get3A_334, %sub3A_335 : vector<16xi32>
          %lt3A_337 = arith.constant 6272 : i32
          %lt3A_338 = vector.broadcast %lt3A_337 : i32 to vector<16xi32>
          %lt3A_339 = arith.cmpi ult, %sub3A_336, %lt3A_338 : vector<16xi32>
          %swap3A_340 = arith.index_cast %add3A_326 : i32 to index
          %swap3A_341 = tpu.vector_load %arg10[%swap3A_340] masked %lt3A_339 {strides = array<i32>} : memref<272xi32, #tpu.memory_space<vmem>>, vector<16xi32>, vector<16xi1>
          tpu.vector_store %arg10[%swap3A_340], %get3A_330 masked %lt3A_339 {strides = array<i32>} : memref<272xi32, #tpu.memory_space<vmem>>, vector<16xi32>, vector<16xi1>
          %swap3A_342 = arith.index_cast %add3A_326 : i32 to index
          %swap3A_343 = tpu.vector_load %arg11[%swap3A_342] masked %lt3A_339 {strides = array<i32>} : memref<272xi32, #tpu.memory_space<vmem>>, vector<16xi32>, vector<16xi1>
          tpu.vector_store %arg11[%swap3A_342], %sub3A_336 masked %lt3A_339 {strides = array<i32>} : memref<272xi32, #tpu.memory_space<vmem>>, vector<16xi32>, vector<16xi1>
          %jit3A_344 = arith.constant 1 : i32
          %jit3A_345 = arith.constant 0 : i32
          %broadcast_in_dim3A_346 = vector.broadcast %jit3A_344 : i32 to vector<16xi32>
          %broadcast_in_dim3A_347 = vector.broadcast %jit3A_345 : i32 to vector<16xi32>
          %select_n3A_348 = arith.select %lt3A_339, %broadcast_in_dim3A_346, %broadcast_in_dim3A_347 : vector<16xi1>, vector<16xi32>
          %reduce_sum3A_349 = arith.constant true
          %reduce_sum3A_350 = vector.broadcast %reduce_sum3A_349 : i1 to vector<16xi1>
          %reduce_sum3A_351 = tpu.scan <sum>, %select_n3A_348 masked %reduce_sum3A_350 : vector<16xi32>, vector<16xi1> -> vector<16xi32>
          %reduce_sum3A_352 = vector.extract %reduce_sum3A_351[15] : i32 from vector<16xi32>
          %add3A_353 = arith.addi %add3A_326, %reduce_sum3A_352 : i32
          %add3A_354 = arith.addi %multiple_of3A, %scan3A_248 : i32
          %get3A_355 = arith.index_cast %add3A_354 : i32 to index
          %get3A_356 = arith.constant 64 : index
          %get3A_357 = tpu.vector_load %arg8[%get3A_355, %get3A_356] {strides = array<i32>} : memref<112x128xi32, #tpu.memory_space<vmem>>, vector<16xi32>,
          %add3A_358 = arith.addi %multiple_of3A, %scan3A_248 : i32
          %get3A_359 = arith.index_cast %add3A_358 : i32 to index
          %get3A_360 = arith.constant 64 : index
          %get3A_361 = tpu.vector_load %arg9[%get3A_359, %get3A_360] {strides = array<i32>} : memref<112x128xi32, #tpu.memory_space<vmem>>, vector<16xi32>,
          %sub3A_362 = vector.broadcast %mul3A_8 : i32 to vector<16xi32>
          %sub3A_363 = arith.subi %get3A_361, %sub3A_362 : vector<16xi32>
          %lt3A_364 = arith.constant 6272 : i32
          %lt3A_365 = vector.broadcast %lt3A_364 : i32 to vector<16xi32>
          %lt3A_366 = arith.cmpi ult, %sub3A_363, %lt3A_365 : vector<16xi32>
          %swap3A_367 = arith.index_cast %add3A_353 : i32 to index
          %swap3A_368 = tpu.vector_load %arg10[%swap3A_367] masked %lt3A_366 {strides = array<i32>} : memref<272xi32, #tpu.memory_space<vmem>>, vector<16xi32>, vector<16xi1>
          tpu.vector_store %arg10[%swap3A_367], %get3A_357 masked %lt3A_366 {strides = array<i32>} : memref<272xi32, #tpu.memory_space<vmem>>, vector<16xi32>, vector<16xi1>
          %swap3A_369 = arith.index_cast %add3A_353 : i32 to index
          %swap3A_370 = tpu.vector_load %arg11[%swap3A_369] masked %lt3A_366 {strides = array<i32>} : memref<272xi32, #tpu.memory_space<vmem>>, vector<16xi32>, vector<16xi1>
          tpu.vector_store %arg11[%swap3A_369], %sub3A_363 masked %lt3A_366 {strides = array<i32>} : memref<272xi32, #tpu.memory_space<vmem>>, vector<16xi32>, vector<16xi1>
          %jit3A_371 = arith.constant 1 : i32
          %jit3A_372 = arith.constant 0 : i32
          %broadcast_in_dim3A_373 = vector.broadcast %jit3A_371 : i32 to vector<16xi32>
          %broadcast_in_dim3A_374 = vector.broadcast %jit3A_372 : i32 to vector<16xi32>
          %select_n3A_375 = arith.select %lt3A_366, %broadcast_in_dim3A_373, %broadcast_in_dim3A_374 : vector<16xi1>, vector<16xi32>
          %reduce_sum3A_376 = arith.constant true
          %reduce_sum3A_377 = vector.broadcast %reduce_sum3A_376 : i1 to vector<16xi1>
          %reduce_sum3A_378 = tpu.scan <sum>, %select_n3A_375 masked %reduce_sum3A_377 : vector<16xi32>, vector<16xi1> -> vector<16xi32>
          %reduce_sum3A_379 = vector.extract %reduce_sum3A_378[15] : i32 from vector<16xi32>
          %add3A_380 = arith.addi %add3A_353, %reduce_sum3A_379 : i32
          %add3A_381 = arith.addi %multiple_of3A, %scan3A_248 : i32
          %get3A_382 = arith.index_cast %add3A_381 : i32 to index
          %get3A_383 = arith.constant 80 : index
          %get3A_384 = tpu.vector_load %arg8[%get3A_382, %get3A_383] {strides = array<i32>} : memref<112x128xi32, #tpu.memory_space<vmem>>, vector<16xi32>,
          %add3A_385 = arith.addi %multiple_of3A, %scan3A_248 : i32
          %get3A_386 = arith.index_cast %add3A_385 : i32 to index
          %get3A_387 = arith.constant 80 : index
          %get3A_388 = tpu.vector_load %arg9[%get3A_386, %get3A_387] {strides = array<i32>} : memref<112x128xi32, #tpu.memory_space<vmem>>, vector<16xi32>,
          %sub3A_389 = vector.broadcast %mul3A_8 : i32 to vector<16xi32>
          %sub3A_390 = arith.subi %get3A_388, %sub3A_389 : vector<16xi32>
          %lt3A_391 = arith.constant 6272 : i32
          %lt3A_392 = vector.broadcast %lt3A_391 : i32 to vector<16xi32>
          %lt3A_393 = arith.cmpi ult, %sub3A_390, %lt3A_392 : vector<16xi32>
          %swap3A_394 = arith.index_cast %add3A_380 : i32 to index
          %swap3A_395 = tpu.vector_load %arg10[%swap3A_394] masked %lt3A_393 {strides = array<i32>} : memref<272xi32, #tpu.memory_space<vmem>>, vector<16xi32>, vector<16xi1>
          tpu.vector_store %arg10[%swap3A_394], %get3A_384 masked %lt3A_393 {strides = array<i32>} : memref<272xi32, #tpu.memory_space<vmem>>, vector<16xi32>, vector<16xi1>
          %swap3A_396 = arith.index_cast %add3A_380 : i32 to index
          %swap3A_397 = tpu.vector_load %arg11[%swap3A_396] masked %lt3A_393 {strides = array<i32>} : memref<272xi32, #tpu.memory_space<vmem>>, vector<16xi32>, vector<16xi1>
          tpu.vector_store %arg11[%swap3A_396], %sub3A_390 masked %lt3A_393 {strides = array<i32>} : memref<272xi32, #tpu.memory_space<vmem>>, vector<16xi32>, vector<16xi1>
          %jit3A_398 = arith.constant 1 : i32
          %jit3A_399 = arith.constant 0 : i32
          %broadcast_in_dim3A_400 = vector.broadcast %jit3A_398 : i32 to vector<16xi32>
          %broadcast_in_dim3A_401 = vector.broadcast %jit3A_399 : i32 to vector<16xi32>
          %select_n3A_402 = arith.select %lt3A_393, %broadcast_in_dim3A_400, %broadcast_in_dim3A_401 : vector<16xi1>, vector<16xi32>
          %reduce_sum3A_403 = arith.constant true
          %reduce_sum3A_404 = vector.broadcast %reduce_sum3A_403 : i1 to vector<16xi1>
          %reduce_sum3A_405 = tpu.scan <sum>, %select_n3A_402 masked %reduce_sum3A_404 : vector<16xi32>, vector<16xi1> -> vector<16xi32>
          %reduce_sum3A_406 = vector.extract %reduce_sum3A_405[15] : i32 from vector<16xi32>
          %add3A_407 = arith.addi %add3A_380, %reduce_sum3A_406 : i32
          %add3A_408 = arith.addi %multiple_of3A, %scan3A_248 : i32
          %get3A_409 = arith.index_cast %add3A_408 : i32 to index
          %get3A_410 = arith.constant 96 : index
          %get3A_411 = tpu.vector_load %arg8[%get3A_409, %get3A_410] {strides = array<i32>} : memref<112x128xi32, #tpu.memory_space<vmem>>, vector<16xi32>,
          %add3A_412 = arith.addi %multiple_of3A, %scan3A_248 : i32
          %get3A_413 = arith.index_cast %add3A_412 : i32 to index
          %get3A_414 = arith.constant 96 : index
          %get3A_415 = tpu.vector_load %arg9[%get3A_413, %get3A_414] {strides = array<i32>} : memref<112x128xi32, #tpu.memory_space<vmem>>, vector<16xi32>,
          %sub3A_416 = vector.broadcast %mul3A_8 : i32 to vector<16xi32>
          %sub3A_417 = arith.subi %get3A_415, %sub3A_416 : vector<16xi32>
          %lt3A_418 = arith.constant 6272 : i32
          %lt3A_419 = vector.broadcast %lt3A_418 : i32 to vector<16xi32>
          %lt3A_420 = arith.cmpi ult, %sub3A_417, %lt3A_419 : vector<16xi32>
          %swap3A_421 = arith.index_cast %add3A_407 : i32 to index
          %swap3A_422 = tpu.vector_load %arg10[%swap3A_421] masked %lt3A_420 {strides = array<i32>} : memref<272xi32, #tpu.memory_space<vmem>>, vector<16xi32>, vector<16xi1>
          tpu.vector_store %arg10[%swap3A_421], %get3A_411 masked %lt3A_420 {strides = array<i32>} : memref<272xi32, #tpu.memory_space<vmem>>, vector<16xi32>, vector<16xi1>
          %swap3A_423 = arith.index_cast %add3A_407 : i32 to index
          %swap3A_424 = tpu.vector_load %arg11[%swap3A_423] masked %lt3A_420 {strides = array<i32>} : memref<272xi32, #tpu.memory_space<vmem>>, vector<16xi32>, vector<16xi1>
          tpu.vector_store %arg11[%swap3A_423], %sub3A_417 masked %lt3A_420 {strides = array<i32>} : memref<272xi32, #tpu.memory_space<vmem>>, vector<16xi32>, vector<16xi1>
          %jit3A_425 = arith.constant 1 : i32
          %jit3A_426 = arith.constant 0 : i32
          %broadcast_in_dim3A_427 = vector.broadcast %jit3A_425 : i32 to vector<16xi32>
          %broadcast_in_dim3A_428 = vector.broadcast %jit3A_426 : i32 to vector<16xi32>
          %select_n3A_429 = arith.select %lt3A_420, %broadcast_in_dim3A_427, %broadcast_in_dim3A_428 : vector<16xi1>, vector<16xi32>
          %reduce_sum3A_430 = arith.constant true
          %reduce_sum3A_431 = vector.broadcast %reduce_sum3A_430 : i1 to vector<16xi1>
          %reduce_sum3A_432 = tpu.scan <sum>, %select_n3A_429 masked %reduce_sum3A_431 : vector<16xi32>, vector<16xi1> -> vector<16xi32>
          %reduce_sum3A_433 = vector.extract %reduce_sum3A_432[15] : i32 from vector<16xi32>
          %add3A_434 = arith.addi %add3A_407, %reduce_sum3A_433 : i32
          %add3A_435 = arith.addi %multiple_of3A, %scan3A_248 : i32
          %get3A_436 = arith.index_cast %add3A_435 : i32 to index
          %get3A_437 = arith.constant 112 : index
          %get3A_438 = tpu.vector_load %arg8[%get3A_436, %get3A_437] {strides = array<i32>} : memref<112x128xi32, #tpu.memory_space<vmem>>, vector<16xi32>,
          %add3A_439 = arith.addi %multiple_of3A, %scan3A_248 : i32
          %get3A_440 = arith.index_cast %add3A_439 : i32 to index
          %get3A_441 = arith.constant 112 : index
          %get3A_442 = tpu.vector_load %arg9[%get3A_440, %get3A_441] {strides = array<i32>} : memref<112x128xi32, #tpu.memory_space<vmem>>, vector<16xi32>,
          %sub3A_443 = vector.broadcast %mul3A_8 : i32 to vector<16xi32>
          %sub3A_444 = arith.subi %get3A_442, %sub3A_443 : vector<16xi32>
          %lt3A_445 = arith.constant 6272 : i32
          %lt3A_446 = vector.broadcast %lt3A_445 : i32 to vector<16xi32>
          %lt3A_447 = arith.cmpi ult, %sub3A_444, %lt3A_446 : vector<16xi32>
          %swap3A_448 = arith.index_cast %add3A_434 : i32 to index
          %swap3A_449 = tpu.vector_load %arg10[%swap3A_448] masked %lt3A_447 {strides = array<i32>} : memref<272xi32, #tpu.memory_space<vmem>>, vector<16xi32>, vector<16xi1>
          tpu.vector_store %arg10[%swap3A_448], %get3A_438 masked %lt3A_447 {strides = array<i32>} : memref<272xi32, #tpu.memory_space<vmem>>, vector<16xi32>, vector<16xi1>
          %swap3A_450 = arith.index_cast %add3A_434 : i32 to index
          %swap3A_451 = tpu.vector_load %arg11[%swap3A_450] masked %lt3A_447 {strides = array<i32>} : memref<272xi32, #tpu.memory_space<vmem>>, vector<16xi32>, vector<16xi1>
          tpu.vector_store %arg11[%swap3A_450], %sub3A_444 masked %lt3A_447 {strides = array<i32>} : memref<272xi32, #tpu.memory_space<vmem>>, vector<16xi32>, vector<16xi1>
          %jit3A_452 = arith.constant 1 : i32
          %jit3A_453 = arith.constant 0 : i32
          %broadcast_in_dim3A_454 = vector.broadcast %jit3A_452 : i32 to vector<16xi32>
          %broadcast_in_dim3A_455 = vector.broadcast %jit3A_453 : i32 to vector<16xi32>
          %select_n3A_456 = arith.select %lt3A_447, %broadcast_in_dim3A_454, %broadcast_in_dim3A_455 : vector<16xi1>, vector<16xi32>
          %reduce_sum3A_457 = arith.constant true
          %reduce_sum3A_458 = vector.broadcast %reduce_sum3A_457 : i1 to vector<16xi1>
          %reduce_sum3A_459 = tpu.scan <sum>, %select_n3A_456 masked %reduce_sum3A_458 : vector<16xi32>, vector<16xi1> -> vector<16xi32>
          %reduce_sum3A_460 = vector.extract %reduce_sum3A_459[15] : i32 from vector<16xi32>
          %add3A_461 = arith.addi %add3A_434, %reduce_sum3A_460 : i32
          %ge3A = arith.constant 128 : i32
          %ge3A_462 = arith.cmpi sge, %add3A_461, %ge3A : i32
          %convert_element_type3A_463 = arith.extui %ge3A_462 : i1 to i32
          %cond3A_464 = arith.constant 0 : i32
          %cond3A_465 = arith.cmpi ne, %convert_element_type3A_463, %cond3A_464 : i32
          %cond3A_466:2 = scf.if %cond3A_465 -> (i32, i32) {
            %rem3A_467 = arith.constant 2 : i32
            %rem3A_468 = arith.remsi %scan3A_250, %rem3A_467 : i32
            %eq3A_469 = arith.constant 0 : i32
            %eq3A_470 = arith.cmpi eq, %rem3A_468, %eq3A_469 : i32
            %convert_element_type3A_471 = arith.extui %eq3A_470 : i1 to i32
            %cond3A_472 = arith.constant 0 : i32
            %cond3A_473 = arith.constant 0 : i32
            %cond3A_474 = arith.cmpi ne, %convert_element_type3A_471, %cond3A_473 : i32
            %cond3A_475 = scf.if %cond3A_474 -> (i32) {
              %dma_wait3A_544 = arith.constant 0 : i32
              %dma_wait3A_545 = arith.constant 0 : i32
              %dma_wait3A_546 = arith.constant 0 : i32
              %dma_wait3A_547 = arith.constant 0 : i32
              %dma_wait3A_548 = tpu.memref_slice %arg7[%dma_wait3A_544, %dma_wait3A_546, %dma_wait3A_547] : memref<2x128x128xf32, #tpu.memory_space<vmem>> -> memref<1x128x128xf32, #tpu.memory_space<vmem>>
              %dma_wait3A_549 = tpu.memref_squeeze %dma_wait3A_548 : memref<1x128x128xf32, #tpu.memory_space<vmem>> -> memref<128x128xf32, #tpu.memory_space<vmem>>
              %dma_wait3A_550 = arith.constant 0 : i32
              %dma_wait3A_551 = tpu.memref_slice %arg13[%dma_wait3A_545, %dma_wait3A_550] : memref<2x128xi32, #tpu.memory_space<vmem>> -> memref<1x128xi32, #tpu.memory_space<vmem>>
              %dma_wait3A_552 = tpu.memref_squeeze %dma_wait3A_551 : memref<1x128xi32, #tpu.memory_space<vmem>> -> memref<128xi32, #tpu.memory_space<vmem>>
              %dma_wait3A_553 = arith.constant 0 : i32
              %dma_wait3A_554 = arith.constant 0 : i32
              %dma_wait3A_555 = tpu.memref_slice %arg6[%dma_wait3A_553, %dma_wait3A_554] : memref<6400x128xf32, #tpu.memory_space<vmem_shared>> -> memref<6400x128xf32, #tpu.memory_space<vmem_shared>>
              tpu.wait_indirect_dma semaphore(%arg14 : memref<!tpu.dma_semaphore, #tpu.memory_space<semaphore_mem>>) src(%dma_wait3A_549 : memref<128x128xf32, #tpu.memory_space<vmem>>) dst(%dma_wait3A_555 : memref<6400x128xf32, #tpu.memory_space<vmem_shared>>)
              %get3A_556 = arith.constant 0 : index
              %get3A_557 = tpu.vector_load %arg10[%get3A_556] {strides = array<i32>} : memref<272xi32, #tpu.memory_space<vmem>>, vector<16xi32>,
              %get3A_558 = arith.constant 0 : index
              %get3A_559 = tpu.vector_load %arg11[%get3A_558] {strides = array<i32>} : memref<272xi32, #tpu.memory_space<vmem>>, vector<16xi32>,
              %swap3A_560 = arith.constant 0 : i32
              %swap3A_561 = arith.index_cast %swap3A_560 : i32 to index
              %swap3A_562 = arith.constant 0 : index
              %swap3A_563 = tpu.vector_load %arg12[%swap3A_561, %swap3A_562] {strides = array<i32>} : memref<2x128xi32, #tpu.memory_space<vmem>>, vector<16xi32>,
              tpu.vector_store %arg12[%swap3A_561, %swap3A_562], %get3A_557 {strides = array<i32>} : memref<2x128xi32, #tpu.memory_space<vmem>>, vector<16xi32>,
              %swap3A_564 = arith.constant 0 : i32
              %swap3A_565 = arith.index_cast %swap3A_564 : i32 to index
              %swap3A_566 = arith.constant 0 : index
              %swap3A_567 = tpu.vector_load %arg13[%swap3A_565, %swap3A_566] {strides = array<i32>} : memref<2x128xi32, #tpu.memory_space<vmem>>, vector<16xi32>,
              tpu.vector_store %arg13[%swap3A_565, %swap3A_566], %get3A_559 {strides = array<i32>} : memref<2x128xi32, #tpu.memory_space<vmem>>, vector<16xi32>,
              %get3A_568 = arith.constant 16 : index
              %get3A_569 = tpu.vector_load %arg10[%get3A_568] {strides = array<i32>} : memref<272xi32, #tpu.memory_space<vmem>>, vector<16xi32>,
              %get3A_570 = arith.constant 16 : index
              %get3A_571 = tpu.vector_load %arg11[%get3A_570] {strides = array<i32>} : memref<272xi32, #tpu.memory_space<vmem>>, vector<16xi32>,
              %swap3A_572 = arith.constant 0 : i32
              %swap3A_573 = arith.index_cast %swap3A_572 : i32 to index
              %swap3A_574 = arith.constant 16 : index
              %swap3A_575 = tpu.vector_load %arg12[%swap3A_573, %swap3A_574] {strides = array<i32>} : memref<2x128xi32, #tpu.memory_space<vmem>>, vector<16xi32>,
              tpu.vector_store %arg12[%swap3A_573, %swap3A_574], %get3A_569 {strides = array<i32>} : memref<2x128xi32, #tpu.memory_space<vmem>>, vector<16xi32>,
              %swap3A_576 = arith.constant 0 : i32
              %swap3A_577 = arith.index_cast %swap3A_576 : i32 to index
              %swap3A_578 = arith.constant 16 : index
              %swap3A_579 = tpu.vector_load %arg13[%swap3A_577, %swap3A_578] {strides = array<i32>} : memref<2x128xi32, #tpu.memory_space<vmem>>, vector<16xi32>,
              tpu.vector_store %arg13[%swap3A_577, %swap3A_578], %get3A_571 {strides = array<i32>} : memref<2x128xi32, #tpu.memory_space<vmem>>, vector<16xi32>,
              %get3A_580 = arith.constant 32 : index
              %get3A_581 = tpu.vector_load %arg10[%get3A_580] {strides = array<i32>} : memref<272xi32, #tpu.memory_space<vmem>>, vector<16xi32>,
              %get3A_582 = arith.constant 32 : index
              %get3A_583 = tpu.vector_load %arg11[%get3A_582] {strides = array<i32>} : memref<272xi32, #tpu.memory_space<vmem>>, vector<16xi32>,
              %swap3A_584 = arith.constant 0 : i32
              %swap3A_585 = arith.index_cast %swap3A_584 : i32 to index
              %swap3A_586 = arith.constant 32 : index
              %swap3A_587 = tpu.vector_load %arg12[%swap3A_585, %swap3A_586] {strides = array<i32>} : memref<2x128xi32, #tpu.memory_space<vmem>>, vector<16xi32>,
              tpu.vector_store %arg12[%swap3A_585, %swap3A_586], %get3A_581 {strides = array<i32>} : memref<2x128xi32, #tpu.memory_space<vmem>>, vector<16xi32>,
              %swap3A_588 = arith.constant 0 : i32
              %swap3A_589 = arith.index_cast %swap3A_588 : i32 to index
              %swap3A_590 = arith.constant 32 : index
              %swap3A_591 = tpu.vector_load %arg13[%swap3A_589, %swap3A_590] {strides = array<i32>} : memref<2x128xi32, #tpu.memory_space<vmem>>, vector<16xi32>,
              tpu.vector_store %arg13[%swap3A_589, %swap3A_590], %get3A_583 {strides = array<i32>} : memref<2x128xi32, #tpu.memory_space<vmem>>, vector<16xi32>,
              %get3A_592 = arith.constant 48 : index
              %get3A_593 = tpu.vector_load %arg10[%get3A_592] {strides = array<i32>} : memref<272xi32, #tpu.memory_space<vmem>>, vector<16xi32>,
              %get3A_594 = arith.constant 48 : index
              %get3A_595 = tpu.vector_load %arg11[%get3A_594] {strides = array<i32>} : memref<272xi32, #tpu.memory_space<vmem>>, vector<16xi32>,
              %swap3A_596 = arith.constant 0 : i32
              %swap3A_597 = arith.index_cast %swap3A_596 : i32 to index
              %swap3A_598 = arith.constant 48 : index
              %swap3A_599 = tpu.vector_load %arg12[%swap3A_597, %swap3A_598] {strides = array<i32>} : memref<2x128xi32, #tpu.memory_space<vmem>>, vector<16xi32>,
              tpu.vector_store %arg12[%swap3A_597, %swap3A_598], %get3A_593 {strides = array<i32>} : memref<2x128xi32, #tpu.memory_space<vmem>>, vector<16xi32>,
              %swap3A_600 = arith.constant 0 : i32
              %swap3A_601 = arith.index_cast %swap3A_600 : i32 to index
              %swap3A_602 = arith.constant 48 : index
              %swap3A_603 = tpu.vector_load %arg13[%swap3A_601, %swap3A_602] {strides = array<i32>} : memref<2x128xi32, #tpu.memory_space<vmem>>, vector<16xi32>,
              tpu.vector_store %arg13[%swap3A_601, %swap3A_602], %get3A_595 {strides = array<i32>} : memref<2x128xi32, #tpu.memory_space<vmem>>, vector<16xi32>,
              %get3A_604 = arith.constant 64 : index
              %get3A_605 = tpu.vector_load %arg10[%get3A_604] {strides = array<i32>} : memref<272xi32, #tpu.memory_space<vmem>>, vector<16xi32>,
              %get3A_606 = arith.constant 64 : index
              %get3A_607 = tpu.vector_load %arg11[%get3A_606] {strides = array<i32>} : memref<272xi32, #tpu.memory_space<vmem>>, vector<16xi32>,
              %swap3A_608 = arith.constant 0 : i32
              %swap3A_609 = arith.index_cast %swap3A_608 : i32 to index
              %swap3A_610 = arith.constant 64 : index
              %swap3A_611 = tpu.vector_load %arg12[%swap3A_609, %swap3A_610] {strides = array<i32>} : memref<2x128xi32, #tpu.memory_space<vmem>>, vector<16xi32>,
              tpu.vector_store %arg12[%swap3A_609, %swap3A_610], %get3A_605 {strides = array<i32>} : memref<2x128xi32, #tpu.memory_space<vmem>>, vector<16xi32>,
              %swap3A_612 = arith.constant 0 : i32
              %swap3A_613 = arith.index_cast %swap3A_612 : i32 to index
              %swap3A_614 = arith.constant 64 : index
              %swap3A_615 = tpu.vector_load %arg13[%swap3A_613, %swap3A_614] {strides = array<i32>} : memref<2x128xi32, #tpu.memory_space<vmem>>, vector<16xi32>,
              tpu.vector_store %arg13[%swap3A_613, %swap3A_614], %get3A_607 {strides = array<i32>} : memref<2x128xi32, #tpu.memory_space<vmem>>, vector<16xi32>,
              %get3A_616 = arith.constant 80 : index
              %get3A_617 = tpu.vector_load %arg10[%get3A_616] {strides = array<i32>} : memref<272xi32, #tpu.memory_space<vmem>>, vector<16xi32>,
              %get3A_618 = arith.constant 80 : index
              %get3A_619 = tpu.vector_load %arg11[%get3A_618] {strides = array<i32>} : memref<272xi32, #tpu.memory_space<vmem>>, vector<16xi32>,
              %swap3A_620 = arith.constant 0 : i32
              %swap3A_621 = arith.index_cast %swap3A_620 : i32 to index
              %swap3A_622 = arith.constant 80 : index
              %swap3A_623 = tpu.vector_load %arg12[%swap3A_621, %swap3A_622] {strides = array<i32>} : memref<2x128xi32, #tpu.memory_space<vmem>>, vector<16xi32>,
              tpu.vector_store %arg12[%swap3A_621, %swap3A_622], %get3A_617 {strides = array<i32>} : memref<2x128xi32, #tpu.memory_space<vmem>>, vector<16xi32>,
              %swap3A_624 = arith.constant 0 : i32
              %swap3A_625 = arith.index_cast %swap3A_624 : i32 to index
              %swap3A_626 = arith.constant 80 : index
              %swap3A_627 = tpu.vector_load %arg13[%swap3A_625, %swap3A_626] {strides = array<i32>} : memref<2x128xi32, #tpu.memory_space<vmem>>, vector<16xi32>,
              tpu.vector_store %arg13[%swap3A_625, %swap3A_626], %get3A_619 {strides = array<i32>} : memref<2x128xi32, #tpu.memory_space<vmem>>, vector<16xi32>,
              %get3A_628 = arith.constant 96 : index
              %get3A_629 = tpu.vector_load %arg10[%get3A_628] {strides = array<i32>} : memref<272xi32, #tpu.memory_space<vmem>>, vector<16xi32>,
              %get3A_630 = arith.constant 96 : index
              %get3A_631 = tpu.vector_load %arg11[%get3A_630] {strides = array<i32>} : memref<272xi32, #tpu.memory_space<vmem>>, vector<16xi32>,
              %swap3A_632 = arith.constant 0 : i32
              %swap3A_633 = arith.index_cast %swap3A_632 : i32 to index
              %swap3A_634 = arith.constant 96 : index
              %swap3A_635 = tpu.vector_load %arg12[%swap3A_633, %swap3A_634] {strides = array<i32>} : memref<2x128xi32, #tpu.memory_space<vmem>>, vector<16xi32>,
              tpu.vector_store %arg12[%swap3A_633, %swap3A_634], %get3A_629 {strides = array<i32>} : memref<2x128xi32, #tpu.memory_space<vmem>>, vector<16xi32>,
              %swap3A_636 = arith.constant 0 : i32
              %swap3A_637 = arith.index_cast %swap3A_636 : i32 to index
              %swap3A_638 = arith.constant 96 : index
              %swap3A_639 = tpu.vector_load %arg13[%swap3A_637, %swap3A_638] {strides = array<i32>} : memref<2x128xi32, #tpu.memory_space<vmem>>, vector<16xi32>,
              tpu.vector_store %arg13[%swap3A_637, %swap3A_638], %get3A_631 {strides = array<i32>} : memref<2x128xi32, #tpu.memory_space<vmem>>, vector<16xi32>,
              %get3A_640 = arith.constant 112 : index
              %get3A_641 = tpu.vector_load %arg10[%get3A_640] {strides = array<i32>} : memref<272xi32, #tpu.memory_space<vmem>>, vector<16xi32>,
              %get3A_642 = arith.constant 112 : index
              %get3A_643 = tpu.vector_load %arg11[%get3A_642] {strides = array<i32>} : memref<272xi32, #tpu.memory_space<vmem>>, vector<16xi32>,
              %swap3A_644 = arith.constant 0 : i32
              %swap3A_645 = arith.index_cast %swap3A_644 : i32 to index
              %swap3A_646 = arith.constant 112 : index
              %swap3A_647 = tpu.vector_load %arg12[%swap3A_645, %swap3A_646] {strides = array<i32>} : memref<2x128xi32, #tpu.memory_space<vmem>>, vector<16xi32>,
              tpu.vector_store %arg12[%swap3A_645, %swap3A_646], %get3A_641 {strides = array<i32>} : memref<2x128xi32, #tpu.memory_space<vmem>>, vector<16xi32>,
              %swap3A_648 = arith.constant 0 : i32
              %swap3A_649 = arith.index_cast %swap3A_648 : i32 to index
              %swap3A_650 = arith.constant 112 : index
              %swap3A_651 = tpu.vector_load %arg13[%swap3A_649, %swap3A_650] {strides = array<i32>} : memref<2x128xi32, #tpu.memory_space<vmem>>, vector<16xi32>,
              tpu.vector_store %arg13[%swap3A_649, %swap3A_650], %get3A_643 {strides = array<i32>} : memref<2x128xi32, #tpu.memory_space<vmem>>, vector<16xi32>,
              %dma_start3A_652 = arith.constant 0 : i32
              %dma_start3A_653 = arith.constant 0 : i32
              %dma_start3A_654 = arith.constant 0 : i32
              %dma_start3A_655 = arith.constant 0 : i32
              %dma_start3A_656 = tpu.memref_slice %arg7[%dma_start3A_653, %dma_start3A_654, %dma_start3A_655] : memref<2x128x128xf32, #tpu.memory_space<vmem>> -> memref<1x64x128xf32, #tpu.memory_space<vmem>>
              %dma_start3A_657 = tpu.memref_squeeze %dma_start3A_656 : memref<1x64x128xf32, #tpu.memory_space<vmem>> -> memref<64x128xf32, #tpu.memory_space<vmem>>
              %dma_start3A_658 = arith.constant 0 : i32
              %dma_start3A_659 = tpu.memref_slice %arg12[%dma_start3A_652, %dma_start3A_658] : memref<2x128xi32, #tpu.memory_space<vmem>> -> memref<1x64xi32, #tpu.memory_space<vmem>>
              %dma_start3A_660 = tpu.memref_squeeze %dma_start3A_659 : memref<1x64xi32, #tpu.memory_space<vmem>> -> memref<64xi32, #tpu.memory_space<vmem>>
              %dma_start3A_661 = arith.constant 0 : i32
              %dma_start3A_662 = arith.constant 0 : i32
              %dma_start3A_663 = tpu.memref_slice %arg4[%dma_start3A_661, %dma_start3A_662] : memref<50176x128xf32, #tpu.memory_space<hbm>> -> memref<50176x128xf32, #tpu.memory_space<hbm>>
              tpu.enqueue_indirect_dma source(%dma_start3A_663 : memref<50176x128xf32, #tpu.memory_space<hbm>>) target(%dma_start3A_657 : memref<64x128xf32, #tpu.memory_space<vmem>>) offsets(%dma_start3A_660 : memref<64xi32, #tpu.memory_space<vmem>>) semaphore(%arg15 : memref<!tpu.dma_semaphore, #tpu.memory_space<semaphore_mem>>)
              %dma_start3A_664 = arith.constant 0 : i32
              %dma_start3A_665 = arith.constant 0 : i32
              %dma_start3A_666 = arith.constant 64 : i32
              %dma_start3A_667 = arith.constant 0 : i32
              %dma_start3A_668 = tpu.memref_slice %arg7[%dma_start3A_665, %dma_start3A_666, %dma_start3A_667] : memref<2x128x128xf32, #tpu.memory_space<vmem>> -> memref<1x64x128xf32, #tpu.memory_space<vmem>>
              %dma_start3A_669 = tpu.memref_squeeze %dma_start3A_668 : memref<1x64x128xf32, #tpu.memory_space<vmem>> -> memref<64x128xf32, #tpu.memory_space<vmem>>
              %dma_start3A_670 = arith.constant 64 : i32
              %dma_start3A_671 = tpu.memref_slice %arg12[%dma_start3A_664, %dma_start3A_670] : memref<2x128xi32, #tpu.memory_space<vmem>> -> memref<1x64xi32, #tpu.memory_space<vmem>>
              %dma_start3A_672 = tpu.memref_squeeze %dma_start3A_671 : memref<1x64xi32, #tpu.memory_space<vmem>> -> memref<64xi32, #tpu.memory_space<vmem>>
              %dma_start3A_673 = arith.constant 0 : i32
              %dma_start3A_674 = arith.constant 0 : i32
              %dma_start3A_675 = tpu.memref_slice %arg4[%dma_start3A_673, %dma_start3A_674] : memref<50176x128xf32, #tpu.memory_space<hbm>> -> memref<50176x128xf32, #tpu.memory_space<hbm>>
              tpu.enqueue_indirect_dma source(%dma_start3A_675 : memref<50176x128xf32, #tpu.memory_space<hbm>>) target(%dma_start3A_669 : memref<64x128xf32, #tpu.memory_space<vmem>>) offsets(%dma_start3A_672 : memref<64xi32, #tpu.memory_space<vmem>>) semaphore(%arg15 : memref<!tpu.dma_semaphore, #tpu.memory_space<semaphore_mem>>)
              %dma_wait3A_676 = arith.constant 0 : i32
              %dma_wait3A_677 = arith.constant 0 : i32
              %dma_wait3A_678 = arith.constant 0 : i32
              %dma_wait3A_679 = arith.constant 0 : i32
              %dma_wait3A_680 = tpu.memref_slice %arg7[%dma_wait3A_677, %dma_wait3A_678, %dma_wait3A_679] : memref<2x128x128xf32, #tpu.memory_space<vmem>> -> memref<1x64x128xf32, #tpu.memory_space<vmem>>
              %dma_wait3A_681 = tpu.memref_squeeze %dma_wait3A_680 : memref<1x64x128xf32, #tpu.memory_space<vmem>> -> memref<64x128xf32, #tpu.memory_space<vmem>>
              %dma_wait3A_682 = arith.constant 0 : i32
              %dma_wait3A_683 = tpu.memref_slice %arg12[%dma_wait3A_676, %dma_wait3A_682] : memref<2x128xi32, #tpu.memory_space<vmem>> -> memref<1x64xi32, #tpu.memory_space<vmem>>
              %dma_wait3A_684 = tpu.memref_squeeze %dma_wait3A_683 : memref<1x64xi32, #tpu.memory_space<vmem>> -> memref<64xi32, #tpu.memory_space<vmem>>
              %dma_wait3A_685 = arith.constant 0 : i32
              %dma_wait3A_686 = arith.constant 0 : i32
              %dma_wait3A_687 = tpu.memref_slice %arg4[%dma_wait3A_685, %dma_wait3A_686] : memref<50176x128xf32, #tpu.memory_space<hbm>> -> memref<50176x128xf32, #tpu.memory_space<hbm>>
              tpu.wait_indirect_dma semaphore(%arg15 : memref<!tpu.dma_semaphore, #tpu.memory_space<semaphore_mem>>) src(%dma_wait3A_687 : memref<50176x128xf32, #tpu.memory_space<hbm>>) dst(%dma_wait3A_681 : memref<64x128xf32, #tpu.memory_space<vmem>>)
              %dma_wait3A_688 = arith.constant 0 : i32
              %dma_wait3A_689 = arith.constant 0 : i32
              %dma_wait3A_690 = arith.constant 64 : i32
              %dma_wait3A_691 = arith.constant 0 : i32
              %dma_wait3A_692 = tpu.memref_slice %arg7[%dma_wait3A_689, %dma_wait3A_690, %dma_wait3A_691] : memref<2x128x128xf32, #tpu.memory_space<vmem>> -> memref<1x64x128xf32, #tpu.memory_space<vmem>>
              %dma_wait3A_693 = tpu.memref_squeeze %dma_wait3A_692 : memref<1x64x128xf32, #tpu.memory_space<vmem>> -> memref<64x128xf32, #tpu.memory_space<vmem>>
              %dma_wait3A_694 = arith.constant 64 : i32
              %dma_wait3A_695 = tpu.memref_slice %arg12[%dma_wait3A_688, %dma_wait3A_694] : memref<2x128xi32, #tpu.memory_space<vmem>> -> memref<1x64xi32, #tpu.memory_space<vmem>>
              %dma_wait3A_696 = tpu.memref_squeeze %dma_wait3A_695 : memref<1x64xi32, #tpu.memory_space<vmem>> -> memref<64xi32, #tpu.memory_space<vmem>>
              %dma_wait3A_697 = arith.constant 0 : i32
              %dma_wait3A_698 = arith.constant 0 : i32
              %dma_wait3A_699 = tpu.memref_slice %arg4[%dma_wait3A_697, %dma_wait3A_698] : memref<50176x128xf32, #tpu.memory_space<hbm>> -> memref<50176x128xf32, #tpu.memory_space<hbm>>
              tpu.wait_indirect_dma semaphore(%arg15 : memref<!tpu.dma_semaphore, #tpu.memory_space<semaphore_mem>>) src(%dma_wait3A_699 : memref<50176x128xf32, #tpu.memory_space<hbm>>) dst(%dma_wait3A_693 : memref<64x128xf32, #tpu.memory_space<vmem>>)
              %dma_start3A_700 = arith.constant 0 : i32
              %dma_start3A_701 = arith.constant 0 : i32
              %dma_start3A_702 = arith.constant 0 : i32
              %dma_start3A_703 = arith.constant 0 : i32
              %dma_start3A_704 = tpu.memref_slice %arg7[%dma_start3A_700, %dma_start3A_702, %dma_start3A_703] : memref<2x128x128xf32, #tpu.memory_space<vmem>> -> memref<1x128x128xf32, #tpu.memory_space<vmem>>
              %dma_start3A_705 = tpu.memref_squeeze %dma_start3A_704 : memref<1x128x128xf32, #tpu.memory_space<vmem>> -> memref<128x128xf32, #tpu.memory_space<vmem>>
              %dma_start3A_706 = arith.constant 0 : i32
              %dma_start3A_707 = tpu.memref_slice %arg13[%dma_start3A_701, %dma_start3A_706] : memref<2x128xi32, #tpu.memory_space<vmem>> -> memref<1x128xi32, #tpu.memory_space<vmem>>
              %dma_start3A_708 = tpu.memref_squeeze %dma_start3A_707 : memref<1x128xi32, #tpu.memory_space<vmem>> -> memref<128xi32, #tpu.memory_space<vmem>>
              %dma_start3A_709 = arith.constant 0 : i32
              %dma_start3A_710 = arith.constant 0 : i32
              %dma_start3A_711 = tpu.memref_slice %arg6[%dma_start3A_709, %dma_start3A_710] : memref<6400x128xf32, #tpu.memory_space<vmem_shared>> -> memref<6400x128xf32, #tpu.memory_space<vmem_shared>>
              tpu.enqueue_indirect_dma source(%dma_start3A_705 : memref<128x128xf32, #tpu.memory_space<vmem>>) target(%dma_start3A_711 : memref<6400x128xf32, #tpu.memory_space<vmem_shared>>) offsets(%dma_start3A_708 : memref<128xi32, #tpu.memory_space<vmem>>) semaphore(%arg14 : memref<!tpu.dma_semaphore, #tpu.memory_space<semaphore_mem>>) {add = true}
              %cond3A_712 = arith.constant 0 : i32
              scf.yield %cond3A_712 : i32
            } else {
              %dma_wait3A_544 = arith.constant 0 : i32
              %dma_wait3A_545 = arith.constant 0 : i32
              %dma_wait3A_546 = arith.constant 0 : i32
              %dma_wait3A_547 = arith.constant 0 : i32
              %dma_wait3A_548 = tpu.memref_slice %arg7[%dma_wait3A_544, %dma_wait3A_546, %dma_wait3A_547] : memref<2x128x128xf32, #tpu.memory_space<vmem>> -> memref<1x128x128xf32, #tpu.memory_space<vmem>>
              %dma_wait3A_549 = tpu.memref_squeeze %dma_wait3A_548 : memref<1x128x128xf32, #tpu.memory_space<vmem>> -> memref<128x128xf32, #tpu.memory_space<vmem>>
              %dma_wait3A_550 = arith.constant 0 : i32
              %dma_wait3A_551 = tpu.memref_slice %arg13[%dma_wait3A_545, %dma_wait3A_550] : memref<2x128xi32, #tpu.memory_space<vmem>> -> memref<1x128xi32, #tpu.memory_space<vmem>>
              %dma_wait3A_552 = tpu.memref_squeeze %dma_wait3A_551 : memref<1x128xi32, #tpu.memory_space<vmem>> -> memref<128xi32, #tpu.memory_space<vmem>>
              %dma_wait3A_553 = arith.constant 0 : i32
              %dma_wait3A_554 = arith.constant 0 : i32
              %dma_wait3A_555 = tpu.memref_slice %arg6[%dma_wait3A_553, %dma_wait3A_554] : memref<6400x128xf32, #tpu.memory_space<vmem_shared>> -> memref<6400x128xf32, #tpu.memory_space<vmem_shared>>
              tpu.wait_indirect_dma semaphore(%arg14 : memref<!tpu.dma_semaphore, #tpu.memory_space<semaphore_mem>>) src(%dma_wait3A_549 : memref<128x128xf32, #tpu.memory_space<vmem>>) dst(%dma_wait3A_555 : memref<6400x128xf32, #tpu.memory_space<vmem_shared>>)
              %get3A_556 = arith.constant 0 : index
              %get3A_557 = tpu.vector_load %arg10[%get3A_556] {strides = array<i32>} : memref<272xi32, #tpu.memory_space<vmem>>, vector<16xi32>,
              %get3A_558 = arith.constant 0 : index
              %get3A_559 = tpu.vector_load %arg11[%get3A_558] {strides = array<i32>} : memref<272xi32, #tpu.memory_space<vmem>>, vector<16xi32>,
              %swap3A_560 = arith.constant 1 : i32
              %swap3A_561 = arith.index_cast %swap3A_560 : i32 to index
              %swap3A_562 = arith.constant 0 : index
              %swap3A_563 = tpu.vector_load %arg12[%swap3A_561, %swap3A_562] {strides = array<i32>} : memref<2x128xi32, #tpu.memory_space<vmem>>, vector<16xi32>,
              tpu.vector_store %arg12[%swap3A_561, %swap3A_562], %get3A_557 {strides = array<i32>} : memref<2x128xi32, #tpu.memory_space<vmem>>, vector<16xi32>,
              %swap3A_564 = arith.constant 1 : i32
              %swap3A_565 = arith.index_cast %swap3A_564 : i32 to index
              %swap3A_566 = arith.constant 0 : index
              %swap3A_567 = tpu.vector_load %arg13[%swap3A_565, %swap3A_566] {strides = array<i32>} : memref<2x128xi32, #tpu.memory_space<vmem>>, vector<16xi32>,
              tpu.vector_store %arg13[%swap3A_565, %swap3A_566], %get3A_559 {strides = array<i32>} : memref<2x128xi32, #tpu.memory_space<vmem>>, vector<16xi32>,
              %get3A_568 = arith.constant 16 : index
              %get3A_569 = tpu.vector_load %arg10[%get3A_568] {strides = array<i32>} : memref<272xi32, #tpu.memory_space<vmem>>, vector<16xi32>,
              %get3A_570 = arith.constant 16 : index
              %get3A_571 = tpu.vector_load %arg11[%get3A_570] {strides = array<i32>} : memref<272xi32, #tpu.memory_space<vmem>>, vector<16xi32>,
              %swap3A_572 = arith.constant 1 : i32
              %swap3A_573 = arith.index_cast %swap3A_572 : i32 to index
              %swap3A_574 = arith.constant 16 : index
              %swap3A_575 = tpu.vector_load %arg12[%swap3A_573, %swap3A_574] {strides = array<i32>} : memref<2x128xi32, #tpu.memory_space<vmem>>, vector<16xi32>,
              tpu.vector_store %arg12[%swap3A_573, %swap3A_574], %get3A_569 {strides = array<i32>} : memref<2x128xi32, #tpu.memory_space<vmem>>, vector<16xi32>,
              %swap3A_576 = arith.constant 1 : i32
              %swap3A_577 = arith.index_cast %swap3A_576 : i32 to index
              %swap3A_578 = arith.constant 16 : index
              %swap3A_579 = tpu.vector_load %arg13[%swap3A_577, %swap3A_578] {strides = array<i32>} : memref<2x128xi32, #tpu.memory_space<vmem>>, vector<16xi32>,
              tpu.vector_store %arg13[%swap3A_577, %swap3A_578], %get3A_571 {strides = array<i32>} : memref<2x128xi32, #tpu.memory_space<vmem>>, vector<16xi32>,
              %get3A_580 = arith.constant 32 : index
              %get3A_581 = tpu.vector_load %arg10[%get3A_580] {strides = array<i32>} : memref<272xi32, #tpu.memory_space<vmem>>, vector<16xi32>,
              %get3A_582 = arith.constant 32 : index
              %get3A_583 = tpu.vector_load %arg11[%get3A_582] {strides = array<i32>} : memref<272xi32, #tpu.memory_space<vmem>>, vector<16xi32>,
              %swap3A_584 = arith.constant 1 : i32
              %swap3A_585 = arith.index_cast %swap3A_584 : i32 to index
              %swap3A_586 = arith.constant 32 : index
              %swap3A_587 = tpu.vector_load %arg12[%swap3A_585, %swap3A_586] {strides = array<i32>} : memref<2x128xi32, #tpu.memory_space<vmem>>, vector<16xi32>,
              tpu.vector_store %arg12[%swap3A_585, %swap3A_586], %get3A_581 {strides = array<i32>} : memref<2x128xi32, #tpu.memory_space<vmem>>, vector<16xi32>,
              %swap3A_588 = arith.constant 1 : i32
              %swap3A_589 = arith.index_cast %swap3A_588 : i32 to index
              %swap3A_590 = arith.constant 32 : index
              %swap3A_591 = tpu.vector_load %arg13[%swap3A_589, %swap3A_590] {strides = array<i32>} : memref<2x128xi32, #tpu.memory_space<vmem>>, vector<16xi32>,
              tpu.vector_store %arg13[%swap3A_589, %swap3A_590], %get3A_583 {strides = array<i32>} : memref<2x128xi32, #tpu.memory_space<vmem>>, vector<16xi32>,
              %get3A_592 = arith.constant 48 : index
              %get3A_593 = tpu.vector_load %arg10[%get3A_592] {strides = array<i32>} : memref<272xi32, #tpu.memory_space<vmem>>, vector<16xi32>,
              %get3A_594 = arith.constant 48 : index
              %get3A_595 = tpu.vector_load %arg11[%get3A_594] {strides = array<i32>} : memref<272xi32, #tpu.memory_space<vmem>>, vector<16xi32>,
              %swap3A_596 = arith.constant 1 : i32
              %swap3A_597 = arith.index_cast %swap3A_596 : i32 to index
              %swap3A_598 = arith.constant 48 : index
              %swap3A_599 = tpu.vector_load %arg12[%swap3A_597, %swap3A_598] {strides = array<i32>} : memref<2x128xi32, #tpu.memory_space<vmem>>, vector<16xi32>,
              tpu.vector_store %arg12[%swap3A_597, %swap3A_598], %get3A_593 {strides = array<i32>} : memref<2x128xi32, #tpu.memory_space<vmem>>, vector<16xi32>,
              %swap3A_600 = arith.constant 1 : i32
              %swap3A_601 = arith.index_cast %swap3A_600 : i32 to index
              %swap3A_602 = arith.constant 48 : index
              %swap3A_603 = tpu.vector_load %arg13[%swap3A_601, %swap3A_602] {strides = array<i32>} : memref<2x128xi32, #tpu.memory_space<vmem>>, vector<16xi32>,
              tpu.vector_store %arg13[%swap3A_601, %swap3A_602], %get3A_595 {strides = array<i32>} : memref<2x128xi32, #tpu.memory_space<vmem>>, vector<16xi32>,
              %get3A_604 = arith.constant 64 : index
              %get3A_605 = tpu.vector_load %arg10[%get3A_604] {strides = array<i32>} : memref<272xi32, #tpu.memory_space<vmem>>, vector<16xi32>,
              %get3A_606 = arith.constant 64 : index
              %get3A_607 = tpu.vector_load %arg11[%get3A_606] {strides = array<i32>} : memref<272xi32, #tpu.memory_space<vmem>>, vector<16xi32>,
              %swap3A_608 = arith.constant 1 : i32
              %swap3A_609 = arith.index_cast %swap3A_608 : i32 to index
              %swap3A_610 = arith.constant 64 : index
              %swap3A_611 = tpu.vector_load %arg12[%swap3A_609, %swap3A_610] {strides = array<i32>} : memref<2x128xi32, #tpu.memory_space<vmem>>, vector<16xi32>,
              tpu.vector_store %arg12[%swap3A_609, %swap3A_610], %get3A_605 {strides = array<i32>} : memref<2x128xi32, #tpu.memory_space<vmem>>, vector<16xi32>,
              %swap3A_612 = arith.constant 1 : i32
              %swap3A_613 = arith.index_cast %swap3A_612 : i32 to index
              %swap3A_614 = arith.constant 64 : index
              %swap3A_615 = tpu.vector_load %arg13[%swap3A_613, %swap3A_614] {strides = array<i32>} : memref<2x128xi32, #tpu.memory_space<vmem>>, vector<16xi32>,
              tpu.vector_store %arg13[%swap3A_613, %swap3A_614], %get3A_607 {strides = array<i32>} : memref<2x128xi32, #tpu.memory_space<vmem>>, vector<16xi32>,
              %get3A_616 = arith.constant 80 : index
              %get3A_617 = tpu.vector_load %arg10[%get3A_616] {strides = array<i32>} : memref<272xi32, #tpu.memory_space<vmem>>, vector<16xi32>,
              %get3A_618 = arith.constant 80 : index
              %get3A_619 = tpu.vector_load %arg11[%get3A_618] {strides = array<i32>} : memref<272xi32, #tpu.memory_space<vmem>>, vector<16xi32>,
              %swap3A_620 = arith.constant 1 : i32
              %swap3A_621 = arith.index_cast %swap3A_620 : i32 to index
              %swap3A_622 = arith.constant 80 : index
              %swap3A_623 = tpu.vector_load %arg12[%swap3A_621, %swap3A_622] {strides = array<i32>} : memref<2x128xi32, #tpu.memory_space<vmem>>, vector<16xi32>,
              tpu.vector_store %arg12[%swap3A_621, %swap3A_622], %get3A_617 {strides = array<i32>} : memref<2x128xi32, #tpu.memory_space<vmem>>, vector<16xi32>,
              %swap3A_624 = arith.constant 1 : i32
              %swap3A_625 = arith.index_cast %swap3A_624 : i32 to index
              %swap3A_626 = arith.constant 80 : index
              %swap3A_627 = tpu.vector_load %arg13[%swap3A_625, %swap3A_626] {strides = array<i32>} : memref<2x128xi32, #tpu.memory_space<vmem>>, vector<16xi32>,
              tpu.vector_store %arg13[%swap3A_625, %swap3A_626], %get3A_619 {strides = array<i32>} : memref<2x128xi32, #tpu.memory_space<vmem>>, vector<16xi32>,
              %get3A_628 = arith.constant 96 : index
              %get3A_629 = tpu.vector_load %arg10[%get3A_628] {strides = array<i32>} : memref<272xi32, #tpu.memory_space<vmem>>, vector<16xi32>,
              %get3A_630 = arith.constant 96 : index
              %get3A_631 = tpu.vector_load %arg11[%get3A_630] {strides = array<i32>} : memref<272xi32, #tpu.memory_space<vmem>>, vector<16xi32>,
              %swap3A_632 = arith.constant 1 : i32
              %swap3A_633 = arith.index_cast %swap3A_632 : i32 to index
              %swap3A_634 = arith.constant 96 : index
              %swap3A_635 = tpu.vector_load %arg12[%swap3A_633, %swap3A_634] {strides = array<i32>} : memref<2x128xi32, #tpu.memory_space<vmem>>, vector<16xi32>,
              tpu.vector_store %arg12[%swap3A_633, %swap3A_634], %get3A_629 {strides = array<i32>} : memref<2x128xi32, #tpu.memory_space<vmem>>, vector<16xi32>,
              %swap3A_636 = arith.constant 1 : i32
              %swap3A_637 = arith.index_cast %swap3A_636 : i32 to index
              %swap3A_638 = arith.constant 96 : index
              %swap3A_639 = tpu.vector_load %arg13[%swap3A_637, %swap3A_638] {strides = array<i32>} : memref<2x128xi32, #tpu.memory_space<vmem>>, vector<16xi32>,
              tpu.vector_store %arg13[%swap3A_637, %swap3A_638], %get3A_631 {strides = array<i32>} : memref<2x128xi32, #tpu.memory_space<vmem>>, vector<16xi32>,
              %get3A_640 = arith.constant 112 : index
              %get3A_641 = tpu.vector_load %arg10[%get3A_640] {strides = array<i32>} : memref<272xi32, #tpu.memory_space<vmem>>, vector<16xi32>,
              %get3A_642 = arith.constant 112 : index
              %get3A_643 = tpu.vector_load %arg11[%get3A_642] {strides = array<i32>} : memref<272xi32, #tpu.memory_space<vmem>>, vector<16xi32>,
              %swap3A_644 = arith.constant 1 : i32
              %swap3A_645 = arith.index_cast %swap3A_644 : i32 to index
              %swap3A_646 = arith.constant 112 : index
              %swap3A_647 = tpu.vector_load %arg12[%swap3A_645, %swap3A_646] {strides = array<i32>} : memref<2x128xi32, #tpu.memory_space<vmem>>, vector<16xi32>,
              tpu.vector_store %arg12[%swap3A_645, %swap3A_646], %get3A_641 {strides = array<i32>} : memref<2x128xi32, #tpu.memory_space<vmem>>, vector<16xi32>,
              %swap3A_648 = arith.constant 1 : i32
              %swap3A_649 = arith.index_cast %swap3A_648 : i32 to index
              %swap3A_650 = arith.constant 112 : index
              %swap3A_651 = tpu.vector_load %arg13[%swap3A_649, %swap3A_650] {strides = array<i32>} : memref<2x128xi32, #tpu.memory_space<vmem>>, vector<16xi32>,
              tpu.vector_store %arg13[%swap3A_649, %swap3A_650], %get3A_643 {strides = array<i32>} : memref<2x128xi32, #tpu.memory_space<vmem>>, vector<16xi32>,
              %dma_start3A_652 = arith.constant 1 : i32
              %dma_start3A_653 = arith.constant 1 : i32
              %dma_start3A_654 = arith.constant 0 : i32
              %dma_start3A_655 = arith.constant 0 : i32
              %dma_start3A_656 = tpu.memref_slice %arg7[%dma_start3A_653, %dma_start3A_654, %dma_start3A_655] : memref<2x128x128xf32, #tpu.memory_space<vmem>> -> memref<1x64x128xf32, #tpu.memory_space<vmem>>
              %dma_start3A_657 = tpu.memref_squeeze %dma_start3A_656 : memref<1x64x128xf32, #tpu.memory_space<vmem>> -> memref<64x128xf32, #tpu.memory_space<vmem>>
              %dma_start3A_658 = arith.constant 0 : i32
              %dma_start3A_659 = tpu.memref_slice %arg12[%dma_start3A_652, %dma_start3A_658] : memref<2x128xi32, #tpu.memory_space<vmem>> -> memref<1x64xi32, #tpu.memory_space<vmem>>
              %dma_start3A_660 = tpu.memref_squeeze %dma_start3A_659 : memref<1x64xi32, #tpu.memory_space<vmem>> -> memref<64xi32, #tpu.memory_space<vmem>>
              %dma_start3A_661 = arith.constant 0 : i32
              %dma_start3A_662 = arith.constant 0 : i32
              %dma_start3A_663 = tpu.memref_slice %arg4[%dma_start3A_661, %dma_start3A_662] : memref<50176x128xf32, #tpu.memory_space<hbm>> -> memref<50176x128xf32, #tpu.memory_space<hbm>>
              tpu.enqueue_indirect_dma source(%dma_start3A_663 : memref<50176x128xf32, #tpu.memory_space<hbm>>) target(%dma_start3A_657 : memref<64x128xf32, #tpu.memory_space<vmem>>) offsets(%dma_start3A_660 : memref<64xi32, #tpu.memory_space<vmem>>) semaphore(%arg15 : memref<!tpu.dma_semaphore, #tpu.memory_space<semaphore_mem>>)
              %dma_start3A_664 = arith.constant 1 : i32
              %dma_start3A_665 = arith.constant 1 : i32
              %dma_start3A_666 = arith.constant 64 : i32
              %dma_start3A_667 = arith.constant 0 : i32
              %dma_start3A_668 = tpu.memref_slice %arg7[%dma_start3A_665, %dma_start3A_666, %dma_start3A_667] : memref<2x128x128xf32, #tpu.memory_space<vmem>> -> memref<1x64x128xf32, #tpu.memory_space<vmem>>
              %dma_start3A_669 = tpu.memref_squeeze %dma_start3A_668 : memref<1x64x128xf32, #tpu.memory_space<vmem>> -> memref<64x128xf32, #tpu.memory_space<vmem>>
              %dma_start3A_670 = arith.constant 64 : i32
              %dma_start3A_671 = tpu.memref_slice %arg12[%dma_start3A_664, %dma_start3A_670] : memref<2x128xi32, #tpu.memory_space<vmem>> -> memref<1x64xi32, #tpu.memory_space<vmem>>
              %dma_start3A_672 = tpu.memref_squeeze %dma_start3A_671 : memref<1x64xi32, #tpu.memory_space<vmem>> -> memref<64xi32, #tpu.memory_space<vmem>>
              %dma_start3A_673 = arith.constant 0 : i32
              %dma_start3A_674 = arith.constant 0 : i32
              %dma_start3A_675 = tpu.memref_slice %arg4[%dma_start3A_673, %dma_start3A_674] : memref<50176x128xf32, #tpu.memory_space<hbm>> -> memref<50176x128xf32, #tpu.memory_space<hbm>>
              tpu.enqueue_indirect_dma source(%dma_start3A_675 : memref<50176x128xf32, #tpu.memory_space<hbm>>) target(%dma_start3A_669 : memref<64x128xf32, #tpu.memory_space<vmem>>) offsets(%dma_start3A_672 : memref<64xi32, #tpu.memory_space<vmem>>) semaphore(%arg15 : memref<!tpu.dma_semaphore, #tpu.memory_space<semaphore_mem>>)
              %dma_wait3A_676 = arith.constant 1 : i32
              %dma_wait3A_677 = arith.constant 1 : i32
              %dma_wait3A_678 = arith.constant 0 : i32
              %dma_wait3A_679 = arith.constant 0 : i32
              %dma_wait3A_680 = tpu.memref_slice %arg7[%dma_wait3A_677, %dma_wait3A_678, %dma_wait3A_679] : memref<2x128x128xf32, #tpu.memory_space<vmem>> -> memref<1x64x128xf32, #tpu.memory_space<vmem>>
              %dma_wait3A_681 = tpu.memref_squeeze %dma_wait3A_680 : memref<1x64x128xf32, #tpu.memory_space<vmem>> -> memref<64x128xf32, #tpu.memory_space<vmem>>
              %dma_wait3A_682 = arith.constant 0 : i32
              %dma_wait3A_683 = tpu.memref_slice %arg12[%dma_wait3A_676, %dma_wait3A_682] : memref<2x128xi32, #tpu.memory_space<vmem>> -> memref<1x64xi32, #tpu.memory_space<vmem>>
              %dma_wait3A_684 = tpu.memref_squeeze %dma_wait3A_683 : memref<1x64xi32, #tpu.memory_space<vmem>> -> memref<64xi32, #tpu.memory_space<vmem>>
              %dma_wait3A_685 = arith.constant 0 : i32
              %dma_wait3A_686 = arith.constant 0 : i32
              %dma_wait3A_687 = tpu.memref_slice %arg4[%dma_wait3A_685, %dma_wait3A_686] : memref<50176x128xf32, #tpu.memory_space<hbm>> -> memref<50176x128xf32, #tpu.memory_space<hbm>>
              tpu.wait_indirect_dma semaphore(%arg15 : memref<!tpu.dma_semaphore, #tpu.memory_space<semaphore_mem>>) src(%dma_wait3A_687 : memref<50176x128xf32, #tpu.memory_space<hbm>>) dst(%dma_wait3A_681 : memref<64x128xf32, #tpu.memory_space<vmem>>)
              %dma_wait3A_688 = arith.constant 1 : i32
              %dma_wait3A_689 = arith.constant 1 : i32
              %dma_wait3A_690 = arith.constant 64 : i32
              %dma_wait3A_691 = arith.constant 0 : i32
              %dma_wait3A_692 = tpu.memref_slice %arg7[%dma_wait3A_689, %dma_wait3A_690, %dma_wait3A_691] : memref<2x128x128xf32, #tpu.memory_space<vmem>> -> memref<1x64x128xf32, #tpu.memory_space<vmem>>
              %dma_wait3A_693 = tpu.memref_squeeze %dma_wait3A_692 : memref<1x64x128xf32, #tpu.memory_space<vmem>> -> memref<64x128xf32, #tpu.memory_space<vmem>>
              %dma_wait3A_694 = arith.constant 64 : i32
              %dma_wait3A_695 = tpu.memref_slice %arg12[%dma_wait3A_688, %dma_wait3A_694] : memref<2x128xi32, #tpu.memory_space<vmem>> -> memref<1x64xi32, #tpu.memory_space<vmem>>
              %dma_wait3A_696 = tpu.memref_squeeze %dma_wait3A_695 : memref<1x64xi32, #tpu.memory_space<vmem>> -> memref<64xi32, #tpu.memory_space<vmem>>
              %dma_wait3A_697 = arith.constant 0 : i32
              %dma_wait3A_698 = arith.constant 0 : i32
              %dma_wait3A_699 = tpu.memref_slice %arg4[%dma_wait3A_697, %dma_wait3A_698] : memref<50176x128xf32, #tpu.memory_space<hbm>> -> memref<50176x128xf32, #tpu.memory_space<hbm>>
              tpu.wait_indirect_dma semaphore(%arg15 : memref<!tpu.dma_semaphore, #tpu.memory_space<semaphore_mem>>) src(%dma_wait3A_699 : memref<50176x128xf32, #tpu.memory_space<hbm>>) dst(%dma_wait3A_693 : memref<64x128xf32, #tpu.memory_space<vmem>>)
              %dma_start3A_700 = arith.constant 1 : i32
              %dma_start3A_701 = arith.constant 1 : i32
              %dma_start3A_702 = arith.constant 0 : i32
              %dma_start3A_703 = arith.constant 0 : i32
              %dma_start3A_704 = tpu.memref_slice %arg7[%dma_start3A_700, %dma_start3A_702, %dma_start3A_703] : memref<2x128x128xf32, #tpu.memory_space<vmem>> -> memref<1x128x128xf32, #tpu.memory_space<vmem>>
              %dma_start3A_705 = tpu.memref_squeeze %dma_start3A_704 : memref<1x128x128xf32, #tpu.memory_space<vmem>> -> memref<128x128xf32, #tpu.memory_space<vmem>>
              %dma_start3A_706 = arith.constant 0 : i32
              %dma_start3A_707 = tpu.memref_slice %arg13[%dma_start3A_701, %dma_start3A_706] : memref<2x128xi32, #tpu.memory_space<vmem>> -> memref<1x128xi32, #tpu.memory_space<vmem>>
              %dma_start3A_708 = tpu.memref_squeeze %dma_start3A_707 : memref<1x128xi32, #tpu.memory_space<vmem>> -> memref<128xi32, #tpu.memory_space<vmem>>
              %dma_start3A_709 = arith.constant 0 : i32
              %dma_start3A_710 = arith.constant 0 : i32
              %dma_start3A_711 = tpu.memref_slice %arg6[%dma_start3A_709, %dma_start3A_710] : memref<6400x128xf32, #tpu.memory_space<vmem_shared>> -> memref<6400x128xf32, #tpu.memory_space<vmem_shared>>
              tpu.enqueue_indirect_dma source(%dma_start3A_705 : memref<128x128xf32, #tpu.memory_space<vmem>>) target(%dma_start3A_711 : memref<6400x128xf32, #tpu.memory_space<vmem_shared>>) offsets(%dma_start3A_708 : memref<128xi32, #tpu.memory_space<vmem>>) semaphore(%arg14 : memref<!tpu.dma_semaphore, #tpu.memory_space<semaphore_mem>>) {add = true}
              %cond3A_712 = arith.constant 0 : i32
              scf.yield %cond3A_712 : i32
            }
            %get3A_476 = arith.constant 128 : index
            %get3A_477 = tpu.vector_load %arg10[%get3A_476] {strides = array<i32>} : memref<272xi32, #tpu.memory_space<vmem>>, vector<16xi32>,
            %swap3A_478 = arith.constant 0 : index
            %swap3A_479 = tpu.vector_load %arg10[%swap3A_478] {strides = array<i32>} : memref<272xi32, #tpu.memory_space<vmem>>, vector<16xi32>,
            tpu.vector_store %arg10[%swap3A_478], %get3A_477 {strides = array<i32>} : memref<272xi32, #tpu.memory_space<vmem>>, vector<16xi32>,
            %get3A_480 = arith.constant 128 : index
            %get3A_481 = tpu.vector_load %arg11[%get3A_480] {strides = array<i32>} : memref<272xi32, #tpu.memory_space<vmem>>, vector<16xi32>,
            %swap3A_482 = arith.constant 0 : index
            %swap3A_483 = tpu.vector_load %arg11[%swap3A_482] {strides = array<i32>} : memref<272xi32, #tpu.memory_space<vmem>>, vector<16xi32>,
            tpu.vector_store %arg11[%swap3A_482], %get3A_481 {strides = array<i32>} : memref<272xi32, #tpu.memory_space<vmem>>, vector<16xi32>,
            %get3A_484 = arith.constant 144 : index
            %get3A_485 = tpu.vector_load %arg10[%get3A_484] {strides = array<i32>} : memref<272xi32, #tpu.memory_space<vmem>>, vector<16xi32>,
            %swap3A_486 = arith.constant 16 : index
            %swap3A_487 = tpu.vector_load %arg10[%swap3A_486] {strides = array<i32>} : memref<272xi32, #tpu.memory_space<vmem>>, vector<16xi32>,
            tpu.vector_store %arg10[%swap3A_486], %get3A_485 {strides = array<i32>} : memref<272xi32, #tpu.memory_space<vmem>>, vector<16xi32>,
            %get3A_488 = arith.constant 144 : index
            %get3A_489 = tpu.vector_load %arg11[%get3A_488] {strides = array<i32>} : memref<272xi32, #tpu.memory_space<vmem>>, vector<16xi32>,
            %swap3A_490 = arith.constant 16 : index
            %swap3A_491 = tpu.vector_load %arg11[%swap3A_490] {strides = array<i32>} : memref<272xi32, #tpu.memory_space<vmem>>, vector<16xi32>,
            tpu.vector_store %arg11[%swap3A_490], %get3A_489 {strides = array<i32>} : memref<272xi32, #tpu.memory_space<vmem>>, vector<16xi32>,
            %get3A_492 = arith.constant 160 : index
            %get3A_493 = tpu.vector_load %arg10[%get3A_492] {strides = array<i32>} : memref<272xi32, #tpu.memory_space<vmem>>, vector<16xi32>,
            %swap3A_494 = arith.constant 32 : index
            %swap3A_495 = tpu.vector_load %arg10[%swap3A_494] {strides = array<i32>} : memref<272xi32, #tpu.memory_space<vmem>>, vector<16xi32>,
            tpu.vector_store %arg10[%swap3A_494], %get3A_493 {strides = array<i32>} : memref<272xi32, #tpu.memory_space<vmem>>, vector<16xi32>,
            %get3A_496 = arith.constant 160 : index
            %get3A_497 = tpu.vector_load %arg11[%get3A_496] {strides = array<i32>} : memref<272xi32, #tpu.memory_space<vmem>>, vector<16xi32>,
            %swap3A_498 = arith.constant 32 : index
            %swap3A_499 = tpu.vector_load %arg11[%swap3A_498] {strides = array<i32>} : memref<272xi32, #tpu.memory_space<vmem>>, vector<16xi32>,
            tpu.vector_store %arg11[%swap3A_498], %get3A_497 {strides = array<i32>} : memref<272xi32, #tpu.memory_space<vmem>>, vector<16xi32>,
            %get3A_500 = arith.constant 176 : index
            %get3A_501 = tpu.vector_load %arg10[%get3A_500] {strides = array<i32>} : memref<272xi32, #tpu.memory_space<vmem>>, vector<16xi32>,
            %swap3A_502 = arith.constant 48 : index
            %swap3A_503 = tpu.vector_load %arg10[%swap3A_502] {strides = array<i32>} : memref<272xi32, #tpu.memory_space<vmem>>, vector<16xi32>,
            tpu.vector_store %arg10[%swap3A_502], %get3A_501 {strides = array<i32>} : memref<272xi32, #tpu.memory_space<vmem>>, vector<16xi32>,
            %get3A_504 = arith.constant 176 : index
            %get3A_505 = tpu.vector_load %arg11[%get3A_504] {strides = array<i32>} : memref<272xi32, #tpu.memory_space<vmem>>, vector<16xi32>,
            %swap3A_506 = arith.constant 48 : index
            %swap3A_507 = tpu.vector_load %arg11[%swap3A_506] {strides = array<i32>} : memref<272xi32, #tpu.memory_space<vmem>>, vector<16xi32>,
            tpu.vector_store %arg11[%swap3A_506], %get3A_505 {strides = array<i32>} : memref<272xi32, #tpu.memory_space<vmem>>, vector<16xi32>,
            %get3A_508 = arith.constant 192 : index
            %get3A_509 = tpu.vector_load %arg10[%get3A_508] {strides = array<i32>} : memref<272xi32, #tpu.memory_space<vmem>>, vector<16xi32>,
            %swap3A_510 = arith.constant 64 : index
            %swap3A_511 = tpu.vector_load %arg10[%swap3A_510] {strides = array<i32>} : memref<272xi32, #tpu.memory_space<vmem>>, vector<16xi32>,
            tpu.vector_store %arg10[%swap3A_510], %get3A_509 {strides = array<i32>} : memref<272xi32, #tpu.memory_space<vmem>>, vector<16xi32>,
            %get3A_512 = arith.constant 192 : index
            %get3A_513 = tpu.vector_load %arg11[%get3A_512] {strides = array<i32>} : memref<272xi32, #tpu.memory_space<vmem>>, vector<16xi32>,
            %swap3A_514 = arith.constant 64 : index
            %swap3A_515 = tpu.vector_load %arg11[%swap3A_514] {strides = array<i32>} : memref<272xi32, #tpu.memory_space<vmem>>, vector<16xi32>,
            tpu.vector_store %arg11[%swap3A_514], %get3A_513 {strides = array<i32>} : memref<272xi32, #tpu.memory_space<vmem>>, vector<16xi32>,
            %get3A_516 = arith.constant 208 : index
            %get3A_517 = tpu.vector_load %arg10[%get3A_516] {strides = array<i32>} : memref<272xi32, #tpu.memory_space<vmem>>, vector<16xi32>,
            %swap3A_518 = arith.constant 80 : index
            %swap3A_519 = tpu.vector_load %arg10[%swap3A_518] {strides = array<i32>} : memref<272xi32, #tpu.memory_space<vmem>>, vector<16xi32>,
            tpu.vector_store %arg10[%swap3A_518], %get3A_517 {strides = array<i32>} : memref<272xi32, #tpu.memory_space<vmem>>, vector<16xi32>,
            %get3A_520 = arith.constant 208 : index
            %get3A_521 = tpu.vector_load %arg11[%get3A_520] {strides = array<i32>} : memref<272xi32, #tpu.memory_space<vmem>>, vector<16xi32>,
            %swap3A_522 = arith.constant 80 : index
            %swap3A_523 = tpu.vector_load %arg11[%swap3A_522] {strides = array<i32>} : memref<272xi32, #tpu.memory_space<vmem>>, vector<16xi32>,
            tpu.vector_store %arg11[%swap3A_522], %get3A_521 {strides = array<i32>} : memref<272xi32, #tpu.memory_space<vmem>>, vector<16xi32>,
            %get3A_524 = arith.constant 224 : index
            %get3A_525 = tpu.vector_load %arg10[%get3A_524] {strides = array<i32>} : memref<272xi32, #tpu.memory_space<vmem>>, vector<16xi32>,
            %swap3A_526 = arith.constant 96 : index
            %swap3A_527 = tpu.vector_load %arg10[%swap3A_526] {strides = array<i32>} : memref<272xi32, #tpu.memory_space<vmem>>, vector<16xi32>,
            tpu.vector_store %arg10[%swap3A_526], %get3A_525 {strides = array<i32>} : memref<272xi32, #tpu.memory_space<vmem>>, vector<16xi32>,
            %get3A_528 = arith.constant 224 : index
            %get3A_529 = tpu.vector_load %arg11[%get3A_528] {strides = array<i32>} : memref<272xi32, #tpu.memory_space<vmem>>, vector<16xi32>,
            %swap3A_530 = arith.constant 96 : index
            %swap3A_531 = tpu.vector_load %arg11[%swap3A_530] {strides = array<i32>} : memref<272xi32, #tpu.memory_space<vmem>>, vector<16xi32>,
            tpu.vector_store %arg11[%swap3A_530], %get3A_529 {strides = array<i32>} : memref<272xi32, #tpu.memory_space<vmem>>, vector<16xi32>,
            %get3A_532 = arith.constant 240 : index
            %get3A_533 = tpu.vector_load %arg10[%get3A_532] {strides = array<i32>} : memref<272xi32, #tpu.memory_space<vmem>>, vector<16xi32>,
            %swap3A_534 = arith.constant 112 : index
            %swap3A_535 = tpu.vector_load %arg10[%swap3A_534] {strides = array<i32>} : memref<272xi32, #tpu.memory_space<vmem>>, vector<16xi32>,
            tpu.vector_store %arg10[%swap3A_534], %get3A_533 {strides = array<i32>} : memref<272xi32, #tpu.memory_space<vmem>>, vector<16xi32>,
            %get3A_536 = arith.constant 240 : index
            %get3A_537 = tpu.vector_load %arg11[%get3A_536] {strides = array<i32>} : memref<272xi32, #tpu.memory_space<vmem>>, vector<16xi32>,
            %swap3A_538 = arith.constant 112 : index
            %swap3A_539 = tpu.vector_load %arg11[%swap3A_538] {strides = array<i32>} : memref<272xi32, #tpu.memory_space<vmem>>, vector<16xi32>,
            tpu.vector_store %arg11[%swap3A_538], %get3A_537 {strides = array<i32>} : memref<272xi32, #tpu.memory_space<vmem>>, vector<16xi32>,
            %sub3A_540 = arith.constant 128 : i32
            %sub3A_541 = arith.subi %add3A_461, %sub3A_540 : i32
            %add3A_542 = arith.constant 1 : i32
            %add3A_543 = arith.addi %scan3A_250, %add3A_542 : i32
            scf.yield %sub3A_541, %add3A_543 : i32, i32
          } else {
            scf.yield %add3A_461, %scan3A_250 : i32, i32
          }
          scf.yield %cond3A_466#0, %cond3A_466#1 : i32, i32
        }
        %scan3A_247 = arith.constant 56 : i32
        scf.yield %scan3A_246#0, %scan3A_246#1 : i32, i32
      }
      %scan3A_167 = arith.constant 7 : i32
      %rem3A = arith.constant 2 : i32
      %rem3A_168 = arith.remsi %scan3A_166#1, %rem3A : i32
      %eq3A = arith.constant 0 : i32
      %eq3A_169 = arith.cmpi eq, %rem3A_168, %eq3A : i32
      %convert_element_type3A = arith.extui %eq3A_169 : i1 to i32
      %cond3A = arith.constant 0 : i32
      %cond3A_170 = arith.cmpi ne, %convert_element_type3A, %cond3A : i32
      %cond3A_171 = scf.if %cond3A_170 -> (i32) {
        %dma_wait3A_203 = arith.constant 0 : i32
        %dma_wait3A_204 = arith.constant 0 : i32
        %dma_wait3A_205 = arith.constant 0 : i32
        %dma_wait3A_206 = arith.constant 0 : i32
        %dma_wait3A_207 = tpu.memref_slice %arg7[%dma_wait3A_203, %dma_wait3A_205, %dma_wait3A_206] : memref<2x128x128xf32, #tpu.memory_space<vmem>> -> memref<1x128x128xf32, #tpu.memory_space<vmem>>
        %dma_wait3A_208 = tpu.memref_squeeze %dma_wait3A_207 : memref<1x128x128xf32, #tpu.memory_space<vmem>> -> memref<128x128xf32, #tpu.memory_space<vmem>>
        %dma_wait3A_209 = arith.constant 0 : i32
        %dma_wait3A_210 = tpu.memref_slice %arg13[%dma_wait3A_204, %dma_wait3A_209] : memref<2x128xi32, #tpu.memory_space<vmem>> -> memref<1x128xi32, #tpu.memory_space<vmem>>
        %dma_wait3A_211 = tpu.memref_squeeze %dma_wait3A_210 : memref<1x128xi32, #tpu.memory_space<vmem>> -> memref<128xi32, #tpu.memory_space<vmem>>
        %dma_wait3A_212 = arith.constant 0 : i32
        %dma_wait3A_213 = arith.constant 0 : i32
        %dma_wait3A_214 = tpu.memref_slice %arg6[%dma_wait3A_212, %dma_wait3A_213] : memref<6400x128xf32, #tpu.memory_space<vmem_shared>> -> memref<6400x128xf32, #tpu.memory_space<vmem_shared>>
        tpu.wait_indirect_dma semaphore(%arg14 : memref<!tpu.dma_semaphore, #tpu.memory_space<semaphore_mem>>) src(%dma_wait3A_208 : memref<128x128xf32, #tpu.memory_space<vmem>>) dst(%dma_wait3A_214 : memref<6400x128xf32, #tpu.memory_space<vmem_shared>>)
        %get3A = arith.constant 0 : index
        %get3A_215 = tpu.vector_load %arg10[%get3A] {strides = array<i32>} : memref<272xi32, #tpu.memory_space<vmem>>, vector<16xi32>,
        %get3A_216 = arith.constant 0 : index
        %get3A_217 = tpu.vector_load %arg11[%get3A_216] {strides = array<i32>} : memref<272xi32, #tpu.memory_space<vmem>>, vector<16xi32>,
        %iota3A = tpu.iota {dimensions = array<i32: 0>} : vector<16xi32>
        %add3A_218 = arith.constant 0 : i32
        %add3A_219 = vector.broadcast %add3A_218 : i32 to vector<16xi32>
        %add3A_220 = arith.addi %add3A_219, %iota3A : vector<16xi32>
        %lt3A = vector.broadcast %scan3A_166#0 : i32 to vector<16xi32>
        %lt3A_221 = arith.cmpi slt, %add3A_220, %lt3A : vector<16xi32>
        %jit3A = arith.constant 0 : i32
        %broadcast_in_dim3A_222 = vector.broadcast %jit3A : i32 to vector<16xi32>
        %select_n3A = arith.select %lt3A_221, %get3A_215, %broadcast_in_dim3A_222 : vector<16xi1>, vector<16xi32>
        %jit3A_223 = arith.constant 6272 : i32
        %broadcast_in_dim3A_224 = vector.broadcast %jit3A_223 : i32 to vector<16xi32>
        %select_n3A_225 = arith.select %lt3A_221, %get3A_217, %broadcast_in_dim3A_224 : vector<16xi1>, vector<16xi32>
        %swap3A_226 = arith.constant 0 : i32
        %swap3A_227 = arith.index_cast %swap3A_226 : i32 to index
        %swap3A_228 = arith.constant 0 : index
        %swap3A_229 = tpu.vector_load %arg12[%swap3A_227, %swap3A_228] {strides = array<i32>} : memref<2x128xi32, #tpu.memory_space<vmem>>, vector<16xi32>,
        tpu.vector_store %arg12[%swap3A_227, %swap3A_228], %select_n3A {strides = array<i32>} : memref<2x128xi32, #tpu.memory_space<vmem>>, vector<16xi32>,
        %swap3A_230 = arith.constant 0 : i32
        %swap3A_231 = arith.index_cast %swap3A_230 : i32 to index
        %swap3A_232 = arith.constant 0 : index
        %swap3A_233 = tpu.vector_load %arg13[%swap3A_231, %swap3A_232] {strides = array<i32>} : memref<2x128xi32, #tpu.memory_space<vmem>>, vector<16xi32>,
        tpu.vector_store %arg13[%swap3A_231, %swap3A_232], %select_n3A_225 {strides = array<i32>} : memref<2x128xi32, #tpu.memory_space<vmem>>, vector<16xi32>,
        %get3A_234 = arith.constant 16 : index
        %get3A_235 = tpu.vector_load %arg10[%get3A_234] {strides = array<i32>} : memref<272xi32, #tpu.memory_space<vmem>>, vector<16xi32>,
        %get3A_236 = arith.constant 16 : index
        %get3A_237 = tpu.vector_load %arg11[%get3A_236] {strides = array<i32>} : memref<272xi32, #tpu.memory_space<vmem>>, vector<16xi32>,
        %iota3A_238 = tpu.iota {dimensions = array<i32: 0>} : vector<16xi32>
        %add3A_239 = arith.constant 16 : i32
        %add3A_240 = vector.broadcast %add3A_239 : i32 to vector<16xi32>
        %add3A_241 = arith.addi %add3A_240, %iota3A_238 : vector<16xi32>
        %lt3A_242 = vector.broadcast %scan3A_166#0 : i32 to vector<16xi32>
        %lt3A_243 = arith.cmpi slt, %add3A_241, %lt3A_242 : vector<16xi32>
        %jit3A_244 = arith.constant 0 : i32
        %broadcast_in_dim3A_245 = vector.broadcast %jit3A_244 : i32 to vector<16xi32>
        %select_n3A_246 = arith.select %lt3A_243, %get3A_235, %broadcast_in_dim3A_245 : vector<16xi1>, vector<16xi32>
        %jit3A_247 = arith.constant 6272 : i32
        %broadcast_in_dim3A_248 = vector.broadcast %jit3A_247 : i32 to vector<16xi32>
        %select_n3A_249 = arith.select %lt3A_243, %get3A_237, %broadcast_in_dim3A_248 : vector<16xi1>, vector<16xi32>
        %swap3A_250 = arith.constant 0 : i32
        %swap3A_251 = arith.index_cast %swap3A_250 : i32 to index
        %swap3A_252 = arith.constant 16 : index
        %swap3A_253 = tpu.vector_load %arg12[%swap3A_251, %swap3A_252] {strides = array<i32>} : memref<2x128xi32, #tpu.memory_space<vmem>>, vector<16xi32>,
        tpu.vector_store %arg12[%swap3A_251, %swap3A_252], %select_n3A_246 {strides = array<i32>} : memref<2x128xi32, #tpu.memory_space<vmem>>, vector<16xi32>,
        %swap3A_254 = arith.constant 0 : i32
        %swap3A_255 = arith.index_cast %swap3A_254 : i32 to index
        %swap3A_256 = arith.constant 16 : index
        %swap3A_257 = tpu.vector_load %arg13[%swap3A_255, %swap3A_256] {strides = array<i32>} : memref<2x128xi32, #tpu.memory_space<vmem>>, vector<16xi32>,
        tpu.vector_store %arg13[%swap3A_255, %swap3A_256], %select_n3A_249 {strides = array<i32>} : memref<2x128xi32, #tpu.memory_space<vmem>>, vector<16xi32>,
        %get3A_258 = arith.constant 32 : index
        %get3A_259 = tpu.vector_load %arg10[%get3A_258] {strides = array<i32>} : memref<272xi32, #tpu.memory_space<vmem>>, vector<16xi32>,
        %get3A_260 = arith.constant 32 : index
        %get3A_261 = tpu.vector_load %arg11[%get3A_260] {strides = array<i32>} : memref<272xi32, #tpu.memory_space<vmem>>, vector<16xi32>,
        %iota3A_262 = tpu.iota {dimensions = array<i32: 0>} : vector<16xi32>
        %add3A_263 = arith.constant 32 : i32
        %add3A_264 = vector.broadcast %add3A_263 : i32 to vector<16xi32>
        %add3A_265 = arith.addi %add3A_264, %iota3A_262 : vector<16xi32>
        %lt3A_266 = vector.broadcast %scan3A_166#0 : i32 to vector<16xi32>
        %lt3A_267 = arith.cmpi slt, %add3A_265, %lt3A_266 : vector<16xi32>
        %jit3A_268 = arith.constant 0 : i32
        %broadcast_in_dim3A_269 = vector.broadcast %jit3A_268 : i32 to vector<16xi32>
        %select_n3A_270 = arith.select %lt3A_267, %get3A_259, %broadcast_in_dim3A_269 : vector<16xi1>, vector<16xi32>
        %jit3A_271 = arith.constant 6272 : i32
        %broadcast_in_dim3A_272 = vector.broadcast %jit3A_271 : i32 to vector<16xi32>
        %select_n3A_273 = arith.select %lt3A_267, %get3A_261, %broadcast_in_dim3A_272 : vector<16xi1>, vector<16xi32>
        %swap3A_274 = arith.constant 0 : i32
        %swap3A_275 = arith.index_cast %swap3A_274 : i32 to index
        %swap3A_276 = arith.constant 32 : index
        %swap3A_277 = tpu.vector_load %arg12[%swap3A_275, %swap3A_276] {strides = array<i32>} : memref<2x128xi32, #tpu.memory_space<vmem>>, vector<16xi32>,
        tpu.vector_store %arg12[%swap3A_275, %swap3A_276], %select_n3A_270 {strides = array<i32>} : memref<2x128xi32, #tpu.memory_space<vmem>>, vector<16xi32>,
        %swap3A_278 = arith.constant 0 : i32
        %swap3A_279 = arith.index_cast %swap3A_278 : i32 to index
        %swap3A_280 = arith.constant 32 : index
        %swap3A_281 = tpu.vector_load %arg13[%swap3A_279, %swap3A_280] {strides = array<i32>} : memref<2x128xi32, #tpu.memory_space<vmem>>, vector<16xi32>,
        tpu.vector_store %arg13[%swap3A_279, %swap3A_280], %select_n3A_273 {strides = array<i32>} : memref<2x128xi32, #tpu.memory_space<vmem>>, vector<16xi32>,
        %get3A_282 = arith.constant 48 : index
        %get3A_283 = tpu.vector_load %arg10[%get3A_282] {strides = array<i32>} : memref<272xi32, #tpu.memory_space<vmem>>, vector<16xi32>,
        %get3A_284 = arith.constant 48 : index
        %get3A_285 = tpu.vector_load %arg11[%get3A_284] {strides = array<i32>} : memref<272xi32, #tpu.memory_space<vmem>>, vector<16xi32>,
        %iota3A_286 = tpu.iota {dimensions = array<i32: 0>} : vector<16xi32>
        %add3A_287 = arith.constant 48 : i32
        %add3A_288 = vector.broadcast %add3A_287 : i32 to vector<16xi32>
        %add3A_289 = arith.addi %add3A_288, %iota3A_286 : vector<16xi32>
        %lt3A_290 = vector.broadcast %scan3A_166#0 : i32 to vector<16xi32>
        %lt3A_291 = arith.cmpi slt, %add3A_289, %lt3A_290 : vector<16xi32>
        %jit3A_292 = arith.constant 0 : i32
        %broadcast_in_dim3A_293 = vector.broadcast %jit3A_292 : i32 to vector<16xi32>
        %select_n3A_294 = arith.select %lt3A_291, %get3A_283, %broadcast_in_dim3A_293 : vector<16xi1>, vector<16xi32>
        %jit3A_295 = arith.constant 6272 : i32
        %broadcast_in_dim3A_296 = vector.broadcast %jit3A_295 : i32 to vector<16xi32>
        %select_n3A_297 = arith.select %lt3A_291, %get3A_285, %broadcast_in_dim3A_296 : vector<16xi1>, vector<16xi32>
        %swap3A_298 = arith.constant 0 : i32
        %swap3A_299 = arith.index_cast %swap3A_298 : i32 to index
        %swap3A_300 = arith.constant 48 : index
        %swap3A_301 = tpu.vector_load %arg12[%swap3A_299, %swap3A_300] {strides = array<i32>} : memref<2x128xi32, #tpu.memory_space<vmem>>, vector<16xi32>,
        tpu.vector_store %arg12[%swap3A_299, %swap3A_300], %select_n3A_294 {strides = array<i32>} : memref<2x128xi32, #tpu.memory_space<vmem>>, vector<16xi32>,
        %swap3A_302 = arith.constant 0 : i32
        %swap3A_303 = arith.index_cast %swap3A_302 : i32 to index
        %swap3A_304 = arith.constant 48 : index
        %swap3A_305 = tpu.vector_load %arg13[%swap3A_303, %swap3A_304] {strides = array<i32>} : memref<2x128xi32, #tpu.memory_space<vmem>>, vector<16xi32>,
        tpu.vector_store %arg13[%swap3A_303, %swap3A_304], %select_n3A_297 {strides = array<i32>} : memref<2x128xi32, #tpu.memory_space<vmem>>, vector<16xi32>,
        %get3A_306 = arith.constant 64 : index
        %get3A_307 = tpu.vector_load %arg10[%get3A_306] {strides = array<i32>} : memref<272xi32, #tpu.memory_space<vmem>>, vector<16xi32>,
        %get3A_308 = arith.constant 64 : index
        %get3A_309 = tpu.vector_load %arg11[%get3A_308] {strides = array<i32>} : memref<272xi32, #tpu.memory_space<vmem>>, vector<16xi32>,
        %iota3A_310 = tpu.iota {dimensions = array<i32: 0>} : vector<16xi32>
        %add3A_311 = arith.constant 64 : i32
        %add3A_312 = vector.broadcast %add3A_311 : i32 to vector<16xi32>
        %add3A_313 = arith.addi %add3A_312, %iota3A_310 : vector<16xi32>
        %lt3A_314 = vector.broadcast %scan3A_166#0 : i32 to vector<16xi32>
        %lt3A_315 = arith.cmpi slt, %add3A_313, %lt3A_314 : vector<16xi32>
        %jit3A_316 = arith.constant 0 : i32
        %broadcast_in_dim3A_317 = vector.broadcast %jit3A_316 : i32 to vector<16xi32>
        %select_n3A_318 = arith.select %lt3A_315, %get3A_307, %broadcast_in_dim3A_317 : vector<16xi1>, vector<16xi32>
        %jit3A_319 = arith.constant 6272 : i32
        %broadcast_in_dim3A_320 = vector.broadcast %jit3A_319 : i32 to vector<16xi32>
        %select_n3A_321 = arith.select %lt3A_315, %get3A_309, %broadcast_in_dim3A_320 : vector<16xi1>, vector<16xi32>
        %swap3A_322 = arith.constant 0 : i32
        %swap3A_323 = arith.index_cast %swap3A_322 : i32 to index
        %swap3A_324 = arith.constant 64 : index
        %swap3A_325 = tpu.vector_load %arg12[%swap3A_323, %swap3A_324] {strides = array<i32>} : memref<2x128xi32, #tpu.memory_space<vmem>>, vector<16xi32>,
        tpu.vector_store %arg12[%swap3A_323, %swap3A_324], %select_n3A_318 {strides = array<i32>} : memref<2x128xi32, #tpu.memory_space<vmem>>, vector<16xi32>,
        %swap3A_326 = arith.constant 0 : i32
        %swap3A_327 = arith.index_cast %swap3A_326 : i32 to index
        %swap3A_328 = arith.constant 64 : index
        %swap3A_329 = tpu.vector_load %arg13[%swap3A_327, %swap3A_328] {strides = array<i32>} : memref<2x128xi32, #tpu.memory_space<vmem>>, vector<16xi32>,
        tpu.vector_store %arg13[%swap3A_327, %swap3A_328], %select_n3A_321 {strides = array<i32>} : memref<2x128xi32, #tpu.memory_space<vmem>>, vector<16xi32>,
        %get3A_330 = arith.constant 80 : index
        %get3A_331 = tpu.vector_load %arg10[%get3A_330] {strides = array<i32>} : memref<272xi32, #tpu.memory_space<vmem>>, vector<16xi32>,
        %get3A_332 = arith.constant 80 : index
        %get3A_333 = tpu.vector_load %arg11[%get3A_332] {strides = array<i32>} : memref<272xi32, #tpu.memory_space<vmem>>, vector<16xi32>,
        %iota3A_334 = tpu.iota {dimensions = array<i32: 0>} : vector<16xi32>
        %add3A_335 = arith.constant 80 : i32
        %add3A_336 = vector.broadcast %add3A_335 : i32 to vector<16xi32>
        %add3A_337 = arith.addi %add3A_336, %iota3A_334 : vector<16xi32>
        %lt3A_338 = vector.broadcast %scan3A_166#0 : i32 to vector<16xi32>
        %lt3A_339 = arith.cmpi slt, %add3A_337, %lt3A_338 : vector<16xi32>
        %jit3A_340 = arith.constant 0 : i32
        %broadcast_in_dim3A_341 = vector.broadcast %jit3A_340 : i32 to vector<16xi32>
        %select_n3A_342 = arith.select %lt3A_339, %get3A_331, %broadcast_in_dim3A_341 : vector<16xi1>, vector<16xi32>
        %jit3A_343 = arith.constant 6272 : i32
        %broadcast_in_dim3A_344 = vector.broadcast %jit3A_343 : i32 to vector<16xi32>
        %select_n3A_345 = arith.select %lt3A_339, %get3A_333, %broadcast_in_dim3A_344 : vector<16xi1>, vector<16xi32>
        %swap3A_346 = arith.constant 0 : i32
        %swap3A_347 = arith.index_cast %swap3A_346 : i32 to index
        %swap3A_348 = arith.constant 80 : index
        %swap3A_349 = tpu.vector_load %arg12[%swap3A_347, %swap3A_348] {strides = array<i32>} : memref<2x128xi32, #tpu.memory_space<vmem>>, vector<16xi32>,
        tpu.vector_store %arg12[%swap3A_347, %swap3A_348], %select_n3A_342 {strides = array<i32>} : memref<2x128xi32, #tpu.memory_space<vmem>>, vector<16xi32>,
        %swap3A_350 = arith.constant 0 : i32
        %swap3A_351 = arith.index_cast %swap3A_350 : i32 to index
        %swap3A_352 = arith.constant 80 : index
        %swap3A_353 = tpu.vector_load %arg13[%swap3A_351, %swap3A_352] {strides = array<i32>} : memref<2x128xi32, #tpu.memory_space<vmem>>, vector<16xi32>,
        tpu.vector_store %arg13[%swap3A_351, %swap3A_352], %select_n3A_345 {strides = array<i32>} : memref<2x128xi32, #tpu.memory_space<vmem>>, vector<16xi32>,
        %get3A_354 = arith.constant 96 : index
        %get3A_355 = tpu.vector_load %arg10[%get3A_354] {strides = array<i32>} : memref<272xi32, #tpu.memory_space<vmem>>, vector<16xi32>,
        %get3A_356 = arith.constant 96 : index
        %get3A_357 = tpu.vector_load %arg11[%get3A_356] {strides = array<i32>} : memref<272xi32, #tpu.memory_space<vmem>>, vector<16xi32>,
        %iota3A_358 = tpu.iota {dimensions = array<i32: 0>} : vector<16xi32>
        %add3A_359 = arith.constant 96 : i32
        %add3A_360 = vector.broadcast %add3A_359 : i32 to vector<16xi32>
        %add3A_361 = arith.addi %add3A_360, %iota3A_358 : vector<16xi32>
        %lt3A_362 = vector.broadcast %scan3A_166#0 : i32 to vector<16xi32>
        %lt3A_363 = arith.cmpi slt, %add3A_361, %lt3A_362 : vector<16xi32>
        %jit3A_364 = arith.constant 0 : i32
        %broadcast_in_dim3A_365 = vector.broadcast %jit3A_364 : i32 to vector<16xi32>
        %select_n3A_366 = arith.select %lt3A_363, %get3A_355, %broadcast_in_dim3A_365 : vector<16xi1>, vector<16xi32>
        %jit3A_367 = arith.constant 6272 : i32
        %broadcast_in_dim3A_368 = vector.broadcast %jit3A_367 : i32 to vector<16xi32>
        %select_n3A_369 = arith.select %lt3A_363, %get3A_357, %broadcast_in_dim3A_368 : vector<16xi1>, vector<16xi32>
        %swap3A_370 = arith.constant 0 : i32
        %swap3A_371 = arith.index_cast %swap3A_370 : i32 to index
        %swap3A_372 = arith.constant 96 : index
        %swap3A_373 = tpu.vector_load %arg12[%swap3A_371, %swap3A_372] {strides = array<i32>} : memref<2x128xi32, #tpu.memory_space<vmem>>, vector<16xi32>,
        tpu.vector_store %arg12[%swap3A_371, %swap3A_372], %select_n3A_366 {strides = array<i32>} : memref<2x128xi32, #tpu.memory_space<vmem>>, vector<16xi32>,
        %swap3A_374 = arith.constant 0 : i32
        %swap3A_375 = arith.index_cast %swap3A_374 : i32 to index
        %swap3A_376 = arith.constant 96 : index
        %swap3A_377 = tpu.vector_load %arg13[%swap3A_375, %swap3A_376] {strides = array<i32>} : memref<2x128xi32, #tpu.memory_space<vmem>>, vector<16xi32>,
        tpu.vector_store %arg13[%swap3A_375, %swap3A_376], %select_n3A_369 {strides = array<i32>} : memref<2x128xi32, #tpu.memory_space<vmem>>, vector<16xi32>,
        %get3A_378 = arith.constant 112 : index
        %get3A_379 = tpu.vector_load %arg10[%get3A_378] {strides = array<i32>} : memref<272xi32, #tpu.memory_space<vmem>>, vector<16xi32>,
        %get3A_380 = arith.constant 112 : index
        %get3A_381 = tpu.vector_load %arg11[%get3A_380] {strides = array<i32>} : memref<272xi32, #tpu.memory_space<vmem>>, vector<16xi32>,
        %iota3A_382 = tpu.iota {dimensions = array<i32: 0>} : vector<16xi32>
        %add3A_383 = arith.constant 112 : i32
        %add3A_384 = vector.broadcast %add3A_383 : i32 to vector<16xi32>
        %add3A_385 = arith.addi %add3A_384, %iota3A_382 : vector<16xi32>
        %lt3A_386 = vector.broadcast %scan3A_166#0 : i32 to vector<16xi32>
        %lt3A_387 = arith.cmpi slt, %add3A_385, %lt3A_386 : vector<16xi32>
        %jit3A_388 = arith.constant 0 : i32
        %broadcast_in_dim3A_389 = vector.broadcast %jit3A_388 : i32 to vector<16xi32>
        %select_n3A_390 = arith.select %lt3A_387, %get3A_379, %broadcast_in_dim3A_389 : vector<16xi1>, vector<16xi32>
        %jit3A_391 = arith.constant 6272 : i32
        %broadcast_in_dim3A_392 = vector.broadcast %jit3A_391 : i32 to vector<16xi32>
        %select_n3A_393 = arith.select %lt3A_387, %get3A_381, %broadcast_in_dim3A_392 : vector<16xi1>, vector<16xi32>
        %swap3A_394 = arith.constant 0 : i32
        %swap3A_395 = arith.index_cast %swap3A_394 : i32 to index
        %swap3A_396 = arith.constant 112 : index
        %swap3A_397 = tpu.vector_load %arg12[%swap3A_395, %swap3A_396] {strides = array<i32>} : memref<2x128xi32, #tpu.memory_space<vmem>>, vector<16xi32>,
        tpu.vector_store %arg12[%swap3A_395, %swap3A_396], %select_n3A_390 {strides = array<i32>} : memref<2x128xi32, #tpu.memory_space<vmem>>, vector<16xi32>,
        %swap3A_398 = arith.constant 0 : i32
        %swap3A_399 = arith.index_cast %swap3A_398 : i32 to index
        %swap3A_400 = arith.constant 112 : index
        %swap3A_401 = tpu.vector_load %arg13[%swap3A_399, %swap3A_400] {strides = array<i32>} : memref<2x128xi32, #tpu.memory_space<vmem>>, vector<16xi32>,
        tpu.vector_store %arg13[%swap3A_399, %swap3A_400], %select_n3A_393 {strides = array<i32>} : memref<2x128xi32, #tpu.memory_space<vmem>>, vector<16xi32>,
        %dma_start3A_402 = arith.constant 0 : i32
        %dma_start3A_403 = arith.constant 0 : i32
        %dma_start3A_404 = arith.constant 0 : i32
        %dma_start3A_405 = arith.constant 0 : i32
        %dma_start3A_406 = tpu.memref_slice %arg7[%dma_start3A_403, %dma_start3A_404, %dma_start3A_405] : memref<2x128x128xf32, #tpu.memory_space<vmem>> -> memref<1x64x128xf32, #tpu.memory_space<vmem>>
        %dma_start3A_407 = tpu.memref_squeeze %dma_start3A_406 : memref<1x64x128xf32, #tpu.memory_space<vmem>> -> memref<64x128xf32, #tpu.memory_space<vmem>>
        %dma_start3A_408 = arith.constant 0 : i32
        %dma_start3A_409 = tpu.memref_slice %arg12[%dma_start3A_402, %dma_start3A_408] : memref<2x128xi32, #tpu.memory_space<vmem>> -> memref<1x64xi32, #tpu.memory_space<vmem>>
        %dma_start3A_410 = tpu.memref_squeeze %dma_start3A_409 : memref<1x64xi32, #tpu.memory_space<vmem>> -> memref<64xi32, #tpu.memory_space<vmem>>
        %dma_start3A_411 = arith.constant 0 : i32
        %dma_start3A_412 = arith.constant 0 : i32
        %dma_start3A_413 = tpu.memref_slice %arg4[%dma_start3A_411, %dma_start3A_412] : memref<50176x128xf32, #tpu.memory_space<hbm>> -> memref<50176x128xf32, #tpu.memory_space<hbm>>
        tpu.enqueue_indirect_dma source(%dma_start3A_413 : memref<50176x128xf32, #tpu.memory_space<hbm>>) target(%dma_start3A_407 : memref<64x128xf32, #tpu.memory_space<vmem>>) offsets(%dma_start3A_410 : memref<64xi32, #tpu.memory_space<vmem>>) semaphore(%arg15 : memref<!tpu.dma_semaphore, #tpu.memory_space<semaphore_mem>>)
        %dma_start3A_414 = arith.constant 0 : i32
        %dma_start3A_415 = arith.constant 0 : i32
        %dma_start3A_416 = arith.constant 64 : i32
        %dma_start3A_417 = arith.constant 0 : i32
        %dma_start3A_418 = tpu.memref_slice %arg7[%dma_start3A_415, %dma_start3A_416, %dma_start3A_417] : memref<2x128x128xf32, #tpu.memory_space<vmem>> -> memref<1x64x128xf32, #tpu.memory_space<vmem>>
        %dma_start3A_419 = tpu.memref_squeeze %dma_start3A_418 : memref<1x64x128xf32, #tpu.memory_space<vmem>> -> memref<64x128xf32, #tpu.memory_space<vmem>>
        %dma_start3A_420 = arith.constant 64 : i32
        %dma_start3A_421 = tpu.memref_slice %arg12[%dma_start3A_414, %dma_start3A_420] : memref<2x128xi32, #tpu.memory_space<vmem>> -> memref<1x64xi32, #tpu.memory_space<vmem>>
        %dma_start3A_422 = tpu.memref_squeeze %dma_start3A_421 : memref<1x64xi32, #tpu.memory_space<vmem>> -> memref<64xi32, #tpu.memory_space<vmem>>
        %dma_start3A_423 = arith.constant 0 : i32
        %dma_start3A_424 = arith.constant 0 : i32
        %dma_start3A_425 = tpu.memref_slice %arg4[%dma_start3A_423, %dma_start3A_424] : memref<50176x128xf32, #tpu.memory_space<hbm>> -> memref<50176x128xf32, #tpu.memory_space<hbm>>
        tpu.enqueue_indirect_dma source(%dma_start3A_425 : memref<50176x128xf32, #tpu.memory_space<hbm>>) target(%dma_start3A_419 : memref<64x128xf32, #tpu.memory_space<vmem>>) offsets(%dma_start3A_422 : memref<64xi32, #tpu.memory_space<vmem>>) semaphore(%arg15 : memref<!tpu.dma_semaphore, #tpu.memory_space<semaphore_mem>>)
        %dma_wait3A_426 = arith.constant 0 : i32
        %dma_wait3A_427 = arith.constant 0 : i32
        %dma_wait3A_428 = arith.constant 0 : i32
        %dma_wait3A_429 = arith.constant 0 : i32
        %dma_wait3A_430 = tpu.memref_slice %arg7[%dma_wait3A_427, %dma_wait3A_428, %dma_wait3A_429] : memref<2x128x128xf32, #tpu.memory_space<vmem>> -> memref<1x64x128xf32, #tpu.memory_space<vmem>>
        %dma_wait3A_431 = tpu.memref_squeeze %dma_wait3A_430 : memref<1x64x128xf32, #tpu.memory_space<vmem>> -> memref<64x128xf32, #tpu.memory_space<vmem>>
        %dma_wait3A_432 = arith.constant 0 : i32
        %dma_wait3A_433 = tpu.memref_slice %arg12[%dma_wait3A_426, %dma_wait3A_432] : memref<2x128xi32, #tpu.memory_space<vmem>> -> memref<1x64xi32, #tpu.memory_space<vmem>>
        %dma_wait3A_434 = tpu.memref_squeeze %dma_wait3A_433 : memref<1x64xi32, #tpu.memory_space<vmem>> -> memref<64xi32, #tpu.memory_space<vmem>>
        %dma_wait3A_435 = arith.constant 0 : i32
        %dma_wait3A_436 = arith.constant 0 : i32
        %dma_wait3A_437 = tpu.memref_slice %arg4[%dma_wait3A_435, %dma_wait3A_436] : memref<50176x128xf32, #tpu.memory_space<hbm>> -> memref<50176x128xf32, #tpu.memory_space<hbm>>
        tpu.wait_indirect_dma semaphore(%arg15 : memref<!tpu.dma_semaphore, #tpu.memory_space<semaphore_mem>>) src(%dma_wait3A_437 : memref<50176x128xf32, #tpu.memory_space<hbm>>) dst(%dma_wait3A_431 : memref<64x128xf32, #tpu.memory_space<vmem>>)
        %dma_wait3A_438 = arith.constant 0 : i32
        %dma_wait3A_439 = arith.constant 0 : i32
        %dma_wait3A_440 = arith.constant 64 : i32
        %dma_wait3A_441 = arith.constant 0 : i32
        %dma_wait3A_442 = tpu.memref_slice %arg7[%dma_wait3A_439, %dma_wait3A_440, %dma_wait3A_441] : memref<2x128x128xf32, #tpu.memory_space<vmem>> -> memref<1x64x128xf32, #tpu.memory_space<vmem>>
        %dma_wait3A_443 = tpu.memref_squeeze %dma_wait3A_442 : memref<1x64x128xf32, #tpu.memory_space<vmem>> -> memref<64x128xf32, #tpu.memory_space<vmem>>
        %dma_wait3A_444 = arith.constant 64 : i32
        %dma_wait3A_445 = tpu.memref_slice %arg12[%dma_wait3A_438, %dma_wait3A_444] : memref<2x128xi32, #tpu.memory_space<vmem>> -> memref<1x64xi32, #tpu.memory_space<vmem>>
        %dma_wait3A_446 = tpu.memref_squeeze %dma_wait3A_445 : memref<1x64xi32, #tpu.memory_space<vmem>> -> memref<64xi32, #tpu.memory_space<vmem>>
        %dma_wait3A_447 = arith.constant 0 : i32
        %dma_wait3A_448 = arith.constant 0 : i32
        %dma_wait3A_449 = tpu.memref_slice %arg4[%dma_wait3A_447, %dma_wait3A_448] : memref<50176x128xf32, #tpu.memory_space<hbm>> -> memref<50176x128xf32, #tpu.memory_space<hbm>>
        tpu.wait_indirect_dma semaphore(%arg15 : memref<!tpu.dma_semaphore, #tpu.memory_space<semaphore_mem>>) src(%dma_wait3A_449 : memref<50176x128xf32, #tpu.memory_space<hbm>>) dst(%dma_wait3A_443 : memref<64x128xf32, #tpu.memory_space<vmem>>)
        %dma_start3A_450 = arith.constant 0 : i32
        %dma_start3A_451 = arith.constant 0 : i32
        %dma_start3A_452 = arith.constant 0 : i32
        %dma_start3A_453 = arith.constant 0 : i32
        %dma_start3A_454 = tpu.memref_slice %arg7[%dma_start3A_450, %dma_start3A_452, %dma_start3A_453] : memref<2x128x128xf32, #tpu.memory_space<vmem>> -> memref<1x128x128xf32, #tpu.memory_space<vmem>>
        %dma_start3A_455 = tpu.memref_squeeze %dma_start3A_454 : memref<1x128x128xf32, #tpu.memory_space<vmem>> -> memref<128x128xf32, #tpu.memory_space<vmem>>
        %dma_start3A_456 = arith.constant 0 : i32
        %dma_start3A_457 = tpu.memref_slice %arg13[%dma_start3A_451, %dma_start3A_456] : memref<2x128xi32, #tpu.memory_space<vmem>> -> memref<1x128xi32, #tpu.memory_space<vmem>>
        %dma_start3A_458 = tpu.memref_squeeze %dma_start3A_457 : memref<1x128xi32, #tpu.memory_space<vmem>> -> memref<128xi32, #tpu.memory_space<vmem>>
        %dma_start3A_459 = arith.constant 0 : i32
        %dma_start3A_460 = arith.constant 0 : i32
        %dma_start3A_461 = tpu.memref_slice %arg6[%dma_start3A_459, %dma_start3A_460] : memref<6400x128xf32, #tpu.memory_space<vmem_shared>> -> memref<6400x128xf32, #tpu.memory_space<vmem_shared>>
        tpu.enqueue_indirect_dma source(%dma_start3A_455 : memref<128x128xf32, #tpu.memory_space<vmem>>) target(%dma_start3A_461 : memref<6400x128xf32, #tpu.memory_space<vmem_shared>>) offsets(%dma_start3A_458 : memref<128xi32, #tpu.memory_space<vmem>>) semaphore(%arg14 : memref<!tpu.dma_semaphore, #tpu.memory_space<semaphore_mem>>) {add = true}
        %cond3A_462 = arith.constant 0 : i32
        scf.yield %cond3A_462 : i32
      } else {
        %dma_wait3A_203 = arith.constant 0 : i32
        %dma_wait3A_204 = arith.constant 0 : i32
        %dma_wait3A_205 = arith.constant 0 : i32
        %dma_wait3A_206 = arith.constant 0 : i32
        %dma_wait3A_207 = tpu.memref_slice %arg7[%dma_wait3A_203, %dma_wait3A_205, %dma_wait3A_206] : memref<2x128x128xf32, #tpu.memory_space<vmem>> -> memref<1x128x128xf32, #tpu.memory_space<vmem>>
        %dma_wait3A_208 = tpu.memref_squeeze %dma_wait3A_207 : memref<1x128x128xf32, #tpu.memory_space<vmem>> -> memref<128x128xf32, #tpu.memory_space<vmem>>
        %dma_wait3A_209 = arith.constant 0 : i32
        %dma_wait3A_210 = tpu.memref_slice %arg13[%dma_wait3A_204, %dma_wait3A_209] : memref<2x128xi32, #tpu.memory_space<vmem>> -> memref<1x128xi32, #tpu.memory_space<vmem>>
        %dma_wait3A_211 = tpu.memref_squeeze %dma_wait3A_210 : memref<1x128xi32, #tpu.memory_space<vmem>> -> memref<128xi32, #tpu.memory_space<vmem>>
        %dma_wait3A_212 = arith.constant 0 : i32
        %dma_wait3A_213 = arith.constant 0 : i32
        %dma_wait3A_214 = tpu.memref_slice %arg6[%dma_wait3A_212, %dma_wait3A_213] : memref<6400x128xf32, #tpu.memory_space<vmem_shared>> -> memref<6400x128xf32, #tpu.memory_space<vmem_shared>>
        tpu.wait_indirect_dma semaphore(%arg14 : memref<!tpu.dma_semaphore, #tpu.memory_space<semaphore_mem>>) src(%dma_wait3A_208 : memref<128x128xf32, #tpu.memory_space<vmem>>) dst(%dma_wait3A_214 : memref<6400x128xf32, #tpu.memory_space<vmem_shared>>)
        %get3A = arith.constant 0 : index
        %get3A_215 = tpu.vector_load %arg10[%get3A] {strides = array<i32>} : memref<272xi32, #tpu.memory_space<vmem>>, vector<16xi32>,
        %get3A_216 = arith.constant 0 : index
        %get3A_217 = tpu.vector_load %arg11[%get3A_216] {strides = array<i32>} : memref<272xi32, #tpu.memory_space<vmem>>, vector<16xi32>,
        %iota3A = tpu.iota {dimensions = array<i32: 0>} : vector<16xi32>
        %add3A_218 = arith.constant 0 : i32
        %add3A_219 = vector.broadcast %add3A_218 : i32 to vector<16xi32>
        %add3A_220 = arith.addi %add3A_219, %iota3A : vector<16xi32>
        %lt3A = vector.broadcast %scan3A_166#0 : i32 to vector<16xi32>
        %lt3A_221 = arith.cmpi slt, %add3A_220, %lt3A : vector<16xi32>
        %jit3A = arith.constant 0 : i32
        %broadcast_in_dim3A_222 = vector.broadcast %jit3A : i32 to vector<16xi32>
        %select_n3A = arith.select %lt3A_221, %get3A_215, %broadcast_in_dim3A_222 : vector<16xi1>, vector<16xi32>
        %jit3A_223 = arith.constant 6272 : i32
        %broadcast_in_dim3A_224 = vector.broadcast %jit3A_223 : i32 to vector<16xi32>
        %select_n3A_225 = arith.select %lt3A_221, %get3A_217, %broadcast_in_dim3A_224 : vector<16xi1>, vector<16xi32>
        %swap3A_226 = arith.constant 1 : i32
        %swap3A_227 = arith.index_cast %swap3A_226 : i32 to index
        %swap3A_228 = arith.constant 0 : index
        %swap3A_229 = tpu.vector_load %arg12[%swap3A_227, %swap3A_228] {strides = array<i32>} : memref<2x128xi32, #tpu.memory_space<vmem>>, vector<16xi32>,
        tpu.vector_store %arg12[%swap3A_227, %swap3A_228], %select_n3A {strides = array<i32>} : memref<2x128xi32, #tpu.memory_space<vmem>>, vector<16xi32>,
        %swap3A_230 = arith.constant 1 : i32
        %swap3A_231 = arith.index_cast %swap3A_230 : i32 to index
        %swap3A_232 = arith.constant 0 : index
        %swap3A_233 = tpu.vector_load %arg13[%swap3A_231, %swap3A_232] {strides = array<i32>} : memref<2x128xi32, #tpu.memory_space<vmem>>, vector<16xi32>,
        tpu.vector_store %arg13[%swap3A_231, %swap3A_232], %select_n3A_225 {strides = array<i32>} : memref<2x128xi32, #tpu.memory_space<vmem>>, vector<16xi32>,
        %get3A_234 = arith.constant 16 : index
        %get3A_235 = tpu.vector_load %arg10[%get3A_234] {strides = array<i32>} : memref<272xi32, #tpu.memory_space<vmem>>, vector<16xi32>,
        %get3A_236 = arith.constant 16 : index
        %get3A_237 = tpu.vector_load %arg11[%get3A_236] {strides = array<i32>} : memref<272xi32, #tpu.memory_space<vmem>>, vector<16xi32>,
        %iota3A_238 = tpu.iota {dimensions = array<i32: 0>} : vector<16xi32>
        %add3A_239 = arith.constant 16 : i32
        %add3A_240 = vector.broadcast %add3A_239 : i32 to vector<16xi32>
        %add3A_241 = arith.addi %add3A_240, %iota3A_238 : vector<16xi32>
        %lt3A_242 = vector.broadcast %scan3A_166#0 : i32 to vector<16xi32>
        %lt3A_243 = arith.cmpi slt, %add3A_241, %lt3A_242 : vector<16xi32>
        %jit3A_244 = arith.constant 0 : i32
        %broadcast_in_dim3A_245 = vector.broadcast %jit3A_244 : i32 to vector<16xi32>
        %select_n3A_246 = arith.select %lt3A_243, %get3A_235, %broadcast_in_dim3A_245 : vector<16xi1>, vector<16xi32>
        %jit3A_247 = arith.constant 6272 : i32
        %broadcast_in_dim3A_248 = vector.broadcast %jit3A_247 : i32 to vector<16xi32>
        %select_n3A_249 = arith.select %lt3A_243, %get3A_237, %broadcast_in_dim3A_248 : vector<16xi1>, vector<16xi32>
        %swap3A_250 = arith.constant 1 : i32
        %swap3A_251 = arith.index_cast %swap3A_250 : i32 to index
        %swap3A_252 = arith.constant 16 : index
        %swap3A_253 = tpu.vector_load %arg12[%swap3A_251, %swap3A_252] {strides = array<i32>} : memref<2x128xi32, #tpu.memory_space<vmem>>, vector<16xi32>,
        tpu.vector_store %arg12[%swap3A_251, %swap3A_252], %select_n3A_246 {strides = array<i32>} : memref<2x128xi32, #tpu.memory_space<vmem>>, vector<16xi32>,
        %swap3A_254 = arith.constant 1 : i32
        %swap3A_255 = arith.index_cast %swap3A_254 : i32 to index
        %swap3A_256 = arith.constant 16 : index
        %swap3A_257 = tpu.vector_load %arg13[%swap3A_255, %swap3A_256] {strides = array<i32>} : memref<2x128xi32, #tpu.memory_space<vmem>>, vector<16xi32>,
        tpu.vector_store %arg13[%swap3A_255, %swap3A_256], %select_n3A_249 {strides = array<i32>} : memref<2x128xi32, #tpu.memory_space<vmem>>, vector<16xi32>,
        %get3A_258 = arith.constant 32 : index
        %get3A_259 = tpu.vector_load %arg10[%get3A_258] {strides = array<i32>} : memref<272xi32, #tpu.memory_space<vmem>>, vector<16xi32>,
        %get3A_260 = arith.constant 32 : index
        %get3A_261 = tpu.vector_load %arg11[%get3A_260] {strides = array<i32>} : memref<272xi32, #tpu.memory_space<vmem>>, vector<16xi32>,
        %iota3A_262 = tpu.iota {dimensions = array<i32: 0>} : vector<16xi32>
        %add3A_263 = arith.constant 32 : i32
        %add3A_264 = vector.broadcast %add3A_263 : i32 to vector<16xi32>
        %add3A_265 = arith.addi %add3A_264, %iota3A_262 : vector<16xi32>
        %lt3A_266 = vector.broadcast %scan3A_166#0 : i32 to vector<16xi32>
        %lt3A_267 = arith.cmpi slt, %add3A_265, %lt3A_266 : vector<16xi32>
        %jit3A_268 = arith.constant 0 : i32
        %broadcast_in_dim3A_269 = vector.broadcast %jit3A_268 : i32 to vector<16xi32>
        %select_n3A_270 = arith.select %lt3A_267, %get3A_259, %broadcast_in_dim3A_269 : vector<16xi1>, vector<16xi32>
        %jit3A_271 = arith.constant 6272 : i32
        %broadcast_in_dim3A_272 = vector.broadcast %jit3A_271 : i32 to vector<16xi32>
        %select_n3A_273 = arith.select %lt3A_267, %get3A_261, %broadcast_in_dim3A_272 : vector<16xi1>, vector<16xi32>
        %swap3A_274 = arith.constant 1 : i32
        %swap3A_275 = arith.index_cast %swap3A_274 : i32 to index
        %swap3A_276 = arith.constant 32 : index
        %swap3A_277 = tpu.vector_load %arg12[%swap3A_275, %swap3A_276] {strides = array<i32>} : memref<2x128xi32, #tpu.memory_space<vmem>>, vector<16xi32>,
        tpu.vector_store %arg12[%swap3A_275, %swap3A_276], %select_n3A_270 {strides = array<i32>} : memref<2x128xi32, #tpu.memory_space<vmem>>, vector<16xi32>,
        %swap3A_278 = arith.constant 1 : i32
        %swap3A_279 = arith.index_cast %swap3A_278 : i32 to index
        %swap3A_280 = arith.constant 32 : index
        %swap3A_281 = tpu.vector_load %arg13[%swap3A_279, %swap3A_280] {strides = array<i32>} : memref<2x128xi32, #tpu.memory_space<vmem>>, vector<16xi32>,
        tpu.vector_store %arg13[%swap3A_279, %swap3A_280], %select_n3A_273 {strides = array<i32>} : memref<2x128xi32, #tpu.memory_space<vmem>>, vector<16xi32>,
        %get3A_282 = arith.constant 48 : index
        %get3A_283 = tpu.vector_load %arg10[%get3A_282] {strides = array<i32>} : memref<272xi32, #tpu.memory_space<vmem>>, vector<16xi32>,
        %get3A_284 = arith.constant 48 : index
        %get3A_285 = tpu.vector_load %arg11[%get3A_284] {strides = array<i32>} : memref<272xi32, #tpu.memory_space<vmem>>, vector<16xi32>,
        %iota3A_286 = tpu.iota {dimensions = array<i32: 0>} : vector<16xi32>
        %add3A_287 = arith.constant 48 : i32
        %add3A_288 = vector.broadcast %add3A_287 : i32 to vector<16xi32>
        %add3A_289 = arith.addi %add3A_288, %iota3A_286 : vector<16xi32>
        %lt3A_290 = vector.broadcast %scan3A_166#0 : i32 to vector<16xi32>
        %lt3A_291 = arith.cmpi slt, %add3A_289, %lt3A_290 : vector<16xi32>
        %jit3A_292 = arith.constant 0 : i32
        %broadcast_in_dim3A_293 = vector.broadcast %jit3A_292 : i32 to vector<16xi32>
        %select_n3A_294 = arith.select %lt3A_291, %get3A_283, %broadcast_in_dim3A_293 : vector<16xi1>, vector<16xi32>
        %jit3A_295 = arith.constant 6272 : i32
        %broadcast_in_dim3A_296 = vector.broadcast %jit3A_295 : i32 to vector<16xi32>
        %select_n3A_297 = arith.select %lt3A_291, %get3A_285, %broadcast_in_dim3A_296 : vector<16xi1>, vector<16xi32>
        %swap3A_298 = arith.constant 1 : i32
        %swap3A_299 = arith.index_cast %swap3A_298 : i32 to index
        %swap3A_300 = arith.constant 48 : index
        %swap3A_301 = tpu.vector_load %arg12[%swap3A_299, %swap3A_300] {strides = array<i32>} : memref<2x128xi32, #tpu.memory_space<vmem>>, vector<16xi32>,
        tpu.vector_store %arg12[%swap3A_299, %swap3A_300], %select_n3A_294 {strides = array<i32>} : memref<2x128xi32, #tpu.memory_space<vmem>>, vector<16xi32>,
        %swap3A_302 = arith.constant 1 : i32
        %swap3A_303 = arith.index_cast %swap3A_302 : i32 to index
        %swap3A_304 = arith.constant 48 : index
        %swap3A_305 = tpu.vector_load %arg13[%swap3A_303, %swap3A_304] {strides = array<i32>} : memref<2x128xi32, #tpu.memory_space<vmem>>, vector<16xi32>,
        tpu.vector_store %arg13[%swap3A_303, %swap3A_304], %select_n3A_297 {strides = array<i32>} : memref<2x128xi32, #tpu.memory_space<vmem>>, vector<16xi32>,
        %get3A_306 = arith.constant 64 : index
        %get3A_307 = tpu.vector_load %arg10[%get3A_306] {strides = array<i32>} : memref<272xi32, #tpu.memory_space<vmem>>, vector<16xi32>,
        %get3A_308 = arith.constant 64 : index
        %get3A_309 = tpu.vector_load %arg11[%get3A_308] {strides = array<i32>} : memref<272xi32, #tpu.memory_space<vmem>>, vector<16xi32>,
        %iota3A_310 = tpu.iota {dimensions = array<i32: 0>} : vector<16xi32>
        %add3A_311 = arith.constant 64 : i32
        %add3A_312 = vector.broadcast %add3A_311 : i32 to vector<16xi32>
        %add3A_313 = arith.addi %add3A_312, %iota3A_310 : vector<16xi32>
        %lt3A_314 = vector.broadcast %scan3A_166#0 : i32 to vector<16xi32>
        %lt3A_315 = arith.cmpi slt, %add3A_313, %lt3A_314 : vector<16xi32>
        %jit3A_316 = arith.constant 0 : i32
        %broadcast_in_dim3A_317 = vector.broadcast %jit3A_316 : i32 to vector<16xi32>
        %select_n3A_318 = arith.select %lt3A_315, %get3A_307, %broadcast_in_dim3A_317 : vector<16xi1>, vector<16xi32>
        %jit3A_319 = arith.constant 6272 : i32
        %broadcast_in_dim3A_320 = vector.broadcast %jit3A_319 : i32 to vector<16xi32>
        %select_n3A_321 = arith.select %lt3A_315, %get3A_309, %broadcast_in_dim3A_320 : vector<16xi1>, vector<16xi32>
        %swap3A_322 = arith.constant 1 : i32
        %swap3A_323 = arith.index_cast %swap3A_322 : i32 to index
        %swap3A_324 = arith.constant 64 : index
        %swap3A_325 = tpu.vector_load %arg12[%swap3A_323, %swap3A_324] {strides = array<i32>} : memref<2x128xi32, #tpu.memory_space<vmem>>, vector<16xi32>,
        tpu.vector_store %arg12[%swap3A_323, %swap3A_324], %select_n3A_318 {strides = array<i32>} : memref<2x128xi32, #tpu.memory_space<vmem>>, vector<16xi32>,
        %swap3A_326 = arith.constant 1 : i32
        %swap3A_327 = arith.index_cast %swap3A_326 : i32 to index
        %swap3A_328 = arith.constant 64 : index
        %swap3A_329 = tpu.vector_load %arg13[%swap3A_327, %swap3A_328] {strides = array<i32>} : memref<2x128xi32, #tpu.memory_space<vmem>>, vector<16xi32>,
        tpu.vector_store %arg13[%swap3A_327, %swap3A_328], %select_n3A_321 {strides = array<i32>} : memref<2x128xi32, #tpu.memory_space<vmem>>, vector<16xi32>,
        %get3A_330 = arith.constant 80 : index
        %get3A_331 = tpu.vector_load %arg10[%get3A_330] {strides = array<i32>} : memref<272xi32, #tpu.memory_space<vmem>>, vector<16xi32>,
        %get3A_332 = arith.constant 80 : index
        %get3A_333 = tpu.vector_load %arg11[%get3A_332] {strides = array<i32>} : memref<272xi32, #tpu.memory_space<vmem>>, vector<16xi32>,
        %iota3A_334 = tpu.iota {dimensions = array<i32: 0>} : vector<16xi32>
        %add3A_335 = arith.constant 80 : i32
        %add3A_336 = vector.broadcast %add3A_335 : i32 to vector<16xi32>
        %add3A_337 = arith.addi %add3A_336, %iota3A_334 : vector<16xi32>
        %lt3A_338 = vector.broadcast %scan3A_166#0 : i32 to vector<16xi32>
        %lt3A_339 = arith.cmpi slt, %add3A_337, %lt3A_338 : vector<16xi32>
        %jit3A_340 = arith.constant 0 : i32
        %broadcast_in_dim3A_341 = vector.broadcast %jit3A_340 : i32 to vector<16xi32>
        %select_n3A_342 = arith.select %lt3A_339, %get3A_331, %broadcast_in_dim3A_341 : vector<16xi1>, vector<16xi32>
        %jit3A_343 = arith.constant 6272 : i32
        %broadcast_in_dim3A_344 = vector.broadcast %jit3A_343 : i32 to vector<16xi32>
        %select_n3A_345 = arith.select %lt3A_339, %get3A_333, %broadcast_in_dim3A_344 : vector<16xi1>, vector<16xi32>
        %swap3A_346 = arith.constant 1 : i32
        %swap3A_347 = arith.index_cast %swap3A_346 : i32 to index
        %swap3A_348 = arith.constant 80 : index
        %swap3A_349 = tpu.vector_load %arg12[%swap3A_347, %swap3A_348] {strides = array<i32>} : memref<2x128xi32, #tpu.memory_space<vmem>>, vector<16xi32>,
        tpu.vector_store %arg12[%swap3A_347, %swap3A_348], %select_n3A_342 {strides = array<i32>} : memref<2x128xi32, #tpu.memory_space<vmem>>, vector<16xi32>,
        %swap3A_350 = arith.constant 1 : i32
        %swap3A_351 = arith.index_cast %swap3A_350 : i32 to index
        %swap3A_352 = arith.constant 80 : index
        %swap3A_353 = tpu.vector_load %arg13[%swap3A_351, %swap3A_352] {strides = array<i32>} : memref<2x128xi32, #tpu.memory_space<vmem>>, vector<16xi32>,
        tpu.vector_store %arg13[%swap3A_351, %swap3A_352], %select_n3A_345 {strides = array<i32>} : memref<2x128xi32, #tpu.memory_space<vmem>>, vector<16xi32>,
        %get3A_354 = arith.constant 96 : index
        %get3A_355 = tpu.vector_load %arg10[%get3A_354] {strides = array<i32>} : memref<272xi32, #tpu.memory_space<vmem>>, vector<16xi32>,
        %get3A_356 = arith.constant 96 : index
        %get3A_357 = tpu.vector_load %arg11[%get3A_356] {strides = array<i32>} : memref<272xi32, #tpu.memory_space<vmem>>, vector<16xi32>,
        %iota3A_358 = tpu.iota {dimensions = array<i32: 0>} : vector<16xi32>
        %add3A_359 = arith.constant 96 : i32
        %add3A_360 = vector.broadcast %add3A_359 : i32 to vector<16xi32>
        %add3A_361 = arith.addi %add3A_360, %iota3A_358 : vector<16xi32>
        %lt3A_362 = vector.broadcast %scan3A_166#0 : i32 to vector<16xi32>
        %lt3A_363 = arith.cmpi slt, %add3A_361, %lt3A_362 : vector<16xi32>
        %jit3A_364 = arith.constant 0 : i32
        %broadcast_in_dim3A_365 = vector.broadcast %jit3A_364 : i32 to vector<16xi32>
        %select_n3A_366 = arith.select %lt3A_363, %get3A_355, %broadcast_in_dim3A_365 : vector<16xi1>, vector<16xi32>
        %jit3A_367 = arith.constant 6272 : i32
        %broadcast_in_dim3A_368 = vector.broadcast %jit3A_367 : i32 to vector<16xi32>
        %select_n3A_369 = arith.select %lt3A_363, %get3A_357, %broadcast_in_dim3A_368 : vector<16xi1>, vector<16xi32>
        %swap3A_370 = arith.constant 1 : i32
        %swap3A_371 = arith.index_cast %swap3A_370 : i32 to index
        %swap3A_372 = arith.constant 96 : index
        %swap3A_373 = tpu.vector_load %arg12[%swap3A_371, %swap3A_372] {strides = array<i32>} : memref<2x128xi32, #tpu.memory_space<vmem>>, vector<16xi32>,
        tpu.vector_store %arg12[%swap3A_371, %swap3A_372], %select_n3A_366 {strides = array<i32>} : memref<2x128xi32, #tpu.memory_space<vmem>>, vector<16xi32>,
        %swap3A_374 = arith.constant 1 : i32
        %swap3A_375 = arith.index_cast %swap3A_374 : i32 to index
        %swap3A_376 = arith.constant 96 : index
        %swap3A_377 = tpu.vector_load %arg13[%swap3A_375, %swap3A_376] {strides = array<i32>} : memref<2x128xi32, #tpu.memory_space<vmem>>, vector<16xi32>,
        tpu.vector_store %arg13[%swap3A_375, %swap3A_376], %select_n3A_369 {strides = array<i32>} : memref<2x128xi32, #tpu.memory_space<vmem>>, vector<16xi32>,
        %get3A_378 = arith.constant 112 : index
        %get3A_379 = tpu.vector_load %arg10[%get3A_378] {strides = array<i32>} : memref<272xi32, #tpu.memory_space<vmem>>, vector<16xi32>,
        %get3A_380 = arith.constant 112 : index
        %get3A_381 = tpu.vector_load %arg11[%get3A_380] {strides = array<i32>} : memref<272xi32, #tpu.memory_space<vmem>>, vector<16xi32>,
        %iota3A_382 = tpu.iota {dimensions = array<i32: 0>} : vector<16xi32>
        %add3A_383 = arith.constant 112 : i32
        %add3A_384 = vector.broadcast %add3A_383 : i32 to vector<16xi32>
        %add3A_385 = arith.addi %add3A_384, %iota3A_382 : vector<16xi32>
        %lt3A_386 = vector.broadcast %scan3A_166#0 : i32 to vector<16xi32>
        %lt3A_387 = arith.cmpi slt, %add3A_385, %lt3A_386 : vector<16xi32>
        %jit3A_388 = arith.constant 0 : i32
        %broadcast_in_dim3A_389 = vector.broadcast %jit3A_388 : i32 to vector<16xi32>
        %select_n3A_390 = arith.select %lt3A_387, %get3A_379, %broadcast_in_dim3A_389 : vector<16xi1>, vector<16xi32>
        %jit3A_391 = arith.constant 6272 : i32
        %broadcast_in_dim3A_392 = vector.broadcast %jit3A_391 : i32 to vector<16xi32>
        %select_n3A_393 = arith.select %lt3A_387, %get3A_381, %broadcast_in_dim3A_392 : vector<16xi1>, vector<16xi32>
        %swap3A_394 = arith.constant 1 : i32
        %swap3A_395 = arith.index_cast %swap3A_394 : i32 to index
        %swap3A_396 = arith.constant 112 : index
        %swap3A_397 = tpu.vector_load %arg12[%swap3A_395, %swap3A_396] {strides = array<i32>} : memref<2x128xi32, #tpu.memory_space<vmem>>, vector<16xi32>,
        tpu.vector_store %arg12[%swap3A_395, %swap3A_396], %select_n3A_390 {strides = array<i32>} : memref<2x128xi32, #tpu.memory_space<vmem>>, vector<16xi32>,
        %swap3A_398 = arith.constant 1 : i32
        %swap3A_399 = arith.index_cast %swap3A_398 : i32 to index
        %swap3A_400 = arith.constant 112 : index
        %swap3A_401 = tpu.vector_load %arg13[%swap3A_399, %swap3A_400] {strides = array<i32>} : memref<2x128xi32, #tpu.memory_space<vmem>>, vector<16xi32>,
        tpu.vector_store %arg13[%swap3A_399, %swap3A_400], %select_n3A_393 {strides = array<i32>} : memref<2x128xi32, #tpu.memory_space<vmem>>, vector<16xi32>,
        %dma_start3A_402 = arith.constant 1 : i32
        %dma_start3A_403 = arith.constant 1 : i32
        %dma_start3A_404 = arith.constant 0 : i32
        %dma_start3A_405 = arith.constant 0 : i32
        %dma_start3A_406 = tpu.memref_slice %arg7[%dma_start3A_403, %dma_start3A_404, %dma_start3A_405] : memref<2x128x128xf32, #tpu.memory_space<vmem>> -> memref<1x64x128xf32, #tpu.memory_space<vmem>>
        %dma_start3A_407 = tpu.memref_squeeze %dma_start3A_406 : memref<1x64x128xf32, #tpu.memory_space<vmem>> -> memref<64x128xf32, #tpu.memory_space<vmem>>
        %dma_start3A_408 = arith.constant 0 : i32
        %dma_start3A_409 = tpu.memref_slice %arg12[%dma_start3A_402, %dma_start3A_408] : memref<2x128xi32, #tpu.memory_space<vmem>> -> memref<1x64xi32, #tpu.memory_space<vmem>>
        %dma_start3A_410 = tpu.memref_squeeze %dma_start3A_409 : memref<1x64xi32, #tpu.memory_space<vmem>> -> memref<64xi32, #tpu.memory_space<vmem>>
        %dma_start3A_411 = arith.constant 0 : i32
        %dma_start3A_412 = arith.constant 0 : i32
        %dma_start3A_413 = tpu.memref_slice %arg4[%dma_start3A_411, %dma_start3A_412] : memref<50176x128xf32, #tpu.memory_space<hbm>> -> memref<50176x128xf32, #tpu.memory_space<hbm>>
        tpu.enqueue_indirect_dma source(%dma_start3A_413 : memref<50176x128xf32, #tpu.memory_space<hbm>>) target(%dma_start3A_407 : memref<64x128xf32, #tpu.memory_space<vmem>>) offsets(%dma_start3A_410 : memref<64xi32, #tpu.memory_space<vmem>>) semaphore(%arg15 : memref<!tpu.dma_semaphore, #tpu.memory_space<semaphore_mem>>)
        %dma_start3A_414 = arith.constant 1 : i32
        %dma_start3A_415 = arith.constant 1 : i32
        %dma_start3A_416 = arith.constant 64 : i32
        %dma_start3A_417 = arith.constant 0 : i32
        %dma_start3A_418 = tpu.memref_slice %arg7[%dma_start3A_415, %dma_start3A_416, %dma_start3A_417] : memref<2x128x128xf32, #tpu.memory_space<vmem>> -> memref<1x64x128xf32, #tpu.memory_space<vmem>>
        %dma_start3A_419 = tpu.memref_squeeze %dma_start3A_418 : memref<1x64x128xf32, #tpu.memory_space<vmem>> -> memref<64x128xf32, #tpu.memory_space<vmem>>
        %dma_start3A_420 = arith.constant 64 : i32
        %dma_start3A_421 = tpu.memref_slice %arg12[%dma_start3A_414, %dma_start3A_420] : memref<2x128xi32, #tpu.memory_space<vmem>> -> memref<1x64xi32, #tpu.memory_space<vmem>>
        %dma_start3A_422 = tpu.memref_squeeze %dma_start3A_421 : memref<1x64xi32, #tpu.memory_space<vmem>> -> memref<64xi32, #tpu.memory_space<vmem>>
        %dma_start3A_423 = arith.constant 0 : i32
        %dma_start3A_424 = arith.constant 0 : i32
        %dma_start3A_425 = tpu.memref_slice %arg4[%dma_start3A_423, %dma_start3A_424] : memref<50176x128xf32, #tpu.memory_space<hbm>> -> memref<50176x128xf32, #tpu.memory_space<hbm>>
        tpu.enqueue_indirect_dma source(%dma_start3A_425 : memref<50176x128xf32, #tpu.memory_space<hbm>>) target(%dma_start3A_419 : memref<64x128xf32, #tpu.memory_space<vmem>>) offsets(%dma_start3A_422 : memref<64xi32, #tpu.memory_space<vmem>>) semaphore(%arg15 : memref<!tpu.dma_semaphore, #tpu.memory_space<semaphore_mem>>)
        %dma_wait3A_426 = arith.constant 1 : i32
        %dma_wait3A_427 = arith.constant 1 : i32
        %dma_wait3A_428 = arith.constant 0 : i32
        %dma_wait3A_429 = arith.constant 0 : i32
        %dma_wait3A_430 = tpu.memref_slice %arg7[%dma_wait3A_427, %dma_wait3A_428, %dma_wait3A_429] : memref<2x128x128xf32, #tpu.memory_space<vmem>> -> memref<1x64x128xf32, #tpu.memory_space<vmem>>
        %dma_wait3A_431 = tpu.memref_squeeze %dma_wait3A_430 : memref<1x64x128xf32, #tpu.memory_space<vmem>> -> memref<64x128xf32, #tpu.memory_space<vmem>>
        %dma_wait3A_432 = arith.constant 0 : i32
        %dma_wait3A_433 = tpu.memref_slice %arg12[%dma_wait3A_426, %dma_wait3A_432] : memref<2x128xi32, #tpu.memory_space<vmem>> -> memref<1x64xi32, #tpu.memory_space<vmem>>
        %dma_wait3A_434 = tpu.memref_squeeze %dma_wait3A_433 : memref<1x64xi32, #tpu.memory_space<vmem>> -> memref<64xi32, #tpu.memory_space<vmem>>
        %dma_wait3A_435 = arith.constant 0 : i32
        %dma_wait3A_436 = arith.constant 0 : i32
        %dma_wait3A_437 = tpu.memref_slice %arg4[%dma_wait3A_435, %dma_wait3A_436] : memref<50176x128xf32, #tpu.memory_space<hbm>> -> memref<50176x128xf32, #tpu.memory_space<hbm>>
        tpu.wait_indirect_dma semaphore(%arg15 : memref<!tpu.dma_semaphore, #tpu.memory_space<semaphore_mem>>) src(%dma_wait3A_437 : memref<50176x128xf32, #tpu.memory_space<hbm>>) dst(%dma_wait3A_431 : memref<64x128xf32, #tpu.memory_space<vmem>>)
        %dma_wait3A_438 = arith.constant 1 : i32
        %dma_wait3A_439 = arith.constant 1 : i32
        %dma_wait3A_440 = arith.constant 64 : i32
        %dma_wait3A_441 = arith.constant 0 : i32
        %dma_wait3A_442 = tpu.memref_slice %arg7[%dma_wait3A_439, %dma_wait3A_440, %dma_wait3A_441] : memref<2x128x128xf32, #tpu.memory_space<vmem>> -> memref<1x64x128xf32, #tpu.memory_space<vmem>>
        %dma_wait3A_443 = tpu.memref_squeeze %dma_wait3A_442 : memref<1x64x128xf32, #tpu.memory_space<vmem>> -> memref<64x128xf32, #tpu.memory_space<vmem>>
        %dma_wait3A_444 = arith.constant 64 : i32
        %dma_wait3A_445 = tpu.memref_slice %arg12[%dma_wait3A_438, %dma_wait3A_444] : memref<2x128xi32, #tpu.memory_space<vmem>> -> memref<1x64xi32, #tpu.memory_space<vmem>>
        %dma_wait3A_446 = tpu.memref_squeeze %dma_wait3A_445 : memref<1x64xi32, #tpu.memory_space<vmem>> -> memref<64xi32, #tpu.memory_space<vmem>>
        %dma_wait3A_447 = arith.constant 0 : i32
        %dma_wait3A_448 = arith.constant 0 : i32
        %dma_wait3A_449 = tpu.memref_slice %arg4[%dma_wait3A_447, %dma_wait3A_448] : memref<50176x128xf32, #tpu.memory_space<hbm>> -> memref<50176x128xf32, #tpu.memory_space<hbm>>
        tpu.wait_indirect_dma semaphore(%arg15 : memref<!tpu.dma_semaphore, #tpu.memory_space<semaphore_mem>>) src(%dma_wait3A_449 : memref<50176x128xf32, #tpu.memory_space<hbm>>) dst(%dma_wait3A_443 : memref<64x128xf32, #tpu.memory_space<vmem>>)
        %dma_start3A_450 = arith.constant 1 : i32
        %dma_start3A_451 = arith.constant 1 : i32
        %dma_start3A_452 = arith.constant 0 : i32
        %dma_start3A_453 = arith.constant 0 : i32
        %dma_start3A_454 = tpu.memref_slice %arg7[%dma_start3A_450, %dma_start3A_452, %dma_start3A_453] : memref<2x128x128xf32, #tpu.memory_space<vmem>> -> memref<1x128x128xf32, #tpu.memory_space<vmem>>
        %dma_start3A_455 = tpu.memref_squeeze %dma_start3A_454 : memref<1x128x128xf32, #tpu.memory_space<vmem>> -> memref<128x128xf32, #tpu.memory_space<vmem>>
        %dma_start3A_456 = arith.constant 0 : i32
        %dma_start3A_457 = tpu.memref_slice %arg13[%dma_start3A_451, %dma_start3A_456] : memref<2x128xi32, #tpu.memory_space<vmem>> -> memref<1x128xi32, #tpu.memory_space<vmem>>
        %dma_start3A_458 = tpu.memref_squeeze %dma_start3A_457 : memref<1x128xi32, #tpu.memory_space<vmem>> -> memref<128xi32, #tpu.memory_space<vmem>>
        %dma_start3A_459 = arith.constant 0 : i32
        %dma_start3A_460 = arith.constant 0 : i32
        %dma_start3A_461 = tpu.memref_slice %arg6[%dma_start3A_459, %dma_start3A_460] : memref<6400x128xf32, #tpu.memory_space<vmem_shared>> -> memref<6400x128xf32, #tpu.memory_space<vmem_shared>>
        tpu.enqueue_indirect_dma source(%dma_start3A_455 : memref<128x128xf32, #tpu.memory_space<vmem>>) target(%dma_start3A_461 : memref<6400x128xf32, #tpu.memory_space<vmem_shared>>) offsets(%dma_start3A_458 : memref<128xi32, #tpu.memory_space<vmem>>) semaphore(%arg14 : memref<!tpu.dma_semaphore, #tpu.memory_space<semaphore_mem>>) {add = true}
        %cond3A_462 = arith.constant 0 : i32
        scf.yield %cond3A_462 : i32
      }
      %dma_wait3A = arith.constant 0 : i32
      %dma_wait3A_172 = arith.constant 0 : i32
      %dma_wait3A_173 = arith.constant 0 : i32
      %dma_wait3A_174 = arith.constant 0 : i32
      %dma_wait3A_175 = tpu.memref_slice %arg7[%dma_wait3A, %dma_wait3A_173, %dma_wait3A_174] : memref<2x128x128xf32, #tpu.memory_space<vmem>> -> memref<1x128x128xf32, #tpu.memory_space<vmem>>
      %dma_wait3A_176 = tpu.memref_squeeze %dma_wait3A_175 : memref<1x128x128xf32, #tpu.memory_space<vmem>> -> memref<128x128xf32, #tpu.memory_space<vmem>>
      %dma_wait3A_177 = arith.constant 0 : i32
      %dma_wait3A_178 = tpu.memref_slice %arg13[%dma_wait3A_172, %dma_wait3A_177] : memref<2x128xi32, #tpu.memory_space<vmem>> -> memref<1x128xi32, #tpu.memory_space<vmem>>
      %dma_wait3A_179 = tpu.memref_squeeze %dma_wait3A_178 : memref<1x128xi32, #tpu.memory_space<vmem>> -> memref<128xi32, #tpu.memory_space<vmem>>
      %dma_wait3A_180 = arith.constant 0 : i32
      %dma_wait3A_181 = arith.constant 0 : i32
      %dma_wait3A_182 = tpu.memref_slice %arg6[%dma_wait3A_180, %dma_wait3A_181] : memref<6400x128xf32, #tpu.memory_space<vmem_shared>> -> memref<6400x128xf32, #tpu.memory_space<vmem_shared>>
      tpu.wait_indirect_dma semaphore(%arg14 : memref<!tpu.dma_semaphore, #tpu.memory_space<semaphore_mem>>) src(%dma_wait3A_176 : memref<128x128xf32, #tpu.memory_space<vmem>>) dst(%dma_wait3A_182 : memref<6400x128xf32, #tpu.memory_space<vmem_shared>>)
      %dma_wait3A_183 = arith.constant 0 : i32
      %dma_wait3A_184 = arith.constant 0 : i32
      %dma_wait3A_185 = arith.constant 0 : i32
      %dma_wait3A_186 = arith.constant 0 : i32
      %dma_wait3A_187 = tpu.memref_slice %arg7[%dma_wait3A_183, %dma_wait3A_185, %dma_wait3A_186] : memref<2x128x128xf32, #tpu.memory_space<vmem>> -> memref<1x128x128xf32, #tpu.memory_space<vmem>>
      %dma_wait3A_188 = tpu.memref_squeeze %dma_wait3A_187 : memref<1x128x128xf32, #tpu.memory_space<vmem>> -> memref<128x128xf32, #tpu.memory_space<vmem>>
      %dma_wait3A_189 = arith.constant 0 : i32
      %dma_wait3A_190 = tpu.memref_slice %arg13[%dma_wait3A_184, %dma_wait3A_189] : memref<2x128xi32, #tpu.memory_space<vmem>> -> memref<1x128xi32, #tpu.memory_space<vmem>>
      %dma_wait3A_191 = tpu.memref_squeeze %dma_wait3A_190 : memref<1x128xi32, #tpu.memory_space<vmem>> -> memref<128xi32, #tpu.memory_space<vmem>>
      %dma_wait3A_192 = arith.constant 0 : i32
      %dma_wait3A_193 = arith.constant 0 : i32
      %dma_wait3A_194 = tpu.memref_slice %arg6[%dma_wait3A_192, %dma_wait3A_193] : memref<6400x128xf32, #tpu.memory_space<vmem_shared>> -> memref<6400x128xf32, #tpu.memory_space<vmem_shared>>
      tpu.wait_indirect_dma semaphore(%arg14 : memref<!tpu.dma_semaphore, #tpu.memory_space<semaphore_mem>>) src(%dma_wait3A_188 : memref<128x128xf32, #tpu.memory_space<vmem>>) dst(%dma_wait3A_194 : memref<6400x128xf32, #tpu.memory_space<vmem_shared>>)
      %barrier3A_195 = arith.constant 0 : index
      tpu.barrier barrier_id(%barrier3A_195)
      %scan3A_196 = arith.constant 0 : i32
      %scan3A_197 = arith.constant 0 : i32
      %scan3A_198 = arith.constant 7 : i32
      %scan3A_199 = arith.addi %scan3A_197, %scan3A_198 : i32
      %scan3A_200 = arith.constant 1 : i32
      scf.for %scan3A_203 = %scan3A_197 to %scan3A_199 step %scan3A_200  : i32 {
        %mul3A_204 = arith.constant 392 : i32
        %mul3A_205 = arith.muli %arg1, %mul3A_204 : i32
        %mul3A_206 = arith.constant 56 : i32
        %mul3A_207 = arith.muli %scan3A_203, %mul3A_206 : i32
        %add3A_208 = arith.addi %mul3A_205, %mul3A_207 : i32
        %add3A_209 = arith.addi %mul3A_8, %add3A_208 : i32
        "tpu.region"() ({
          %run_scoped3A = tpu.sem_alloc : memref<!tpu.dma_semaphore, #tpu.memory_space<semaphore_mem>>
          %dma_start3A_210 = arith.constant 0 : i32
          %dma_start3A_211 = tpu.memref_slice %arg5[%add3A_209, %dma_start3A_210] : memref<50176x128xf32, #tpu.memory_space<hbm>> -> memref<56x128xf32, #tpu.memory_space<hbm>>
          %dma_start3A_212 = arith.constant 0 : i32
          %dma_start3A_213 = tpu.memref_slice %arg6[%add3A_208, %dma_start3A_212] : memref<6400x128xf32, #tpu.memory_space<vmem_shared>> -> memref<56x128xf32, #tpu.memory_space<vmem_shared>>
          tpu.enqueue_dma source(%dma_start3A_213 : memref<56x128xf32, #tpu.memory_space<vmem_shared>>) target(%dma_start3A_211 : memref<56x128xf32, #tpu.memory_space<hbm>>) target_semaphore(%run_scoped3A : memref<!tpu.dma_semaphore, #tpu.memory_space<semaphore_mem>>)
          %dma_wait3A_214 = arith.constant 0 : i32
          %dma_wait3A_215 = tpu.memref_slice %arg5[%add3A_209, %dma_wait3A_214] : memref<50176x128xf32, #tpu.memory_space<hbm>> -> memref<56x128xf32, #tpu.memory_space<hbm>>
          %dma_wait3A_216 = arith.constant 0 : i32
          %dma_wait3A_217 = tpu.memref_slice %arg6[%add3A_208, %dma_wait3A_216] : memref<6400x128xf32, #tpu.memory_space<vmem_shared>> -> memref<56x128xf32, #tpu.memory_space<vmem_shared>>
          tpu.wait_dma2 semaphore(%run_scoped3A : memref<!tpu.dma_semaphore, #tpu.memory_space<semaphore_mem>>) src(%dma_wait3A_217 : memref<56x128xf32, #tpu.memory_space<vmem_shared>>) dst(%dma_wait3A_215 : memref<56x128xf32, #tpu.memory_space<hbm>>)
          tpu.yield
        }) : () -> ()
      }
      %scan3A_201 = arith.constant 7 : i32
      %barrier3A_202 = arith.constant 0 : index
      tpu.barrier barrier_id(%barrier3A_202)
    }
    %scan3A_4 = arith.constant 4 : i32
    return
  }
}

#map = affine_map<(d0, d1) -> (0, 0)>
module attributes {stable_mosaic.version = 14 : i64} {
  func.func @_edge_pass(%arg0: i32, %arg1: i32, %arg2: memref<6272x128xi32, #tpu.memory_space<hbm>>, %arg3: memref<6272x128xi32, #tpu.memory_space<hbm>>, %arg4: memref<50176x128xf32, #tpu.memory_space<hbm>>, %arg5: memref<50176x128xf32, #tpu.memory_space<hbm>>, %arg6: memref<6400x128xf32, #tpu.memory_space<vmem_shared>>, %arg7: memref<2x128x128xf32, #tpu.memory_space<vmem>>, %arg8: memref<112x128xi32, #tpu.memory_space<vmem>>, %arg9: memref<112x128xi32, #tpu.memory_space<vmem>>, %arg10: memref<272xi32, #tpu.memory_space<vmem>>, %arg11: memref<272xi32, #tpu.memory_space<vmem>>, %arg12: memref<2x128xi32, #tpu.memory_space<vmem>>, %arg13: memref<2x128xi32, #tpu.memory_space<vmem>>, %arg14: memref<!tpu.dma_semaphore, #tpu.memory_space<semaphore_mem>>, %arg15: memref<!tpu.dma_semaphore, #tpu.memory_space<semaphore_mem>>, %arg16: memref<!tpu.dma_semaphore, #tpu.memory_space<semaphore_mem>>) attributes {dimension_semantics = [#tpu.dimension_semantics<core_parallel>, #tpu.dimension_semantics<subcore_parallel>], iteration_bounds = array<i64: 2, 16>, scalar_prefetch = 0 : i64, scratch_operands = 11 : i64, tpu.core_type = #tpu.core_type<sc_vector_subcore>, window_params = [{transform_indices = #map}, {transform_indices = #map}, {transform_indices = #map}, {transform_indices = #map}]} {
    %scan3A = arith.constant 0 : i32
    %scan3A_0 = arith.constant 0 : i32
    %scan3A_1 = arith.constant 4 : i32
    %scan3A_2 = arith.addi %scan3A_0, %scan3A_1 : i32
    %scan3A_3 = arith.constant 1 : i32
    scf.for %scan3A_5 = %scan3A_0 to %scan3A_2 step %scan3A_3  : i32 {
      %mul3A = arith.constant 4 : i32
      %mul3A_6 = arith.muli %arg0, %mul3A : i32
      %add3A = arith.addi %mul3A_6, %scan3A_5 : i32
      %mul3A_7 = arith.constant 6272 : i32
      %mul3A_8 = arith.muli %add3A, %mul3A_7 : i32
      %scan3A_9 = arith.constant 0 : i32
      %scan3A_10 = arith.constant 0 : i32
      %scan3A_11 = arith.constant 128 : i32
      %scan3A_12 = arith.addi %scan3A_10, %scan3A_11 : i32
      %scan3A_13 = arith.constant 1 : i32
      scf.for %scan3A_203 = %scan3A_10 to %scan3A_12 step %scan3A_13  : i32 {
        %broadcast_in_dim3A_204 = arith.constant 0.000000e+00 : f32
        %broadcast_in_dim3A_205 = vector.broadcast %broadcast_in_dim3A_204 : f32 to vector<16xf32>
        %swap3A_206 = arith.constant 0 : i32
        %swap3A_207 = arith.index_cast %swap3A_206 : i32 to index
        %swap3A_208 = arith.index_cast %scan3A_203 : i32 to index
        %swap3A_209 = arith.constant 0 : index
        %swap3A_210 = tpu.vector_load %arg7[%swap3A_207, %swap3A_208, %swap3A_209] {strides = array<i32>} : memref<2x128x128xf32, #tpu.memory_space<vmem>>, vector<16xf32>,
        tpu.vector_store %arg7[%swap3A_207, %swap3A_208, %swap3A_209], %broadcast_in_dim3A_205 {strides = array<i32>} : memref<2x128x128xf32, #tpu.memory_space<vmem>>, vector<16xf32>,
        %broadcast_in_dim3A_211 = arith.constant 0.000000e+00 : f32
        %broadcast_in_dim3A_212 = vector.broadcast %broadcast_in_dim3A_211 : f32 to vector<16xf32>
        %swap3A_213 = arith.constant 0 : i32
        %swap3A_214 = arith.index_cast %swap3A_213 : i32 to index
        %swap3A_215 = arith.index_cast %scan3A_203 : i32 to index
        %swap3A_216 = arith.constant 16 : index
        %swap3A_217 = tpu.vector_load %arg7[%swap3A_214, %swap3A_215, %swap3A_216] {strides = array<i32>} : memref<2x128x128xf32, #tpu.memory_space<vmem>>, vector<16xf32>,
        tpu.vector_store %arg7[%swap3A_214, %swap3A_215, %swap3A_216], %broadcast_in_dim3A_212 {strides = array<i32>} : memref<2x128x128xf32, #tpu.memory_space<vmem>>, vector<16xf32>,
        %broadcast_in_dim3A_218 = arith.constant 0.000000e+00 : f32
        %broadcast_in_dim3A_219 = vector.broadcast %broadcast_in_dim3A_218 : f32 to vector<16xf32>
        %swap3A_220 = arith.constant 0 : i32
        %swap3A_221 = arith.index_cast %swap3A_220 : i32 to index
        %swap3A_222 = arith.index_cast %scan3A_203 : i32 to index
        %swap3A_223 = arith.constant 32 : index
        %swap3A_224 = tpu.vector_load %arg7[%swap3A_221, %swap3A_222, %swap3A_223] {strides = array<i32>} : memref<2x128x128xf32, #tpu.memory_space<vmem>>, vector<16xf32>,
        tpu.vector_store %arg7[%swap3A_221, %swap3A_222, %swap3A_223], %broadcast_in_dim3A_219 {strides = array<i32>} : memref<2x128x128xf32, #tpu.memory_space<vmem>>, vector<16xf32>,
        %broadcast_in_dim3A_225 = arith.constant 0.000000e+00 : f32
        %broadcast_in_dim3A_226 = vector.broadcast %broadcast_in_dim3A_225 : f32 to vector<16xf32>
        %swap3A_227 = arith.constant 0 : i32
        %swap3A_228 = arith.index_cast %swap3A_227 : i32 to index
        %swap3A_229 = arith.index_cast %scan3A_203 : i32 to index
        %swap3A_230 = arith.constant 48 : index
        %swap3A_231 = tpu.vector_load %arg7[%swap3A_228, %swap3A_229, %swap3A_230] {strides = array<i32>} : memref<2x128x128xf32, #tpu.memory_space<vmem>>, vector<16xf32>,
        tpu.vector_store %arg7[%swap3A_228, %swap3A_229, %swap3A_230], %broadcast_in_dim3A_226 {strides = array<i32>} : memref<2x128x128xf32, #tpu.memory_space<vmem>>, vector<16xf32>,
        %broadcast_in_dim3A_232 = arith.constant 0.000000e+00 : f32
        %broadcast_in_dim3A_233 = vector.broadcast %broadcast_in_dim3A_232 : f32 to vector<16xf32>
        %swap3A_234 = arith.constant 0 : i32
        %swap3A_235 = arith.index_cast %swap3A_234 : i32 to index
        %swap3A_236 = arith.index_cast %scan3A_203 : i32 to index
        %swap3A_237 = arith.constant 64 : index
        %swap3A_238 = tpu.vector_load %arg7[%swap3A_235, %swap3A_236, %swap3A_237] {strides = array<i32>} : memref<2x128x128xf32, #tpu.memory_space<vmem>>, vector<16xf32>,
        tpu.vector_store %arg7[%swap3A_235, %swap3A_236, %swap3A_237], %broadcast_in_dim3A_233 {strides = array<i32>} : memref<2x128x128xf32, #tpu.memory_space<vmem>>, vector<16xf32>,
        %broadcast_in_dim3A_239 = arith.constant 0.000000e+00 : f32
        %broadcast_in_dim3A_240 = vector.broadcast %broadcast_in_dim3A_239 : f32 to vector<16xf32>
        %swap3A_241 = arith.constant 0 : i32
        %swap3A_242 = arith.index_cast %swap3A_241 : i32 to index
        %swap3A_243 = arith.index_cast %scan3A_203 : i32 to index
        %swap3A_244 = arith.constant 80 : index
        %swap3A_245 = tpu.vector_load %arg7[%swap3A_242, %swap3A_243, %swap3A_244] {strides = array<i32>} : memref<2x128x128xf32, #tpu.memory_space<vmem>>, vector<16xf32>,
        tpu.vector_store %arg7[%swap3A_242, %swap3A_243, %swap3A_244], %broadcast_in_dim3A_240 {strides = array<i32>} : memref<2x128x128xf32, #tpu.memory_space<vmem>>, vector<16xf32>,
        %broadcast_in_dim3A_246 = arith.constant 0.000000e+00 : f32
        %broadcast_in_dim3A_247 = vector.broadcast %broadcast_in_dim3A_246 : f32 to vector<16xf32>
        %swap3A_248 = arith.constant 0 : i32
        %swap3A_249 = arith.index_cast %swap3A_248 : i32 to index
        %swap3A_250 = arith.index_cast %scan3A_203 : i32 to index
        %swap3A_251 = arith.constant 96 : index
        %swap3A_252 = tpu.vector_load %arg7[%swap3A_249, %swap3A_250, %swap3A_251] {strides = array<i32>} : memref<2x128x128xf32, #tpu.memory_space<vmem>>, vector<16xf32>,
        tpu.vector_store %arg7[%swap3A_249, %swap3A_250, %swap3A_251], %broadcast_in_dim3A_247 {strides = array<i32>} : memref<2x128x128xf32, #tpu.memory_space<vmem>>, vector<16xf32>,
        %broadcast_in_dim3A_253 = arith.constant 0.000000e+00 : f32
        %broadcast_in_dim3A_254 = vector.broadcast %broadcast_in_dim3A_253 : f32 to vector<16xf32>
        %swap3A_255 = arith.constant 0 : i32
        %swap3A_256 = arith.index_cast %swap3A_255 : i32 to index
        %swap3A_257 = arith.index_cast %scan3A_203 : i32 to index
        %swap3A_258 = arith.constant 112 : index
        %swap3A_259 = tpu.vector_load %arg7[%swap3A_256, %swap3A_257, %swap3A_258] {strides = array<i32>} : memref<2x128x128xf32, #tpu.memory_space<vmem>>, vector<16xf32>,
        tpu.vector_store %arg7[%swap3A_256, %swap3A_257, %swap3A_258], %broadcast_in_dim3A_254 {strides = array<i32>} : memref<2x128x128xf32, #tpu.memory_space<vmem>>, vector<16xf32>,
      }
      %scan3A_14 = arith.constant 128 : i32
      %scan3A_15 = arith.constant 0 : i32
      %scan3A_16 = arith.constant 0 : i32
      %scan3A_17 = arith.constant 5 : i32
      %scan3A_18 = arith.addi %scan3A_16, %scan3A_17 : i32
      %scan3A_19 = arith.constant 1 : i32
      scf.for %scan3A_203 = %scan3A_16 to %scan3A_18 step %scan3A_19  : i32 {
        %mul3A_204 = arith.constant 400 : i32
        %mul3A_205 = arith.muli %arg1, %mul3A_204 : i32
        %mul3A_206 = arith.constant 80 : i32
        %mul3A_207 = arith.muli %scan3A_203, %mul3A_206 : i32
        %add3A_208 = arith.addi %mul3A_205, %mul3A_207 : i32
        %run_scoped3A = arith.constant 0 : i32
        "tpu.region"() ({
          %run_scoped3A_209 = tpu.sem_alloc : memref<!tpu.dma_semaphore, #tpu.memory_space<semaphore_mem>>
          %dma_start3A_210 = arith.constant 0 : i32
          %dma_start3A_211 = arith.constant 0 : i32
          %dma_start3A_212 = tpu.memref_slice %arg7[%run_scoped3A, %dma_start3A_210, %dma_start3A_211] : memref<2x128x128xf32, #tpu.memory_space<vmem>> -> memref<1x80x128xf32, #tpu.memory_space<vmem>>
          %dma_start3A_213 = tpu.memref_squeeze %dma_start3A_212 : memref<1x80x128xf32, #tpu.memory_space<vmem>> -> memref<80x128xf32, #tpu.memory_space<vmem>>
          %dma_start3A_214 = arith.constant 0 : i32
          %dma_start3A_215 = tpu.memref_slice %arg6[%add3A_208, %dma_start3A_214] : memref<6400x128xf32, #tpu.memory_space<vmem_shared>> -> memref<80x128xf32, #tpu.memory_space<vmem_shared>>
          %dma_start3A_216 = arith.constant 0 : i32
          %dma_start3A_217 = tpu.memref_slice %arg6[%add3A_208, %dma_start3A_216] : memref<6400x128xf32, #tpu.memory_space<vmem_shared>> -> memref<80x128xf32, #tpu.memory_space<vmem_shared>>
          %dma_start3A_218 = arith.constant 0 : i32
          %dma_start3A_219 = arith.constant 0 : i32
          %dma_start3A_220 = tpu.memref_slice %arg7[%run_scoped3A, %dma_start3A_218, %dma_start3A_219] : memref<2x128x128xf32, #tpu.memory_space<vmem>> -> memref<1x80x128xf32, #tpu.memory_space<vmem>>
          %dma_start3A_221 = tpu.memref_squeeze %dma_start3A_220 : memref<1x80x128xf32, #tpu.memory_space<vmem>> -> memref<80x128xf32, #tpu.memory_space<vmem>>
          tpu.enqueue_dma source(%dma_start3A_221 : memref<80x128xf32, #tpu.memory_space<vmem>>) target(%dma_start3A_217 : memref<80x128xf32, #tpu.memory_space<vmem_shared>>) target_semaphore(%run_scoped3A_209 : memref<!tpu.dma_semaphore, #tpu.memory_space<semaphore_mem>>)
          %dma_wait3A_222 = arith.constant 0 : i32
          %dma_wait3A_223 = arith.constant 0 : i32
          %dma_wait3A_224 = tpu.memref_slice %arg7[%run_scoped3A, %dma_wait3A_222, %dma_wait3A_223] : memref<2x128x128xf32, #tpu.memory_space<vmem>> -> memref<1x80x128xf32, #tpu.memory_space<vmem>>
          %dma_wait3A_225 = tpu.memref_squeeze %dma_wait3A_224 : memref<1x80x128xf32, #tpu.memory_space<vmem>> -> memref<80x128xf32, #tpu.memory_space<vmem>>
          %dma_wait3A_226 = arith.constant 0 : i32
          %dma_wait3A_227 = tpu.memref_slice %arg6[%add3A_208, %dma_wait3A_226] : memref<6400x128xf32, #tpu.memory_space<vmem_shared>> -> memref<80x128xf32, #tpu.memory_space<vmem_shared>>
          %dma_wait3A_228 = arith.constant 0 : i32
          %dma_wait3A_229 = tpu.memref_slice %arg6[%add3A_208, %dma_wait3A_228] : memref<6400x128xf32, #tpu.memory_space<vmem_shared>> -> memref<80x128xf32, #tpu.memory_space<vmem_shared>>
          %dma_wait3A_230 = arith.constant 0 : i32
          %dma_wait3A_231 = arith.constant 0 : i32
          %dma_wait3A_232 = tpu.memref_slice %arg7[%run_scoped3A, %dma_wait3A_230, %dma_wait3A_231] : memref<2x128x128xf32, #tpu.memory_space<vmem>> -> memref<1x80x128xf32, #tpu.memory_space<vmem>>
          %dma_wait3A_233 = tpu.memref_squeeze %dma_wait3A_232 : memref<1x80x128xf32, #tpu.memory_space<vmem>> -> memref<80x128xf32, #tpu.memory_space<vmem>>
          tpu.wait_dma2 semaphore(%run_scoped3A_209 : memref<!tpu.dma_semaphore, #tpu.memory_space<semaphore_mem>>) src(%dma_wait3A_233 : memref<80x128xf32, #tpu.memory_space<vmem>>) dst(%dma_wait3A_229 : memref<80x128xf32, #tpu.memory_space<vmem_shared>>)
          tpu.yield
        }) : () -> ()
      }
      %scan3A_20 = arith.constant 5 : i32
      %barrier3A = arith.constant 0 : index
      tpu.barrier barrier_id(%barrier3A)
      %broadcast_in_dim3A = arith.constant 6272 : i32
      %broadcast_in_dim3A_21 = vector.broadcast %broadcast_in_dim3A : i32 to vector<16xi32>
      %swap3A = arith.constant 0 : i32
      %swap3A_22 = arith.index_cast %swap3A : i32 to index
      %swap3A_23 = arith.constant 0 : index
      %swap3A_24 = tpu.vector_load %arg13[%swap3A_22, %swap3A_23] {strides = array<i32>} : memref<2x128xi32, #tpu.memory_space<vmem>>, vector<16xi32>,
      tpu.vector_store %arg13[%swap3A_22, %swap3A_23], %broadcast_in_dim3A_21 {strides = array<i32>} : memref<2x128xi32, #tpu.memory_space<vmem>>, vector<16xi32>,
      %broadcast_in_dim3A_25 = arith.constant 6272 : i32
      %broadcast_in_dim3A_26 = vector.broadcast %broadcast_in_dim3A_25 : i32 to vector<16xi32>
      %swap3A_27 = arith.constant 1 : i32
      %swap3A_28 = arith.index_cast %swap3A_27 : i32 to index
      %swap3A_29 = arith.constant 0 : index
      %swap3A_30 = tpu.vector_load %arg13[%swap3A_28, %swap3A_29] {strides = array<i32>} : memref<2x128xi32, #tpu.memory_space<vmem>>, vector<16xi32>,
      tpu.vector_store %arg13[%swap3A_28, %swap3A_29], %broadcast_in_dim3A_26 {strides = array<i32>} : memref<2x128xi32, #tpu.memory_space<vmem>>, vector<16xi32>,
      %broadcast_in_dim3A_31 = arith.constant 6272 : i32
      %broadcast_in_dim3A_32 = vector.broadcast %broadcast_in_dim3A_31 : i32 to vector<16xi32>
      %swap3A_33 = arith.constant 0 : i32
      %swap3A_34 = arith.index_cast %swap3A_33 : i32 to index
      %swap3A_35 = arith.constant 16 : index
      %swap3A_36 = tpu.vector_load %arg13[%swap3A_34, %swap3A_35] {strides = array<i32>} : memref<2x128xi32, #tpu.memory_space<vmem>>, vector<16xi32>,
      tpu.vector_store %arg13[%swap3A_34, %swap3A_35], %broadcast_in_dim3A_32 {strides = array<i32>} : memref<2x128xi32, #tpu.memory_space<vmem>>, vector<16xi32>,
      %broadcast_in_dim3A_37 = arith.constant 6272 : i32
      %broadcast_in_dim3A_38 = vector.broadcast %broadcast_in_dim3A_37 : i32 to vector<16xi32>
      %swap3A_39 = arith.constant 1 : i32
      %swap3A_40 = arith.index_cast %swap3A_39 : i32 to index
      %swap3A_41 = arith.constant 16 : index
      %swap3A_42 = tpu.vector_load %arg13[%swap3A_40, %swap3A_41] {strides = array<i32>} : memref<2x128xi32, #tpu.memory_space<vmem>>, vector<16xi32>,
      tpu.vector_store %arg13[%swap3A_40, %swap3A_41], %broadcast_in_dim3A_38 {strides = array<i32>} : memref<2x128xi32, #tpu.memory_space<vmem>>, vector<16xi32>,
      %broadcast_in_dim3A_43 = arith.constant 6272 : i32
      %broadcast_in_dim3A_44 = vector.broadcast %broadcast_in_dim3A_43 : i32 to vector<16xi32>
      %swap3A_45 = arith.constant 0 : i32
      %swap3A_46 = arith.index_cast %swap3A_45 : i32 to index
      %swap3A_47 = arith.constant 32 : index
      %swap3A_48 = tpu.vector_load %arg13[%swap3A_46, %swap3A_47] {strides = array<i32>} : memref<2x128xi32, #tpu.memory_space<vmem>>, vector<16xi32>,
      tpu.vector_store %arg13[%swap3A_46, %swap3A_47], %broadcast_in_dim3A_44 {strides = array<i32>} : memref<2x128xi32, #tpu.memory_space<vmem>>, vector<16xi32>,
      %broadcast_in_dim3A_49 = arith.constant 6272 : i32
      %broadcast_in_dim3A_50 = vector.broadcast %broadcast_in_dim3A_49 : i32 to vector<16xi32>
      %swap3A_51 = arith.constant 1 : i32
      %swap3A_52 = arith.index_cast %swap3A_51 : i32 to index
      %swap3A_53 = arith.constant 32 : index
      %swap3A_54 = tpu.vector_load %arg13[%swap3A_52, %swap3A_53] {strides = array<i32>} : memref<2x128xi32, #tpu.memory_space<vmem>>, vector<16xi32>,
      tpu.vector_store %arg13[%swap3A_52, %swap3A_53], %broadcast_in_dim3A_50 {strides = array<i32>} : memref<2x128xi32, #tpu.memory_space<vmem>>, vector<16xi32>,
      %broadcast_in_dim3A_55 = arith.constant 6272 : i32
      %broadcast_in_dim3A_56 = vector.broadcast %broadcast_in_dim3A_55 : i32 to vector<16xi32>
      %swap3A_57 = arith.constant 0 : i32
      %swap3A_58 = arith.index_cast %swap3A_57 : i32 to index
      %swap3A_59 = arith.constant 48 : index
      %swap3A_60 = tpu.vector_load %arg13[%swap3A_58, %swap3A_59] {strides = array<i32>} : memref<2x128xi32, #tpu.memory_space<vmem>>, vector<16xi32>,
      tpu.vector_store %arg13[%swap3A_58, %swap3A_59], %broadcast_in_dim3A_56 {strides = array<i32>} : memref<2x128xi32, #tpu.memory_space<vmem>>, vector<16xi32>,
      %broadcast_in_dim3A_61 = arith.constant 6272 : i32
      %broadcast_in_dim3A_62 = vector.broadcast %broadcast_in_dim3A_61 : i32 to vector<16xi32>
      %swap3A_63 = arith.constant 1 : i32
      %swap3A_64 = arith.index_cast %swap3A_63 : i32 to index
      %swap3A_65 = arith.constant 48 : index
      %swap3A_66 = tpu.vector_load %arg13[%swap3A_64, %swap3A_65] {strides = array<i32>} : memref<2x128xi32, #tpu.memory_space<vmem>>, vector<16xi32>,
      tpu.vector_store %arg13[%swap3A_64, %swap3A_65], %broadcast_in_dim3A_62 {strides = array<i32>} : memref<2x128xi32, #tpu.memory_space<vmem>>, vector<16xi32>,
      %broadcast_in_dim3A_67 = arith.constant 6272 : i32
      %broadcast_in_dim3A_68 = vector.broadcast %broadcast_in_dim3A_67 : i32 to vector<16xi32>
      %swap3A_69 = arith.constant 0 : i32
      %swap3A_70 = arith.index_cast %swap3A_69 : i32 to index
      %swap3A_71 = arith.constant 64 : index
      %swap3A_72 = tpu.vector_load %arg13[%swap3A_70, %swap3A_71] {strides = array<i32>} : memref<2x128xi32, #tpu.memory_space<vmem>>, vector<16xi32>,
      tpu.vector_store %arg13[%swap3A_70, %swap3A_71], %broadcast_in_dim3A_68 {strides = array<i32>} : memref<2x128xi32, #tpu.memory_space<vmem>>, vector<16xi32>,
      %broadcast_in_dim3A_73 = arith.constant 6272 : i32
      %broadcast_in_dim3A_74 = vector.broadcast %broadcast_in_dim3A_73 : i32 to vector<16xi32>
      %swap3A_75 = arith.constant 1 : i32
      %swap3A_76 = arith.index_cast %swap3A_75 : i32 to index
      %swap3A_77 = arith.constant 64 : index
      %swap3A_78 = tpu.vector_load %arg13[%swap3A_76, %swap3A_77] {strides = array<i32>} : memref<2x128xi32, #tpu.memory_space<vmem>>, vector<16xi32>,
      tpu.vector_store %arg13[%swap3A_76, %swap3A_77], %broadcast_in_dim3A_74 {strides = array<i32>} : memref<2x128xi32, #tpu.memory_space<vmem>>, vector<16xi32>,
      %broadcast_in_dim3A_79 = arith.constant 6272 : i32
      %broadcast_in_dim3A_80 = vector.broadcast %broadcast_in_dim3A_79 : i32 to vector<16xi32>
      %swap3A_81 = arith.constant 0 : i32
      %swap3A_82 = arith.index_cast %swap3A_81 : i32 to index
      %swap3A_83 = arith.constant 80 : index
      %swap3A_84 = tpu.vector_load %arg13[%swap3A_82, %swap3A_83] {strides = array<i32>} : memref<2x128xi32, #tpu.memory_space<vmem>>, vector<16xi32>,
      tpu.vector_store %arg13[%swap3A_82, %swap3A_83], %broadcast_in_dim3A_80 {strides = array<i32>} : memref<2x128xi32, #tpu.memory_space<vmem>>, vector<16xi32>,
      %broadcast_in_dim3A_85 = arith.constant 6272 : i32
      %broadcast_in_dim3A_86 = vector.broadcast %broadcast_in_dim3A_85 : i32 to vector<16xi32>
      %swap3A_87 = arith.constant 1 : i32
      %swap3A_88 = arith.index_cast %swap3A_87 : i32 to index
      %swap3A_89 = arith.constant 80 : index
      %swap3A_90 = tpu.vector_load %arg13[%swap3A_88, %swap3A_89] {strides = array<i32>} : memref<2x128xi32, #tpu.memory_space<vmem>>, vector<16xi32>,
      tpu.vector_store %arg13[%swap3A_88, %swap3A_89], %broadcast_in_dim3A_86 {strides = array<i32>} : memref<2x128xi32, #tpu.memory_space<vmem>>, vector<16xi32>,
      %broadcast_in_dim3A_91 = arith.constant 6272 : i32
      %broadcast_in_dim3A_92 = vector.broadcast %broadcast_in_dim3A_91 : i32 to vector<16xi32>
      %swap3A_93 = arith.constant 0 : i32
      %swap3A_94 = arith.index_cast %swap3A_93 : i32 to index
      %swap3A_95 = arith.constant 96 : index
      %swap3A_96 = tpu.vector_load %arg13[%swap3A_94, %swap3A_95] {strides = array<i32>} : memref<2x128xi32, #tpu.memory_space<vmem>>, vector<16xi32>,
      tpu.vector_store %arg13[%swap3A_94, %swap3A_95], %broadcast_in_dim3A_92 {strides = array<i32>} : memref<2x128xi32, #tpu.memory_space<vmem>>, vector<16xi32>,
      %broadcast_in_dim3A_97 = arith.constant 6272 : i32
      %broadcast_in_dim3A_98 = vector.broadcast %broadcast_in_dim3A_97 : i32 to vector<16xi32>
      %swap3A_99 = arith.constant 1 : i32
      %swap3A_100 = arith.index_cast %swap3A_99 : i32 to index
      %swap3A_101 = arith.constant 96 : index
      %swap3A_102 = tpu.vector_load %arg13[%swap3A_100, %swap3A_101] {strides = array<i32>} : memref<2x128xi32, #tpu.memory_space<vmem>>, vector<16xi32>,
      tpu.vector_store %arg13[%swap3A_100, %swap3A_101], %broadcast_in_dim3A_98 {strides = array<i32>} : memref<2x128xi32, #tpu.memory_space<vmem>>, vector<16xi32>,
      %broadcast_in_dim3A_103 = arith.constant 6272 : i32
      %broadcast_in_dim3A_104 = vector.broadcast %broadcast_in_dim3A_103 : i32 to vector<16xi32>
      %swap3A_105 = arith.constant 0 : i32
      %swap3A_106 = arith.index_cast %swap3A_105 : i32 to index
      %swap3A_107 = arith.constant 112 : index
      %swap3A_108 = tpu.vector_load %arg13[%swap3A_106, %swap3A_107] {strides = array<i32>} : memref<2x128xi32, #tpu.memory_space<vmem>>, vector<16xi32>,
      tpu.vector_store %arg13[%swap3A_106, %swap3A_107], %broadcast_in_dim3A_104 {strides = array<i32>} : memref<2x128xi32, #tpu.memory_space<vmem>>, vector<16xi32>,
      %broadcast_in_dim3A_109 = arith.constant 6272 : i32
      %broadcast_in_dim3A_110 = vector.broadcast %broadcast_in_dim3A_109 : i32 to vector<16xi32>
      %swap3A_111 = arith.constant 1 : i32
      %swap3A_112 = arith.index_cast %swap3A_111 : i32 to index
      %swap3A_113 = arith.constant 112 : index
      %swap3A_114 = tpu.vector_load %arg13[%swap3A_112, %swap3A_113] {strides = array<i32>} : memref<2x128xi32, #tpu.memory_space<vmem>>, vector<16xi32>,
      tpu.vector_store %arg13[%swap3A_112, %swap3A_113], %broadcast_in_dim3A_110 {strides = array<i32>} : memref<2x128xi32, #tpu.memory_space<vmem>>, vector<16xi32>,
      %dma_start3A = arith.constant 0 : i32
      %dma_start3A_115 = arith.constant 0 : i32
      %dma_start3A_116 = arith.constant 0 : i32
      %dma_start3A_117 = arith.constant 0 : i32
      %dma_start3A_118 = tpu.memref_slice %arg7[%dma_start3A, %dma_start3A_116, %dma_start3A_117] : memref<2x128x128xf32, #tpu.memory_space<vmem>> -> memref<1x128x128xf32, #tpu.memory_space<vmem>>
      %dma_start3A_119 = tpu.memref_squeeze %dma_start3A_118 : memref<1x128x128xf32, #tpu.memory_space<vmem>> -> memref<128x128xf32, #tpu.memory_space<vmem>>
      %dma_start3A_120 = arith.constant 0 : i32
      %dma_start3A_121 = tpu.memref_slice %arg13[%dma_start3A_115, %dma_start3A_120] : memref<2x128xi32, #tpu.memory_space<vmem>> -> memref<1x128xi32, #tpu.memory_space<vmem>>
      %dma_start3A_122 = tpu.memref_squeeze %dma_start3A_121 : memref<1x128xi32, #tpu.memory_space<vmem>> -> memref<128xi32, #tpu.memory_space<vmem>>
      %dma_start3A_123 = arith.constant 0 : i32
      %dma_start3A_124 = arith.constant 0 : i32
      %dma_start3A_125 = tpu.memref_slice %arg6[%dma_start3A_123, %dma_start3A_124] : memref<6400x128xf32, #tpu.memory_space<vmem_shared>> -> memref<6400x128xf32, #tpu.memory_space<vmem_shared>>
      tpu.enqueue_indirect_dma source(%dma_start3A_119 : memref<128x128xf32, #tpu.memory_space<vmem>>) target(%dma_start3A_125 : memref<6400x128xf32, #tpu.memory_space<vmem_shared>>) offsets(%dma_start3A_122 : memref<128xi32, #tpu.memory_space<vmem>>) semaphore(%arg14 : memref<!tpu.dma_semaphore, #tpu.memory_space<semaphore_mem>>) {add = true}
      %dma_start3A_126 = arith.constant 1 : i32
      %dma_start3A_127 = arith.constant 1 : i32
      %dma_start3A_128 = arith.constant 0 : i32
      %dma_start3A_129 = arith.constant 0 : i32
      %dma_start3A_130 = tpu.memref_slice %arg7[%dma_start3A_126, %dma_start3A_128, %dma_start3A_129] : memref<2x128x128xf32, #tpu.memory_space<vmem>> -> memref<1x128x128xf32, #tpu.memory_space<vmem>>
      %dma_start3A_131 = tpu.memref_squeeze %dma_start3A_130 : memref<1x128x128xf32, #tpu.memory_space<vmem>> -> memref<128x128xf32, #tpu.memory_space<vmem>>
      %dma_start3A_132 = arith.constant 0 : i32
      %dma_start3A_133 = tpu.memref_slice %arg13[%dma_start3A_127, %dma_start3A_132] : memref<2x128xi32, #tpu.memory_space<vmem>> -> memref<1x128xi32, #tpu.memory_space<vmem>>
      %dma_start3A_134 = tpu.memref_squeeze %dma_start3A_133 : memref<1x128xi32, #tpu.memory_space<vmem>> -> memref<128xi32, #tpu.memory_space<vmem>>
      %dma_start3A_135 = arith.constant 0 : i32
      %dma_start3A_136 = arith.constant 0 : i32
      %dma_start3A_137 = tpu.memref_slice %arg6[%dma_start3A_135, %dma_start3A_136] : memref<6400x128xf32, #tpu.memory_space<vmem_shared>> -> memref<6400x128xf32, #tpu.memory_space<vmem_shared>>
      tpu.enqueue_indirect_dma source(%dma_start3A_131 : memref<128x128xf32, #tpu.memory_space<vmem>>) target(%dma_start3A_137 : memref<6400x128xf32, #tpu.memory_space<vmem_shared>>) offsets(%dma_start3A_134 : memref<128xi32, #tpu.memory_space<vmem>>) semaphore(%arg14 : memref<!tpu.dma_semaphore, #tpu.memory_space<semaphore_mem>>) {add = true}
      %mul3A_138 = arith.constant 392 : i32
      %mul3A_139 = arith.muli %arg1, %mul3A_138 : i32
      %dma_start3A_140 = arith.constant 0 : i32
      %dma_start3A_141 = arith.constant 0 : i32
      %dma_start3A_142 = tpu.memref_slice %arg8[%dma_start3A_140, %dma_start3A_141] : memref<112x128xi32, #tpu.memory_space<vmem>> -> memref<56x128xi32, #tpu.memory_space<vmem>>
      %dma_start3A_143 = arith.constant 0 : i32
      %dma_start3A_144 = tpu.memref_slice %arg2[%mul3A_139, %dma_start3A_143] : memref<6272x128xi32, #tpu.memory_space<hbm>> -> memref<56x128xi32, #tpu.memory_space<hbm>>
      %dma_start3A_145 = arith.constant 0 : i32
      %dma_start3A_146 = arith.constant 0 : i32
      %dma_start3A_147 = tpu.memref_slice %arg8[%dma_start3A_145, %dma_start3A_146] : memref<112x128xi32, #tpu.memory_space<vmem>> -> memref<56x128xi32, #tpu.memory_space<vmem>>
      %dma_start3A_148 = arith.constant 0 : i32
      %dma_start3A_149 = tpu.memref_slice %arg2[%mul3A_139, %dma_start3A_148] : memref<6272x128xi32, #tpu.memory_space<hbm>> -> memref<56x128xi32, #tpu.memory_space<hbm>>
      tpu.enqueue_dma source(%dma_start3A_149 : memref<56x128xi32, #tpu.memory_space<hbm>>) target(%dma_start3A_147 : memref<56x128xi32, #tpu.memory_space<vmem>>) target_semaphore(%arg16 : memref<!tpu.dma_semaphore, #tpu.memory_space<semaphore_mem>>)
      %dma_start3A_150 = arith.constant 0 : i32
      %dma_start3A_151 = arith.constant 0 : i32
      %dma_start3A_152 = tpu.memref_slice %arg9[%dma_start3A_150, %dma_start3A_151] : memref<112x128xi32, #tpu.memory_space<vmem>> -> memref<56x128xi32, #tpu.memory_space<vmem>>
      %dma_start3A_153 = arith.constant 0 : i32
      %dma_start3A_154 = tpu.memref_slice %arg3[%mul3A_139, %dma_start3A_153] : memref<6272x128xi32, #tpu.memory_space<hbm>> -> memref<56x128xi32, #tpu.memory_space<hbm>>
      %dma_start3A_155 = arith.constant 0 : i32
      %dma_start3A_156 = arith.constant 0 : i32
      %dma_start3A_157 = tpu.memref_slice %arg9[%dma_start3A_155, %dma_start3A_156] : memref<112x128xi32, #tpu.memory_space<vmem>> -> memref<56x128xi32, #tpu.memory_space<vmem>>
      %dma_start3A_158 = arith.constant 0 : i32
      %dma_start3A_159 = tpu.memref_slice %arg3[%mul3A_139, %dma_start3A_158] : memref<6272x128xi32, #tpu.memory_space<hbm>> -> memref<56x128xi32, #tpu.memory_space<hbm>>
      tpu.enqueue_dma source(%dma_start3A_159 : memref<56x128xi32, #tpu.memory_space<hbm>>) target(%dma_start3A_157 : memref<56x128xi32, #tpu.memory_space<vmem>>) target_semaphore(%arg16 : memref<!tpu.dma_semaphore, #tpu.memory_space<semaphore_mem>>)
      %scan3A_160 = arith.constant 0 : i32
      %scan3A_161 = arith.constant 0 : i32
      %scan3A_162 = arith.constant 0 : i32
      %scan3A_163 = arith.constant 7 : i32
      %scan3A_164 = arith.addi %scan3A_162, %scan3A_163 : i32
      %scan3A_165 = arith.constant 1 : i32
      %scan3A_166:2 = scf.for %scan3A_203 = %scan3A_162 to %scan3A_164 step %scan3A_165 iter_args(%scan3A_204 = %scan3A_160, %scan3A_205 = %scan3A_161) -> (i32, i32)  : i32 {
        %rem3A_206 = arith.constant 2 : i32
        %rem3A_207 = arith.remsi %scan3A_203, %rem3A_206 : i32
        %mul3A_208 = arith.constant 56 : i32
        %mul3A_209 = arith.muli %rem3A_207, %mul3A_208 : i32
        %multiple_of3A = tpu.assume_multiple %mul3A_209, 8 : i32
        %dma_wait3A_210 = arith.constant 0 : i32
        %dma_wait3A_211 = arith.constant 0 : i32
        %dma_wait3A_212 = tpu.memref_slice %arg8[%dma_wait3A_210, %dma_wait3A_211] : memref<112x128xi32, #tpu.memory_space<vmem>> -> memref<56x128xi32, #tpu.memory_space<vmem>>
        %dma_wait3A_213 = arith.constant 0 : i32
        %dma_wait3A_214 = arith.constant 0 : i32
        %dma_wait3A_215 = tpu.memref_slice %arg2[%dma_wait3A_213, %dma_wait3A_214] : memref<6272x128xi32, #tpu.memory_space<hbm>> -> memref<56x128xi32, #tpu.memory_space<hbm>>
        %dma_wait3A_216 = arith.constant 0 : i32
        %dma_wait3A_217 = arith.constant 0 : i32
        %dma_wait3A_218 = tpu.memref_slice %arg8[%dma_wait3A_216, %dma_wait3A_217] : memref<112x128xi32, #tpu.memory_space<vmem>> -> memref<56x128xi32, #tpu.memory_space<vmem>>
        %dma_wait3A_219 = arith.constant 0 : i32
        %dma_wait3A_220 = arith.constant 0 : i32
        %dma_wait3A_221 = tpu.memref_slice %arg2[%dma_wait3A_219, %dma_wait3A_220] : memref<6272x128xi32, #tpu.memory_space<hbm>> -> memref<56x128xi32, #tpu.memory_space<hbm>>
        tpu.wait_dma2 semaphore(%arg16 : memref<!tpu.dma_semaphore, #tpu.memory_space<semaphore_mem>>) src(%dma_wait3A_221 : memref<56x128xi32, #tpu.memory_space<hbm>>) dst(%dma_wait3A_218 : memref<56x128xi32, #tpu.memory_space<vmem>>)
        %dma_wait3A_222 = arith.constant 0 : i32
        %dma_wait3A_223 = arith.constant 0 : i32
        %dma_wait3A_224 = tpu.memref_slice %arg9[%dma_wait3A_222, %dma_wait3A_223] : memref<112x128xi32, #tpu.memory_space<vmem>> -> memref<56x128xi32, #tpu.memory_space<vmem>>
        %dma_wait3A_225 = arith.constant 0 : i32
        %dma_wait3A_226 = arith.constant 0 : i32
        %dma_wait3A_227 = tpu.memref_slice %arg3[%dma_wait3A_225, %dma_wait3A_226] : memref<6272x128xi32, #tpu.memory_space<hbm>> -> memref<56x128xi32, #tpu.memory_space<hbm>>
        %dma_wait3A_228 = arith.constant 0 : i32
        %dma_wait3A_229 = arith.constant 0 : i32
        %dma_wait3A_230 = tpu.memref_slice %arg9[%dma_wait3A_228, %dma_wait3A_229] : memref<112x128xi32, #tpu.memory_space<vmem>> -> memref<56x128xi32, #tpu.memory_space<vmem>>
        %dma_wait3A_231 = arith.constant 0 : i32
        %dma_wait3A_232 = arith.constant 0 : i32
        %dma_wait3A_233 = tpu.memref_slice %arg3[%dma_wait3A_231, %dma_wait3A_232] : memref<6272x128xi32, #tpu.memory_space<hbm>> -> memref<56x128xi32, #tpu.memory_space<hbm>>
        tpu.wait_dma2 semaphore(%arg16 : memref<!tpu.dma_semaphore, #tpu.memory_space<semaphore_mem>>) src(%dma_wait3A_233 : memref<56x128xi32, #tpu.memory_space<hbm>>) dst(%dma_wait3A_230 : memref<56x128xi32, #tpu.memory_space<vmem>>)
        %add3A_234 = arith.constant 1 : i32
        %add3A_235 = arith.addi %scan3A_203, %add3A_234 : i32
        %lt3A = arith.constant 7 : i32
        %lt3A_236 = arith.cmpi slt, %add3A_235, %lt3A : i32
        %convert_element_type3A_237 = arith.extui %lt3A_236 : i1 to i32
        %cond3A_238 = arith.constant 0 : i32
        %cond3A_239 = arith.constant 0 : i32
        %cond3A_240 = arith.cmpi ne, %convert_element_type3A_237, %cond3A_239 : i32
        %cond3A_241 = scf.if %cond3A_240 -> (i32) {
          %mul3A_248 = arith.constant 392 : i32
          %mul3A_249 = arith.muli %arg1, %mul3A_248 : i32
          %add3A_250 = arith.constant 1 : i32
          %add3A_251 = arith.addi %scan3A_203, %add3A_250 : i32
          %mul3A_252 = arith.constant 56 : i32
          %mul3A_253 = arith.muli %add3A_251, %mul3A_252 : i32
          %add3A_254 = arith.addi %mul3A_249, %mul3A_253 : i32
          %add3A_255 = arith.constant 1 : i32
          %add3A_256 = arith.addi %scan3A_203, %add3A_255 : i32
          %rem3A_257 = arith.constant 2 : i32
          %rem3A_258 = arith.remsi %add3A_256, %rem3A_257 : i32
          %mul3A_259 = arith.constant 56 : i32
          %mul3A_260 = arith.muli %rem3A_258, %mul3A_259 : i32
          %multiple_of3A_261 = tpu.assume_multiple %mul3A_260, 8 : i32
          %dma_start3A_262 = arith.constant 0 : i32
          %dma_start3A_263 = tpu.memref_slice %arg8[%multiple_of3A_261, %dma_start3A_262] : memref<112x128xi32, #tpu.memory_space<vmem>> -> memref<56x128xi32, #tpu.memory_space<vmem>>
          %dma_start3A_264 = arith.constant 0 : i32
          %dma_start3A_265 = tpu.memref_slice %arg2[%add3A_254, %dma_start3A_264] : memref<6272x128xi32, #tpu.memory_space<hbm>> -> memref<56x128xi32, #tpu.memory_space<hbm>>
          %dma_start3A_266 = arith.constant 0 : i32
          %dma_start3A_267 = tpu.memref_slice %arg8[%multiple_of3A_261, %dma_start3A_266] : memref<112x128xi32, #tpu.memory_space<vmem>> -> memref<56x128xi32, #tpu.memory_space<vmem>>
          %dma_start3A_268 = arith.constant 0 : i32
          %dma_start3A_269 = tpu.memref_slice %arg2[%add3A_254, %dma_start3A_268] : memref<6272x128xi32, #tpu.memory_space<hbm>> -> memref<56x128xi32, #tpu.memory_space<hbm>>
          tpu.enqueue_dma source(%dma_start3A_269 : memref<56x128xi32, #tpu.memory_space<hbm>>) target(%dma_start3A_267 : memref<56x128xi32, #tpu.memory_space<vmem>>) target_semaphore(%arg16 : memref<!tpu.dma_semaphore, #tpu.memory_space<semaphore_mem>>)
          %dma_start3A_270 = arith.constant 0 : i32
          %dma_start3A_271 = tpu.memref_slice %arg9[%multiple_of3A_261, %dma_start3A_270] : memref<112x128xi32, #tpu.memory_space<vmem>> -> memref<56x128xi32, #tpu.memory_space<vmem>>
          %dma_start3A_272 = arith.constant 0 : i32
          %dma_start3A_273 = tpu.memref_slice %arg3[%add3A_254, %dma_start3A_272] : memref<6272x128xi32, #tpu.memory_space<hbm>> -> memref<56x128xi32, #tpu.memory_space<hbm>>
          %dma_start3A_274 = arith.constant 0 : i32
          %dma_start3A_275 = tpu.memref_slice %arg9[%multiple_of3A_261, %dma_start3A_274] : memref<112x128xi32, #tpu.memory_space<vmem>> -> memref<56x128xi32, #tpu.memory_space<vmem>>
          %dma_start3A_276 = arith.constant 0 : i32
          %dma_start3A_277 = tpu.memref_slice %arg3[%add3A_254, %dma_start3A_276] : memref<6272x128xi32, #tpu.memory_space<hbm>> -> memref<56x128xi32, #tpu.memory_space<hbm>>
          tpu.enqueue_dma source(%dma_start3A_277 : memref<56x128xi32, #tpu.memory_space<hbm>>) target(%dma_start3A_275 : memref<56x128xi32, #tpu.memory_space<vmem>>) target_semaphore(%arg16 : memref<!tpu.dma_semaphore, #tpu.memory_space<semaphore_mem>>)
          %cond3A_278 = arith.constant 0 : i32
          scf.yield %cond3A_278 : i32
        } else {
          %cond3A_248 = arith.constant 0 : i32
          scf.yield %cond3A_248 : i32
        }
        %scan3A_242 = arith.constant 0 : i32
        %scan3A_243 = arith.constant 56 : i32
        %scan3A_244 = arith.addi %scan3A_242, %scan3A_243 : i32
        %scan3A_245 = arith.constant 1 : i32
        %scan3A_246:2 = scf.for %scan3A_248 = %scan3A_242 to %scan3A_244 step %scan3A_245 iter_args(%scan3A_249 = %scan3A_204, %scan3A_250 = %scan3A_205) -> (i32, i32)  : i32 {
          %add3A_251 = arith.addi %multiple_of3A, %scan3A_248 : i32
          %get3A = arith.index_cast %add3A_251 : i32 to index
          %get3A_252 = arith.constant 0 : index
          %get3A_253 = tpu.vector_load %arg8[%get3A, %get3A_252] {strides = array<i32>} : memref<112x128xi32, #tpu.memory_space<vmem>>, vector<16xi32>,
          %add3A_254 = arith.addi %multiple_of3A, %scan3A_248 : i32
          %get3A_255 = arith.index_cast %add3A_254 : i32 to index
          %get3A_256 = arith.constant 0 : index
          %get3A_257 = tpu.vector_load %arg9[%get3A_255, %get3A_256] {strides = array<i32>} : memref<112x128xi32, #tpu.memory_space<vmem>>, vector<16xi32>,
          %sub3A = vector.broadcast %mul3A_8 : i32 to vector<16xi32>
          %sub3A_258 = arith.subi %get3A_257, %sub3A : vector<16xi32>
          %lt3A_259 = arith.constant 6272 : i32
          %lt3A_260 = vector.broadcast %lt3A_259 : i32 to vector<16xi32>
          %lt3A_261 = arith.cmpi ult, %sub3A_258, %lt3A_260 : vector<16xi32>
          %swap3A_262 = arith.index_cast %scan3A_249 : i32 to index
          %swap3A_263 = tpu.vector_load %arg10[%swap3A_262] masked %lt3A_261 {strides = array<i32>} : memref<272xi32, #tpu.memory_space<vmem>>, vector<16xi32>, vector<16xi1>
          tpu.vector_store %arg10[%swap3A_262], %get3A_253 masked %lt3A_261 {strides = array<i32>} : memref<272xi32, #tpu.memory_space<vmem>>, vector<16xi32>, vector<16xi1>
          %swap3A_264 = arith.index_cast %scan3A_249 : i32 to index
          %swap3A_265 = tpu.vector_load %arg11[%swap3A_264] masked %lt3A_261 {strides = array<i32>} : memref<272xi32, #tpu.memory_space<vmem>>, vector<16xi32>, vector<16xi1>
          tpu.vector_store %arg11[%swap3A_264], %sub3A_258 masked %lt3A_261 {strides = array<i32>} : memref<272xi32, #tpu.memory_space<vmem>>, vector<16xi32>, vector<16xi1>
          %jit3A = arith.constant 1 : i32
          %jit3A_266 = arith.constant 0 : i32
          %broadcast_in_dim3A_267 = vector.broadcast %jit3A : i32 to vector<16xi32>
          %broadcast_in_dim3A_268 = vector.broadcast %jit3A_266 : i32 to vector<16xi32>
          %select_n3A = arith.select %lt3A_261, %broadcast_in_dim3A_267, %broadcast_in_dim3A_268 : vector<16xi1>, vector<16xi32>
          %reduce_sum3A = arith.constant true
          %reduce_sum3A_269 = vector.broadcast %reduce_sum3A : i1 to vector<16xi1>
          %reduce_sum3A_270 = tpu.scan <sum>, %select_n3A masked %reduce_sum3A_269 : vector<16xi32>, vector<16xi1> -> vector<16xi32>
          %reduce_sum3A_271 = vector.extract %reduce_sum3A_270[15] : i32 from vector<16xi32>
          %add3A_272 = arith.addi %scan3A_249, %reduce_sum3A_271 : i32
          %add3A_273 = arith.addi %multiple_of3A, %scan3A_248 : i32
          %get3A_274 = arith.index_cast %add3A_273 : i32 to index
          %get3A_275 = arith.constant 16 : index
          %get3A_276 = tpu.vector_load %arg8[%get3A_274, %get3A_275] {strides = array<i32>} : memref<112x128xi32, #tpu.memory_space<vmem>>, vector<16xi32>,
          %add3A_277 = arith.addi %multiple_of3A, %scan3A_248 : i32
          %get3A_278 = arith.index_cast %add3A_277 : i32 to index
          %get3A_279 = arith.constant 16 : index
          %get3A_280 = tpu.vector_load %arg9[%get3A_278, %get3A_279] {strides = array<i32>} : memref<112x128xi32, #tpu.memory_space<vmem>>, vector<16xi32>,
          %sub3A_281 = vector.broadcast %mul3A_8 : i32 to vector<16xi32>
          %sub3A_282 = arith.subi %get3A_280, %sub3A_281 : vector<16xi32>
          %lt3A_283 = arith.constant 6272 : i32
          %lt3A_284 = vector.broadcast %lt3A_283 : i32 to vector<16xi32>
          %lt3A_285 = arith.cmpi ult, %sub3A_282, %lt3A_284 : vector<16xi32>
          %swap3A_286 = arith.index_cast %add3A_272 : i32 to index
          %swap3A_287 = tpu.vector_load %arg10[%swap3A_286] masked %lt3A_285 {strides = array<i32>} : memref<272xi32, #tpu.memory_space<vmem>>, vector<16xi32>, vector<16xi1>
          tpu.vector_store %arg10[%swap3A_286], %get3A_276 masked %lt3A_285 {strides = array<i32>} : memref<272xi32, #tpu.memory_space<vmem>>, vector<16xi32>, vector<16xi1>
          %swap3A_288 = arith.index_cast %add3A_272 : i32 to index
          %swap3A_289 = tpu.vector_load %arg11[%swap3A_288] masked %lt3A_285 {strides = array<i32>} : memref<272xi32, #tpu.memory_space<vmem>>, vector<16xi32>, vector<16xi1>
          tpu.vector_store %arg11[%swap3A_288], %sub3A_282 masked %lt3A_285 {strides = array<i32>} : memref<272xi32, #tpu.memory_space<vmem>>, vector<16xi32>, vector<16xi1>
          %jit3A_290 = arith.constant 1 : i32
          %jit3A_291 = arith.constant 0 : i32
          %broadcast_in_dim3A_292 = vector.broadcast %jit3A_290 : i32 to vector<16xi32>
          %broadcast_in_dim3A_293 = vector.broadcast %jit3A_291 : i32 to vector<16xi32>
          %select_n3A_294 = arith.select %lt3A_285, %broadcast_in_dim3A_292, %broadcast_in_dim3A_293 : vector<16xi1>, vector<16xi32>
          %reduce_sum3A_295 = arith.constant true
          %reduce_sum3A_296 = vector.broadcast %reduce_sum3A_295 : i1 to vector<16xi1>
          %reduce_sum3A_297 = tpu.scan <sum>, %select_n3A_294 masked %reduce_sum3A_296 : vector<16xi32>, vector<16xi1> -> vector<16xi32>
          %reduce_sum3A_298 = vector.extract %reduce_sum3A_297[15] : i32 from vector<16xi32>
          %add3A_299 = arith.addi %add3A_272, %reduce_sum3A_298 : i32
          %add3A_300 = arith.addi %multiple_of3A, %scan3A_248 : i32
          %get3A_301 = arith.index_cast %add3A_300 : i32 to index
          %get3A_302 = arith.constant 32 : index
          %get3A_303 = tpu.vector_load %arg8[%get3A_301, %get3A_302] {strides = array<i32>} : memref<112x128xi32, #tpu.memory_space<vmem>>, vector<16xi32>,
          %add3A_304 = arith.addi %multiple_of3A, %scan3A_248 : i32
          %get3A_305 = arith.index_cast %add3A_304 : i32 to index
          %get3A_306 = arith.constant 32 : index
          %get3A_307 = tpu.vector_load %arg9[%get3A_305, %get3A_306] {strides = array<i32>} : memref<112x128xi32, #tpu.memory_space<vmem>>, vector<16xi32>,
          %sub3A_308 = vector.broadcast %mul3A_8 : i32 to vector<16xi32>
          %sub3A_309 = arith.subi %get3A_307, %sub3A_308 : vector<16xi32>
          %lt3A_310 = arith.constant 6272 : i32
          %lt3A_311 = vector.broadcast %lt3A_310 : i32 to vector<16xi32>
          %lt3A_312 = arith.cmpi ult, %sub3A_309, %lt3A_311 : vector<16xi32>
          %swap3A_313 = arith.index_cast %add3A_299 : i32 to index
          %swap3A_314 = tpu.vector_load %arg10[%swap3A_313] masked %lt3A_312 {strides = array<i32>} : memref<272xi32, #tpu.memory_space<vmem>>, vector<16xi32>, vector<16xi1>
          tpu.vector_store %arg10[%swap3A_313], %get3A_303 masked %lt3A_312 {strides = array<i32>} : memref<272xi32, #tpu.memory_space<vmem>>, vector<16xi32>, vector<16xi1>
          %swap3A_315 = arith.index_cast %add3A_299 : i32 to index
          %swap3A_316 = tpu.vector_load %arg11[%swap3A_315] masked %lt3A_312 {strides = array<i32>} : memref<272xi32, #tpu.memory_space<vmem>>, vector<16xi32>, vector<16xi1>
          tpu.vector_store %arg11[%swap3A_315], %sub3A_309 masked %lt3A_312 {strides = array<i32>} : memref<272xi32, #tpu.memory_space<vmem>>, vector<16xi32>, vector<16xi1>
          %jit3A_317 = arith.constant 1 : i32
          %jit3A_318 = arith.constant 0 : i32
          %broadcast_in_dim3A_319 = vector.broadcast %jit3A_317 : i32 to vector<16xi32>
          %broadcast_in_dim3A_320 = vector.broadcast %jit3A_318 : i32 to vector<16xi32>
          %select_n3A_321 = arith.select %lt3A_312, %broadcast_in_dim3A_319, %broadcast_in_dim3A_320 : vector<16xi1>, vector<16xi32>
          %reduce_sum3A_322 = arith.constant true
          %reduce_sum3A_323 = vector.broadcast %reduce_sum3A_322 : i1 to vector<16xi1>
          %reduce_sum3A_324 = tpu.scan <sum>, %select_n3A_321 masked %reduce_sum3A_323 : vector<16xi32>, vector<16xi1> -> vector<16xi32>
          %reduce_sum3A_325 = vector.extract %reduce_sum3A_324[15] : i32 from vector<16xi32>
          %add3A_326 = arith.addi %add3A_299, %reduce_sum3A_325 : i32
          %add3A_327 = arith.addi %multiple_of3A, %scan3A_248 : i32
          %get3A_328 = arith.index_cast %add3A_327 : i32 to index
          %get3A_329 = arith.constant 48 : index
          %get3A_330 = tpu.vector_load %arg8[%get3A_328, %get3A_329] {strides = array<i32>} : memref<112x128xi32, #tpu.memory_space<vmem>>, vector<16xi32>,
          %add3A_331 = arith.addi %multiple_of3A, %scan3A_248 : i32
          %get3A_332 = arith.index_cast %add3A_331 : i32 to index
          %get3A_333 = arith.constant 48 : index
          %get3A_334 = tpu.vector_load %arg9[%get3A_332, %get3A_333] {strides = array<i32>} : memref<112x128xi32, #tpu.memory_space<vmem>>, vector<16xi32>,
          %sub3A_335 = vector.broadcast %mul3A_8 : i32 to vector<16xi32>
          %sub3A_336 = arith.subi %get3A_334, %sub3A_335 : vector<16xi32>
          %lt3A_337 = arith.constant 6272 : i32
          %lt3A_338 = vector.broadcast %lt3A_337 : i32 to vector<16xi32>
          %lt3A_339 = arith.cmpi ult, %sub3A_336, %lt3A_338 : vector<16xi32>
          %swap3A_340 = arith.index_cast %add3A_326 : i32 to index
          %swap3A_341 = tpu.vector_load %arg10[%swap3A_340] masked %lt3A_339 {strides = array<i32>} : memref<272xi32, #tpu.memory_space<vmem>>, vector<16xi32>, vector<16xi1>
          tpu.vector_store %arg10[%swap3A_340], %get3A_330 masked %lt3A_339 {strides = array<i32>} : memref<272xi32, #tpu.memory_space<vmem>>, vector<16xi32>, vector<16xi1>
          %swap3A_342 = arith.index_cast %add3A_326 : i32 to index
          %swap3A_343 = tpu.vector_load %arg11[%swap3A_342] masked %lt3A_339 {strides = array<i32>} : memref<272xi32, #tpu.memory_space<vmem>>, vector<16xi32>, vector<16xi1>
          tpu.vector_store %arg11[%swap3A_342], %sub3A_336 masked %lt3A_339 {strides = array<i32>} : memref<272xi32, #tpu.memory_space<vmem>>, vector<16xi32>, vector<16xi1>
          %jit3A_344 = arith.constant 1 : i32
          %jit3A_345 = arith.constant 0 : i32
          %broadcast_in_dim3A_346 = vector.broadcast %jit3A_344 : i32 to vector<16xi32>
          %broadcast_in_dim3A_347 = vector.broadcast %jit3A_345 : i32 to vector<16xi32>
          %select_n3A_348 = arith.select %lt3A_339, %broadcast_in_dim3A_346, %broadcast_in_dim3A_347 : vector<16xi1>, vector<16xi32>
          %reduce_sum3A_349 = arith.constant true
          %reduce_sum3A_350 = vector.broadcast %reduce_sum3A_349 : i1 to vector<16xi1>
          %reduce_sum3A_351 = tpu.scan <sum>, %select_n3A_348 masked %reduce_sum3A_350 : vector<16xi32>, vector<16xi1> -> vector<16xi32>
          %reduce_sum3A_352 = vector.extract %reduce_sum3A_351[15] : i32 from vector<16xi32>
          %add3A_353 = arith.addi %add3A_326, %reduce_sum3A_352 : i32
          %add3A_354 = arith.addi %multiple_of3A, %scan3A_248 : i32
          %get3A_355 = arith.index_cast %add3A_354 : i32 to index
          %get3A_356 = arith.constant 64 : index
          %get3A_357 = tpu.vector_load %arg8[%get3A_355, %get3A_356] {strides = array<i32>} : memref<112x128xi32, #tpu.memory_space<vmem>>, vector<16xi32>,
          %add3A_358 = arith.addi %multiple_of3A, %scan3A_248 : i32
          %get3A_359 = arith.index_cast %add3A_358 : i32 to index
          %get3A_360 = arith.constant 64 : index
          %get3A_361 = tpu.vector_load %arg9[%get3A_359, %get3A_360] {strides = array<i32>} : memref<112x128xi32, #tpu.memory_space<vmem>>, vector<16xi32>,
          %sub3A_362 = vector.broadcast %mul3A_8 : i32 to vector<16xi32>
          %sub3A_363 = arith.subi %get3A_361, %sub3A_362 : vector<16xi32>
          %lt3A_364 = arith.constant 6272 : i32
          %lt3A_365 = vector.broadcast %lt3A_364 : i32 to vector<16xi32>
          %lt3A_366 = arith.cmpi ult, %sub3A_363, %lt3A_365 : vector<16xi32>
          %swap3A_367 = arith.index_cast %add3A_353 : i32 to index
          %swap3A_368 = tpu.vector_load %arg10[%swap3A_367] masked %lt3A_366 {strides = array<i32>} : memref<272xi32, #tpu.memory_space<vmem>>, vector<16xi32>, vector<16xi1>
          tpu.vector_store %arg10[%swap3A_367], %get3A_357 masked %lt3A_366 {strides = array<i32>} : memref<272xi32, #tpu.memory_space<vmem>>, vector<16xi32>, vector<16xi1>
          %swap3A_369 = arith.index_cast %add3A_353 : i32 to index
          %swap3A_370 = tpu.vector_load %arg11[%swap3A_369] masked %lt3A_366 {strides = array<i32>} : memref<272xi32, #tpu.memory_space<vmem>>, vector<16xi32>, vector<16xi1>
          tpu.vector_store %arg11[%swap3A_369], %sub3A_363 masked %lt3A_366 {strides = array<i32>} : memref<272xi32, #tpu.memory_space<vmem>>, vector<16xi32>, vector<16xi1>
          %jit3A_371 = arith.constant 1 : i32
          %jit3A_372 = arith.constant 0 : i32
          %broadcast_in_dim3A_373 = vector.broadcast %jit3A_371 : i32 to vector<16xi32>
          %broadcast_in_dim3A_374 = vector.broadcast %jit3A_372 : i32 to vector<16xi32>
          %select_n3A_375 = arith.select %lt3A_366, %broadcast_in_dim3A_373, %broadcast_in_dim3A_374 : vector<16xi1>, vector<16xi32>
          %reduce_sum3A_376 = arith.constant true
          %reduce_sum3A_377 = vector.broadcast %reduce_sum3A_376 : i1 to vector<16xi1>
          %reduce_sum3A_378 = tpu.scan <sum>, %select_n3A_375 masked %reduce_sum3A_377 : vector<16xi32>, vector<16xi1> -> vector<16xi32>
          %reduce_sum3A_379 = vector.extract %reduce_sum3A_378[15] : i32 from vector<16xi32>
          %add3A_380 = arith.addi %add3A_353, %reduce_sum3A_379 : i32
          %add3A_381 = arith.addi %multiple_of3A, %scan3A_248 : i32
          %get3A_382 = arith.index_cast %add3A_381 : i32 to index
          %get3A_383 = arith.constant 80 : index
          %get3A_384 = tpu.vector_load %arg8[%get3A_382, %get3A_383] {strides = array<i32>} : memref<112x128xi32, #tpu.memory_space<vmem>>, vector<16xi32>,
          %add3A_385 = arith.addi %multiple_of3A, %scan3A_248 : i32
          %get3A_386 = arith.index_cast %add3A_385 : i32 to index
          %get3A_387 = arith.constant 80 : index
          %get3A_388 = tpu.vector_load %arg9[%get3A_386, %get3A_387] {strides = array<i32>} : memref<112x128xi32, #tpu.memory_space<vmem>>, vector<16xi32>,
          %sub3A_389 = vector.broadcast %mul3A_8 : i32 to vector<16xi32>
          %sub3A_390 = arith.subi %get3A_388, %sub3A_389 : vector<16xi32>
          %lt3A_391 = arith.constant 6272 : i32
          %lt3A_392 = vector.broadcast %lt3A_391 : i32 to vector<16xi32>
          %lt3A_393 = arith.cmpi ult, %sub3A_390, %lt3A_392 : vector<16xi32>
          %swap3A_394 = arith.index_cast %add3A_380 : i32 to index
          %swap3A_395 = tpu.vector_load %arg10[%swap3A_394] masked %lt3A_393 {strides = array<i32>} : memref<272xi32, #tpu.memory_space<vmem>>, vector<16xi32>, vector<16xi1>
          tpu.vector_store %arg10[%swap3A_394], %get3A_384 masked %lt3A_393 {strides = array<i32>} : memref<272xi32, #tpu.memory_space<vmem>>, vector<16xi32>, vector<16xi1>
          %swap3A_396 = arith.index_cast %add3A_380 : i32 to index
          %swap3A_397 = tpu.vector_load %arg11[%swap3A_396] masked %lt3A_393 {strides = array<i32>} : memref<272xi32, #tpu.memory_space<vmem>>, vector<16xi32>, vector<16xi1>
          tpu.vector_store %arg11[%swap3A_396], %sub3A_390 masked %lt3A_393 {strides = array<i32>} : memref<272xi32, #tpu.memory_space<vmem>>, vector<16xi32>, vector<16xi1>
          %jit3A_398 = arith.constant 1 : i32
          %jit3A_399 = arith.constant 0 : i32
          %broadcast_in_dim3A_400 = vector.broadcast %jit3A_398 : i32 to vector<16xi32>
          %broadcast_in_dim3A_401 = vector.broadcast %jit3A_399 : i32 to vector<16xi32>
          %select_n3A_402 = arith.select %lt3A_393, %broadcast_in_dim3A_400, %broadcast_in_dim3A_401 : vector<16xi1>, vector<16xi32>
          %reduce_sum3A_403 = arith.constant true
          %reduce_sum3A_404 = vector.broadcast %reduce_sum3A_403 : i1 to vector<16xi1>
          %reduce_sum3A_405 = tpu.scan <sum>, %select_n3A_402 masked %reduce_sum3A_404 : vector<16xi32>, vector<16xi1> -> vector<16xi32>
          %reduce_sum3A_406 = vector.extract %reduce_sum3A_405[15] : i32 from vector<16xi32>
          %add3A_407 = arith.addi %add3A_380, %reduce_sum3A_406 : i32
          %add3A_408 = arith.addi %multiple_of3A, %scan3A_248 : i32
          %get3A_409 = arith.index_cast %add3A_408 : i32 to index
          %get3A_410 = arith.constant 96 : index
          %get3A_411 = tpu.vector_load %arg8[%get3A_409, %get3A_410] {strides = array<i32>} : memref<112x128xi32, #tpu.memory_space<vmem>>, vector<16xi32>,
          %add3A_412 = arith.addi %multiple_of3A, %scan3A_248 : i32
          %get3A_413 = arith.index_cast %add3A_412 : i32 to index
          %get3A_414 = arith.constant 96 : index
          %get3A_415 = tpu.vector_load %arg9[%get3A_413, %get3A_414] {strides = array<i32>} : memref<112x128xi32, #tpu.memory_space<vmem>>, vector<16xi32>,
          %sub3A_416 = vector.broadcast %mul3A_8 : i32 to vector<16xi32>
          %sub3A_417 = arith.subi %get3A_415, %sub3A_416 : vector<16xi32>
          %lt3A_418 = arith.constant 6272 : i32
          %lt3A_419 = vector.broadcast %lt3A_418 : i32 to vector<16xi32>
          %lt3A_420 = arith.cmpi ult, %sub3A_417, %lt3A_419 : vector<16xi32>
          %swap3A_421 = arith.index_cast %add3A_407 : i32 to index
          %swap3A_422 = tpu.vector_load %arg10[%swap3A_421] masked %lt3A_420 {strides = array<i32>} : memref<272xi32, #tpu.memory_space<vmem>>, vector<16xi32>, vector<16xi1>
          tpu.vector_store %arg10[%swap3A_421], %get3A_411 masked %lt3A_420 {strides = array<i32>} : memref<272xi32, #tpu.memory_space<vmem>>, vector<16xi32>, vector<16xi1>
          %swap3A_423 = arith.index_cast %add3A_407 : i32 to index
          %swap3A_424 = tpu.vector_load %arg11[%swap3A_423] masked %lt3A_420 {strides = array<i32>} : memref<272xi32, #tpu.memory_space<vmem>>, vector<16xi32>, vector<16xi1>
          tpu.vector_store %arg11[%swap3A_423], %sub3A_417 masked %lt3A_420 {strides = array<i32>} : memref<272xi32, #tpu.memory_space<vmem>>, vector<16xi32>, vector<16xi1>
          %jit3A_425 = arith.constant 1 : i32
          %jit3A_426 = arith.constant 0 : i32
          %broadcast_in_dim3A_427 = vector.broadcast %jit3A_425 : i32 to vector<16xi32>
          %broadcast_in_dim3A_428 = vector.broadcast %jit3A_426 : i32 to vector<16xi32>
          %select_n3A_429 = arith.select %lt3A_420, %broadcast_in_dim3A_427, %broadcast_in_dim3A_428 : vector<16xi1>, vector<16xi32>
          %reduce_sum3A_430 = arith.constant true
          %reduce_sum3A_431 = vector.broadcast %reduce_sum3A_430 : i1 to vector<16xi1>
          %reduce_sum3A_432 = tpu.scan <sum>, %select_n3A_429 masked %reduce_sum3A_431 : vector<16xi32>, vector<16xi1> -> vector<16xi32>
          %reduce_sum3A_433 = vector.extract %reduce_sum3A_432[15] : i32 from vector<16xi32>
          %add3A_434 = arith.addi %add3A_407, %reduce_sum3A_433 : i32
          %add3A_435 = arith.addi %multiple_of3A, %scan3A_248 : i32
          %get3A_436 = arith.index_cast %add3A_435 : i32 to index
          %get3A_437 = arith.constant 112 : index
          %get3A_438 = tpu.vector_load %arg8[%get3A_436, %get3A_437] {strides = array<i32>} : memref<112x128xi32, #tpu.memory_space<vmem>>, vector<16xi32>,
          %add3A_439 = arith.addi %multiple_of3A, %scan3A_248 : i32
          %get3A_440 = arith.index_cast %add3A_439 : i32 to index
          %get3A_441 = arith.constant 112 : index
          %get3A_442 = tpu.vector_load %arg9[%get3A_440, %get3A_441] {strides = array<i32>} : memref<112x128xi32, #tpu.memory_space<vmem>>, vector<16xi32>,
          %sub3A_443 = vector.broadcast %mul3A_8 : i32 to vector<16xi32>
          %sub3A_444 = arith.subi %get3A_442, %sub3A_443 : vector<16xi32>
          %lt3A_445 = arith.constant 6272 : i32
          %lt3A_446 = vector.broadcast %lt3A_445 : i32 to vector<16xi32>
          %lt3A_447 = arith.cmpi ult, %sub3A_444, %lt3A_446 : vector<16xi32>
          %swap3A_448 = arith.index_cast %add3A_434 : i32 to index
          %swap3A_449 = tpu.vector_load %arg10[%swap3A_448] masked %lt3A_447 {strides = array<i32>} : memref<272xi32, #tpu.memory_space<vmem>>, vector<16xi32>, vector<16xi1>
          tpu.vector_store %arg10[%swap3A_448], %get3A_438 masked %lt3A_447 {strides = array<i32>} : memref<272xi32, #tpu.memory_space<vmem>>, vector<16xi32>, vector<16xi1>
          %swap3A_450 = arith.index_cast %add3A_434 : i32 to index
          %swap3A_451 = tpu.vector_load %arg11[%swap3A_450] masked %lt3A_447 {strides = array<i32>} : memref<272xi32, #tpu.memory_space<vmem>>, vector<16xi32>, vector<16xi1>
          tpu.vector_store %arg11[%swap3A_450], %sub3A_444 masked %lt3A_447 {strides = array<i32>} : memref<272xi32, #tpu.memory_space<vmem>>, vector<16xi32>, vector<16xi1>
          %jit3A_452 = arith.constant 1 : i32
          %jit3A_453 = arith.constant 0 : i32
          %broadcast_in_dim3A_454 = vector.broadcast %jit3A_452 : i32 to vector<16xi32>
          %broadcast_in_dim3A_455 = vector.broadcast %jit3A_453 : i32 to vector<16xi32>
          %select_n3A_456 = arith.select %lt3A_447, %broadcast_in_dim3A_454, %broadcast_in_dim3A_455 : vector<16xi1>, vector<16xi32>
          %reduce_sum3A_457 = arith.constant true
          %reduce_sum3A_458 = vector.broadcast %reduce_sum3A_457 : i1 to vector<16xi1>
          %reduce_sum3A_459 = tpu.scan <sum>, %select_n3A_456 masked %reduce_sum3A_458 : vector<16xi32>, vector<16xi1> -> vector<16xi32>
          %reduce_sum3A_460 = vector.extract %reduce_sum3A_459[15] : i32 from vector<16xi32>
          %add3A_461 = arith.addi %add3A_434, %reduce_sum3A_460 : i32
          %ge3A = arith.constant 128 : i32
          %ge3A_462 = arith.cmpi sge, %add3A_461, %ge3A : i32
          %convert_element_type3A_463 = arith.extui %ge3A_462 : i1 to i32
          %cond3A_464 = arith.constant 0 : i32
          %cond3A_465 = arith.cmpi ne, %convert_element_type3A_463, %cond3A_464 : i32
          %cond3A_466:2 = scf.if %cond3A_465 -> (i32, i32) {
            %rem3A_467 = arith.constant 2 : i32
            %rem3A_468 = arith.remsi %scan3A_250, %rem3A_467 : i32
            %eq3A_469 = arith.constant 0 : i32
            %eq3A_470 = arith.cmpi eq, %rem3A_468, %eq3A_469 : i32
            %convert_element_type3A_471 = arith.extui %eq3A_470 : i1 to i32
            %cond3A_472 = arith.constant 0 : i32
            %cond3A_473 = arith.constant 0 : i32
            %cond3A_474 = arith.cmpi ne, %convert_element_type3A_471, %cond3A_473 : i32
            %cond3A_475 = scf.if %cond3A_474 -> (i32) {
              %dma_wait3A_544 = arith.constant 0 : i32
              %dma_wait3A_545 = arith.constant 0 : i32
              %dma_wait3A_546 = arith.constant 0 : i32
              %dma_wait3A_547 = arith.constant 0 : i32
              %dma_wait3A_548 = tpu.memref_slice %arg7[%dma_wait3A_544, %dma_wait3A_546, %dma_wait3A_547] : memref<2x128x128xf32, #tpu.memory_space<vmem>> -> memref<1x128x128xf32, #tpu.memory_space<vmem>>
              %dma_wait3A_549 = tpu.memref_squeeze %dma_wait3A_548 : memref<1x128x128xf32, #tpu.memory_space<vmem>> -> memref<128x128xf32, #tpu.memory_space<vmem>>
              %dma_wait3A_550 = arith.constant 0 : i32
              %dma_wait3A_551 = tpu.memref_slice %arg13[%dma_wait3A_545, %dma_wait3A_550] : memref<2x128xi32, #tpu.memory_space<vmem>> -> memref<1x128xi32, #tpu.memory_space<vmem>>
              %dma_wait3A_552 = tpu.memref_squeeze %dma_wait3A_551 : memref<1x128xi32, #tpu.memory_space<vmem>> -> memref<128xi32, #tpu.memory_space<vmem>>
              %dma_wait3A_553 = arith.constant 0 : i32
              %dma_wait3A_554 = arith.constant 0 : i32
              %dma_wait3A_555 = tpu.memref_slice %arg6[%dma_wait3A_553, %dma_wait3A_554] : memref<6400x128xf32, #tpu.memory_space<vmem_shared>> -> memref<6400x128xf32, #tpu.memory_space<vmem_shared>>
              tpu.wait_indirect_dma semaphore(%arg14 : memref<!tpu.dma_semaphore, #tpu.memory_space<semaphore_mem>>) src(%dma_wait3A_549 : memref<128x128xf32, #tpu.memory_space<vmem>>) dst(%dma_wait3A_555 : memref<6400x128xf32, #tpu.memory_space<vmem_shared>>)
              %get3A_556 = arith.constant 0 : index
              %get3A_557 = tpu.vector_load %arg10[%get3A_556] {strides = array<i32>} : memref<272xi32, #tpu.memory_space<vmem>>, vector<16xi32>,
              %get3A_558 = arith.constant 0 : index
              %get3A_559 = tpu.vector_load %arg11[%get3A_558] {strides = array<i32>} : memref<272xi32, #tpu.memory_space<vmem>>, vector<16xi32>,
              %swap3A_560 = arith.constant 0 : i32
              %swap3A_561 = arith.index_cast %swap3A_560 : i32 to index
              %swap3A_562 = arith.constant 0 : index
              %swap3A_563 = tpu.vector_load %arg12[%swap3A_561, %swap3A_562] {strides = array<i32>} : memref<2x128xi32, #tpu.memory_space<vmem>>, vector<16xi32>,
              tpu.vector_store %arg12[%swap3A_561, %swap3A_562], %get3A_557 {strides = array<i32>} : memref<2x128xi32, #tpu.memory_space<vmem>>, vector<16xi32>,
              %swap3A_564 = arith.constant 0 : i32
              %swap3A_565 = arith.index_cast %swap3A_564 : i32 to index
              %swap3A_566 = arith.constant 0 : index
              %swap3A_567 = tpu.vector_load %arg13[%swap3A_565, %swap3A_566] {strides = array<i32>} : memref<2x128xi32, #tpu.memory_space<vmem>>, vector<16xi32>,
              tpu.vector_store %arg13[%swap3A_565, %swap3A_566], %get3A_559 {strides = array<i32>} : memref<2x128xi32, #tpu.memory_space<vmem>>, vector<16xi32>,
              %get3A_568 = arith.constant 16 : index
              %get3A_569 = tpu.vector_load %arg10[%get3A_568] {strides = array<i32>} : memref<272xi32, #tpu.memory_space<vmem>>, vector<16xi32>,
              %get3A_570 = arith.constant 16 : index
              %get3A_571 = tpu.vector_load %arg11[%get3A_570] {strides = array<i32>} : memref<272xi32, #tpu.memory_space<vmem>>, vector<16xi32>,
              %swap3A_572 = arith.constant 0 : i32
              %swap3A_573 = arith.index_cast %swap3A_572 : i32 to index
              %swap3A_574 = arith.constant 16 : index
              %swap3A_575 = tpu.vector_load %arg12[%swap3A_573, %swap3A_574] {strides = array<i32>} : memref<2x128xi32, #tpu.memory_space<vmem>>, vector<16xi32>,
              tpu.vector_store %arg12[%swap3A_573, %swap3A_574], %get3A_569 {strides = array<i32>} : memref<2x128xi32, #tpu.memory_space<vmem>>, vector<16xi32>,
              %swap3A_576 = arith.constant 0 : i32
              %swap3A_577 = arith.index_cast %swap3A_576 : i32 to index
              %swap3A_578 = arith.constant 16 : index
              %swap3A_579 = tpu.vector_load %arg13[%swap3A_577, %swap3A_578] {strides = array<i32>} : memref<2x128xi32, #tpu.memory_space<vmem>>, vector<16xi32>,
              tpu.vector_store %arg13[%swap3A_577, %swap3A_578], %get3A_571 {strides = array<i32>} : memref<2x128xi32, #tpu.memory_space<vmem>>, vector<16xi32>,
              %get3A_580 = arith.constant 32 : index
              %get3A_581 = tpu.vector_load %arg10[%get3A_580] {strides = array<i32>} : memref<272xi32, #tpu.memory_space<vmem>>, vector<16xi32>,
              %get3A_582 = arith.constant 32 : index
              %get3A_583 = tpu.vector_load %arg11[%get3A_582] {strides = array<i32>} : memref<272xi32, #tpu.memory_space<vmem>>, vector<16xi32>,
              %swap3A_584 = arith.constant 0 : i32
              %swap3A_585 = arith.index_cast %swap3A_584 : i32 to index
              %swap3A_586 = arith.constant 32 : index
              %swap3A_587 = tpu.vector_load %arg12[%swap3A_585, %swap3A_586] {strides = array<i32>} : memref<2x128xi32, #tpu.memory_space<vmem>>, vector<16xi32>,
              tpu.vector_store %arg12[%swap3A_585, %swap3A_586], %get3A_581 {strides = array<i32>} : memref<2x128xi32, #tpu.memory_space<vmem>>, vector<16xi32>,
              %swap3A_588 = arith.constant 0 : i32
              %swap3A_589 = arith.index_cast %swap3A_588 : i32 to index
              %swap3A_590 = arith.constant 32 : index
              %swap3A_591 = tpu.vector_load %arg13[%swap3A_589, %swap3A_590] {strides = array<i32>} : memref<2x128xi32, #tpu.memory_space<vmem>>, vector<16xi32>,
              tpu.vector_store %arg13[%swap3A_589, %swap3A_590], %get3A_583 {strides = array<i32>} : memref<2x128xi32, #tpu.memory_space<vmem>>, vector<16xi32>,
              %get3A_592 = arith.constant 48 : index
              %get3A_593 = tpu.vector_load %arg10[%get3A_592] {strides = array<i32>} : memref<272xi32, #tpu.memory_space<vmem>>, vector<16xi32>,
              %get3A_594 = arith.constant 48 : index
              %get3A_595 = tpu.vector_load %arg11[%get3A_594] {strides = array<i32>} : memref<272xi32, #tpu.memory_space<vmem>>, vector<16xi32>,
              %swap3A_596 = arith.constant 0 : i32
              %swap3A_597 = arith.index_cast %swap3A_596 : i32 to index
              %swap3A_598 = arith.constant 48 : index
              %swap3A_599 = tpu.vector_load %arg12[%swap3A_597, %swap3A_598] {strides = array<i32>} : memref<2x128xi32, #tpu.memory_space<vmem>>, vector<16xi32>,
              tpu.vector_store %arg12[%swap3A_597, %swap3A_598], %get3A_593 {strides = array<i32>} : memref<2x128xi32, #tpu.memory_space<vmem>>, vector<16xi32>,
              %swap3A_600 = arith.constant 0 : i32
              %swap3A_601 = arith.index_cast %swap3A_600 : i32 to index
              %swap3A_602 = arith.constant 48 : index
              %swap3A_603 = tpu.vector_load %arg13[%swap3A_601, %swap3A_602] {strides = array<i32>} : memref<2x128xi32, #tpu.memory_space<vmem>>, vector<16xi32>,
              tpu.vector_store %arg13[%swap3A_601, %swap3A_602], %get3A_595 {strides = array<i32>} : memref<2x128xi32, #tpu.memory_space<vmem>>, vector<16xi32>,
              %get3A_604 = arith.constant 64 : index
              %get3A_605 = tpu.vector_load %arg10[%get3A_604] {strides = array<i32>} : memref<272xi32, #tpu.memory_space<vmem>>, vector<16xi32>,
              %get3A_606 = arith.constant 64 : index
              %get3A_607 = tpu.vector_load %arg11[%get3A_606] {strides = array<i32>} : memref<272xi32, #tpu.memory_space<vmem>>, vector<16xi32>,
              %swap3A_608 = arith.constant 0 : i32
              %swap3A_609 = arith.index_cast %swap3A_608 : i32 to index
              %swap3A_610 = arith.constant 64 : index
              %swap3A_611 = tpu.vector_load %arg12[%swap3A_609, %swap3A_610] {strides = array<i32>} : memref<2x128xi32, #tpu.memory_space<vmem>>, vector<16xi32>,
              tpu.vector_store %arg12[%swap3A_609, %swap3A_610], %get3A_605 {strides = array<i32>} : memref<2x128xi32, #tpu.memory_space<vmem>>, vector<16xi32>,
              %swap3A_612 = arith.constant 0 : i32
              %swap3A_613 = arith.index_cast %swap3A_612 : i32 to index
              %swap3A_614 = arith.constant 64 : index
              %swap3A_615 = tpu.vector_load %arg13[%swap3A_613, %swap3A_614] {strides = array<i32>} : memref<2x128xi32, #tpu.memory_space<vmem>>, vector<16xi32>,
              tpu.vector_store %arg13[%swap3A_613, %swap3A_614], %get3A_607 {strides = array<i32>} : memref<2x128xi32, #tpu.memory_space<vmem>>, vector<16xi32>,
              %get3A_616 = arith.constant 80 : index
              %get3A_617 = tpu.vector_load %arg10[%get3A_616] {strides = array<i32>} : memref<272xi32, #tpu.memory_space<vmem>>, vector<16xi32>,
              %get3A_618 = arith.constant 80 : index
              %get3A_619 = tpu.vector_load %arg11[%get3A_618] {strides = array<i32>} : memref<272xi32, #tpu.memory_space<vmem>>, vector<16xi32>,
              %swap3A_620 = arith.constant 0 : i32
              %swap3A_621 = arith.index_cast %swap3A_620 : i32 to index
              %swap3A_622 = arith.constant 80 : index
              %swap3A_623 = tpu.vector_load %arg12[%swap3A_621, %swap3A_622] {strides = array<i32>} : memref<2x128xi32, #tpu.memory_space<vmem>>, vector<16xi32>,
              tpu.vector_store %arg12[%swap3A_621, %swap3A_622], %get3A_617 {strides = array<i32>} : memref<2x128xi32, #tpu.memory_space<vmem>>, vector<16xi32>,
              %swap3A_624 = arith.constant 0 : i32
              %swap3A_625 = arith.index_cast %swap3A_624 : i32 to index
              %swap3A_626 = arith.constant 80 : index
              %swap3A_627 = tpu.vector_load %arg13[%swap3A_625, %swap3A_626] {strides = array<i32>} : memref<2x128xi32, #tpu.memory_space<vmem>>, vector<16xi32>,
              tpu.vector_store %arg13[%swap3A_625, %swap3A_626], %get3A_619 {strides = array<i32>} : memref<2x128xi32, #tpu.memory_space<vmem>>, vector<16xi32>,
              %get3A_628 = arith.constant 96 : index
              %get3A_629 = tpu.vector_load %arg10[%get3A_628] {strides = array<i32>} : memref<272xi32, #tpu.memory_space<vmem>>, vector<16xi32>,
              %get3A_630 = arith.constant 96 : index
              %get3A_631 = tpu.vector_load %arg11[%get3A_630] {strides = array<i32>} : memref<272xi32, #tpu.memory_space<vmem>>, vector<16xi32>,
              %swap3A_632 = arith.constant 0 : i32
              %swap3A_633 = arith.index_cast %swap3A_632 : i32 to index
              %swap3A_634 = arith.constant 96 : index
              %swap3A_635 = tpu.vector_load %arg12[%swap3A_633, %swap3A_634] {strides = array<i32>} : memref<2x128xi32, #tpu.memory_space<vmem>>, vector<16xi32>,
              tpu.vector_store %arg12[%swap3A_633, %swap3A_634], %get3A_629 {strides = array<i32>} : memref<2x128xi32, #tpu.memory_space<vmem>>, vector<16xi32>,
              %swap3A_636 = arith.constant 0 : i32
              %swap3A_637 = arith.index_cast %swap3A_636 : i32 to index
              %swap3A_638 = arith.constant 96 : index
              %swap3A_639 = tpu.vector_load %arg13[%swap3A_637, %swap3A_638] {strides = array<i32>} : memref<2x128xi32, #tpu.memory_space<vmem>>, vector<16xi32>,
              tpu.vector_store %arg13[%swap3A_637, %swap3A_638], %get3A_631 {strides = array<i32>} : memref<2x128xi32, #tpu.memory_space<vmem>>, vector<16xi32>,
              %get3A_640 = arith.constant 112 : index
              %get3A_641 = tpu.vector_load %arg10[%get3A_640] {strides = array<i32>} : memref<272xi32, #tpu.memory_space<vmem>>, vector<16xi32>,
              %get3A_642 = arith.constant 112 : index
              %get3A_643 = tpu.vector_load %arg11[%get3A_642] {strides = array<i32>} : memref<272xi32, #tpu.memory_space<vmem>>, vector<16xi32>,
              %swap3A_644 = arith.constant 0 : i32
              %swap3A_645 = arith.index_cast %swap3A_644 : i32 to index
              %swap3A_646 = arith.constant 112 : index
              %swap3A_647 = tpu.vector_load %arg12[%swap3A_645, %swap3A_646] {strides = array<i32>} : memref<2x128xi32, #tpu.memory_space<vmem>>, vector<16xi32>,
              tpu.vector_store %arg12[%swap3A_645, %swap3A_646], %get3A_641 {strides = array<i32>} : memref<2x128xi32, #tpu.memory_space<vmem>>, vector<16xi32>,
              %swap3A_648 = arith.constant 0 : i32
              %swap3A_649 = arith.index_cast %swap3A_648 : i32 to index
              %swap3A_650 = arith.constant 112 : index
              %swap3A_651 = tpu.vector_load %arg13[%swap3A_649, %swap3A_650] {strides = array<i32>} : memref<2x128xi32, #tpu.memory_space<vmem>>, vector<16xi32>,
              tpu.vector_store %arg13[%swap3A_649, %swap3A_650], %get3A_643 {strides = array<i32>} : memref<2x128xi32, #tpu.memory_space<vmem>>, vector<16xi32>,
              %dma_start3A_652 = arith.constant 0 : i32
              %dma_start3A_653 = arith.constant 0 : i32
              %dma_start3A_654 = arith.constant 0 : i32
              %dma_start3A_655 = arith.constant 0 : i32
              %dma_start3A_656 = tpu.memref_slice %arg7[%dma_start3A_653, %dma_start3A_654, %dma_start3A_655] : memref<2x128x128xf32, #tpu.memory_space<vmem>> -> memref<1x64x128xf32, #tpu.memory_space<vmem>>
              %dma_start3A_657 = tpu.memref_squeeze %dma_start3A_656 : memref<1x64x128xf32, #tpu.memory_space<vmem>> -> memref<64x128xf32, #tpu.memory_space<vmem>>
              %dma_start3A_658 = arith.constant 0 : i32
              %dma_start3A_659 = tpu.memref_slice %arg12[%dma_start3A_652, %dma_start3A_658] : memref<2x128xi32, #tpu.memory_space<vmem>> -> memref<1x64xi32, #tpu.memory_space<vmem>>
              %dma_start3A_660 = tpu.memref_squeeze %dma_start3A_659 : memref<1x64xi32, #tpu.memory_space<vmem>> -> memref<64xi32, #tpu.memory_space<vmem>>
              %dma_start3A_661 = arith.constant 0 : i32
              %dma_start3A_662 = arith.constant 0 : i32
              %dma_start3A_663 = tpu.memref_slice %arg4[%dma_start3A_661, %dma_start3A_662] : memref<50176x128xf32, #tpu.memory_space<hbm>> -> memref<50176x128xf32, #tpu.memory_space<hbm>>
              tpu.enqueue_indirect_dma source(%dma_start3A_663 : memref<50176x128xf32, #tpu.memory_space<hbm>>) target(%dma_start3A_657 : memref<64x128xf32, #tpu.memory_space<vmem>>) offsets(%dma_start3A_660 : memref<64xi32, #tpu.memory_space<vmem>>) semaphore(%arg15 : memref<!tpu.dma_semaphore, #tpu.memory_space<semaphore_mem>>)
              %dma_start3A_664 = arith.constant 0 : i32
              %dma_start3A_665 = arith.constant 0 : i32
              %dma_start3A_666 = arith.constant 64 : i32
              %dma_start3A_667 = arith.constant 0 : i32
              %dma_start3A_668 = tpu.memref_slice %arg7[%dma_start3A_665, %dma_start3A_666, %dma_start3A_667] : memref<2x128x128xf32, #tpu.memory_space<vmem>> -> memref<1x64x128xf32, #tpu.memory_space<vmem>>
              %dma_start3A_669 = tpu.memref_squeeze %dma_start3A_668 : memref<1x64x128xf32, #tpu.memory_space<vmem>> -> memref<64x128xf32, #tpu.memory_space<vmem>>
              %dma_start3A_670 = arith.constant 64 : i32
              %dma_start3A_671 = tpu.memref_slice %arg12[%dma_start3A_664, %dma_start3A_670] : memref<2x128xi32, #tpu.memory_space<vmem>> -> memref<1x64xi32, #tpu.memory_space<vmem>>
              %dma_start3A_672 = tpu.memref_squeeze %dma_start3A_671 : memref<1x64xi32, #tpu.memory_space<vmem>> -> memref<64xi32, #tpu.memory_space<vmem>>
              %dma_start3A_673 = arith.constant 0 : i32
              %dma_start3A_674 = arith.constant 0 : i32
              %dma_start3A_675 = tpu.memref_slice %arg4[%dma_start3A_673, %dma_start3A_674] : memref<50176x128xf32, #tpu.memory_space<hbm>> -> memref<50176x128xf32, #tpu.memory_space<hbm>>
              tpu.enqueue_indirect_dma source(%dma_start3A_675 : memref<50176x128xf32, #tpu.memory_space<hbm>>) target(%dma_start3A_669 : memref<64x128xf32, #tpu.memory_space<vmem>>) offsets(%dma_start3A_672 : memref<64xi32, #tpu.memory_space<vmem>>) semaphore(%arg15 : memref<!tpu.dma_semaphore, #tpu.memory_space<semaphore_mem>>)
              %dma_wait3A_676 = arith.constant 0 : i32
              %dma_wait3A_677 = arith.constant 0 : i32
              %dma_wait3A_678 = arith.constant 0 : i32
              %dma_wait3A_679 = arith.constant 0 : i32
              %dma_wait3A_680 = tpu.memref_slice %arg7[%dma_wait3A_677, %dma_wait3A_678, %dma_wait3A_679] : memref<2x128x128xf32, #tpu.memory_space<vmem>> -> memref<1x64x128xf32, #tpu.memory_space<vmem>>
              %dma_wait3A_681 = tpu.memref_squeeze %dma_wait3A_680 : memref<1x64x128xf32, #tpu.memory_space<vmem>> -> memref<64x128xf32, #tpu.memory_space<vmem>>
              %dma_wait3A_682 = arith.constant 0 : i32
              %dma_wait3A_683 = tpu.memref_slice %arg12[%dma_wait3A_676, %dma_wait3A_682] : memref<2x128xi32, #tpu.memory_space<vmem>> -> memref<1x64xi32, #tpu.memory_space<vmem>>
              %dma_wait3A_684 = tpu.memref_squeeze %dma_wait3A_683 : memref<1x64xi32, #tpu.memory_space<vmem>> -> memref<64xi32, #tpu.memory_space<vmem>>
              %dma_wait3A_685 = arith.constant 0 : i32
              %dma_wait3A_686 = arith.constant 0 : i32
              %dma_wait3A_687 = tpu.memref_slice %arg4[%dma_wait3A_685, %dma_wait3A_686] : memref<50176x128xf32, #tpu.memory_space<hbm>> -> memref<50176x128xf32, #tpu.memory_space<hbm>>
              tpu.wait_indirect_dma semaphore(%arg15 : memref<!tpu.dma_semaphore, #tpu.memory_space<semaphore_mem>>) src(%dma_wait3A_687 : memref<50176x128xf32, #tpu.memory_space<hbm>>) dst(%dma_wait3A_681 : memref<64x128xf32, #tpu.memory_space<vmem>>)
              %dma_wait3A_688 = arith.constant 0 : i32
              %dma_wait3A_689 = arith.constant 0 : i32
              %dma_wait3A_690 = arith.constant 64 : i32
              %dma_wait3A_691 = arith.constant 0 : i32
              %dma_wait3A_692 = tpu.memref_slice %arg7[%dma_wait3A_689, %dma_wait3A_690, %dma_wait3A_691] : memref<2x128x128xf32, #tpu.memory_space<vmem>> -> memref<1x64x128xf32, #tpu.memory_space<vmem>>
              %dma_wait3A_693 = tpu.memref_squeeze %dma_wait3A_692 : memref<1x64x128xf32, #tpu.memory_space<vmem>> -> memref<64x128xf32, #tpu.memory_space<vmem>>
              %dma_wait3A_694 = arith.constant 64 : i32
              %dma_wait3A_695 = tpu.memref_slice %arg12[%dma_wait3A_688, %dma_wait3A_694] : memref<2x128xi32, #tpu.memory_space<vmem>> -> memref<1x64xi32, #tpu.memory_space<vmem>>
              %dma_wait3A_696 = tpu.memref_squeeze %dma_wait3A_695 : memref<1x64xi32, #tpu.memory_space<vmem>> -> memref<64xi32, #tpu.memory_space<vmem>>
              %dma_wait3A_697 = arith.constant 0 : i32
              %dma_wait3A_698 = arith.constant 0 : i32
              %dma_wait3A_699 = tpu.memref_slice %arg4[%dma_wait3A_697, %dma_wait3A_698] : memref<50176x128xf32, #tpu.memory_space<hbm>> -> memref<50176x128xf32, #tpu.memory_space<hbm>>
              tpu.wait_indirect_dma semaphore(%arg15 : memref<!tpu.dma_semaphore, #tpu.memory_space<semaphore_mem>>) src(%dma_wait3A_699 : memref<50176x128xf32, #tpu.memory_space<hbm>>) dst(%dma_wait3A_693 : memref<64x128xf32, #tpu.memory_space<vmem>>)
              %dma_start3A_700 = arith.constant 0 : i32
              %dma_start3A_701 = arith.constant 0 : i32
              %dma_start3A_702 = arith.constant 0 : i32
              %dma_start3A_703 = arith.constant 0 : i32
              %dma_start3A_704 = tpu.memref_slice %arg7[%dma_start3A_700, %dma_start3A_702, %dma_start3A_703] : memref<2x128x128xf32, #tpu.memory_space<vmem>> -> memref<1x128x128xf32, #tpu.memory_space<vmem>>
              %dma_start3A_705 = tpu.memref_squeeze %dma_start3A_704 : memref<1x128x128xf32, #tpu.memory_space<vmem>> -> memref<128x128xf32, #tpu.memory_space<vmem>>
              %dma_start3A_706 = arith.constant 0 : i32
              %dma_start3A_707 = tpu.memref_slice %arg13[%dma_start3A_701, %dma_start3A_706] : memref<2x128xi32, #tpu.memory_space<vmem>> -> memref<1x128xi32, #tpu.memory_space<vmem>>
              %dma_start3A_708 = tpu.memref_squeeze %dma_start3A_707 : memref<1x128xi32, #tpu.memory_space<vmem>> -> memref<128xi32, #tpu.memory_space<vmem>>
              %dma_start3A_709 = arith.constant 0 : i32
              %dma_start3A_710 = arith.constant 0 : i32
              %dma_start3A_711 = tpu.memref_slice %arg6[%dma_start3A_709, %dma_start3A_710] : memref<6400x128xf32, #tpu.memory_space<vmem_shared>> -> memref<6400x128xf32, #tpu.memory_space<vmem_shared>>
              tpu.enqueue_indirect_dma source(%dma_start3A_705 : memref<128x128xf32, #tpu.memory_space<vmem>>) target(%dma_start3A_711 : memref<6400x128xf32, #tpu.memory_space<vmem_shared>>) offsets(%dma_start3A_708 : memref<128xi32, #tpu.memory_space<vmem>>) semaphore(%arg14 : memref<!tpu.dma_semaphore, #tpu.memory_space<semaphore_mem>>) {add = true}
              %cond3A_712 = arith.constant 0 : i32
              scf.yield %cond3A_712 : i32
            } else {
              %dma_wait3A_544 = arith.constant 0 : i32
              %dma_wait3A_545 = arith.constant 0 : i32
              %dma_wait3A_546 = arith.constant 0 : i32
              %dma_wait3A_547 = arith.constant 0 : i32
              %dma_wait3A_548 = tpu.memref_slice %arg7[%dma_wait3A_544, %dma_wait3A_546, %dma_wait3A_547] : memref<2x128x128xf32, #tpu.memory_space<vmem>> -> memref<1x128x128xf32, #tpu.memory_space<vmem>>
              %dma_wait3A_549 = tpu.memref_squeeze %dma_wait3A_548 : memref<1x128x128xf32, #tpu.memory_space<vmem>> -> memref<128x128xf32, #tpu.memory_space<vmem>>
              %dma_wait3A_550 = arith.constant 0 : i32
              %dma_wait3A_551 = tpu.memref_slice %arg13[%dma_wait3A_545, %dma_wait3A_550] : memref<2x128xi32, #tpu.memory_space<vmem>> -> memref<1x128xi32, #tpu.memory_space<vmem>>
              %dma_wait3A_552 = tpu.memref_squeeze %dma_wait3A_551 : memref<1x128xi32, #tpu.memory_space<vmem>> -> memref<128xi32, #tpu.memory_space<vmem>>
              %dma_wait3A_553 = arith.constant 0 : i32
              %dma_wait3A_554 = arith.constant 0 : i32
              %dma_wait3A_555 = tpu.memref_slice %arg6[%dma_wait3A_553, %dma_wait3A_554] : memref<6400x128xf32, #tpu.memory_space<vmem_shared>> -> memref<6400x128xf32, #tpu.memory_space<vmem_shared>>
              tpu.wait_indirect_dma semaphore(%arg14 : memref<!tpu.dma_semaphore, #tpu.memory_space<semaphore_mem>>) src(%dma_wait3A_549 : memref<128x128xf32, #tpu.memory_space<vmem>>) dst(%dma_wait3A_555 : memref<6400x128xf32, #tpu.memory_space<vmem_shared>>)
              %get3A_556 = arith.constant 0 : index
              %get3A_557 = tpu.vector_load %arg10[%get3A_556] {strides = array<i32>} : memref<272xi32, #tpu.memory_space<vmem>>, vector<16xi32>,
              %get3A_558 = arith.constant 0 : index
              %get3A_559 = tpu.vector_load %arg11[%get3A_558] {strides = array<i32>} : memref<272xi32, #tpu.memory_space<vmem>>, vector<16xi32>,
              %swap3A_560 = arith.constant 1 : i32
              %swap3A_561 = arith.index_cast %swap3A_560 : i32 to index
              %swap3A_562 = arith.constant 0 : index
              %swap3A_563 = tpu.vector_load %arg12[%swap3A_561, %swap3A_562] {strides = array<i32>} : memref<2x128xi32, #tpu.memory_space<vmem>>, vector<16xi32>,
              tpu.vector_store %arg12[%swap3A_561, %swap3A_562], %get3A_557 {strides = array<i32>} : memref<2x128xi32, #tpu.memory_space<vmem>>, vector<16xi32>,
              %swap3A_564 = arith.constant 1 : i32
              %swap3A_565 = arith.index_cast %swap3A_564 : i32 to index
              %swap3A_566 = arith.constant 0 : index
              %swap3A_567 = tpu.vector_load %arg13[%swap3A_565, %swap3A_566] {strides = array<i32>} : memref<2x128xi32, #tpu.memory_space<vmem>>, vector<16xi32>,
              tpu.vector_store %arg13[%swap3A_565, %swap3A_566], %get3A_559 {strides = array<i32>} : memref<2x128xi32, #tpu.memory_space<vmem>>, vector<16xi32>,
              %get3A_568 = arith.constant 16 : index
              %get3A_569 = tpu.vector_load %arg10[%get3A_568] {strides = array<i32>} : memref<272xi32, #tpu.memory_space<vmem>>, vector<16xi32>,
              %get3A_570 = arith.constant 16 : index
              %get3A_571 = tpu.vector_load %arg11[%get3A_570] {strides = array<i32>} : memref<272xi32, #tpu.memory_space<vmem>>, vector<16xi32>,
              %swap3A_572 = arith.constant 1 : i32
              %swap3A_573 = arith.index_cast %swap3A_572 : i32 to index
              %swap3A_574 = arith.constant 16 : index
              %swap3A_575 = tpu.vector_load %arg12[%swap3A_573, %swap3A_574] {strides = array<i32>} : memref<2x128xi32, #tpu.memory_space<vmem>>, vector<16xi32>,
              tpu.vector_store %arg12[%swap3A_573, %swap3A_574], %get3A_569 {strides = array<i32>} : memref<2x128xi32, #tpu.memory_space<vmem>>, vector<16xi32>,
              %swap3A_576 = arith.constant 1 : i32
              %swap3A_577 = arith.index_cast %swap3A_576 : i32 to index
              %swap3A_578 = arith.constant 16 : index
              %swap3A_579 = tpu.vector_load %arg13[%swap3A_577, %swap3A_578] {strides = array<i32>} : memref<2x128xi32, #tpu.memory_space<vmem>>, vector<16xi32>,
              tpu.vector_store %arg13[%swap3A_577, %swap3A_578], %get3A_571 {strides = array<i32>} : memref<2x128xi32, #tpu.memory_space<vmem>>, vector<16xi32>,
              %get3A_580 = arith.constant 32 : index
              %get3A_581 = tpu.vector_load %arg10[%get3A_580] {strides = array<i32>} : memref<272xi32, #tpu.memory_space<vmem>>, vector<16xi32>,
              %get3A_582 = arith.constant 32 : index
              %get3A_583 = tpu.vector_load %arg11[%get3A_582] {strides = array<i32>} : memref<272xi32, #tpu.memory_space<vmem>>, vector<16xi32>,
              %swap3A_584 = arith.constant 1 : i32
              %swap3A_585 = arith.index_cast %swap3A_584 : i32 to index
              %swap3A_586 = arith.constant 32 : index
              %swap3A_587 = tpu.vector_load %arg12[%swap3A_585, %swap3A_586] {strides = array<i32>} : memref<2x128xi32, #tpu.memory_space<vmem>>, vector<16xi32>,
              tpu.vector_store %arg12[%swap3A_585, %swap3A_586], %get3A_581 {strides = array<i32>} : memref<2x128xi32, #tpu.memory_space<vmem>>, vector<16xi32>,
              %swap3A_588 = arith.constant 1 : i32
              %swap3A_589 = arith.index_cast %swap3A_588 : i32 to index
              %swap3A_590 = arith.constant 32 : index
              %swap3A_591 = tpu.vector_load %arg13[%swap3A_589, %swap3A_590] {strides = array<i32>} : memref<2x128xi32, #tpu.memory_space<vmem>>, vector<16xi32>,
              tpu.vector_store %arg13[%swap3A_589, %swap3A_590], %get3A_583 {strides = array<i32>} : memref<2x128xi32, #tpu.memory_space<vmem>>, vector<16xi32>,
              %get3A_592 = arith.constant 48 : index
              %get3A_593 = tpu.vector_load %arg10[%get3A_592] {strides = array<i32>} : memref<272xi32, #tpu.memory_space<vmem>>, vector<16xi32>,
              %get3A_594 = arith.constant 48 : index
              %get3A_595 = tpu.vector_load %arg11[%get3A_594] {strides = array<i32>} : memref<272xi32, #tpu.memory_space<vmem>>, vector<16xi32>,
              %swap3A_596 = arith.constant 1 : i32
              %swap3A_597 = arith.index_cast %swap3A_596 : i32 to index
              %swap3A_598 = arith.constant 48 : index
              %swap3A_599 = tpu.vector_load %arg12[%swap3A_597, %swap3A_598] {strides = array<i32>} : memref<2x128xi32, #tpu.memory_space<vmem>>, vector<16xi32>,
              tpu.vector_store %arg12[%swap3A_597, %swap3A_598], %get3A_593 {strides = array<i32>} : memref<2x128xi32, #tpu.memory_space<vmem>>, vector<16xi32>,
              %swap3A_600 = arith.constant 1 : i32
              %swap3A_601 = arith.index_cast %swap3A_600 : i32 to index
              %swap3A_602 = arith.constant 48 : index
              %swap3A_603 = tpu.vector_load %arg13[%swap3A_601, %swap3A_602] {strides = array<i32>} : memref<2x128xi32, #tpu.memory_space<vmem>>, vector<16xi32>,
              tpu.vector_store %arg13[%swap3A_601, %swap3A_602], %get3A_595 {strides = array<i32>} : memref<2x128xi32, #tpu.memory_space<vmem>>, vector<16xi32>,
              %get3A_604 = arith.constant 64 : index
              %get3A_605 = tpu.vector_load %arg10[%get3A_604] {strides = array<i32>} : memref<272xi32, #tpu.memory_space<vmem>>, vector<16xi32>,
              %get3A_606 = arith.constant 64 : index
              %get3A_607 = tpu.vector_load %arg11[%get3A_606] {strides = array<i32>} : memref<272xi32, #tpu.memory_space<vmem>>, vector<16xi32>,
              %swap3A_608 = arith.constant 1 : i32
              %swap3A_609 = arith.index_cast %swap3A_608 : i32 to index
              %swap3A_610 = arith.constant 64 : index
              %swap3A_611 = tpu.vector_load %arg12[%swap3A_609, %swap3A_610] {strides = array<i32>} : memref<2x128xi32, #tpu.memory_space<vmem>>, vector<16xi32>,
              tpu.vector_store %arg12[%swap3A_609, %swap3A_610], %get3A_605 {strides = array<i32>} : memref<2x128xi32, #tpu.memory_space<vmem>>, vector<16xi32>,
              %swap3A_612 = arith.constant 1 : i32
              %swap3A_613 = arith.index_cast %swap3A_612 : i32 to index
              %swap3A_614 = arith.constant 64 : index
              %swap3A_615 = tpu.vector_load %arg13[%swap3A_613, %swap3A_614] {strides = array<i32>} : memref<2x128xi32, #tpu.memory_space<vmem>>, vector<16xi32>,
              tpu.vector_store %arg13[%swap3A_613, %swap3A_614], %get3A_607 {strides = array<i32>} : memref<2x128xi32, #tpu.memory_space<vmem>>, vector<16xi32>,
              %get3A_616 = arith.constant 80 : index
              %get3A_617 = tpu.vector_load %arg10[%get3A_616] {strides = array<i32>} : memref<272xi32, #tpu.memory_space<vmem>>, vector<16xi32>,
              %get3A_618 = arith.constant 80 : index
              %get3A_619 = tpu.vector_load %arg11[%get3A_618] {strides = array<i32>} : memref<272xi32, #tpu.memory_space<vmem>>, vector<16xi32>,
              %swap3A_620 = arith.constant 1 : i32
              %swap3A_621 = arith.index_cast %swap3A_620 : i32 to index
              %swap3A_622 = arith.constant 80 : index
              %swap3A_623 = tpu.vector_load %arg12[%swap3A_621, %swap3A_622] {strides = array<i32>} : memref<2x128xi32, #tpu.memory_space<vmem>>, vector<16xi32>,
              tpu.vector_store %arg12[%swap3A_621, %swap3A_622], %get3A_617 {strides = array<i32>} : memref<2x128xi32, #tpu.memory_space<vmem>>, vector<16xi32>,
              %swap3A_624 = arith.constant 1 : i32
              %swap3A_625 = arith.index_cast %swap3A_624 : i32 to index
              %swap3A_626 = arith.constant 80 : index
              %swap3A_627 = tpu.vector_load %arg13[%swap3A_625, %swap3A_626] {strides = array<i32>} : memref<2x128xi32, #tpu.memory_space<vmem>>, vector<16xi32>,
              tpu.vector_store %arg13[%swap3A_625, %swap3A_626], %get3A_619 {strides = array<i32>} : memref<2x128xi32, #tpu.memory_space<vmem>>, vector<16xi32>,
              %get3A_628 = arith.constant 96 : index
              %get3A_629 = tpu.vector_load %arg10[%get3A_628] {strides = array<i32>} : memref<272xi32, #tpu.memory_space<vmem>>, vector<16xi32>,
              %get3A_630 = arith.constant 96 : index
              %get3A_631 = tpu.vector_load %arg11[%get3A_630] {strides = array<i32>} : memref<272xi32, #tpu.memory_space<vmem>>, vector<16xi32>,
              %swap3A_632 = arith.constant 1 : i32
              %swap3A_633 = arith.index_cast %swap3A_632 : i32 to index
              %swap3A_634 = arith.constant 96 : index
              %swap3A_635 = tpu.vector_load %arg12[%swap3A_633, %swap3A_634] {strides = array<i32>} : memref<2x128xi32, #tpu.memory_space<vmem>>, vector<16xi32>,
              tpu.vector_store %arg12[%swap3A_633, %swap3A_634], %get3A_629 {strides = array<i32>} : memref<2x128xi32, #tpu.memory_space<vmem>>, vector<16xi32>,
              %swap3A_636 = arith.constant 1 : i32
              %swap3A_637 = arith.index_cast %swap3A_636 : i32 to index
              %swap3A_638 = arith.constant 96 : index
              %swap3A_639 = tpu.vector_load %arg13[%swap3A_637, %swap3A_638] {strides = array<i32>} : memref<2x128xi32, #tpu.memory_space<vmem>>, vector<16xi32>,
              tpu.vector_store %arg13[%swap3A_637, %swap3A_638], %get3A_631 {strides = array<i32>} : memref<2x128xi32, #tpu.memory_space<vmem>>, vector<16xi32>,
              %get3A_640 = arith.constant 112 : index
              %get3A_641 = tpu.vector_load %arg10[%get3A_640] {strides = array<i32>} : memref<272xi32, #tpu.memory_space<vmem>>, vector<16xi32>,
              %get3A_642 = arith.constant 112 : index
              %get3A_643 = tpu.vector_load %arg11[%get3A_642] {strides = array<i32>} : memref<272xi32, #tpu.memory_space<vmem>>, vector<16xi32>,
              %swap3A_644 = arith.constant 1 : i32
              %swap3A_645 = arith.index_cast %swap3A_644 : i32 to index
              %swap3A_646 = arith.constant 112 : index
              %swap3A_647 = tpu.vector_load %arg12[%swap3A_645, %swap3A_646] {strides = array<i32>} : memref<2x128xi32, #tpu.memory_space<vmem>>, vector<16xi32>,
              tpu.vector_store %arg12[%swap3A_645, %swap3A_646], %get3A_641 {strides = array<i32>} : memref<2x128xi32, #tpu.memory_space<vmem>>, vector<16xi32>,
              %swap3A_648 = arith.constant 1 : i32
              %swap3A_649 = arith.index_cast %swap3A_648 : i32 to index
              %swap3A_650 = arith.constant 112 : index
              %swap3A_651 = tpu.vector_load %arg13[%swap3A_649, %swap3A_650] {strides = array<i32>} : memref<2x128xi32, #tpu.memory_space<vmem>>, vector<16xi32>,
              tpu.vector_store %arg13[%swap3A_649, %swap3A_650], %get3A_643 {strides = array<i32>} : memref<2x128xi32, #tpu.memory_space<vmem>>, vector<16xi32>,
              %dma_start3A_652 = arith.constant 1 : i32
              %dma_start3A_653 = arith.constant 1 : i32
              %dma_start3A_654 = arith.constant 0 : i32
              %dma_start3A_655 = arith.constant 0 : i32
              %dma_start3A_656 = tpu.memref_slice %arg7[%dma_start3A_653, %dma_start3A_654, %dma_start3A_655] : memref<2x128x128xf32, #tpu.memory_space<vmem>> -> memref<1x64x128xf32, #tpu.memory_space<vmem>>
              %dma_start3A_657 = tpu.memref_squeeze %dma_start3A_656 : memref<1x64x128xf32, #tpu.memory_space<vmem>> -> memref<64x128xf32, #tpu.memory_space<vmem>>
              %dma_start3A_658 = arith.constant 0 : i32
              %dma_start3A_659 = tpu.memref_slice %arg12[%dma_start3A_652, %dma_start3A_658] : memref<2x128xi32, #tpu.memory_space<vmem>> -> memref<1x64xi32, #tpu.memory_space<vmem>>
              %dma_start3A_660 = tpu.memref_squeeze %dma_start3A_659 : memref<1x64xi32, #tpu.memory_space<vmem>> -> memref<64xi32, #tpu.memory_space<vmem>>
              %dma_start3A_661 = arith.constant 0 : i32
              %dma_start3A_662 = arith.constant 0 : i32
              %dma_start3A_663 = tpu.memref_slice %arg4[%dma_start3A_661, %dma_start3A_662] : memref<50176x128xf32, #tpu.memory_space<hbm>> -> memref<50176x128xf32, #tpu.memory_space<hbm>>
              tpu.enqueue_indirect_dma source(%dma_start3A_663 : memref<50176x128xf32, #tpu.memory_space<hbm>>) target(%dma_start3A_657 : memref<64x128xf32, #tpu.memory_space<vmem>>) offsets(%dma_start3A_660 : memref<64xi32, #tpu.memory_space<vmem>>) semaphore(%arg15 : memref<!tpu.dma_semaphore, #tpu.memory_space<semaphore_mem>>)
              %dma_start3A_664 = arith.constant 1 : i32
              %dma_start3A_665 = arith.constant 1 : i32
              %dma_start3A_666 = arith.constant 64 : i32
              %dma_start3A_667 = arith.constant 0 : i32
              %dma_start3A_668 = tpu.memref_slice %arg7[%dma_start3A_665, %dma_start3A_666, %dma_start3A_667] : memref<2x128x128xf32, #tpu.memory_space<vmem>> -> memref<1x64x128xf32, #tpu.memory_space<vmem>>
              %dma_start3A_669 = tpu.memref_squeeze %dma_start3A_668 : memref<1x64x128xf32, #tpu.memory_space<vmem>> -> memref<64x128xf32, #tpu.memory_space<vmem>>
              %dma_start3A_670 = arith.constant 64 : i32
              %dma_start3A_671 = tpu.memref_slice %arg12[%dma_start3A_664, %dma_start3A_670] : memref<2x128xi32, #tpu.memory_space<vmem>> -> memref<1x64xi32, #tpu.memory_space<vmem>>
              %dma_start3A_672 = tpu.memref_squeeze %dma_start3A_671 : memref<1x64xi32, #tpu.memory_space<vmem>> -> memref<64xi32, #tpu.memory_space<vmem>>
              %dma_start3A_673 = arith.constant 0 : i32
              %dma_start3A_674 = arith.constant 0 : i32
              %dma_start3A_675 = tpu.memref_slice %arg4[%dma_start3A_673, %dma_start3A_674] : memref<50176x128xf32, #tpu.memory_space<hbm>> -> memref<50176x128xf32, #tpu.memory_space<hbm>>
              tpu.enqueue_indirect_dma source(%dma_start3A_675 : memref<50176x128xf32, #tpu.memory_space<hbm>>) target(%dma_start3A_669 : memref<64x128xf32, #tpu.memory_space<vmem>>) offsets(%dma_start3A_672 : memref<64xi32, #tpu.memory_space<vmem>>) semaphore(%arg15 : memref<!tpu.dma_semaphore, #tpu.memory_space<semaphore_mem>>)
              %dma_wait3A_676 = arith.constant 1 : i32
              %dma_wait3A_677 = arith.constant 1 : i32
              %dma_wait3A_678 = arith.constant 0 : i32
              %dma_wait3A_679 = arith.constant 0 : i32
              %dma_wait3A_680 = tpu.memref_slice %arg7[%dma_wait3A_677, %dma_wait3A_678, %dma_wait3A_679] : memref<2x128x128xf32, #tpu.memory_space<vmem>> -> memref<1x64x128xf32, #tpu.memory_space<vmem>>
              %dma_wait3A_681 = tpu.memref_squeeze %dma_wait3A_680 : memref<1x64x128xf32, #tpu.memory_space<vmem>> -> memref<64x128xf32, #tpu.memory_space<vmem>>
              %dma_wait3A_682 = arith.constant 0 : i32
              %dma_wait3A_683 = tpu.memref_slice %arg12[%dma_wait3A_676, %dma_wait3A_682] : memref<2x128xi32, #tpu.memory_space<vmem>> -> memref<1x64xi32, #tpu.memory_space<vmem>>
              %dma_wait3A_684 = tpu.memref_squeeze %dma_wait3A_683 : memref<1x64xi32, #tpu.memory_space<vmem>> -> memref<64xi32, #tpu.memory_space<vmem>>
              %dma_wait3A_685 = arith.constant 0 : i32
              %dma_wait3A_686 = arith.constant 0 : i32
              %dma_wait3A_687 = tpu.memref_slice %arg4[%dma_wait3A_685, %dma_wait3A_686] : memref<50176x128xf32, #tpu.memory_space<hbm>> -> memref<50176x128xf32, #tpu.memory_space<hbm>>
              tpu.wait_indirect_dma semaphore(%arg15 : memref<!tpu.dma_semaphore, #tpu.memory_space<semaphore_mem>>) src(%dma_wait3A_687 : memref<50176x128xf32, #tpu.memory_space<hbm>>) dst(%dma_wait3A_681 : memref<64x128xf32, #tpu.memory_space<vmem>>)
              %dma_wait3A_688 = arith.constant 1 : i32
              %dma_wait3A_689 = arith.constant 1 : i32
              %dma_wait3A_690 = arith.constant 64 : i32
              %dma_wait3A_691 = arith.constant 0 : i32
              %dma_wait3A_692 = tpu.memref_slice %arg7[%dma_wait3A_689, %dma_wait3A_690, %dma_wait3A_691] : memref<2x128x128xf32, #tpu.memory_space<vmem>> -> memref<1x64x128xf32, #tpu.memory_space<vmem>>
              %dma_wait3A_693 = tpu.memref_squeeze %dma_wait3A_692 : memref<1x64x128xf32, #tpu.memory_space<vmem>> -> memref<64x128xf32, #tpu.memory_space<vmem>>
              %dma_wait3A_694 = arith.constant 64 : i32
              %dma_wait3A_695 = tpu.memref_slice %arg12[%dma_wait3A_688, %dma_wait3A_694] : memref<2x128xi32, #tpu.memory_space<vmem>> -> memref<1x64xi32, #tpu.memory_space<vmem>>
              %dma_wait3A_696 = tpu.memref_squeeze %dma_wait3A_695 : memref<1x64xi32, #tpu.memory_space<vmem>> -> memref<64xi32, #tpu.memory_space<vmem>>
              %dma_wait3A_697 = arith.constant 0 : i32
              %dma_wait3A_698 = arith.constant 0 : i32
              %dma_wait3A_699 = tpu.memref_slice %arg4[%dma_wait3A_697, %dma_wait3A_698] : memref<50176x128xf32, #tpu.memory_space<hbm>> -> memref<50176x128xf32, #tpu.memory_space<hbm>>
              tpu.wait_indirect_dma semaphore(%arg15 : memref<!tpu.dma_semaphore, #tpu.memory_space<semaphore_mem>>) src(%dma_wait3A_699 : memref<50176x128xf32, #tpu.memory_space<hbm>>) dst(%dma_wait3A_693 : memref<64x128xf32, #tpu.memory_space<vmem>>)
              %dma_start3A_700 = arith.constant 1 : i32
              %dma_start3A_701 = arith.constant 1 : i32
              %dma_start3A_702 = arith.constant 0 : i32
              %dma_start3A_703 = arith.constant 0 : i32
              %dma_start3A_704 = tpu.memref_slice %arg7[%dma_start3A_700, %dma_start3A_702, %dma_start3A_703] : memref<2x128x128xf32, #tpu.memory_space<vmem>> -> memref<1x128x128xf32, #tpu.memory_space<vmem>>
              %dma_start3A_705 = tpu.memref_squeeze %dma_start3A_704 : memref<1x128x128xf32, #tpu.memory_space<vmem>> -> memref<128x128xf32, #tpu.memory_space<vmem>>
              %dma_start3A_706 = arith.constant 0 : i32
              %dma_start3A_707 = tpu.memref_slice %arg13[%dma_start3A_701, %dma_start3A_706] : memref<2x128xi32, #tpu.memory_space<vmem>> -> memref<1x128xi32, #tpu.memory_space<vmem>>
              %dma_start3A_708 = tpu.memref_squeeze %dma_start3A_707 : memref<1x128xi32, #tpu.memory_space<vmem>> -> memref<128xi32, #tpu.memory_space<vmem>>
              %dma_start3A_709 = arith.constant 0 : i32
              %dma_start3A_710 = arith.constant 0 : i32
              %dma_start3A_711 = tpu.memref_slice %arg6[%dma_start3A_709, %dma_start3A_710] : memref<6400x128xf32, #tpu.memory_space<vmem_shared>> -> memref<6400x128xf32, #tpu.memory_space<vmem_shared>>
              tpu.enqueue_indirect_dma source(%dma_start3A_705 : memref<128x128xf32, #tpu.memory_space<vmem>>) target(%dma_start3A_711 : memref<6400x128xf32, #tpu.memory_space<vmem_shared>>) offsets(%dma_start3A_708 : memref<128xi32, #tpu.memory_space<vmem>>) semaphore(%arg14 : memref<!tpu.dma_semaphore, #tpu.memory_space<semaphore_mem>>) {add = true}
              %cond3A_712 = arith.constant 0 : i32
              scf.yield %cond3A_712 : i32
            }
            %get3A_476 = arith.constant 128 : index
            %get3A_477 = tpu.vector_load %arg10[%get3A_476] {strides = array<i32>} : memref<272xi32, #tpu.memory_space<vmem>>, vector<16xi32>,
            %swap3A_478 = arith.constant 0 : index
            %swap3A_479 = tpu.vector_load %arg10[%swap3A_478] {strides = array<i32>} : memref<272xi32, #tpu.memory_space<vmem>>, vector<16xi32>,
            tpu.vector_store %arg10[%swap3A_478], %get3A_477 {strides = array<i32>} : memref<272xi32, #tpu.memory_space<vmem>>, vector<16xi32>,
            %get3A_480 = arith.constant 128 : index
            %get3A_481 = tpu.vector_load %arg11[%get3A_480] {strides = array<i32>} : memref<272xi32, #tpu.memory_space<vmem>>, vector<16xi32>,
            %swap3A_482 = arith.constant 0 : index
            %swap3A_483 = tpu.vector_load %arg11[%swap3A_482] {strides = array<i32>} : memref<272xi32, #tpu.memory_space<vmem>>, vector<16xi32>,
            tpu.vector_store %arg11[%swap3A_482], %get3A_481 {strides = array<i32>} : memref<272xi32, #tpu.memory_space<vmem>>, vector<16xi32>,
            %get3A_484 = arith.constant 144 : index
            %get3A_485 = tpu.vector_load %arg10[%get3A_484] {strides = array<i32>} : memref<272xi32, #tpu.memory_space<vmem>>, vector<16xi32>,
            %swap3A_486 = arith.constant 16 : index
            %swap3A_487 = tpu.vector_load %arg10[%swap3A_486] {strides = array<i32>} : memref<272xi32, #tpu.memory_space<vmem>>, vector<16xi32>,
            tpu.vector_store %arg10[%swap3A_486], %get3A_485 {strides = array<i32>} : memref<272xi32, #tpu.memory_space<vmem>>, vector<16xi32>,
            %get3A_488 = arith.constant 144 : index
            %get3A_489 = tpu.vector_load %arg11[%get3A_488] {strides = array<i32>} : memref<272xi32, #tpu.memory_space<vmem>>, vector<16xi32>,
            %swap3A_490 = arith.constant 16 : index
            %swap3A_491 = tpu.vector_load %arg11[%swap3A_490] {strides = array<i32>} : memref<272xi32, #tpu.memory_space<vmem>>, vector<16xi32>,
            tpu.vector_store %arg11[%swap3A_490], %get3A_489 {strides = array<i32>} : memref<272xi32, #tpu.memory_space<vmem>>, vector<16xi32>,
            %get3A_492 = arith.constant 160 : index
            %get3A_493 = tpu.vector_load %arg10[%get3A_492] {strides = array<i32>} : memref<272xi32, #tpu.memory_space<vmem>>, vector<16xi32>,
            %swap3A_494 = arith.constant 32 : index
            %swap3A_495 = tpu.vector_load %arg10[%swap3A_494] {strides = array<i32>} : memref<272xi32, #tpu.memory_space<vmem>>, vector<16xi32>,
            tpu.vector_store %arg10[%swap3A_494], %get3A_493 {strides = array<i32>} : memref<272xi32, #tpu.memory_space<vmem>>, vector<16xi32>,
            %get3A_496 = arith.constant 160 : index
            %get3A_497 = tpu.vector_load %arg11[%get3A_496] {strides = array<i32>} : memref<272xi32, #tpu.memory_space<vmem>>, vector<16xi32>,
            %swap3A_498 = arith.constant 32 : index
            %swap3A_499 = tpu.vector_load %arg11[%swap3A_498] {strides = array<i32>} : memref<272xi32, #tpu.memory_space<vmem>>, vector<16xi32>,
            tpu.vector_store %arg11[%swap3A_498], %get3A_497 {strides = array<i32>} : memref<272xi32, #tpu.memory_space<vmem>>, vector<16xi32>,
            %get3A_500 = arith.constant 176 : index
            %get3A_501 = tpu.vector_load %arg10[%get3A_500] {strides = array<i32>} : memref<272xi32, #tpu.memory_space<vmem>>, vector<16xi32>,
            %swap3A_502 = arith.constant 48 : index
            %swap3A_503 = tpu.vector_load %arg10[%swap3A_502] {strides = array<i32>} : memref<272xi32, #tpu.memory_space<vmem>>, vector<16xi32>,
            tpu.vector_store %arg10[%swap3A_502], %get3A_501 {strides = array<i32>} : memref<272xi32, #tpu.memory_space<vmem>>, vector<16xi32>,
            %get3A_504 = arith.constant 176 : index
            %get3A_505 = tpu.vector_load %arg11[%get3A_504] {strides = array<i32>} : memref<272xi32, #tpu.memory_space<vmem>>, vector<16xi32>,
            %swap3A_506 = arith.constant 48 : index
            %swap3A_507 = tpu.vector_load %arg11[%swap3A_506] {strides = array<i32>} : memref<272xi32, #tpu.memory_space<vmem>>, vector<16xi32>,
            tpu.vector_store %arg11[%swap3A_506], %get3A_505 {strides = array<i32>} : memref<272xi32, #tpu.memory_space<vmem>>, vector<16xi32>,
            %get3A_508 = arith.constant 192 : index
            %get3A_509 = tpu.vector_load %arg10[%get3A_508] {strides = array<i32>} : memref<272xi32, #tpu.memory_space<vmem>>, vector<16xi32>,
            %swap3A_510 = arith.constant 64 : index
            %swap3A_511 = tpu.vector_load %arg10[%swap3A_510] {strides = array<i32>} : memref<272xi32, #tpu.memory_space<vmem>>, vector<16xi32>,
            tpu.vector_store %arg10[%swap3A_510], %get3A_509 {strides = array<i32>} : memref<272xi32, #tpu.memory_space<vmem>>, vector<16xi32>,
            %get3A_512 = arith.constant 192 : index
            %get3A_513 = tpu.vector_load %arg11[%get3A_512] {strides = array<i32>} : memref<272xi32, #tpu.memory_space<vmem>>, vector<16xi32>,
            %swap3A_514 = arith.constant 64 : index
            %swap3A_515 = tpu.vector_load %arg11[%swap3A_514] {strides = array<i32>} : memref<272xi32, #tpu.memory_space<vmem>>, vector<16xi32>,
            tpu.vector_store %arg11[%swap3A_514], %get3A_513 {strides = array<i32>} : memref<272xi32, #tpu.memory_space<vmem>>, vector<16xi32>,
            %get3A_516 = arith.constant 208 : index
            %get3A_517 = tpu.vector_load %arg10[%get3A_516] {strides = array<i32>} : memref<272xi32, #tpu.memory_space<vmem>>, vector<16xi32>,
            %swap3A_518 = arith.constant 80 : index
            %swap3A_519 = tpu.vector_load %arg10[%swap3A_518] {strides = array<i32>} : memref<272xi32, #tpu.memory_space<vmem>>, vector<16xi32>,
            tpu.vector_store %arg10[%swap3A_518], %get3A_517 {strides = array<i32>} : memref<272xi32, #tpu.memory_space<vmem>>, vector<16xi32>,
            %get3A_520 = arith.constant 208 : index
            %get3A_521 = tpu.vector_load %arg11[%get3A_520] {strides = array<i32>} : memref<272xi32, #tpu.memory_space<vmem>>, vector<16xi32>,
            %swap3A_522 = arith.constant 80 : index
            %swap3A_523 = tpu.vector_load %arg11[%swap3A_522] {strides = array<i32>} : memref<272xi32, #tpu.memory_space<vmem>>, vector<16xi32>,
            tpu.vector_store %arg11[%swap3A_522], %get3A_521 {strides = array<i32>} : memref<272xi32, #tpu.memory_space<vmem>>, vector<16xi32>,
            %get3A_524 = arith.constant 224 : index
            %get3A_525 = tpu.vector_load %arg10[%get3A_524] {strides = array<i32>} : memref<272xi32, #tpu.memory_space<vmem>>, vector<16xi32>,
            %swap3A_526 = arith.constant 96 : index
            %swap3A_527 = tpu.vector_load %arg10[%swap3A_526] {strides = array<i32>} : memref<272xi32, #tpu.memory_space<vmem>>, vector<16xi32>,
            tpu.vector_store %arg10[%swap3A_526], %get3A_525 {strides = array<i32>} : memref<272xi32, #tpu.memory_space<vmem>>, vector<16xi32>,
            %get3A_528 = arith.constant 224 : index
            %get3A_529 = tpu.vector_load %arg11[%get3A_528] {strides = array<i32>} : memref<272xi32, #tpu.memory_space<vmem>>, vector<16xi32>,
            %swap3A_530 = arith.constant 96 : index
            %swap3A_531 = tpu.vector_load %arg11[%swap3A_530] {strides = array<i32>} : memref<272xi32, #tpu.memory_space<vmem>>, vector<16xi32>,
            tpu.vector_store %arg11[%swap3A_530], %get3A_529 {strides = array<i32>} : memref<272xi32, #tpu.memory_space<vmem>>, vector<16xi32>,
            %get3A_532 = arith.constant 240 : index
            %get3A_533 = tpu.vector_load %arg10[%get3A_532] {strides = array<i32>} : memref<272xi32, #tpu.memory_space<vmem>>, vector<16xi32>,
            %swap3A_534 = arith.constant 112 : index
            %swap3A_535 = tpu.vector_load %arg10[%swap3A_534] {strides = array<i32>} : memref<272xi32, #tpu.memory_space<vmem>>, vector<16xi32>,
            tpu.vector_store %arg10[%swap3A_534], %get3A_533 {strides = array<i32>} : memref<272xi32, #tpu.memory_space<vmem>>, vector<16xi32>,
            %get3A_536 = arith.constant 240 : index
            %get3A_537 = tpu.vector_load %arg11[%get3A_536] {strides = array<i32>} : memref<272xi32, #tpu.memory_space<vmem>>, vector<16xi32>,
            %swap3A_538 = arith.constant 112 : index
            %swap3A_539 = tpu.vector_load %arg11[%swap3A_538] {strides = array<i32>} : memref<272xi32, #tpu.memory_space<vmem>>, vector<16xi32>,
            tpu.vector_store %arg11[%swap3A_538], %get3A_537 {strides = array<i32>} : memref<272xi32, #tpu.memory_space<vmem>>, vector<16xi32>,
            %sub3A_540 = arith.constant 128 : i32
            %sub3A_541 = arith.subi %add3A_461, %sub3A_540 : i32
            %add3A_542 = arith.constant 1 : i32
            %add3A_543 = arith.addi %scan3A_250, %add3A_542 : i32
            scf.yield %sub3A_541, %add3A_543 : i32, i32
          } else {
            scf.yield %add3A_461, %scan3A_250 : i32, i32
          }
          scf.yield %cond3A_466#0, %cond3A_466#1 : i32, i32
        }
        %scan3A_247 = arith.constant 56 : i32
        scf.yield %scan3A_246#0, %scan3A_246#1 : i32, i32
      }
      %scan3A_167 = arith.constant 7 : i32
      %rem3A = arith.constant 2 : i32
      %rem3A_168 = arith.remsi %scan3A_166#1, %rem3A : i32
      %eq3A = arith.constant 0 : i32
      %eq3A_169 = arith.cmpi eq, %rem3A_168, %eq3A : i32
      %convert_element_type3A = arith.extui %eq3A_169 : i1 to i32
      %cond3A = arith.constant 0 : i32
      %cond3A_170 = arith.cmpi ne, %convert_element_type3A, %cond3A : i32
      %cond3A_171 = scf.if %cond3A_170 -> (i32) {
        %dma_wait3A_203 = arith.constant 0 : i32
        %dma_wait3A_204 = arith.constant 0 : i32
        %dma_wait3A_205 = arith.constant 0 : i32
        %dma_wait3A_206 = arith.constant 0 : i32
        %dma_wait3A_207 = tpu.memref_slice %arg7[%dma_wait3A_203, %dma_wait3A_205, %dma_wait3A_206] : memref<2x128x128xf32, #tpu.memory_space<vmem>> -> memref<1x128x128xf32, #tpu.memory_space<vmem>>
        %dma_wait3A_208 = tpu.memref_squeeze %dma_wait3A_207 : memref<1x128x128xf32, #tpu.memory_space<vmem>> -> memref<128x128xf32, #tpu.memory_space<vmem>>
        %dma_wait3A_209 = arith.constant 0 : i32
        %dma_wait3A_210 = tpu.memref_slice %arg13[%dma_wait3A_204, %dma_wait3A_209] : memref<2x128xi32, #tpu.memory_space<vmem>> -> memref<1x128xi32, #tpu.memory_space<vmem>>
        %dma_wait3A_211 = tpu.memref_squeeze %dma_wait3A_210 : memref<1x128xi32, #tpu.memory_space<vmem>> -> memref<128xi32, #tpu.memory_space<vmem>>
        %dma_wait3A_212 = arith.constant 0 : i32
        %dma_wait3A_213 = arith.constant 0 : i32
        %dma_wait3A_214 = tpu.memref_slice %arg6[%dma_wait3A_212, %dma_wait3A_213] : memref<6400x128xf32, #tpu.memory_space<vmem_shared>> -> memref<6400x128xf32, #tpu.memory_space<vmem_shared>>
        tpu.wait_indirect_dma semaphore(%arg14 : memref<!tpu.dma_semaphore, #tpu.memory_space<semaphore_mem>>) src(%dma_wait3A_208 : memref<128x128xf32, #tpu.memory_space<vmem>>) dst(%dma_wait3A_214 : memref<6400x128xf32, #tpu.memory_space<vmem_shared>>)
        %get3A = arith.constant 0 : index
        %get3A_215 = tpu.vector_load %arg10[%get3A] {strides = array<i32>} : memref<272xi32, #tpu.memory_space<vmem>>, vector<16xi32>,
        %get3A_216 = arith.constant 0 : index
        %get3A_217 = tpu.vector_load %arg11[%get3A_216] {strides = array<i32>} : memref<272xi32, #tpu.memory_space<vmem>>, vector<16xi32>,
        %iota3A = tpu.iota {dimensions = array<i32: 0>} : vector<16xi32>
        %add3A_218 = arith.constant 0 : i32
        %add3A_219 = vector.broadcast %add3A_218 : i32 to vector<16xi32>
        %add3A_220 = arith.addi %add3A_219, %iota3A : vector<16xi32>
        %lt3A = vector.broadcast %scan3A_166#0 : i32 to vector<16xi32>
        %lt3A_221 = arith.cmpi slt, %add3A_220, %lt3A : vector<16xi32>
        %jit3A = arith.constant 0 : i32
        %broadcast_in_dim3A_222 = vector.broadcast %jit3A : i32 to vector<16xi32>
        %select_n3A = arith.select %lt3A_221, %get3A_215, %broadcast_in_dim3A_222 : vector<16xi1>, vector<16xi32>
        %jit3A_223 = arith.constant 6272 : i32
        %broadcast_in_dim3A_224 = vector.broadcast %jit3A_223 : i32 to vector<16xi32>
        %select_n3A_225 = arith.select %lt3A_221, %get3A_217, %broadcast_in_dim3A_224 : vector<16xi1>, vector<16xi32>
        %swap3A_226 = arith.constant 0 : i32
        %swap3A_227 = arith.index_cast %swap3A_226 : i32 to index
        %swap3A_228 = arith.constant 0 : index
        %swap3A_229 = tpu.vector_load %arg12[%swap3A_227, %swap3A_228] {strides = array<i32>} : memref<2x128xi32, #tpu.memory_space<vmem>>, vector<16xi32>,
        tpu.vector_store %arg12[%swap3A_227, %swap3A_228], %select_n3A {strides = array<i32>} : memref<2x128xi32, #tpu.memory_space<vmem>>, vector<16xi32>,
        %swap3A_230 = arith.constant 0 : i32
        %swap3A_231 = arith.index_cast %swap3A_230 : i32 to index
        %swap3A_232 = arith.constant 0 : index
        %swap3A_233 = tpu.vector_load %arg13[%swap3A_231, %swap3A_232] {strides = array<i32>} : memref<2x128xi32, #tpu.memory_space<vmem>>, vector<16xi32>,
        tpu.vector_store %arg13[%swap3A_231, %swap3A_232], %select_n3A_225 {strides = array<i32>} : memref<2x128xi32, #tpu.memory_space<vmem>>, vector<16xi32>,
        %get3A_234 = arith.constant 16 : index
        %get3A_235 = tpu.vector_load %arg10[%get3A_234] {strides = array<i32>} : memref<272xi32, #tpu.memory_space<vmem>>, vector<16xi32>,
        %get3A_236 = arith.constant 16 : index
        %get3A_237 = tpu.vector_load %arg11[%get3A_236] {strides = array<i32>} : memref<272xi32, #tpu.memory_space<vmem>>, vector<16xi32>,
        %iota3A_238 = tpu.iota {dimensions = array<i32: 0>} : vector<16xi32>
        %add3A_239 = arith.constant 16 : i32
        %add3A_240 = vector.broadcast %add3A_239 : i32 to vector<16xi32>
        %add3A_241 = arith.addi %add3A_240, %iota3A_238 : vector<16xi32>
        %lt3A_242 = vector.broadcast %scan3A_166#0 : i32 to vector<16xi32>
        %lt3A_243 = arith.cmpi slt, %add3A_241, %lt3A_242 : vector<16xi32>
        %jit3A_244 = arith.constant 0 : i32
        %broadcast_in_dim3A_245 = vector.broadcast %jit3A_244 : i32 to vector<16xi32>
        %select_n3A_246 = arith.select %lt3A_243, %get3A_235, %broadcast_in_dim3A_245 : vector<16xi1>, vector<16xi32>
        %jit3A_247 = arith.constant 6272 : i32
        %broadcast_in_dim3A_248 = vector.broadcast %jit3A_247 : i32 to vector<16xi32>
        %select_n3A_249 = arith.select %lt3A_243, %get3A_237, %broadcast_in_dim3A_248 : vector<16xi1>, vector<16xi32>
        %swap3A_250 = arith.constant 0 : i32
        %swap3A_251 = arith.index_cast %swap3A_250 : i32 to index
        %swap3A_252 = arith.constant 16 : index
        %swap3A_253 = tpu.vector_load %arg12[%swap3A_251, %swap3A_252] {strides = array<i32>} : memref<2x128xi32, #tpu.memory_space<vmem>>, vector<16xi32>,
        tpu.vector_store %arg12[%swap3A_251, %swap3A_252], %select_n3A_246 {strides = array<i32>} : memref<2x128xi32, #tpu.memory_space<vmem>>, vector<16xi32>,
        %swap3A_254 = arith.constant 0 : i32
        %swap3A_255 = arith.index_cast %swap3A_254 : i32 to index
        %swap3A_256 = arith.constant 16 : index
        %swap3A_257 = tpu.vector_load %arg13[%swap3A_255, %swap3A_256] {strides = array<i32>} : memref<2x128xi32, #tpu.memory_space<vmem>>, vector<16xi32>,
        tpu.vector_store %arg13[%swap3A_255, %swap3A_256], %select_n3A_249 {strides = array<i32>} : memref<2x128xi32, #tpu.memory_space<vmem>>, vector<16xi32>,
        %get3A_258 = arith.constant 32 : index
        %get3A_259 = tpu.vector_load %arg10[%get3A_258] {strides = array<i32>} : memref<272xi32, #tpu.memory_space<vmem>>, vector<16xi32>,
        %get3A_260 = arith.constant 32 : index
        %get3A_261 = tpu.vector_load %arg11[%get3A_260] {strides = array<i32>} : memref<272xi32, #tpu.memory_space<vmem>>, vector<16xi32>,
        %iota3A_262 = tpu.iota {dimensions = array<i32: 0>} : vector<16xi32>
        %add3A_263 = arith.constant 32 : i32
        %add3A_264 = vector.broadcast %add3A_263 : i32 to vector<16xi32>
        %add3A_265 = arith.addi %add3A_264, %iota3A_262 : vector<16xi32>
        %lt3A_266 = vector.broadcast %scan3A_166#0 : i32 to vector<16xi32>
        %lt3A_267 = arith.cmpi slt, %add3A_265, %lt3A_266 : vector<16xi32>
        %jit3A_268 = arith.constant 0 : i32
        %broadcast_in_dim3A_269 = vector.broadcast %jit3A_268 : i32 to vector<16xi32>
        %select_n3A_270 = arith.select %lt3A_267, %get3A_259, %broadcast_in_dim3A_269 : vector<16xi1>, vector<16xi32>
        %jit3A_271 = arith.constant 6272 : i32
        %broadcast_in_dim3A_272 = vector.broadcast %jit3A_271 : i32 to vector<16xi32>
        %select_n3A_273 = arith.select %lt3A_267, %get3A_261, %broadcast_in_dim3A_272 : vector<16xi1>, vector<16xi32>
        %swap3A_274 = arith.constant 0 : i32
        %swap3A_275 = arith.index_cast %swap3A_274 : i32 to index
        %swap3A_276 = arith.constant 32 : index
        %swap3A_277 = tpu.vector_load %arg12[%swap3A_275, %swap3A_276] {strides = array<i32>} : memref<2x128xi32, #tpu.memory_space<vmem>>, vector<16xi32>,
        tpu.vector_store %arg12[%swap3A_275, %swap3A_276], %select_n3A_270 {strides = array<i32>} : memref<2x128xi32, #tpu.memory_space<vmem>>, vector<16xi32>,
        %swap3A_278 = arith.constant 0 : i32
        %swap3A_279 = arith.index_cast %swap3A_278 : i32 to index
        %swap3A_280 = arith.constant 32 : index
        %swap3A_281 = tpu.vector_load %arg13[%swap3A_279, %swap3A_280] {strides = array<i32>} : memref<2x128xi32, #tpu.memory_space<vmem>>, vector<16xi32>,
        tpu.vector_store %arg13[%swap3A_279, %swap3A_280], %select_n3A_273 {strides = array<i32>} : memref<2x128xi32, #tpu.memory_space<vmem>>, vector<16xi32>,
        %get3A_282 = arith.constant 48 : index
        %get3A_283 = tpu.vector_load %arg10[%get3A_282] {strides = array<i32>} : memref<272xi32, #tpu.memory_space<vmem>>, vector<16xi32>,
        %get3A_284 = arith.constant 48 : index
        %get3A_285 = tpu.vector_load %arg11[%get3A_284] {strides = array<i32>} : memref<272xi32, #tpu.memory_space<vmem>>, vector<16xi32>,
        %iota3A_286 = tpu.iota {dimensions = array<i32: 0>} : vector<16xi32>
        %add3A_287 = arith.constant 48 : i32
        %add3A_288 = vector.broadcast %add3A_287 : i32 to vector<16xi32>
        %add3A_289 = arith.addi %add3A_288, %iota3A_286 : vector<16xi32>
        %lt3A_290 = vector.broadcast %scan3A_166#0 : i32 to vector<16xi32>
        %lt3A_291 = arith.cmpi slt, %add3A_289, %lt3A_290 : vector<16xi32>
        %jit3A_292 = arith.constant 0 : i32
        %broadcast_in_dim3A_293 = vector.broadcast %jit3A_292 : i32 to vector<16xi32>
        %select_n3A_294 = arith.select %lt3A_291, %get3A_283, %broadcast_in_dim3A_293 : vector<16xi1>, vector<16xi32>
        %jit3A_295 = arith.constant 6272 : i32
        %broadcast_in_dim3A_296 = vector.broadcast %jit3A_295 : i32 to vector<16xi32>
        %select_n3A_297 = arith.select %lt3A_291, %get3A_285, %broadcast_in_dim3A_296 : vector<16xi1>, vector<16xi32>
        %swap3A_298 = arith.constant 0 : i32
        %swap3A_299 = arith.index_cast %swap3A_298 : i32 to index
        %swap3A_300 = arith.constant 48 : index
        %swap3A_301 = tpu.vector_load %arg12[%swap3A_299, %swap3A_300] {strides = array<i32>} : memref<2x128xi32, #tpu.memory_space<vmem>>, vector<16xi32>,
        tpu.vector_store %arg12[%swap3A_299, %swap3A_300], %select_n3A_294 {strides = array<i32>} : memref<2x128xi32, #tpu.memory_space<vmem>>, vector<16xi32>,
        %swap3A_302 = arith.constant 0 : i32
        %swap3A_303 = arith.index_cast %swap3A_302 : i32 to index
        %swap3A_304 = arith.constant 48 : index
        %swap3A_305 = tpu.vector_load %arg13[%swap3A_303, %swap3A_304] {strides = array<i32>} : memref<2x128xi32, #tpu.memory_space<vmem>>, vector<16xi32>,
        tpu.vector_store %arg13[%swap3A_303, %swap3A_304], %select_n3A_297 {strides = array<i32>} : memref<2x128xi32, #tpu.memory_space<vmem>>, vector<16xi32>,
        %get3A_306 = arith.constant 64 : index
        %get3A_307 = tpu.vector_load %arg10[%get3A_306] {strides = array<i32>} : memref<272xi32, #tpu.memory_space<vmem>>, vector<16xi32>,
        %get3A_308 = arith.constant 64 : index
        %get3A_309 = tpu.vector_load %arg11[%get3A_308] {strides = array<i32>} : memref<272xi32, #tpu.memory_space<vmem>>, vector<16xi32>,
        %iota3A_310 = tpu.iota {dimensions = array<i32: 0>} : vector<16xi32>
        %add3A_311 = arith.constant 64 : i32
        %add3A_312 = vector.broadcast %add3A_311 : i32 to vector<16xi32>
        %add3A_313 = arith.addi %add3A_312, %iota3A_310 : vector<16xi32>
        %lt3A_314 = vector.broadcast %scan3A_166#0 : i32 to vector<16xi32>
        %lt3A_315 = arith.cmpi slt, %add3A_313, %lt3A_314 : vector<16xi32>
        %jit3A_316 = arith.constant 0 : i32
        %broadcast_in_dim3A_317 = vector.broadcast %jit3A_316 : i32 to vector<16xi32>
        %select_n3A_318 = arith.select %lt3A_315, %get3A_307, %broadcast_in_dim3A_317 : vector<16xi1>, vector<16xi32>
        %jit3A_319 = arith.constant 6272 : i32
        %broadcast_in_dim3A_320 = vector.broadcast %jit3A_319 : i32 to vector<16xi32>
        %select_n3A_321 = arith.select %lt3A_315, %get3A_309, %broadcast_in_dim3A_320 : vector<16xi1>, vector<16xi32>
        %swap3A_322 = arith.constant 0 : i32
        %swap3A_323 = arith.index_cast %swap3A_322 : i32 to index
        %swap3A_324 = arith.constant 64 : index
        %swap3A_325 = tpu.vector_load %arg12[%swap3A_323, %swap3A_324] {strides = array<i32>} : memref<2x128xi32, #tpu.memory_space<vmem>>, vector<16xi32>,
        tpu.vector_store %arg12[%swap3A_323, %swap3A_324], %select_n3A_318 {strides = array<i32>} : memref<2x128xi32, #tpu.memory_space<vmem>>, vector<16xi32>,
        %swap3A_326 = arith.constant 0 : i32
        %swap3A_327 = arith.index_cast %swap3A_326 : i32 to index
        %swap3A_328 = arith.constant 64 : index
        %swap3A_329 = tpu.vector_load %arg13[%swap3A_327, %swap3A_328] {strides = array<i32>} : memref<2x128xi32, #tpu.memory_space<vmem>>, vector<16xi32>,
        tpu.vector_store %arg13[%swap3A_327, %swap3A_328], %select_n3A_321 {strides = array<i32>} : memref<2x128xi32, #tpu.memory_space<vmem>>, vector<16xi32>,
        %get3A_330 = arith.constant 80 : index
        %get3A_331 = tpu.vector_load %arg10[%get3A_330] {strides = array<i32>} : memref<272xi32, #tpu.memory_space<vmem>>, vector<16xi32>,
        %get3A_332 = arith.constant 80 : index
        %get3A_333 = tpu.vector_load %arg11[%get3A_332] {strides = array<i32>} : memref<272xi32, #tpu.memory_space<vmem>>, vector<16xi32>,
        %iota3A_334 = tpu.iota {dimensions = array<i32: 0>} : vector<16xi32>
        %add3A_335 = arith.constant 80 : i32
        %add3A_336 = vector.broadcast %add3A_335 : i32 to vector<16xi32>
        %add3A_337 = arith.addi %add3A_336, %iota3A_334 : vector<16xi32>
        %lt3A_338 = vector.broadcast %scan3A_166#0 : i32 to vector<16xi32>
        %lt3A_339 = arith.cmpi slt, %add3A_337, %lt3A_338 : vector<16xi32>
        %jit3A_340 = arith.constant 0 : i32
        %broadcast_in_dim3A_341 = vector.broadcast %jit3A_340 : i32 to vector<16xi32>
        %select_n3A_342 = arith.select %lt3A_339, %get3A_331, %broadcast_in_dim3A_341 : vector<16xi1>, vector<16xi32>
        %jit3A_343 = arith.constant 6272 : i32
        %broadcast_in_dim3A_344 = vector.broadcast %jit3A_343 : i32 to vector<16xi32>
        %select_n3A_345 = arith.select %lt3A_339, %get3A_333, %broadcast_in_dim3A_344 : vector<16xi1>, vector<16xi32>
        %swap3A_346 = arith.constant 0 : i32
        %swap3A_347 = arith.index_cast %swap3A_346 : i32 to index
        %swap3A_348 = arith.constant 80 : index
        %swap3A_349 = tpu.vector_load %arg12[%swap3A_347, %swap3A_348] {strides = array<i32>} : memref<2x128xi32, #tpu.memory_space<vmem>>, vector<16xi32>,
        tpu.vector_store %arg12[%swap3A_347, %swap3A_348], %select_n3A_342 {strides = array<i32>} : memref<2x128xi32, #tpu.memory_space<vmem>>, vector<16xi32>,
        %swap3A_350 = arith.constant 0 : i32
        %swap3A_351 = arith.index_cast %swap3A_350 : i32 to index
        %swap3A_352 = arith.constant 80 : index
        %swap3A_353 = tpu.vector_load %arg13[%swap3A_351, %swap3A_352] {strides = array<i32>} : memref<2x128xi32, #tpu.memory_space<vmem>>, vector<16xi32>,
        tpu.vector_store %arg13[%swap3A_351, %swap3A_352], %select_n3A_345 {strides = array<i32>} : memref<2x128xi32, #tpu.memory_space<vmem>>, vector<16xi32>,
        %get3A_354 = arith.constant 96 : index
        %get3A_355 = tpu.vector_load %arg10[%get3A_354] {strides = array<i32>} : memref<272xi32, #tpu.memory_space<vmem>>, vector<16xi32>,
        %get3A_356 = arith.constant 96 : index
        %get3A_357 = tpu.vector_load %arg11[%get3A_356] {strides = array<i32>} : memref<272xi32, #tpu.memory_space<vmem>>, vector<16xi32>,
        %iota3A_358 = tpu.iota {dimensions = array<i32: 0>} : vector<16xi32>
        %add3A_359 = arith.constant 96 : i32
        %add3A_360 = vector.broadcast %add3A_359 : i32 to vector<16xi32>
        %add3A_361 = arith.addi %add3A_360, %iota3A_358 : vector<16xi32>
        %lt3A_362 = vector.broadcast %scan3A_166#0 : i32 to vector<16xi32>
        %lt3A_363 = arith.cmpi slt, %add3A_361, %lt3A_362 : vector<16xi32>
        %jit3A_364 = arith.constant 0 : i32
        %broadcast_in_dim3A_365 = vector.broadcast %jit3A_364 : i32 to vector<16xi32>
        %select_n3A_366 = arith.select %lt3A_363, %get3A_355, %broadcast_in_dim3A_365 : vector<16xi1>, vector<16xi32>
        %jit3A_367 = arith.constant 6272 : i32
        %broadcast_in_dim3A_368 = vector.broadcast %jit3A_367 : i32 to vector<16xi32>
        %select_n3A_369 = arith.select %lt3A_363, %get3A_357, %broadcast_in_dim3A_368 : vector<16xi1>, vector<16xi32>
        %swap3A_370 = arith.constant 0 : i32
        %swap3A_371 = arith.index_cast %swap3A_370 : i32 to index
        %swap3A_372 = arith.constant 96 : index
        %swap3A_373 = tpu.vector_load %arg12[%swap3A_371, %swap3A_372] {strides = array<i32>} : memref<2x128xi32, #tpu.memory_space<vmem>>, vector<16xi32>,
        tpu.vector_store %arg12[%swap3A_371, %swap3A_372], %select_n3A_366 {strides = array<i32>} : memref<2x128xi32, #tpu.memory_space<vmem>>, vector<16xi32>,
        %swap3A_374 = arith.constant 0 : i32
        %swap3A_375 = arith.index_cast %swap3A_374 : i32 to index
        %swap3A_376 = arith.constant 96 : index
        %swap3A_377 = tpu.vector_load %arg13[%swap3A_375, %swap3A_376] {strides = array<i32>} : memref<2x128xi32, #tpu.memory_space<vmem>>, vector<16xi32>,
        tpu.vector_store %arg13[%swap3A_375, %swap3A_376], %select_n3A_369 {strides = array<i32>} : memref<2x128xi32, #tpu.memory_space<vmem>>, vector<16xi32>,
        %get3A_378 = arith.constant 112 : index
        %get3A_379 = tpu.vector_load %arg10[%get3A_378] {strides = array<i32>} : memref<272xi32, #tpu.memory_space<vmem>>, vector<16xi32>,
        %get3A_380 = arith.constant 112 : index
        %get3A_381 = tpu.vector_load %arg11[%get3A_380] {strides = array<i32>} : memref<272xi32, #tpu.memory_space<vmem>>, vector<16xi32>,
        %iota3A_382 = tpu.iota {dimensions = array<i32: 0>} : vector<16xi32>
        %add3A_383 = arith.constant 112 : i32
        %add3A_384 = vector.broadcast %add3A_383 : i32 to vector<16xi32>
        %add3A_385 = arith.addi %add3A_384, %iota3A_382 : vector<16xi32>
        %lt3A_386 = vector.broadcast %scan3A_166#0 : i32 to vector<16xi32>
        %lt3A_387 = arith.cmpi slt, %add3A_385, %lt3A_386 : vector<16xi32>
        %jit3A_388 = arith.constant 0 : i32
        %broadcast_in_dim3A_389 = vector.broadcast %jit3A_388 : i32 to vector<16xi32>
        %select_n3A_390 = arith.select %lt3A_387, %get3A_379, %broadcast_in_dim3A_389 : vector<16xi1>, vector<16xi32>
        %jit3A_391 = arith.constant 6272 : i32
        %broadcast_in_dim3A_392 = vector.broadcast %jit3A_391 : i32 to vector<16xi32>
        %select_n3A_393 = arith.select %lt3A_387, %get3A_381, %broadcast_in_dim3A_392 : vector<16xi1>, vector<16xi32>
        %swap3A_394 = arith.constant 0 : i32
        %swap3A_395 = arith.index_cast %swap3A_394 : i32 to index
        %swap3A_396 = arith.constant 112 : index
        %swap3A_397 = tpu.vector_load %arg12[%swap3A_395, %swap3A_396] {strides = array<i32>} : memref<2x128xi32, #tpu.memory_space<vmem>>, vector<16xi32>,
        tpu.vector_store %arg12[%swap3A_395, %swap3A_396], %select_n3A_390 {strides = array<i32>} : memref<2x128xi32, #tpu.memory_space<vmem>>, vector<16xi32>,
        %swap3A_398 = arith.constant 0 : i32
        %swap3A_399 = arith.index_cast %swap3A_398 : i32 to index
        %swap3A_400 = arith.constant 112 : index
        %swap3A_401 = tpu.vector_load %arg13[%swap3A_399, %swap3A_400] {strides = array<i32>} : memref<2x128xi32, #tpu.memory_space<vmem>>, vector<16xi32>,
        tpu.vector_store %arg13[%swap3A_399, %swap3A_400], %select_n3A_393 {strides = array<i32>} : memref<2x128xi32, #tpu.memory_space<vmem>>, vector<16xi32>,
        %dma_start3A_402 = arith.constant 0 : i32
        %dma_start3A_403 = arith.constant 0 : i32
        %dma_start3A_404 = arith.constant 0 : i32
        %dma_start3A_405 = arith.constant 0 : i32
        %dma_start3A_406 = tpu.memref_slice %arg7[%dma_start3A_403, %dma_start3A_404, %dma_start3A_405] : memref<2x128x128xf32, #tpu.memory_space<vmem>> -> memref<1x64x128xf32, #tpu.memory_space<vmem>>
        %dma_start3A_407 = tpu.memref_squeeze %dma_start3A_406 : memref<1x64x128xf32, #tpu.memory_space<vmem>> -> memref<64x128xf32, #tpu.memory_space<vmem>>
        %dma_start3A_408 = arith.constant 0 : i32
        %dma_start3A_409 = tpu.memref_slice %arg12[%dma_start3A_402, %dma_start3A_408] : memref<2x128xi32, #tpu.memory_space<vmem>> -> memref<1x64xi32, #tpu.memory_space<vmem>>
        %dma_start3A_410 = tpu.memref_squeeze %dma_start3A_409 : memref<1x64xi32, #tpu.memory_space<vmem>> -> memref<64xi32, #tpu.memory_space<vmem>>
        %dma_start3A_411 = arith.constant 0 : i32
        %dma_start3A_412 = arith.constant 0 : i32
        %dma_start3A_413 = tpu.memref_slice %arg4[%dma_start3A_411, %dma_start3A_412] : memref<50176x128xf32, #tpu.memory_space<hbm>> -> memref<50176x128xf32, #tpu.memory_space<hbm>>
        tpu.enqueue_indirect_dma source(%dma_start3A_413 : memref<50176x128xf32, #tpu.memory_space<hbm>>) target(%dma_start3A_407 : memref<64x128xf32, #tpu.memory_space<vmem>>) offsets(%dma_start3A_410 : memref<64xi32, #tpu.memory_space<vmem>>) semaphore(%arg15 : memref<!tpu.dma_semaphore, #tpu.memory_space<semaphore_mem>>)
        %dma_start3A_414 = arith.constant 0 : i32
        %dma_start3A_415 = arith.constant 0 : i32
        %dma_start3A_416 = arith.constant 64 : i32
        %dma_start3A_417 = arith.constant 0 : i32
        %dma_start3A_418 = tpu.memref_slice %arg7[%dma_start3A_415, %dma_start3A_416, %dma_start3A_417] : memref<2x128x128xf32, #tpu.memory_space<vmem>> -> memref<1x64x128xf32, #tpu.memory_space<vmem>>
        %dma_start3A_419 = tpu.memref_squeeze %dma_start3A_418 : memref<1x64x128xf32, #tpu.memory_space<vmem>> -> memref<64x128xf32, #tpu.memory_space<vmem>>
        %dma_start3A_420 = arith.constant 64 : i32
        %dma_start3A_421 = tpu.memref_slice %arg12[%dma_start3A_414, %dma_start3A_420] : memref<2x128xi32, #tpu.memory_space<vmem>> -> memref<1x64xi32, #tpu.memory_space<vmem>>
        %dma_start3A_422 = tpu.memref_squeeze %dma_start3A_421 : memref<1x64xi32, #tpu.memory_space<vmem>> -> memref<64xi32, #tpu.memory_space<vmem>>
        %dma_start3A_423 = arith.constant 0 : i32
        %dma_start3A_424 = arith.constant 0 : i32
        %dma_start3A_425 = tpu.memref_slice %arg4[%dma_start3A_423, %dma_start3A_424] : memref<50176x128xf32, #tpu.memory_space<hbm>> -> memref<50176x128xf32, #tpu.memory_space<hbm>>
        tpu.enqueue_indirect_dma source(%dma_start3A_425 : memref<50176x128xf32, #tpu.memory_space<hbm>>) target(%dma_start3A_419 : memref<64x128xf32, #tpu.memory_space<vmem>>) offsets(%dma_start3A_422 : memref<64xi32, #tpu.memory_space<vmem>>) semaphore(%arg15 : memref<!tpu.dma_semaphore, #tpu.memory_space<semaphore_mem>>)
        %dma_wait3A_426 = arith.constant 0 : i32
        %dma_wait3A_427 = arith.constant 0 : i32
        %dma_wait3A_428 = arith.constant 0 : i32
        %dma_wait3A_429 = arith.constant 0 : i32
        %dma_wait3A_430 = tpu.memref_slice %arg7[%dma_wait3A_427, %dma_wait3A_428, %dma_wait3A_429] : memref<2x128x128xf32, #tpu.memory_space<vmem>> -> memref<1x64x128xf32, #tpu.memory_space<vmem>>
        %dma_wait3A_431 = tpu.memref_squeeze %dma_wait3A_430 : memref<1x64x128xf32, #tpu.memory_space<vmem>> -> memref<64x128xf32, #tpu.memory_space<vmem>>
        %dma_wait3A_432 = arith.constant 0 : i32
        %dma_wait3A_433 = tpu.memref_slice %arg12[%dma_wait3A_426, %dma_wait3A_432] : memref<2x128xi32, #tpu.memory_space<vmem>> -> memref<1x64xi32, #tpu.memory_space<vmem>>
        %dma_wait3A_434 = tpu.memref_squeeze %dma_wait3A_433 : memref<1x64xi32, #tpu.memory_space<vmem>> -> memref<64xi32, #tpu.memory_space<vmem>>
        %dma_wait3A_435 = arith.constant 0 : i32
        %dma_wait3A_436 = arith.constant 0 : i32
        %dma_wait3A_437 = tpu.memref_slice %arg4[%dma_wait3A_435, %dma_wait3A_436] : memref<50176x128xf32, #tpu.memory_space<hbm>> -> memref<50176x128xf32, #tpu.memory_space<hbm>>
        tpu.wait_indirect_dma semaphore(%arg15 : memref<!tpu.dma_semaphore, #tpu.memory_space<semaphore_mem>>) src(%dma_wait3A_437 : memref<50176x128xf32, #tpu.memory_space<hbm>>) dst(%dma_wait3A_431 : memref<64x128xf32, #tpu.memory_space<vmem>>)
        %dma_wait3A_438 = arith.constant 0 : i32
        %dma_wait3A_439 = arith.constant 0 : i32
        %dma_wait3A_440 = arith.constant 64 : i32
        %dma_wait3A_441 = arith.constant 0 : i32
        %dma_wait3A_442 = tpu.memref_slice %arg7[%dma_wait3A_439, %dma_wait3A_440, %dma_wait3A_441] : memref<2x128x128xf32, #tpu.memory_space<vmem>> -> memref<1x64x128xf32, #tpu.memory_space<vmem>>
        %dma_wait3A_443 = tpu.memref_squeeze %dma_wait3A_442 : memref<1x64x128xf32, #tpu.memory_space<vmem>> -> memref<64x128xf32, #tpu.memory_space<vmem>>
        %dma_wait3A_444 = arith.constant 64 : i32
        %dma_wait3A_445 = tpu.memref_slice %arg12[%dma_wait3A_438, %dma_wait3A_444] : memref<2x128xi32, #tpu.memory_space<vmem>> -> memref<1x64xi32, #tpu.memory_space<vmem>>
        %dma_wait3A_446 = tpu.memref_squeeze %dma_wait3A_445 : memref<1x64xi32, #tpu.memory_space<vmem>> -> memref<64xi32, #tpu.memory_space<vmem>>
        %dma_wait3A_447 = arith.constant 0 : i32
        %dma_wait3A_448 = arith.constant 0 : i32
        %dma_wait3A_449 = tpu.memref_slice %arg4[%dma_wait3A_447, %dma_wait3A_448] : memref<50176x128xf32, #tpu.memory_space<hbm>> -> memref<50176x128xf32, #tpu.memory_space<hbm>>
        tpu.wait_indirect_dma semaphore(%arg15 : memref<!tpu.dma_semaphore, #tpu.memory_space<semaphore_mem>>) src(%dma_wait3A_449 : memref<50176x128xf32, #tpu.memory_space<hbm>>) dst(%dma_wait3A_443 : memref<64x128xf32, #tpu.memory_space<vmem>>)
        %dma_start3A_450 = arith.constant 0 : i32
        %dma_start3A_451 = arith.constant 0 : i32
        %dma_start3A_452 = arith.constant 0 : i32
        %dma_start3A_453 = arith.constant 0 : i32
        %dma_start3A_454 = tpu.memref_slice %arg7[%dma_start3A_450, %dma_start3A_452, %dma_start3A_453] : memref<2x128x128xf32, #tpu.memory_space<vmem>> -> memref<1x128x128xf32, #tpu.memory_space<vmem>>
        %dma_start3A_455 = tpu.memref_squeeze %dma_start3A_454 : memref<1x128x128xf32, #tpu.memory_space<vmem>> -> memref<128x128xf32, #tpu.memory_space<vmem>>
        %dma_start3A_456 = arith.constant 0 : i32
        %dma_start3A_457 = tpu.memref_slice %arg13[%dma_start3A_451, %dma_start3A_456] : memref<2x128xi32, #tpu.memory_space<vmem>> -> memref<1x128xi32, #tpu.memory_space<vmem>>
        %dma_start3A_458 = tpu.memref_squeeze %dma_start3A_457 : memref<1x128xi32, #tpu.memory_space<vmem>> -> memref<128xi32, #tpu.memory_space<vmem>>
        %dma_start3A_459 = arith.constant 0 : i32
        %dma_start3A_460 = arith.constant 0 : i32
        %dma_start3A_461 = tpu.memref_slice %arg6[%dma_start3A_459, %dma_start3A_460] : memref<6400x128xf32, #tpu.memory_space<vmem_shared>> -> memref<6400x128xf32, #tpu.memory_space<vmem_shared>>
        tpu.enqueue_indirect_dma source(%dma_start3A_455 : memref<128x128xf32, #tpu.memory_space<vmem>>) target(%dma_start3A_461 : memref<6400x128xf32, #tpu.memory_space<vmem_shared>>) offsets(%dma_start3A_458 : memref<128xi32, #tpu.memory_space<vmem>>) semaphore(%arg14 : memref<!tpu.dma_semaphore, #tpu.memory_space<semaphore_mem>>) {add = true}
        %cond3A_462 = arith.constant 0 : i32
        scf.yield %cond3A_462 : i32
      } else {
        %dma_wait3A_203 = arith.constant 0 : i32
        %dma_wait3A_204 = arith.constant 0 : i32
        %dma_wait3A_205 = arith.constant 0 : i32
        %dma_wait3A_206 = arith.constant 0 : i32
        %dma_wait3A_207 = tpu.memref_slice %arg7[%dma_wait3A_203, %dma_wait3A_205, %dma_wait3A_206] : memref<2x128x128xf32, #tpu.memory_space<vmem>> -> memref<1x128x128xf32, #tpu.memory_space<vmem>>
        %dma_wait3A_208 = tpu.memref_squeeze %dma_wait3A_207 : memref<1x128x128xf32, #tpu.memory_space<vmem>> -> memref<128x128xf32, #tpu.memory_space<vmem>>
        %dma_wait3A_209 = arith.constant 0 : i32
        %dma_wait3A_210 = tpu.memref_slice %arg13[%dma_wait3A_204, %dma_wait3A_209] : memref<2x128xi32, #tpu.memory_space<vmem>> -> memref<1x128xi32, #tpu.memory_space<vmem>>
        %dma_wait3A_211 = tpu.memref_squeeze %dma_wait3A_210 : memref<1x128xi32, #tpu.memory_space<vmem>> -> memref<128xi32, #tpu.memory_space<vmem>>
        %dma_wait3A_212 = arith.constant 0 : i32
        %dma_wait3A_213 = arith.constant 0 : i32
        %dma_wait3A_214 = tpu.memref_slice %arg6[%dma_wait3A_212, %dma_wait3A_213] : memref<6400x128xf32, #tpu.memory_space<vmem_shared>> -> memref<6400x128xf32, #tpu.memory_space<vmem_shared>>
        tpu.wait_indirect_dma semaphore(%arg14 : memref<!tpu.dma_semaphore, #tpu.memory_space<semaphore_mem>>) src(%dma_wait3A_208 : memref<128x128xf32, #tpu.memory_space<vmem>>) dst(%dma_wait3A_214 : memref<6400x128xf32, #tpu.memory_space<vmem_shared>>)
        %get3A = arith.constant 0 : index
        %get3A_215 = tpu.vector_load %arg10[%get3A] {strides = array<i32>} : memref<272xi32, #tpu.memory_space<vmem>>, vector<16xi32>,
        %get3A_216 = arith.constant 0 : index
        %get3A_217 = tpu.vector_load %arg11[%get3A_216] {strides = array<i32>} : memref<272xi32, #tpu.memory_space<vmem>>, vector<16xi32>,
        %iota3A = tpu.iota {dimensions = array<i32: 0>} : vector<16xi32>
        %add3A_218 = arith.constant 0 : i32
        %add3A_219 = vector.broadcast %add3A_218 : i32 to vector<16xi32>
        %add3A_220 = arith.addi %add3A_219, %iota3A : vector<16xi32>
        %lt3A = vector.broadcast %scan3A_166#0 : i32 to vector<16xi32>
        %lt3A_221 = arith.cmpi slt, %add3A_220, %lt3A : vector<16xi32>
        %jit3A = arith.constant 0 : i32
        %broadcast_in_dim3A_222 = vector.broadcast %jit3A : i32 to vector<16xi32>
        %select_n3A = arith.select %lt3A_221, %get3A_215, %broadcast_in_dim3A_222 : vector<16xi1>, vector<16xi32>
        %jit3A_223 = arith.constant 6272 : i32
        %broadcast_in_dim3A_224 = vector.broadcast %jit3A_223 : i32 to vector<16xi32>
        %select_n3A_225 = arith.select %lt3A_221, %get3A_217, %broadcast_in_dim3A_224 : vector<16xi1>, vector<16xi32>
        %swap3A_226 = arith.constant 1 : i32
        %swap3A_227 = arith.index_cast %swap3A_226 : i32 to index
        %swap3A_228 = arith.constant 0 : index
        %swap3A_229 = tpu.vector_load %arg12[%swap3A_227, %swap3A_228] {strides = array<i32>} : memref<2x128xi32, #tpu.memory_space<vmem>>, vector<16xi32>,
        tpu.vector_store %arg12[%swap3A_227, %swap3A_228], %select_n3A {strides = array<i32>} : memref<2x128xi32, #tpu.memory_space<vmem>>, vector<16xi32>,
        %swap3A_230 = arith.constant 1 : i32
        %swap3A_231 = arith.index_cast %swap3A_230 : i32 to index
        %swap3A_232 = arith.constant 0 : index
        %swap3A_233 = tpu.vector_load %arg13[%swap3A_231, %swap3A_232] {strides = array<i32>} : memref<2x128xi32, #tpu.memory_space<vmem>>, vector<16xi32>,
        tpu.vector_store %arg13[%swap3A_231, %swap3A_232], %select_n3A_225 {strides = array<i32>} : memref<2x128xi32, #tpu.memory_space<vmem>>, vector<16xi32>,
        %get3A_234 = arith.constant 16 : index
        %get3A_235 = tpu.vector_load %arg10[%get3A_234] {strides = array<i32>} : memref<272xi32, #tpu.memory_space<vmem>>, vector<16xi32>,
        %get3A_236 = arith.constant 16 : index
        %get3A_237 = tpu.vector_load %arg11[%get3A_236] {strides = array<i32>} : memref<272xi32, #tpu.memory_space<vmem>>, vector<16xi32>,
        %iota3A_238 = tpu.iota {dimensions = array<i32: 0>} : vector<16xi32>
        %add3A_239 = arith.constant 16 : i32
        %add3A_240 = vector.broadcast %add3A_239 : i32 to vector<16xi32>
        %add3A_241 = arith.addi %add3A_240, %iota3A_238 : vector<16xi32>
        %lt3A_242 = vector.broadcast %scan3A_166#0 : i32 to vector<16xi32>
        %lt3A_243 = arith.cmpi slt, %add3A_241, %lt3A_242 : vector<16xi32>
        %jit3A_244 = arith.constant 0 : i32
        %broadcast_in_dim3A_245 = vector.broadcast %jit3A_244 : i32 to vector<16xi32>
        %select_n3A_246 = arith.select %lt3A_243, %get3A_235, %broadcast_in_dim3A_245 : vector<16xi1>, vector<16xi32>
        %jit3A_247 = arith.constant 6272 : i32
        %broadcast_in_dim3A_248 = vector.broadcast %jit3A_247 : i32 to vector<16xi32>
        %select_n3A_249 = arith.select %lt3A_243, %get3A_237, %broadcast_in_dim3A_248 : vector<16xi1>, vector<16xi32>
        %swap3A_250 = arith.constant 1 : i32
        %swap3A_251 = arith.index_cast %swap3A_250 : i32 to index
        %swap3A_252 = arith.constant 16 : index
        %swap3A_253 = tpu.vector_load %arg12[%swap3A_251, %swap3A_252] {strides = array<i32>} : memref<2x128xi32, #tpu.memory_space<vmem>>, vector<16xi32>,
        tpu.vector_store %arg12[%swap3A_251, %swap3A_252], %select_n3A_246 {strides = array<i32>} : memref<2x128xi32, #tpu.memory_space<vmem>>, vector<16xi32>,
        %swap3A_254 = arith.constant 1 : i32
        %swap3A_255 = arith.index_cast %swap3A_254 : i32 to index
        %swap3A_256 = arith.constant 16 : index
        %swap3A_257 = tpu.vector_load %arg13[%swap3A_255, %swap3A_256] {strides = array<i32>} : memref<2x128xi32, #tpu.memory_space<vmem>>, vector<16xi32>,
        tpu.vector_store %arg13[%swap3A_255, %swap3A_256], %select_n3A_249 {strides = array<i32>} : memref<2x128xi32, #tpu.memory_space<vmem>>, vector<16xi32>,
        %get3A_258 = arith.constant 32 : index
        %get3A_259 = tpu.vector_load %arg10[%get3A_258] {strides = array<i32>} : memref<272xi32, #tpu.memory_space<vmem>>, vector<16xi32>,
        %get3A_260 = arith.constant 32 : index
        %get3A_261 = tpu.vector_load %arg11[%get3A_260] {strides = array<i32>} : memref<272xi32, #tpu.memory_space<vmem>>, vector<16xi32>,
        %iota3A_262 = tpu.iota {dimensions = array<i32: 0>} : vector<16xi32>
        %add3A_263 = arith.constant 32 : i32
        %add3A_264 = vector.broadcast %add3A_263 : i32 to vector<16xi32>
        %add3A_265 = arith.addi %add3A_264, %iota3A_262 : vector<16xi32>
        %lt3A_266 = vector.broadcast %scan3A_166#0 : i32 to vector<16xi32>
        %lt3A_267 = arith.cmpi slt, %add3A_265, %lt3A_266 : vector<16xi32>
        %jit3A_268 = arith.constant 0 : i32
        %broadcast_in_dim3A_269 = vector.broadcast %jit3A_268 : i32 to vector<16xi32>
        %select_n3A_270 = arith.select %lt3A_267, %get3A_259, %broadcast_in_dim3A_269 : vector<16xi1>, vector<16xi32>
        %jit3A_271 = arith.constant 6272 : i32
        %broadcast_in_dim3A_272 = vector.broadcast %jit3A_271 : i32 to vector<16xi32>
        %select_n3A_273 = arith.select %lt3A_267, %get3A_261, %broadcast_in_dim3A_272 : vector<16xi1>, vector<16xi32>
        %swap3A_274 = arith.constant 1 : i32
        %swap3A_275 = arith.index_cast %swap3A_274 : i32 to index
        %swap3A_276 = arith.constant 32 : index
        %swap3A_277 = tpu.vector_load %arg12[%swap3A_275, %swap3A_276] {strides = array<i32>} : memref<2x128xi32, #tpu.memory_space<vmem>>, vector<16xi32>,
        tpu.vector_store %arg12[%swap3A_275, %swap3A_276], %select_n3A_270 {strides = array<i32>} : memref<2x128xi32, #tpu.memory_space<vmem>>, vector<16xi32>,
        %swap3A_278 = arith.constant 1 : i32
        %swap3A_279 = arith.index_cast %swap3A_278 : i32 to index
        %swap3A_280 = arith.constant 32 : index
        %swap3A_281 = tpu.vector_load %arg13[%swap3A_279, %swap3A_280] {strides = array<i32>} : memref<2x128xi32, #tpu.memory_space<vmem>>, vector<16xi32>,
        tpu.vector_store %arg13[%swap3A_279, %swap3A_280], %select_n3A_273 {strides = array<i32>} : memref<2x128xi32, #tpu.memory_space<vmem>>, vector<16xi32>,
        %get3A_282 = arith.constant 48 : index
        %get3A_283 = tpu.vector_load %arg10[%get3A_282] {strides = array<i32>} : memref<272xi32, #tpu.memory_space<vmem>>, vector<16xi32>,
        %get3A_284 = arith.constant 48 : index
        %get3A_285 = tpu.vector_load %arg11[%get3A_284] {strides = array<i32>} : memref<272xi32, #tpu.memory_space<vmem>>, vector<16xi32>,
        %iota3A_286 = tpu.iota {dimensions = array<i32: 0>} : vector<16xi32>
        %add3A_287 = arith.constant 48 : i32
        %add3A_288 = vector.broadcast %add3A_287 : i32 to vector<16xi32>
        %add3A_289 = arith.addi %add3A_288, %iota3A_286 : vector<16xi32>
        %lt3A_290 = vector.broadcast %scan3A_166#0 : i32 to vector<16xi32>
        %lt3A_291 = arith.cmpi slt, %add3A_289, %lt3A_290 : vector<16xi32>
        %jit3A_292 = arith.constant 0 : i32
        %broadcast_in_dim3A_293 = vector.broadcast %jit3A_292 : i32 to vector<16xi32>
        %select_n3A_294 = arith.select %lt3A_291, %get3A_283, %broadcast_in_dim3A_293 : vector<16xi1>, vector<16xi32>
        %jit3A_295 = arith.constant 6272 : i32
        %broadcast_in_dim3A_296 = vector.broadcast %jit3A_295 : i32 to vector<16xi32>
        %select_n3A_297 = arith.select %lt3A_291, %get3A_285, %broadcast_in_dim3A_296 : vector<16xi1>, vector<16xi32>
        %swap3A_298 = arith.constant 1 : i32
        %swap3A_299 = arith.index_cast %swap3A_298 : i32 to index
        %swap3A_300 = arith.constant 48 : index
        %swap3A_301 = tpu.vector_load %arg12[%swap3A_299, %swap3A_300] {strides = array<i32>} : memref<2x128xi32, #tpu.memory_space<vmem>>, vector<16xi32>,
        tpu.vector_store %arg12[%swap3A_299, %swap3A_300], %select_n3A_294 {strides = array<i32>} : memref<2x128xi32, #tpu.memory_space<vmem>>, vector<16xi32>,
        %swap3A_302 = arith.constant 1 : i32
        %swap3A_303 = arith.index_cast %swap3A_302 : i32 to index
        %swap3A_304 = arith.constant 48 : index
        %swap3A_305 = tpu.vector_load %arg13[%swap3A_303, %swap3A_304] {strides = array<i32>} : memref<2x128xi32, #tpu.memory_space<vmem>>, vector<16xi32>,
        tpu.vector_store %arg13[%swap3A_303, %swap3A_304], %select_n3A_297 {strides = array<i32>} : memref<2x128xi32, #tpu.memory_space<vmem>>, vector<16xi32>,
        %get3A_306 = arith.constant 64 : index
        %get3A_307 = tpu.vector_load %arg10[%get3A_306] {strides = array<i32>} : memref<272xi32, #tpu.memory_space<vmem>>, vector<16xi32>,
        %get3A_308 = arith.constant 64 : index
        %get3A_309 = tpu.vector_load %arg11[%get3A_308] {strides = array<i32>} : memref<272xi32, #tpu.memory_space<vmem>>, vector<16xi32>,
        %iota3A_310 = tpu.iota {dimensions = array<i32: 0>} : vector<16xi32>
        %add3A_311 = arith.constant 64 : i32
        %add3A_312 = vector.broadcast %add3A_311 : i32 to vector<16xi32>
        %add3A_313 = arith.addi %add3A_312, %iota3A_310 : vector<16xi32>
        %lt3A_314 = vector.broadcast %scan3A_166#0 : i32 to vector<16xi32>
        %lt3A_315 = arith.cmpi slt, %add3A_313, %lt3A_314 : vector<16xi32>
        %jit3A_316 = arith.constant 0 : i32
        %broadcast_in_dim3A_317 = vector.broadcast %jit3A_316 : i32 to vector<16xi32>
        %select_n3A_318 = arith.select %lt3A_315, %get3A_307, %broadcast_in_dim3A_317 : vector<16xi1>, vector<16xi32>
        %jit3A_319 = arith.constant 6272 : i32
        %broadcast_in_dim3A_320 = vector.broadcast %jit3A_319 : i32 to vector<16xi32>
        %select_n3A_321 = arith.select %lt3A_315, %get3A_309, %broadcast_in_dim3A_320 : vector<16xi1>, vector<16xi32>
        %swap3A_322 = arith.constant 1 : i32
        %swap3A_323 = arith.index_cast %swap3A_322 : i32 to index
        %swap3A_324 = arith.constant 64 : index
        %swap3A_325 = tpu.vector_load %arg12[%swap3A_323, %swap3A_324] {strides = array<i32>} : memref<2x128xi32, #tpu.memory_space<vmem>>, vector<16xi32>,
        tpu.vector_store %arg12[%swap3A_323, %swap3A_324], %select_n3A_318 {strides = array<i32>} : memref<2x128xi32, #tpu.memory_space<vmem>>, vector<16xi32>,
        %swap3A_326 = arith.constant 1 : i32
        %swap3A_327 = arith.index_cast %swap3A_326 : i32 to index
        %swap3A_328 = arith.constant 64 : index
        %swap3A_329 = tpu.vector_load %arg13[%swap3A_327, %swap3A_328] {strides = array<i32>} : memref<2x128xi32, #tpu.memory_space<vmem>>, vector<16xi32>,
        tpu.vector_store %arg13[%swap3A_327, %swap3A_328], %select_n3A_321 {strides = array<i32>} : memref<2x128xi32, #tpu.memory_space<vmem>>, vector<16xi32>,
        %get3A_330 = arith.constant 80 : index
        %get3A_331 = tpu.vector_load %arg10[%get3A_330] {strides = array<i32>} : memref<272xi32, #tpu.memory_space<vmem>>, vector<16xi32>,
        %get3A_332 = arith.constant 80 : index
        %get3A_333 = tpu.vector_load %arg11[%get3A_332] {strides = array<i32>} : memref<272xi32, #tpu.memory_space<vmem>>, vector<16xi32>,
        %iota3A_334 = tpu.iota {dimensions = array<i32: 0>} : vector<16xi32>
        %add3A_335 = arith.constant 80 : i32
        %add3A_336 = vector.broadcast %add3A_335 : i32 to vector<16xi32>
        %add3A_337 = arith.addi %add3A_336, %iota3A_334 : vector<16xi32>
        %lt3A_338 = vector.broadcast %scan3A_166#0 : i32 to vector<16xi32>
        %lt3A_339 = arith.cmpi slt, %add3A_337, %lt3A_338 : vector<16xi32>
        %jit3A_340 = arith.constant 0 : i32
        %broadcast_in_dim3A_341 = vector.broadcast %jit3A_340 : i32 to vector<16xi32>
        %select_n3A_342 = arith.select %lt3A_339, %get3A_331, %broadcast_in_dim3A_341 : vector<16xi1>, vector<16xi32>
        %jit3A_343 = arith.constant 6272 : i32
        %broadcast_in_dim3A_344 = vector.broadcast %jit3A_343 : i32 to vector<16xi32>
        %select_n3A_345 = arith.select %lt3A_339, %get3A_333, %broadcast_in_dim3A_344 : vector<16xi1>, vector<16xi32>
        %swap3A_346 = arith.constant 1 : i32
        %swap3A_347 = arith.index_cast %swap3A_346 : i32 to index
        %swap3A_348 = arith.constant 80 : index
        %swap3A_349 = tpu.vector_load %arg12[%swap3A_347, %swap3A_348] {strides = array<i32>} : memref<2x128xi32, #tpu.memory_space<vmem>>, vector<16xi32>,
        tpu.vector_store %arg12[%swap3A_347, %swap3A_348], %select_n3A_342 {strides = array<i32>} : memref<2x128xi32, #tpu.memory_space<vmem>>, vector<16xi32>,
        %swap3A_350 = arith.constant 1 : i32
        %swap3A_351 = arith.index_cast %swap3A_350 : i32 to index
        %swap3A_352 = arith.constant 80 : index
        %swap3A_353 = tpu.vector_load %arg13[%swap3A_351, %swap3A_352] {strides = array<i32>} : memref<2x128xi32, #tpu.memory_space<vmem>>, vector<16xi32>,
        tpu.vector_store %arg13[%swap3A_351, %swap3A_352], %select_n3A_345 {strides = array<i32>} : memref<2x128xi32, #tpu.memory_space<vmem>>, vector<16xi32>,
        %get3A_354 = arith.constant 96 : index
        %get3A_355 = tpu.vector_load %arg10[%get3A_354] {strides = array<i32>} : memref<272xi32, #tpu.memory_space<vmem>>, vector<16xi32>,
        %get3A_356 = arith.constant 96 : index
        %get3A_357 = tpu.vector_load %arg11[%get3A_356] {strides = array<i32>} : memref<272xi32, #tpu.memory_space<vmem>>, vector<16xi32>,
        %iota3A_358 = tpu.iota {dimensions = array<i32: 0>} : vector<16xi32>
        %add3A_359 = arith.constant 96 : i32
        %add3A_360 = vector.broadcast %add3A_359 : i32 to vector<16xi32>
        %add3A_361 = arith.addi %add3A_360, %iota3A_358 : vector<16xi32>
        %lt3A_362 = vector.broadcast %scan3A_166#0 : i32 to vector<16xi32>
        %lt3A_363 = arith.cmpi slt, %add3A_361, %lt3A_362 : vector<16xi32>
        %jit3A_364 = arith.constant 0 : i32
        %broadcast_in_dim3A_365 = vector.broadcast %jit3A_364 : i32 to vector<16xi32>
        %select_n3A_366 = arith.select %lt3A_363, %get3A_355, %broadcast_in_dim3A_365 : vector<16xi1>, vector<16xi32>
        %jit3A_367 = arith.constant 6272 : i32
        %broadcast_in_dim3A_368 = vector.broadcast %jit3A_367 : i32 to vector<16xi32>
        %select_n3A_369 = arith.select %lt3A_363, %get3A_357, %broadcast_in_dim3A_368 : vector<16xi1>, vector<16xi32>
        %swap3A_370 = arith.constant 1 : i32
        %swap3A_371 = arith.index_cast %swap3A_370 : i32 to index
        %swap3A_372 = arith.constant 96 : index
        %swap3A_373 = tpu.vector_load %arg12[%swap3A_371, %swap3A_372] {strides = array<i32>} : memref<2x128xi32, #tpu.memory_space<vmem>>, vector<16xi32>,
        tpu.vector_store %arg12[%swap3A_371, %swap3A_372], %select_n3A_366 {strides = array<i32>} : memref<2x128xi32, #tpu.memory_space<vmem>>, vector<16xi32>,
        %swap3A_374 = arith.constant 1 : i32
        %swap3A_375 = arith.index_cast %swap3A_374 : i32 to index
        %swap3A_376 = arith.constant 96 : index
        %swap3A_377 = tpu.vector_load %arg13[%swap3A_375, %swap3A_376] {strides = array<i32>} : memref<2x128xi32, #tpu.memory_space<vmem>>, vector<16xi32>,
        tpu.vector_store %arg13[%swap3A_375, %swap3A_376], %select_n3A_369 {strides = array<i32>} : memref<2x128xi32, #tpu.memory_space<vmem>>, vector<16xi32>,
        %get3A_378 = arith.constant 112 : index
        %get3A_379 = tpu.vector_load %arg10[%get3A_378] {strides = array<i32>} : memref<272xi32, #tpu.memory_space<vmem>>, vector<16xi32>,
        %get3A_380 = arith.constant 112 : index
        %get3A_381 = tpu.vector_load %arg11[%get3A_380] {strides = array<i32>} : memref<272xi32, #tpu.memory_space<vmem>>, vector<16xi32>,
        %iota3A_382 = tpu.iota {dimensions = array<i32: 0>} : vector<16xi32>
        %add3A_383 = arith.constant 112 : i32
        %add3A_384 = vector.broadcast %add3A_383 : i32 to vector<16xi32>
        %add3A_385 = arith.addi %add3A_384, %iota3A_382 : vector<16xi32>
        %lt3A_386 = vector.broadcast %scan3A_166#0 : i32 to vector<16xi32>
        %lt3A_387 = arith.cmpi slt, %add3A_385, %lt3A_386 : vector<16xi32>
        %jit3A_388 = arith.constant 0 : i32
        %broadcast_in_dim3A_389 = vector.broadcast %jit3A_388 : i32 to vector<16xi32>
        %select_n3A_390 = arith.select %lt3A_387, %get3A_379, %broadcast_in_dim3A_389 : vector<16xi1>, vector<16xi32>
        %jit3A_391 = arith.constant 6272 : i32
        %broadcast_in_dim3A_392 = vector.broadcast %jit3A_391 : i32 to vector<16xi32>
        %select_n3A_393 = arith.select %lt3A_387, %get3A_381, %broadcast_in_dim3A_392 : vector<16xi1>, vector<16xi32>
        %swap3A_394 = arith.constant 1 : i32
        %swap3A_395 = arith.index_cast %swap3A_394 : i32 to index
        %swap3A_396 = arith.constant 112 : index
        %swap3A_397 = tpu.vector_load %arg12[%swap3A_395, %swap3A_396] {strides = array<i32>} : memref<2x128xi32, #tpu.memory_space<vmem>>, vector<16xi32>,
        tpu.vector_store %arg12[%swap3A_395, %swap3A_396], %select_n3A_390 {strides = array<i32>} : memref<2x128xi32, #tpu.memory_space<vmem>>, vector<16xi32>,
        %swap3A_398 = arith.constant 1 : i32
        %swap3A_399 = arith.index_cast %swap3A_398 : i32 to index
        %swap3A_400 = arith.constant 112 : index
        %swap3A_401 = tpu.vector_load %arg13[%swap3A_399, %swap3A_400] {strides = array<i32>} : memref<2x128xi32, #tpu.memory_space<vmem>>, vector<16xi32>,
        tpu.vector_store %arg13[%swap3A_399, %swap3A_400], %select_n3A_393 {strides = array<i32>} : memref<2x128xi32, #tpu.memory_space<vmem>>, vector<16xi32>,
        %dma_start3A_402 = arith.constant 1 : i32
        %dma_start3A_403 = arith.constant 1 : i32
        %dma_start3A_404 = arith.constant 0 : i32
        %dma_start3A_405 = arith.constant 0 : i32
        %dma_start3A_406 = tpu.memref_slice %arg7[%dma_start3A_403, %dma_start3A_404, %dma_start3A_405] : memref<2x128x128xf32, #tpu.memory_space<vmem>> -> memref<1x64x128xf32, #tpu.memory_space<vmem>>
        %dma_start3A_407 = tpu.memref_squeeze %dma_start3A_406 : memref<1x64x128xf32, #tpu.memory_space<vmem>> -> memref<64x128xf32, #tpu.memory_space<vmem>>
        %dma_start3A_408 = arith.constant 0 : i32
        %dma_start3A_409 = tpu.memref_slice %arg12[%dma_start3A_402, %dma_start3A_408] : memref<2x128xi32, #tpu.memory_space<vmem>> -> memref<1x64xi32, #tpu.memory_space<vmem>>
        %dma_start3A_410 = tpu.memref_squeeze %dma_start3A_409 : memref<1x64xi32, #tpu.memory_space<vmem>> -> memref<64xi32, #tpu.memory_space<vmem>>
        %dma_start3A_411 = arith.constant 0 : i32
        %dma_start3A_412 = arith.constant 0 : i32
        %dma_start3A_413 = tpu.memref_slice %arg4[%dma_start3A_411, %dma_start3A_412] : memref<50176x128xf32, #tpu.memory_space<hbm>> -> memref<50176x128xf32, #tpu.memory_space<hbm>>
        tpu.enqueue_indirect_dma source(%dma_start3A_413 : memref<50176x128xf32, #tpu.memory_space<hbm>>) target(%dma_start3A_407 : memref<64x128xf32, #tpu.memory_space<vmem>>) offsets(%dma_start3A_410 : memref<64xi32, #tpu.memory_space<vmem>>) semaphore(%arg15 : memref<!tpu.dma_semaphore, #tpu.memory_space<semaphore_mem>>)
        %dma_start3A_414 = arith.constant 1 : i32
        %dma_start3A_415 = arith.constant 1 : i32
        %dma_start3A_416 = arith.constant 64 : i32
        %dma_start3A_417 = arith.constant 0 : i32
        %dma_start3A_418 = tpu.memref_slice %arg7[%dma_start3A_415, %dma_start3A_416, %dma_start3A_417] : memref<2x128x128xf32, #tpu.memory_space<vmem>> -> memref<1x64x128xf32, #tpu.memory_space<vmem>>
        %dma_start3A_419 = tpu.memref_squeeze %dma_start3A_418 : memref<1x64x128xf32, #tpu.memory_space<vmem>> -> memref<64x128xf32, #tpu.memory_space<vmem>>
        %dma_start3A_420 = arith.constant 64 : i32
        %dma_start3A_421 = tpu.memref_slice %arg12[%dma_start3A_414, %dma_start3A_420] : memref<2x128xi32, #tpu.memory_space<vmem>> -> memref<1x64xi32, #tpu.memory_space<vmem>>
        %dma_start3A_422 = tpu.memref_squeeze %dma_start3A_421 : memref<1x64xi32, #tpu.memory_space<vmem>> -> memref<64xi32, #tpu.memory_space<vmem>>
        %dma_start3A_423 = arith.constant 0 : i32
        %dma_start3A_424 = arith.constant 0 : i32
        %dma_start3A_425 = tpu.memref_slice %arg4[%dma_start3A_423, %dma_start3A_424] : memref<50176x128xf32, #tpu.memory_space<hbm>> -> memref<50176x128xf32, #tpu.memory_space<hbm>>
        tpu.enqueue_indirect_dma source(%dma_start3A_425 : memref<50176x128xf32, #tpu.memory_space<hbm>>) target(%dma_start3A_419 : memref<64x128xf32, #tpu.memory_space<vmem>>) offsets(%dma_start3A_422 : memref<64xi32, #tpu.memory_space<vmem>>) semaphore(%arg15 : memref<!tpu.dma_semaphore, #tpu.memory_space<semaphore_mem>>)
        %dma_wait3A_426 = arith.constant 1 : i32
        %dma_wait3A_427 = arith.constant 1 : i32
        %dma_wait3A_428 = arith.constant 0 : i32
        %dma_wait3A_429 = arith.constant 0 : i32
        %dma_wait3A_430 = tpu.memref_slice %arg7[%dma_wait3A_427, %dma_wait3A_428, %dma_wait3A_429] : memref<2x128x128xf32, #tpu.memory_space<vmem>> -> memref<1x64x128xf32, #tpu.memory_space<vmem>>
        %dma_wait3A_431 = tpu.memref_squeeze %dma_wait3A_430 : memref<1x64x128xf32, #tpu.memory_space<vmem>> -> memref<64x128xf32, #tpu.memory_space<vmem>>
        %dma_wait3A_432 = arith.constant 0 : i32
        %dma_wait3A_433 = tpu.memref_slice %arg12[%dma_wait3A_426, %dma_wait3A_432] : memref<2x128xi32, #tpu.memory_space<vmem>> -> memref<1x64xi32, #tpu.memory_space<vmem>>
        %dma_wait3A_434 = tpu.memref_squeeze %dma_wait3A_433 : memref<1x64xi32, #tpu.memory_space<vmem>> -> memref<64xi32, #tpu.memory_space<vmem>>
        %dma_wait3A_435 = arith.constant 0 : i32
        %dma_wait3A_436 = arith.constant 0 : i32
        %dma_wait3A_437 = tpu.memref_slice %arg4[%dma_wait3A_435, %dma_wait3A_436] : memref<50176x128xf32, #tpu.memory_space<hbm>> -> memref<50176x128xf32, #tpu.memory_space<hbm>>
        tpu.wait_indirect_dma semaphore(%arg15 : memref<!tpu.dma_semaphore, #tpu.memory_space<semaphore_mem>>) src(%dma_wait3A_437 : memref<50176x128xf32, #tpu.memory_space<hbm>>) dst(%dma_wait3A_431 : memref<64x128xf32, #tpu.memory_space<vmem>>)
        %dma_wait3A_438 = arith.constant 1 : i32
        %dma_wait3A_439 = arith.constant 1 : i32
        %dma_wait3A_440 = arith.constant 64 : i32
        %dma_wait3A_441 = arith.constant 0 : i32
        %dma_wait3A_442 = tpu.memref_slice %arg7[%dma_wait3A_439, %dma_wait3A_440, %dma_wait3A_441] : memref<2x128x128xf32, #tpu.memory_space<vmem>> -> memref<1x64x128xf32, #tpu.memory_space<vmem>>
        %dma_wait3A_443 = tpu.memref_squeeze %dma_wait3A_442 : memref<1x64x128xf32, #tpu.memory_space<vmem>> -> memref<64x128xf32, #tpu.memory_space<vmem>>
        %dma_wait3A_444 = arith.constant 64 : i32
        %dma_wait3A_445 = tpu.memref_slice %arg12[%dma_wait3A_438, %dma_wait3A_444] : memref<2x128xi32, #tpu.memory_space<vmem>> -> memref<1x64xi32, #tpu.memory_space<vmem>>
        %dma_wait3A_446 = tpu.memref_squeeze %dma_wait3A_445 : memref<1x64xi32, #tpu.memory_space<vmem>> -> memref<64xi32, #tpu.memory_space<vmem>>
        %dma_wait3A_447 = arith.constant 0 : i32
        %dma_wait3A_448 = arith.constant 0 : i32
        %dma_wait3A_449 = tpu.memref_slice %arg4[%dma_wait3A_447, %dma_wait3A_448] : memref<50176x128xf32, #tpu.memory_space<hbm>> -> memref<50176x128xf32, #tpu.memory_space<hbm>>
        tpu.wait_indirect_dma semaphore(%arg15 : memref<!tpu.dma_semaphore, #tpu.memory_space<semaphore_mem>>) src(%dma_wait3A_449 : memref<50176x128xf32, #tpu.memory_space<hbm>>) dst(%dma_wait3A_443 : memref<64x128xf32, #tpu.memory_space<vmem>>)
        %dma_start3A_450 = arith.constant 1 : i32
        %dma_start3A_451 = arith.constant 1 : i32
        %dma_start3A_452 = arith.constant 0 : i32
        %dma_start3A_453 = arith.constant 0 : i32
        %dma_start3A_454 = tpu.memref_slice %arg7[%dma_start3A_450, %dma_start3A_452, %dma_start3A_453] : memref<2x128x128xf32, #tpu.memory_space<vmem>> -> memref<1x128x128xf32, #tpu.memory_space<vmem>>
        %dma_start3A_455 = tpu.memref_squeeze %dma_start3A_454 : memref<1x128x128xf32, #tpu.memory_space<vmem>> -> memref<128x128xf32, #tpu.memory_space<vmem>>
        %dma_start3A_456 = arith.constant 0 : i32
        %dma_start3A_457 = tpu.memref_slice %arg13[%dma_start3A_451, %dma_start3A_456] : memref<2x128xi32, #tpu.memory_space<vmem>> -> memref<1x128xi32, #tpu.memory_space<vmem>>
        %dma_start3A_458 = tpu.memref_squeeze %dma_start3A_457 : memref<1x128xi32, #tpu.memory_space<vmem>> -> memref<128xi32, #tpu.memory_space<vmem>>
        %dma_start3A_459 = arith.constant 0 : i32
        %dma_start3A_460 = arith.constant 0 : i32
        %dma_start3A_461 = tpu.memref_slice %arg6[%dma_start3A_459, %dma_start3A_460] : memref<6400x128xf32, #tpu.memory_space<vmem_shared>> -> memref<6400x128xf32, #tpu.memory_space<vmem_shared>>
        tpu.enqueue_indirect_dma source(%dma_start3A_455 : memref<128x128xf32, #tpu.memory_space<vmem>>) target(%dma_start3A_461 : memref<6400x128xf32, #tpu.memory_space<vmem_shared>>) offsets(%dma_start3A_458 : memref<128xi32, #tpu.memory_space<vmem>>) semaphore(%arg14 : memref<!tpu.dma_semaphore, #tpu.memory_space<semaphore_mem>>) {add = true}
        %cond3A_462 = arith.constant 0 : i32
        scf.yield %cond3A_462 : i32
      }
      %dma_wait3A = arith.constant 0 : i32
      %dma_wait3A_172 = arith.constant 0 : i32
      %dma_wait3A_173 = arith.constant 0 : i32
      %dma_wait3A_174 = arith.constant 0 : i32
      %dma_wait3A_175 = tpu.memref_slice %arg7[%dma_wait3A, %dma_wait3A_173, %dma_wait3A_174] : memref<2x128x128xf32, #tpu.memory_space<vmem>> -> memref<1x128x128xf32, #tpu.memory_space<vmem>>
      %dma_wait3A_176 = tpu.memref_squeeze %dma_wait3A_175 : memref<1x128x128xf32, #tpu.memory_space<vmem>> -> memref<128x128xf32, #tpu.memory_space<vmem>>
      %dma_wait3A_177 = arith.constant 0 : i32
      %dma_wait3A_178 = tpu.memref_slice %arg13[%dma_wait3A_172, %dma_wait3A_177] : memref<2x128xi32, #tpu.memory_space<vmem>> -> memref<1x128xi32, #tpu.memory_space<vmem>>
      %dma_wait3A_179 = tpu.memref_squeeze %dma_wait3A_178 : memref<1x128xi32, #tpu.memory_space<vmem>> -> memref<128xi32, #tpu.memory_space<vmem>>
      %dma_wait3A_180 = arith.constant 0 : i32
      %dma_wait3A_181 = arith.constant 0 : i32
      %dma_wait3A_182 = tpu.memref_slice %arg6[%dma_wait3A_180, %dma_wait3A_181] : memref<6400x128xf32, #tpu.memory_space<vmem_shared>> -> memref<6400x128xf32, #tpu.memory_space<vmem_shared>>
      tpu.wait_indirect_dma semaphore(%arg14 : memref<!tpu.dma_semaphore, #tpu.memory_space<semaphore_mem>>) src(%dma_wait3A_176 : memref<128x128xf32, #tpu.memory_space<vmem>>) dst(%dma_wait3A_182 : memref<6400x128xf32, #tpu.memory_space<vmem_shared>>)
      %dma_wait3A_183 = arith.constant 0 : i32
      %dma_wait3A_184 = arith.constant 0 : i32
      %dma_wait3A_185 = arith.constant 0 : i32
      %dma_wait3A_186 = arith.constant 0 : i32
      %dma_wait3A_187 = tpu.memref_slice %arg7[%dma_wait3A_183, %dma_wait3A_185, %dma_wait3A_186] : memref<2x128x128xf32, #tpu.memory_space<vmem>> -> memref<1x128x128xf32, #tpu.memory_space<vmem>>
      %dma_wait3A_188 = tpu.memref_squeeze %dma_wait3A_187 : memref<1x128x128xf32, #tpu.memory_space<vmem>> -> memref<128x128xf32, #tpu.memory_space<vmem>>
      %dma_wait3A_189 = arith.constant 0 : i32
      %dma_wait3A_190 = tpu.memref_slice %arg13[%dma_wait3A_184, %dma_wait3A_189] : memref<2x128xi32, #tpu.memory_space<vmem>> -> memref<1x128xi32, #tpu.memory_space<vmem>>
      %dma_wait3A_191 = tpu.memref_squeeze %dma_wait3A_190 : memref<1x128xi32, #tpu.memory_space<vmem>> -> memref<128xi32, #tpu.memory_space<vmem>>
      %dma_wait3A_192 = arith.constant 0 : i32
      %dma_wait3A_193 = arith.constant 0 : i32
      %dma_wait3A_194 = tpu.memref_slice %arg6[%dma_wait3A_192, %dma_wait3A_193] : memref<6400x128xf32, #tpu.memory_space<vmem_shared>> -> memref<6400x128xf32, #tpu.memory_space<vmem_shared>>
      tpu.wait_indirect_dma semaphore(%arg14 : memref<!tpu.dma_semaphore, #tpu.memory_space<semaphore_mem>>) src(%dma_wait3A_188 : memref<128x128xf32, #tpu.memory_space<vmem>>) dst(%dma_wait3A_194 : memref<6400x128xf32, #tpu.memory_space<vmem_shared>>)
      %barrier3A_195 = arith.constant 0 : index
      tpu.barrier barrier_id(%barrier3A_195)
      %scan3A_196 = arith.constant 0 : i32
      %scan3A_197 = arith.constant 0 : i32
      %scan3A_198 = arith.constant 7 : i32
      %scan3A_199 = arith.addi %scan3A_197, %scan3A_198 : i32
      %scan3A_200 = arith.constant 1 : i32
      scf.for %scan3A_203 = %scan3A_197 to %scan3A_199 step %scan3A_200  : i32 {
        %mul3A_204 = arith.constant 392 : i32
        %mul3A_205 = arith.muli %arg1, %mul3A_204 : i32
        %mul3A_206 = arith.constant 56 : i32
        %mul3A_207 = arith.muli %scan3A_203, %mul3A_206 : i32
        %add3A_208 = arith.addi %mul3A_205, %mul3A_207 : i32
        %add3A_209 = arith.addi %mul3A_8, %add3A_208 : i32
        "tpu.region"() ({
          %run_scoped3A = tpu.sem_alloc : memref<!tpu.dma_semaphore, #tpu.memory_space<semaphore_mem>>
          %dma_start3A_210 = arith.constant 0 : i32
          %dma_start3A_211 = tpu.memref_slice %arg5[%add3A_209, %dma_start3A_210] : memref<50176x128xf32, #tpu.memory_space<hbm>> -> memref<56x128xf32, #tpu.memory_space<hbm>>
          %dma_start3A_212 = arith.constant 0 : i32
          %dma_start3A_213 = tpu.memref_slice %arg6[%add3A_208, %dma_start3A_212] : memref<6400x128xf32, #tpu.memory_space<vmem_shared>> -> memref<56x128xf32, #tpu.memory_space<vmem_shared>>
          tpu.enqueue_dma source(%dma_start3A_213 : memref<56x128xf32, #tpu.memory_space<vmem_shared>>) target(%dma_start3A_211 : memref<56x128xf32, #tpu.memory_space<hbm>>) target_semaphore(%run_scoped3A : memref<!tpu.dma_semaphore, #tpu.memory_space<semaphore_mem>>)
          %dma_wait3A_214 = arith.constant 0 : i32
          %dma_wait3A_215 = tpu.memref_slice %arg5[%add3A_209, %dma_wait3A_214] : memref<50176x128xf32, #tpu.memory_space<hbm>> -> memref<56x128xf32, #tpu.memory_space<hbm>>
          %dma_wait3A_216 = arith.constant 0 : i32
          %dma_wait3A_217 = tpu.memref_slice %arg6[%add3A_208, %dma_wait3A_216] : memref<6400x128xf32, #tpu.memory_space<vmem_shared>> -> memref<56x128xf32, #tpu.memory_space<vmem_shared>>
          tpu.wait_dma2 semaphore(%run_scoped3A : memref<!tpu.dma_semaphore, #tpu.memory_space<semaphore_mem>>) src(%dma_wait3A_217 : memref<56x128xf32, #tpu.memory_space<vmem_shared>>) dst(%dma_wait3A_215 : memref<56x128xf32, #tpu.memory_space<hbm>>)
          tpu.yield
        }) : () -> ()
      }
      %scan3A_201 = arith.constant 7 : i32
      %barrier3A_202 = arith.constant 0 : index
      tpu.barrier barrier_id(%barrier3A_202)
    }
    %scan3A_4 = arith.constant 4 : i32
    return
  }
}

module attributes {stable_mosaic.version = 14 : i64} {
  func.func @_embed_pool_body(%arg0: i32, %arg1: memref<1024x128xf32, #tpu.memory_space<vmem>>, %arg2: memref<128x128xf32, #tpu.memory_space<vmem>>, %arg3: memref<1x128xf32, #tpu.memory_space<vmem>>, %arg4: memref<128x128xf32, #tpu.memory_space<vmem>>, %arg5: memref<1x128xf32, #tpu.memory_space<vmem>>, %arg6: memref<1024x128xf32, #tpu.memory_space<vmem>>, %arg7: memref<1024x128xf32, #tpu.memory_space<vmem>>) attributes {dimension_semantics = [#tpu.dimension_semantics<arbitrary>], iteration_bounds = array<i64: 49>, scalar_prefetch = 0 : i64, scratch_operands = 0 : i64, tpu.core_type = #tpu.core_type<tc>, window_params = [{transform_indices = @transform_0, window_bounds = array<i64: 1024, 128>}, {pipeline_mode = #tpu.pipeline_mode<synchronous>, transform_indices = @transform_1, window_bounds = array<i64: 128, 128>}, {pipeline_mode = #tpu.pipeline_mode<synchronous>, transform_indices = @transform_2, window_bounds = array<i64: 1, 128>}, {pipeline_mode = #tpu.pipeline_mode<synchronous>, transform_indices = @transform_3, window_bounds = array<i64: 128, 128>}, {pipeline_mode = #tpu.pipeline_mode<synchronous>, transform_indices = @transform_4, window_bounds = array<i64: 1, 128>}, {transform_indices = @transform_5, window_bounds = array<i64: 1024, 128>}, {transform_indices = @transform_6, window_bounds = array<i64: 1024, 128>}]} {
    %get3A = arith.constant 0 : index
    %get3A_0 = arith.constant 0 : index
    %get3A_1 = vector.load %arg1[%get3A, %get3A_0] : memref<1024x128xf32, #tpu.memory_space<vmem>>, vector<1024x128xf32>
    %get3A_2 = arith.constant 0 : index
    %get3A_3 = arith.constant 0 : index
    %get3A_4 = vector.load %arg2[%get3A_2, %get3A_3] : memref<128x128xf32, #tpu.memory_space<vmem>>, vector<128x128xf32>
    %dot_general3A = arith.constant dense<0.000000e+00> : vector<1024x128xf32>
    %dot_general3A_5 = tpu.matmul %get3A_1, %get3A_4, %dot_general3A {dimension_numbers = #tpu.dot_dimension_numbers<[1], [0], [0], [1], [0, 0, 1, 1], [], []>, precision = #tpu.contract_precision<fp32>, transpose_lhs_hint = false} : vector<1024x128xf32>, vector<128x128xf32>, vector<1024x128xf32> -> vector<1024x128xf32>
    %get3A_6 = arith.constant 0 : index
    %get3A_7 = arith.constant 0 : index
    %get3A_8 = vector.load %arg3[%get3A_6, %get3A_7] : memref<1x128xf32, #tpu.memory_space<vmem>>, vector<1x128xf32>
    %add3A = vector.broadcast %get3A_8 : vector<1x128xf32> to vector<1024x128xf32>
    %add3A_9 = arith.addf %dot_general3A_5, %add3A : vector<1024x128xf32>
    %swap3A = arith.constant 0 : index
    %swap3A_10 = arith.constant 0 : index
    %swap3A_11 = vector.load %arg6[%swap3A, %swap3A_10] : memref<1024x128xf32, #tpu.memory_space<vmem>>, vector<1024x128xf32>
    tpu.vector_store %arg6[%swap3A, %swap3A_10], %add3A_9 {strides = array<i32>} : memref<1024x128xf32, #tpu.memory_space<vmem>>, vector<1024x128xf32>,
    %get3A_12 = arith.constant 0 : index
    %get3A_13 = arith.constant 0 : index
    %get3A_14 = vector.load %arg4[%get3A_12, %get3A_13] : memref<128x128xf32, #tpu.memory_space<vmem>>, vector<128x128xf32>
    %dot_general3A_15 = arith.constant dense<0.000000e+00> : vector<1024x128xf32>
    %dot_general3A_16 = tpu.matmul %add3A_9, %get3A_14, %dot_general3A_15 {dimension_numbers = #tpu.dot_dimension_numbers<[1], [0], [0], [1], [0, 0, 1, 1], [], []>, precision = #tpu.contract_precision<fp32>, transpose_lhs_hint = false} : vector<1024x128xf32>, vector<128x128xf32>, vector<1024x128xf32> -> vector<1024x128xf32>
    %get3A_17 = arith.constant 0 : index
    %get3A_18 = arith.constant 0 : index
    %get3A_19 = vector.load %arg5[%get3A_17, %get3A_18] : memref<1x128xf32, #tpu.memory_space<vmem>>, vector<1x128xf32>
    %add3A_20 = vector.broadcast %get3A_19 : vector<1x128xf32> to vector<1024x128xf32>
    %add3A_21 = arith.addf %dot_general3A_16, %add3A_20 : vector<1024x128xf32>
    %max3A = arith.constant 0.000000e+00 : f32
    %max3A_22 = vector.broadcast %max3A : f32 to vector<1024x128xf32>
    %max3A_23 = arith.maximumf %add3A_21, %max3A_22 : vector<1024x128xf32>
    %iota3A = tpu.iota {dimensions = array<i32: 1>} : vector<1024x128xi32>
    %eq3A = arith.constant 108 : i32
    %eq3A_24 = vector.broadcast %eq3A : i32 to vector<1024x128xi32>
    %eq3A_25 = arith.cmpi eq, %iota3A, %eq3A_24 : vector<1024x128xi32>
    %jit3A = arith.constant 1.000000e+00 : f32
    %broadcast_in_dim3A = vector.broadcast %jit3A : f32 to vector<1024x128xf32>
    %select_n3A = arith.select %eq3A_25, %broadcast_in_dim3A, %max3A_23 : vector<1024x128xi1>, vector<1024x128xf32>
    %swap3A_26 = arith.constant 0 : index
    %swap3A_27 = arith.constant 0 : index
    %swap3A_28 = vector.load %arg7[%swap3A_26, %swap3A_27] : memref<1024x128xf32, #tpu.memory_space<vmem>>, vector<1024x128xf32>
    tpu.vector_store %arg7[%swap3A_26, %swap3A_27], %select_n3A {strides = array<i32>} : memref<1024x128xf32, #tpu.memory_space<vmem>>, vector<1024x128xf32>,
    return
  }
  func.func @transform_0(%arg0: i32) -> (i32, i32) {
    %c0_i32 = arith.constant 0 : i32
    %c0_i32_0 = arith.constant 0 : i32
    return %arg0, %c0_i32 : i32, i32
  }
  func.func @transform_1(%arg0: i32) -> (i32, i32) {
    %c0_i32 = arith.constant 0 : i32
    %c0_i32_0 = arith.constant 0 : i32
    %c0_i32_1 = arith.constant 0 : i32
    return %c0_i32, %c0_i32_0 : i32, i32
  }
  func.func @transform_2(%arg0: i32) -> (i32, i32) {
    %c0_i32 = arith.constant 0 : i32
    %c0_i32_0 = arith.constant 0 : i32
    %c0_i32_1 = arith.constant 0 : i32
    return %c0_i32, %c0_i32_0 : i32, i32
  }
  func.func @transform_3(%arg0: i32) -> (i32, i32) {
    %c0_i32 = arith.constant 0 : i32
    %c0_i32_0 = arith.constant 0 : i32
    %c0_i32_1 = arith.constant 0 : i32
    return %c0_i32, %c0_i32_0 : i32, i32
  }
  func.func @transform_4(%arg0: i32) -> (i32, i32) {
    %c0_i32 = arith.constant 0 : i32
    %c0_i32_0 = arith.constant 0 : i32
    %c0_i32_1 = arith.constant 0 : i32
    return %c0_i32, %c0_i32_0 : i32, i32
  }
  func.func @transform_5(%arg0: i32) -> (i32, i32) {
    %c0_i32 = arith.constant 0 : i32
    %c0_i32_0 = arith.constant 0 : i32
    return %arg0, %c0_i32 : i32, i32
  }
  func.func @transform_6(%arg0: i32) -> (i32, i32) {
    %c0_i32 = arith.constant 0 : i32
    %c0_i32_0 = arith.constant 0 : i32
    return %arg0, %c0_i32 : i32, i32
  }
}

module attributes {stable_mosaic.version = 14 : i64} {
  func.func @_apply_pool_body(%arg0: i32, %arg1: memref<1024x128xf32, #tpu.memory_space<vmem>>, %arg2: memref<1024x128xf32, #tpu.memory_space<vmem>>, %arg3: memref<128x128xf32, #tpu.memory_space<vmem>>, %arg4: memref<128x128xf32, #tpu.memory_space<vmem>>, %arg5: memref<1x128xf32, #tpu.memory_space<vmem>>, %arg6: memref<128x128xf32, #tpu.memory_space<vmem>>, %arg7: memref<1x128xf32, #tpu.memory_space<vmem>>, %arg8: memref<1024x128xf32, #tpu.memory_space<vmem>>, %arg9: memref<1024x128xf32, #tpu.memory_space<vmem>>) attributes {dimension_semantics = [#tpu.dimension_semantics<arbitrary>], iteration_bounds = array<i64: 49>, scalar_prefetch = 0 : i64, scratch_operands = 0 : i64, tpu.core_type = #tpu.core_type<tc>, window_params = [{transform_indices = @transform_0, window_bounds = array<i64: 1024, 128>}, {transform_indices = @transform_1, window_bounds = array<i64: 1024, 128>}, {pipeline_mode = #tpu.pipeline_mode<synchronous>, transform_indices = @transform_2, window_bounds = array<i64: 128, 128>}, {pipeline_mode = #tpu.pipeline_mode<synchronous>, transform_indices = @transform_3, window_bounds = array<i64: 128, 128>}, {pipeline_mode = #tpu.pipeline_mode<synchronous>, transform_indices = @transform_4, window_bounds = array<i64: 1, 128>}, {pipeline_mode = #tpu.pipeline_mode<synchronous>, transform_indices = @transform_5, window_bounds = array<i64: 128, 128>}, {pipeline_mode = #tpu.pipeline_mode<synchronous>, transform_indices = @transform_6, window_bounds = array<i64: 1, 128>}, {transform_indices = @transform_7, window_bounds = array<i64: 1024, 128>}, {transform_indices = @transform_8, window_bounds = array<i64: 1024, 128>}]} {
    %get3A = arith.constant 0 : index
    %get3A_0 = arith.constant 0 : index
    %get3A_1 = vector.load %arg1[%get3A, %get3A_0] : memref<1024x128xf32, #tpu.memory_space<vmem>>, vector<1024x128xf32>
    %get3A_2 = arith.constant 0 : index
    %get3A_3 = arith.constant 0 : index
    %get3A_4 = vector.load %arg2[%get3A_2, %get3A_3] : memref<1024x128xf32, #tpu.memory_space<vmem>>, vector<1024x128xf32>
    %get3A_5 = arith.constant 0 : index
    %get3A_6 = arith.constant 0 : index
    %get3A_7 = vector.load %arg3[%get3A_5, %get3A_6] : memref<128x128xf32, #tpu.memory_space<vmem>>, vector<128x128xf32>
    %get3A_8 = arith.constant 0 : index
    %get3A_9 = arith.constant 0 : index
    %get3A_10 = vector.load %arg4[%get3A_8, %get3A_9] : memref<128x128xf32, #tpu.memory_space<vmem>>, vector<128x128xf32>
    %get3A_11 = arith.constant 0 : index
    %get3A_12 = arith.constant 0 : index
    %get3A_13 = vector.load %arg5[%get3A_11, %get3A_12] : memref<1x128xf32, #tpu.memory_space<vmem>>, vector<1x128xf32>
    %slice3A = vector.extract_strided_slice %get3A_4 {offsets = [0, 108], sizes = [1024, 1], strides = [1, 1]} : vector<1024x128xf32> to vector<1024x1xf32>
    %max3A = arith.constant 1.000000e+00 : f32
    %max3A_14 = vector.broadcast %max3A : f32 to vector<1024x1xf32>
    %max3A_15 = arith.maximumf %slice3A, %max3A_14 : vector<1024x1xf32>
    %div3A = arith.constant 1.000000e+00 : f32
    %div3A_16 = vector.broadcast %div3A : f32 to vector<1024x1xf32>
    %div3A_17 = arith.divf %div3A_16, %max3A_15 : vector<1024x1xf32>
    %mul3A = vector.broadcast %div3A_17 : vector<1024x1xf32> to vector<1024x128xf32>
    %mul3A_18 = arith.mulf %get3A_4, %mul3A : vector<1024x128xf32>
    %dot_general3A = arith.constant dense<0.000000e+00> : vector<1024x128xf32>
    %dot_general3A_19 = tpu.matmul %get3A_1, %get3A_7, %dot_general3A {dimension_numbers = #tpu.dot_dimension_numbers<[1], [0], [0], [1], [0, 0, 1, 1], [], []>, precision = #tpu.contract_precision<fp32>, transpose_lhs_hint = false} : vector<1024x128xf32>, vector<128x128xf32>, vector<1024x128xf32> -> vector<1024x128xf32>
    %dot_general3A_20 = arith.constant dense<0.000000e+00> : vector<1024x128xf32>
    %dot_general3A_21 = tpu.matmul %mul3A_18, %get3A_10, %dot_general3A_20 {dimension_numbers = #tpu.dot_dimension_numbers<[1], [0], [0], [1], [0, 0, 1, 1], [], []>, precision = #tpu.contract_precision<fp32>, transpose_lhs_hint = false} : vector<1024x128xf32>, vector<128x128xf32>, vector<1024x128xf32> -> vector<1024x128xf32>
    %add3A = arith.addf %dot_general3A_19, %dot_general3A_21 : vector<1024x128xf32>
    %add3A_22 = vector.broadcast %get3A_13 : vector<1x128xf32> to vector<1024x128xf32>
    %add3A_23 = arith.addf %add3A, %add3A_22 : vector<1024x128xf32>
    %mul3A_24 = arith.mulf %add3A_23, %add3A_23 : vector<1024x128xf32>
    %reduce_sum3A = arith.constant dense<0.000000e+00> : vector<1024xf32>
    %reduce_sum3A_25 = vector.multi_reduction <add>, %mul3A_24, %reduce_sum3A [1] : vector<1024x128xf32> to vector<1024xf32>
    %broadcast_in_dim3A = vector.shape_cast %reduce_sum3A_25 : vector<1024xf32> to vector<1024x1xf32>
    %sqrt3A = math.sqrt %broadcast_in_dim3A : vector<1024x1xf32>
    %max3A_26 = arith.constant 9.99999996E-13 : f32
    %max3A_27 = vector.broadcast %max3A_26 : f32 to vector<1024x1xf32>
    %max3A_28 = arith.maximumf %sqrt3A, %max3A_27 : vector<1024x1xf32>
    %div3A_29 = vector.broadcast %max3A_28 : vector<1024x1xf32> to vector<1024x128xf32>
    %div3A_30 = arith.divf %add3A_23, %div3A_29 : vector<1024x128xf32>
    %max3A_31 = arith.constant 0.000000e+00 : f32
    %max3A_32 = vector.broadcast %max3A_31 : f32 to vector<1024x128xf32>
    %max3A_33 = arith.maximumf %div3A_30, %max3A_32 : vector<1024x128xf32>
    %add3A_34 = arith.addf %get3A_1, %max3A_33 : vector<1024x128xf32>
    %swap3A = arith.constant 0 : index
    %swap3A_35 = arith.constant 0 : index
    %swap3A_36 = vector.load %arg8[%swap3A, %swap3A_35] : memref<1024x128xf32, #tpu.memory_space<vmem>>, vector<1024x128xf32>
    tpu.vector_store %arg8[%swap3A, %swap3A_35], %add3A_34 {strides = array<i32>} : memref<1024x128xf32, #tpu.memory_space<vmem>>, vector<1024x128xf32>,
    %get3A_37 = arith.constant 0 : index
    %get3A_38 = arith.constant 0 : index
    %get3A_39 = vector.load %arg6[%get3A_37, %get3A_38] : memref<128x128xf32, #tpu.memory_space<vmem>>, vector<128x128xf32>
    %dot_general3A_40 = arith.constant dense<0.000000e+00> : vector<1024x128xf32>
    %dot_general3A_41 = tpu.matmul %add3A_34, %get3A_39, %dot_general3A_40 {dimension_numbers = #tpu.dot_dimension_numbers<[1], [0], [0], [1], [0, 0, 1, 1], [], []>, precision = #tpu.contract_precision<fp32>, transpose_lhs_hint = false} : vector<1024x128xf32>, vector<128x128xf32>, vector<1024x128xf32> -> vector<1024x128xf32>
    %get3A_42 = arith.constant 0 : index
    %get3A_43 = arith.constant 0 : index
    %get3A_44 = vector.load %arg7[%get3A_42, %get3A_43] : memref<1x128xf32, #tpu.memory_space<vmem>>, vector<1x128xf32>
    %add3A_45 = vector.broadcast %get3A_44 : vector<1x128xf32> to vector<1024x128xf32>
    %add3A_46 = arith.addf %dot_general3A_41, %add3A_45 : vector<1024x128xf32>
    %max3A_47 = arith.constant 0.000000e+00 : f32
    %max3A_48 = vector.broadcast %max3A_47 : f32 to vector<1024x128xf32>
    %max3A_49 = arith.maximumf %add3A_46, %max3A_48 : vector<1024x128xf32>
    %iota3A = tpu.iota {dimensions = array<i32: 1>} : vector<1024x128xi32>
    %eq3A = arith.constant 108 : i32
    %eq3A_50 = vector.broadcast %eq3A : i32 to vector<1024x128xi32>
    %eq3A_51 = arith.cmpi eq, %iota3A, %eq3A_50 : vector<1024x128xi32>
    %jit3A = arith.constant 1.000000e+00 : f32
    %broadcast_in_dim3A_52 = vector.broadcast %jit3A : f32 to vector<1024x128xf32>
    %select_n3A = arith.select %eq3A_51, %broadcast_in_dim3A_52, %max3A_49 : vector<1024x128xi1>, vector<1024x128xf32>
    %swap3A_53 = arith.constant 0 : index
    %swap3A_54 = arith.constant 0 : index
    %swap3A_55 = vector.load %arg9[%swap3A_53, %swap3A_54] : memref<1024x128xf32, #tpu.memory_space<vmem>>, vector<1024x128xf32>
    tpu.vector_store %arg9[%swap3A_53, %swap3A_54], %select_n3A {strides = array<i32>} : memref<1024x128xf32, #tpu.memory_space<vmem>>, vector<1024x128xf32>,
    return
  }
  func.func @transform_0(%arg0: i32) -> (i32, i32) {
    %c0_i32 = arith.constant 0 : i32
    %c0_i32_0 = arith.constant 0 : i32
    return %arg0, %c0_i32 : i32, i32
  }
  func.func @transform_1(%arg0: i32) -> (i32, i32) {
    %c0_i32 = arith.constant 0 : i32
    %c0_i32_0 = arith.constant 0 : i32
    return %arg0, %c0_i32 : i32, i32
  }
  func.func @transform_2(%arg0: i32) -> (i32, i32) {
    %c0_i32 = arith.constant 0 : i32
    %c0_i32_0 = arith.constant 0 : i32
    %c0_i32_1 = arith.constant 0 : i32
    return %c0_i32, %c0_i32_0 : i32, i32
  }
  func.func @transform_3(%arg0: i32) -> (i32, i32) {
    %c0_i32 = arith.constant 0 : i32
    %c0_i32_0 = arith.constant 0 : i32
    %c0_i32_1 = arith.constant 0 : i32
    return %c0_i32, %c0_i32_0 : i32, i32
  }
  func.func @transform_4(%arg0: i32) -> (i32, i32) {
    %c0_i32 = arith.constant 0 : i32
    %c0_i32_0 = arith.constant 0 : i32
    %c0_i32_1 = arith.constant 0 : i32
    return %c0_i32, %c0_i32_0 : i32, i32
  }
  func.func @transform_5(%arg0: i32) -> (i32, i32) {
    %c0_i32 = arith.constant 0 : i32
    %c0_i32_0 = arith.constant 0 : i32
    %c0_i32_1 = arith.constant 0 : i32
    return %c0_i32, %c0_i32_0 : i32, i32
  }
  func.func @transform_6(%arg0: i32) -> (i32, i32) {
    %c0_i32 = arith.constant 0 : i32
    %c0_i32_0 = arith.constant 0 : i32
    %c0_i32_1 = arith.constant 0 : i32
    return %c0_i32, %c0_i32_0 : i32, i32
  }
  func.func @transform_7(%arg0: i32) -> (i32, i32) {
    %c0_i32 = arith.constant 0 : i32
    %c0_i32_0 = arith.constant 0 : i32
    return %arg0, %c0_i32 : i32, i32
  }
  func.func @transform_8(%arg0: i32) -> (i32, i32) {
    %c0_i32 = arith.constant 0 : i32
    %c0_i32_0 = arith.constant 0 : i32
    return %arg0, %c0_i32 : i32, i32
  }
}

module attributes {stable_mosaic.version = 14 : i64} {
  func.func @_final_body(%arg0: i32, %arg1: memref<1024x128xf32, #tpu.memory_space<vmem>>, %arg2: memref<1024x128xf32, #tpu.memory_space<vmem>>, %arg3: memref<128x128xf32, #tpu.memory_space<vmem>>, %arg4: memref<128x128xf32, #tpu.memory_space<vmem>>, %arg5: memref<1x128xf32, #tpu.memory_space<vmem>>, %arg6: memref<1x128xf32, #tpu.memory_space<vmem>>) attributes {dimension_semantics = [#tpu.dimension_semantics<arbitrary>], iteration_bounds = array<i64: 49>, scalar_prefetch = 0 : i64, scratch_operands = 0 : i64, tpu.core_type = #tpu.core_type<tc>, window_params = [{transform_indices = @transform_0, window_bounds = array<i64: 1024, 128>}, {transform_indices = @transform_1, window_bounds = array<i64: 1024, 128>}, {pipeline_mode = #tpu.pipeline_mode<synchronous>, transform_indices = @transform_2, window_bounds = array<i64: 128, 128>}, {pipeline_mode = #tpu.pipeline_mode<synchronous>, transform_indices = @transform_3, window_bounds = array<i64: 128, 128>}, {pipeline_mode = #tpu.pipeline_mode<synchronous>, transform_indices = @transform_4, window_bounds = array<i64: 1, 128>}, {pipeline_mode = #tpu.pipeline_mode<synchronous>, transform_indices = @transform_5, window_bounds = array<i64: 1, 128>}]} {
    %get3A = arith.constant 0 : index
    %get3A_0 = arith.constant 0 : index
    %get3A_1 = vector.load %arg1[%get3A, %get3A_0] : memref<1024x128xf32, #tpu.memory_space<vmem>>, vector<1024x128xf32>
    %get3A_2 = arith.constant 0 : index
    %get3A_3 = arith.constant 0 : index
    %get3A_4 = vector.load %arg2[%get3A_2, %get3A_3] : memref<1024x128xf32, #tpu.memory_space<vmem>>, vector<1024x128xf32>
    %get3A_5 = arith.constant 0 : index
    %get3A_6 = arith.constant 0 : index
    %get3A_7 = vector.load %arg3[%get3A_5, %get3A_6] : memref<128x128xf32, #tpu.memory_space<vmem>>, vector<128x128xf32>
    %get3A_8 = arith.constant 0 : index
    %get3A_9 = arith.constant 0 : index
    %get3A_10 = vector.load %arg4[%get3A_8, %get3A_9] : memref<128x128xf32, #tpu.memory_space<vmem>>, vector<128x128xf32>
    %get3A_11 = arith.constant 0 : index
    %get3A_12 = arith.constant 0 : index
    %get3A_13 = vector.load %arg5[%get3A_11, %get3A_12] : memref<1x128xf32, #tpu.memory_space<vmem>>, vector<1x128xf32>
    %slice3A = vector.extract_strided_slice %get3A_4 {offsets = [0, 108], sizes = [1024, 1], strides = [1, 1]} : vector<1024x128xf32> to vector<1024x1xf32>
    %max3A = arith.constant 1.000000e+00 : f32
    %max3A_14 = vector.broadcast %max3A : f32 to vector<1024x1xf32>
    %max3A_15 = arith.maximumf %slice3A, %max3A_14 : vector<1024x1xf32>
    %div3A = arith.constant 1.000000e+00 : f32
    %div3A_16 = vector.broadcast %div3A : f32 to vector<1024x1xf32>
    %div3A_17 = arith.divf %div3A_16, %max3A_15 : vector<1024x1xf32>
    %mul3A = vector.broadcast %div3A_17 : vector<1024x1xf32> to vector<1024x128xf32>
    %mul3A_18 = arith.mulf %get3A_4, %mul3A : vector<1024x128xf32>
    %dot_general3A = arith.constant dense<0.000000e+00> : vector<1024x128xf32>
    %dot_general3A_19 = tpu.matmul %get3A_1, %get3A_7, %dot_general3A {dimension_numbers = #tpu.dot_dimension_numbers<[1], [0], [0], [1], [0, 0, 1, 1], [], []>, precision = #tpu.contract_precision<fp32>, transpose_lhs_hint = false} : vector<1024x128xf32>, vector<128x128xf32>, vector<1024x128xf32> -> vector<1024x128xf32>
    %dot_general3A_20 = arith.constant dense<0.000000e+00> : vector<1024x128xf32>
    %dot_general3A_21 = tpu.matmul %mul3A_18, %get3A_10, %dot_general3A_20 {dimension_numbers = #tpu.dot_dimension_numbers<[1], [0], [0], [1], [0, 0, 1, 1], [], []>, precision = #tpu.contract_precision<fp32>, transpose_lhs_hint = false} : vector<1024x128xf32>, vector<128x128xf32>, vector<1024x128xf32> -> vector<1024x128xf32>
    %add3A = arith.addf %dot_general3A_19, %dot_general3A_21 : vector<1024x128xf32>
    %add3A_22 = vector.broadcast %get3A_13 : vector<1x128xf32> to vector<1024x128xf32>
    %add3A_23 = arith.addf %add3A, %add3A_22 : vector<1024x128xf32>
    %mul3A_24 = arith.mulf %add3A_23, %add3A_23 : vector<1024x128xf32>
    %reduce_sum3A = arith.constant dense<0.000000e+00> : vector<1024xf32>
    %reduce_sum3A_25 = vector.multi_reduction <add>, %mul3A_24, %reduce_sum3A [1] : vector<1024x128xf32> to vector<1024xf32>
    %broadcast_in_dim3A = vector.shape_cast %reduce_sum3A_25 : vector<1024xf32> to vector<1024x1xf32>
    %sqrt3A = math.sqrt %broadcast_in_dim3A : vector<1024x1xf32>
    %max3A_26 = arith.constant 9.99999996E-13 : f32
    %max3A_27 = vector.broadcast %max3A_26 : f32 to vector<1024x1xf32>
    %max3A_28 = arith.maximumf %sqrt3A, %max3A_27 : vector<1024x1xf32>
    %div3A_29 = vector.broadcast %max3A_28 : vector<1024x1xf32> to vector<1024x128xf32>
    %div3A_30 = arith.divf %add3A_23, %div3A_29 : vector<1024x128xf32>
    %max3A_31 = arith.constant 0.000000e+00 : f32
    %max3A_32 = vector.broadcast %max3A_31 : f32 to vector<1024x128xf32>
    %max3A_33 = arith.maximumf %div3A_30, %max3A_32 : vector<1024x128xf32>
    %add3A_34 = arith.addf %get3A_1, %max3A_33 : vector<1024x128xf32>
    %mul3A_35 = arith.constant 1024 : i32
    %mul3A_36 = arith.muli %arg0, %mul3A_35 : i32
    %iota3A = tpu.iota {dimensions = array<i32: 0>} : vector<1024x128xi32>
    %add3A_37 = vector.broadcast %mul3A_36 : i32 to vector<1024x128xi32>
    %add3A_38 = arith.addi %add3A_37, %iota3A : vector<1024x128xi32>
    %lt3A = arith.constant 50000 : i32
    %lt3A_39 = vector.broadcast %lt3A : i32 to vector<1024x128xi32>
    %lt3A_40 = arith.cmpi slt, %add3A_38, %lt3A_39 : vector<1024x128xi32>
    %jit3A = arith.constant 0.000000e+00 : f32
    %broadcast_in_dim3A_41 = vector.broadcast %jit3A : f32 to vector<1024x128xf32>
    %select_n3A = arith.select %lt3A_40, %add3A_34, %broadcast_in_dim3A_41 : vector<1024x128xi1>, vector<1024x128xf32>
    %reduce_sum3A_42 = arith.constant dense<0.000000e+00> : vector<128xf32>
    %reduce_sum3A_43 = vector.multi_reduction <add>, %select_n3A, %reduce_sum3A_42 [0] : vector<1024x128xf32> to vector<128xf32>
    %broadcast_in_dim3A_44 = vector.shape_cast %reduce_sum3A_43 : vector<128xf32> to vector<1x128xf32>
    %eq3A = arith.constant 0 : i32
    %eq3A_45 = arith.cmpi eq, %arg0, %eq3A : i32
    %convert_element_type3A = arith.extui %eq3A_45 : i1 to i32
    %cond3A = arith.constant 0 : i32
    %cond3A_46 = arith.cmpi ne, %convert_element_type3A, %cond3A : i32
    scf.if %cond3A_46 {
      %broadcast_in_dim3A_61 = arith.constant 0.000000e+00 : f32
      %broadcast_in_dim3A_62 = vector.broadcast %broadcast_in_dim3A_61 : f32 to vector<1x128xf32>
      %swap3A = arith.constant 0 : index
      %swap3A_63 = arith.constant 0 : index
      %swap3A_64 = vector.load %arg6[%swap3A, %swap3A_63] : memref<1x128xf32, #tpu.memory_space<vmem>>, vector<1x128xf32>
      tpu.vector_store %arg6[%swap3A, %swap3A_63], %broadcast_in_dim3A_62 {strides = array<i32>} : memref<1x128xf32, #tpu.memory_space<vmem>>, vector<1x128xf32>,
    } else {
    }
    %get3A_47 = arith.constant 0 : index
    %get3A_48 = arith.constant 0 : index
    %get3A_49 = vector.load %arg6[%get3A_47, %get3A_48] : memref<1x128xf32, #tpu.memory_space<vmem>>, vector<1x128xf32>
    %add3A_50 = arith.addf %get3A_49, %broadcast_in_dim3A_44 : vector<1x128xf32>
    %eq3A_51 = arith.constant 48 : i32
    %eq3A_52 = arith.cmpi eq, %arg0, %eq3A_51 : i32
    %convert_element_type3A_53 = arith.extui %eq3A_52 : i1 to i32
    %cond3A_54 = arith.constant 0 : i32
    %cond3A_55 = arith.cmpi ne, %convert_element_type3A_53, %cond3A_54 : i32
    scf.if %cond3A_55 {
      %mul3A_61 = arith.constant 2.000000e-05 : f32
      %mul3A_62 = vector.broadcast %mul3A_61 : f32 to vector<1x128xf32>
      %mul3A_63 = arith.mulf %add3A_50, %mul3A_62 : vector<1x128xf32>
      %swap3A = arith.constant 0 : index
      %swap3A_64 = arith.constant 0 : index
      %swap3A_65 = vector.load %arg6[%swap3A, %swap3A_64] : memref<1x128xf32, #tpu.memory_space<vmem>>, vector<1x128xf32>
      tpu.vector_store %arg6[%swap3A, %swap3A_64], %mul3A_63 {strides = array<i32>} : memref<1x128xf32, #tpu.memory_space<vmem>>, vector<1x128xf32>,
    } else {
    }
    %lt3A_56 = arith.constant 48 : i32
    %lt3A_57 = arith.cmpi slt, %arg0, %lt3A_56 : i32
    %convert_element_type3A_58 = arith.extui %lt3A_57 : i1 to i32
    %cond3A_59 = arith.constant 0 : i32
    %cond3A_60 = arith.cmpi ne, %convert_element_type3A_58, %cond3A_59 : i32
    scf.if %cond3A_60 {
      %swap3A = arith.constant 0 : index
      %swap3A_61 = arith.constant 0 : index
      %swap3A_62 = vector.load %arg6[%swap3A, %swap3A_61] : memref<1x128xf32, #tpu.memory_space<vmem>>, vector<1x128xf32>
      tpu.vector_store %arg6[%swap3A, %swap3A_61], %add3A_50 {strides = array<i32>} : memref<1x128xf32, #tpu.memory_space<vmem>>, vector<1x128xf32>,
    } else {
    }
    return
  }
  func.func @transform_0(%arg0: i32) -> (i32, i32) {
    %c0_i32 = arith.constant 0 : i32
    %c0_i32_0 = arith.constant 0 : i32
    return %arg0, %c0_i32 : i32, i32
  }
  func.func @transform_1(%arg0: i32) -> (i32, i32) {
    %c0_i32 = arith.constant 0 : i32
    %c0_i32_0 = arith.constant 0 : i32
    return %arg0, %c0_i32 : i32, i32
  }
  func.func @transform_2(%arg0: i32) -> (i32, i32) {
    %c0_i32 = arith.constant 0 : i32
    %c0_i32_0 = arith.constant 0 : i32
    %c0_i32_1 = arith.constant 0 : i32
    return %c0_i32, %c0_i32_0 : i32, i32
  }
  func.func @transform_3(%arg0: i32) -> (i32, i32) {
    %c0_i32 = arith.constant 0 : i32
    %c0_i32_0 = arith.constant 0 : i32
    %c0_i32_1 = arith.constant 0 : i32
    return %c0_i32, %c0_i32_0 : i32, i32
  }
  func.func @transform_4(%arg0: i32) -> (i32, i32) {
    %c0_i32 = arith.constant 0 : i32
    %c0_i32_0 = arith.constant 0 : i32
    %c0_i32_1 = arith.constant 0 : i32
    return %c0_i32, %c0_i32_0 : i32, i32
  }
  func.func @transform_5(%arg0: i32) -> (i32, i32) {
    %c0_i32 = arith.constant 0 : i32
    %c0_i32_0 = arith.constant 0 : i32
    %c0_i32_1 = arith.constant 0 : i32
    return %c0_i32, %c0_i32_0 : i32, i32
  }
}

</mosaic_0001>

<sc_bundles>
// kernel: kernel.10.cloned.1.call-start
scs
__scs_entry_jumppad:
0x0: {  	(pc) =	sbr.rel $0x88, $3  }
0x1: {  	(tag) =	ssettag $0x0;
	lr =	simm.s32 $0x1  }
0x2: {  	[smem:$0x3F95] =	sst lr;
	_ =	strace $0xD0000000  }
0x3: {  	_ = 	snop  }
0x4: {  	_ = 	snop  }
0x5: {  	_ = 	snop  }
0x6: {  	_ = 	snop  }
0x7: {  	_ = 	snop  }
__scs_overlays_trampoline_lowered:
0x8: {  	[smem:$0x3FA4] =	sst s0  }
0x9: {  	[smem:$0x3FA5] =	sst s1  }
0xa: {  	[smem:$0x3FA6] =	sst s2  }
0xb: {  	[smem:$0x3FA7] =	sst s3  }
0xc: {  	[smem:$0x3FA8] =	sst s4  }
0xd: {  	[smem:$0x3FA9] =	sst s5  }
0xe: {  	[smem:$0x3FAA] =	sst s6  }
0xf: {  	[smem:$0x3FAB] =	sst s7  }
0x10: {  	[smem:$0x3FAC] =	sst s8  }
0x11: {  	[smem:$0x3FAD] =	sst s9;
	s0 =	simm.s32 @!p0 $0x0  }
0x12: {  	s1 =	sld [smem:$0x3F93];
	s0 =	simm.s32 @p0 $0x1  }
0x13: {  	[smem:$0x3FAE] =	sst s0;
	s0 =	simm.s32 @!p1 $0x0  }
0x14: {  	s2 =	sld [smem:$0x3F92];
	s0 =	simm.s32 @p1 $0x1  }
0x15: {  	[smem:$0x3FAF] =	sst s0;
	s0 =	simm.s32 @!p2 $0x0  }
0x16: {  	s3 =	sld [smem:$0x3FDB];
	s0 =	simm.s32 @p2 $0x1  }
0x17: {  	s4 =	simm.s32 $0x1BF5;
	[smem:$0x3FB1] =	sst s0  }
0x18: {  	s0 =	sld [smem:$0x3F94];
	_ =	swait.ge [sflag:s4], $0x0  }
0x19: {  	s7 =	sld [smem:$0x3F95]  }
0x1a: {  	s8 =	sadd.s32 $0xFFFFE003, lr  }
0x1b: {  	s9 =	sadd.s32 $0xFFFFFEF7, lr;
	s5 =	simm.s32 $0xFFFFFFFF;
	p2 =	slt.u32 s8, $0xFFFFF086  }
0x1c: {  	p1 =	slt.u32 s9, $0xF7A;
	s5 =	simm.s32 @!p2 $0x0  }
0x1d: {  	s5 =	simm.s32 @p1 $0x1;
	p0 =	seq.s32 s7, s2  }
0x1e: {  	s7 =	smul.u32 @!p0 $0xF7A, s2;
	p2 =	seq.s32 @!p0 s5, $0x0  }
0x1f: {  	s9 =	smul.u32 $0xF7A, s1;
	s8 =	simm.s32 @!p0 $0x1BF5;
	p2 =	por !p2, p0  }
0x20: {  	[sflag:s8] =	ssyncset.s32 @!p0 $0xFFFFF086;
	s6 =	sadd.s32 @!p0 s3, s7;
	s7 =	simm.s32 @!p0 $0x108  }
0x21: {  	s3 =	sadd.s32 s3, s9;
	s6 =	sadd.s32 @!p0 $0x88, s6;
	s7 =	simm.s32 @p2 $0x1082  }
0x22: {  	[simem:s7], [sflag:s8] =	dma.local @!p0 [hbm:s6], $0xF7A  }
0x23: {  	s9 =	sor.u32 $0xD0000000, s2;
	s6 =	simm.s32 $0x108;
	_ =	swait.ge @!p0 [sflag:s8], $0x0  }
0x24: {  	s3 =	sadd.s32 $0x88, s3;
	s6 =	simm.s32 @!p1 $0x1082;
	[sflag:s4] =	ssyncset.s32 $0xFFFFF086  }
0x25: {  	[simem:s6], [sflag:s4] =	dma.local [hbm:s3], $0xF7A  }
0x26: {  	[smem:$0x3F95] =	sst s1;
	(tag) =	ssettag s2;
	_ =	strace s9  }
0x27: {  	s1 =	sld [smem:$0x3FA5]  }
0x28: {  	s2 =	sld [smem:$0x3FA6]  }
0x29: {  	s4 =	sld [smem:$0x3FA8]  }
0x2a: {  	p0 =	seq.s32 s5, $0x0;
	s5 =	sld [smem:$0x3FA9]  }
0x2b: {  	s6 =	sld [smem:$0x3FAA]  }
0x2c: {  	s7 =	sld [smem:$0x3FAB]  }
0x2d: {  	s3 =	simm.s32 $0x108;
	s8 =	sld [smem:$0x3FAC]  }
0x2e: {  	s3 =	simm.s32 @!p0 $0x1082;
	s9 =	sld [smem:$0x3FAD]  }
0x2f: {  	lr =	sadd.s32 s0, s3;
	s0 =	sld [smem:$0x3FA4]  }
0x30: {  	s3 =	sld [smem:$0x3FA7]  }
0x31: {  	[smem:$0x3FB0] =	sst s10  }
0x32: {  	s10 =	sld [smem:$0x3FAE];
	_ =	sdelay $0x3  }
0x33: {  	p0 =	seq.s32 s10, $0x1;
	s10 =	sld [smem:$0x3FB0];
	_ =	sdelay $0x3  }
0x34: {  	[smem:$0x3FB0] =	sst s10  }
0x35: {  	s10 =	sld [smem:$0x3FAF];
	_ =	sdelay $0x3  }
0x36: {  	p1 =	seq.s32 s10, $0x1;
	s10 =	sld [smem:$0x3FB0];
	_ =	sdelay $0x3  }
0x37: {  	[smem:$0x3FB0] =	sst s10  }
0x38: {  	s10 =	sld [smem:$0x3FB1]  }
0x39: {  	_ = 	snop;
	(pc) =	sbr.ind lr, $3  }
0x3a: {  	_ = 	snop  }
0x3b: {  	_ = 	snop  }
0x3c: {  	p2 =	seq.s32 s10, $0x1;
	s10 =	sld [smem:$0x3FB0]  }
0x3d: {  	_ =	shalt  }
0x3e: {  	_ =	shalt  }
0x3f: {  	_ =	shalt  }
0x40: {  	_ =	shalt  }
0x41: {  	_ =	shalt  }
0x42: {  	_ =	shalt  }
0x43: {  	_ =	shalt  }
0x44: {  	_ =	shalt  }
0x45: {  	_ =	shalt  }
0x46: {  	_ =	shalt  }
0x47: {  	_ =	shalt  }
0x48: {  	_ =	shalt  }
0x49: {  	_ =	shalt  }
0x4a: {  	_ =	shalt  }
0x4b: {  	_ =	shalt  }
0x4c: {  	_ =	shalt  }
0x4d: {  	_ =	shalt  }
0x4e: {  	_ =	shalt  }
0x4f: {  	_ =	shalt  }
0x50: {  	_ =	shalt  }
0x51: {  	_ =	shalt  }
0x52: {  	_ =	shalt  }
0x53: {  	_ =	shalt  }
0x54: {  	_ =	shalt  }
0x55: {  	_ =	shalt  }
0x56: {  	_ =	shalt  }
0x57: {  	_ =	shalt  }
0x58: {  	_ =	shalt  }
0x59: {  	_ =	shalt  }
0x5a: {  	_ =	shalt  }
0x5b: {  	_ =	shalt  }
0x5c: {  	_ =	shalt  }
0x5d: {  	_ =	shalt  }
0x5e: {  	_ =	shalt  }
0x5f: {  	_ =	shalt  }
0x60: {  	_ =	shalt  }
0x61: {  	_ =	shalt  }
0x62: {  	_ =	shalt  }
0x63: {  	_ =	shalt  }
0x64: {  	_ =	shalt  }
0x65: {  	_ =	shalt  }
0x66: {  	_ =	shalt  }
0x67: {  	_ =	shalt  }
0x68: {  	_ =	shalt  }
0x69: {  	_ =	shalt  }
0x6a: {  	_ =	shalt  }
0x6b: {  	_ =	shalt  }
0x6c: {  	_ =	shalt  }
0x6d: {  	_ =	shalt  }
0x6e: {  	_ =	shalt  }
0x6f: {  	_ =	shalt  }
0x70: {  	_ =	shalt  }
0x71: {  	_ =	shalt  }
0x72: {  	_ =	shalt  }
0x73: {  	_ =	shalt  }
0x74: {  	_ =	shalt  }
0x75: {  	_ =	shalt  }
0x76: {  	_ =	shalt  }
0x77: {  	_ =	shalt  }
0x78: {  	_ =	shalt  }
0x79: {  	_ =	shalt  }
0x7a: {  	_ =	shalt  }
0x7b: {  	_ =	shalt  }
0x7c: {  	_ =	shalt  }
0x7d: {  	_ =	shalt  }
0x7e: {  	_ =	shalt  }
0x7f: {  	_ =	shalt  }
0x80: {  	_ =	shalt  }
0x81: {  	_ =	shalt  }
0x82: {  	_ =	shalt  }
0x83: {  	_ =	shalt  }
0x84: {  	_ =	shalt  }
0x85: {  	_ =	shalt  }
0x86: {  	_ =	shalt  }
0x87: {  	_ =	shalt  }
.Lfunc_end0:
.L_simem_size_0:
called_computation.1_lowered:
.L_overlay_start_0:
0x88: {  	s2 =	sld [smem:$0x3FD9]  }
0x89: {  	s3 =	sld [smem:$0x3FFE];
	_ =	sdelay $0x1  }
0x8a: {  	s1 =	srdreg.scid  }
0x8b: {  	s0 =	sand.u32 $0x1, s1  }
0x8c: {  	s16 =	sshll.u32 s0, $0xA;
	s2 =	sadd.s32 s3, s2  }
0x8d: {  	s2 =	sadd.s32 s2, s16  }
0x8e: {  	[smem:$0x3FBC] =	sst s2  }
0x8f: {  	_ = 	snop  }
0x90: {  	(tm) =	ssettm $0x1  }
0x91: {  	s17 =	sld [smem:$0x3FFB];
	_ =	sdelay $0x3  }
0x92: {  	_ =	strace s17  }
0x93: {  	s2 =	sld [smem:$0x3FFC];
	_ =	sdelay $0x3  }
0x94: {  	_ =	strace s2  }
0x95: {  	s2 =	sld [smem:$0x3FFD];
	_ =	sdelay $0x3  }
0x96: {  	_ =	strace s2  }
0x97: {  	_ =	strace $0x8FFFFFFF  }
0x98: {  	s18 =	sld [smem:$0x3FDB];
	_ =	sdelay $0x1  }
0x99: {  	s19 =	simm.s32 $_scs_section_size  }
0x9a: {  	s4 =	simm.s32 $_size__tile_overlayer_lowered;
	s5 =	simm.s32 $_tile_overlayer_lowered  }
0x9b: {  	s22 =	simm.s32 $0x1BFF;
	s21 =	sshll.u32 s5, $0x1;
	s2 =	sadd.s32 s19, s18  }
0x9c: {  	s6 =	simm.s32 $0x0;
	s20 =	sshll.u32 s4, $0x1;
	s4 =	sadd.s32 s21, s2  }
0x9d: {  	[timem:s6], [sflag:s22] =	dma.local [hbm:s4], s20  }
0x9e: {  	_ =	swait.ge [sflag:s22], s20  }
0x9f: {  	s3 =	ssub.s32 $0x0, s20;
	[sflag:s22] =	ssyncset.done $0x0  }
0xa0: {  	[sflag:s22] =	ssyncadd.s32 s3;
	_ =	sdelay $0x1  }
0xa1: {  	s23 =	simm.s32 $0x1B8B  }
0xa2: {  	_ =	swait.ge [sflag:s23], $0x1  }
0xa3: {  	[sflag:s23] =	ssyncset.done $0x0  }
0xa4: {  	s25 =	simm.s32 $0x1B8E;
	s24 =	sld [smem:$0x3FFE];
	[sflag:s23] =	ssyncadd.s32 $0xFFFFFFFF  }
0xa5: {  	s26 =	simm.s32 $execute0_lowered;
	[smem:$0x3FD2] =	sst s25  }
0xa6: {  	s4 =	sshll.u32 s26, $0x1;
	_ =	strace $0x80000049;
	[dreg:$0x1] =	wrdreg $0xFFFFFFFF  }
0xa7: {  	s28 =	simm.s32 $_size_execute0_lowered;
	s2 =	sadd.s32 s2, s4;
	[dreg:$0x0] =	wrdreg $0x0  }
0xa8: {  	s4 =	sshll.u32 s28, $0x1;
	[dreg:$0x2] =	wrdreg s2  }
0xa9: {  	[dreg:$0x3] =	wrdreg s4  }
0xaa: {  	[dreg:$0x4] =	wrdreg $0xC0  }
0xab: {  	_ =	task [dreg:s6], $0x5FFFF  }
0xac: {  	[dreg:$0x1] =	wrdreg $0xFFFFFFFF  }
0xad: {  	[dreg:$0x0] =	wrdreg $0x60  }
0xae: {  	[dreg:$0x2] =	wrdreg s24  }
0xaf: {  	[dreg:$0x3] =	wrdreg $0x0  }
0xb0: {  	[dreg:$0x4] =	wrdreg $0x9  }
0xb1: {  	_ =	task.clear_ibuf [dreg:s6], $0x5FFFF;
	_ =	strace $0x90000049  }
0xb2: {  	s29 =	simm.s32 $0x9;
	_ =	strace $0x8000004B  }
0xb3: {  	_ =	swait.ge [sflag:s29], $0x1  }
0xb4: {  	[sflag:s29] =	ssyncadd.s32 $0xFFFFFFFF  }
0xb5: {  	_ =	strace $0x9000004B  }
0xb6: {  	_ =	sfence  }
0xb7: {  	s30 =	sld [smem:$0x0];
	_ =	sdelay $0x2  }
0xb8: {  	s31 =	sshll.u32 s1, $0xD;
	s1 =	sshrl.u32 s1, $0x2  }
0xb9: {  	s3 =	sand.u32 $0x4000, s31;
	s1 =	sadd.s32 s1, s30  }
0xba: {  	s0 =	sor.u32 s3, s0;
	s1 =	sshll.u32 s1, $0x11  }
0xbb: {  	s0 =	sor.u32 s1, s0  }
0xbc: {  	s0 =	sadd.s32 $0x8F2B, s0  }
0xbd: {  	[sflag:s0] =	ssyncadd.remote.s32 $0x1  }
0xbe: {  	_ =	sfence.sel $0xFFFF  }
0xbf: {  	[dreg:$0x0] =	wrdreg $0xFFFFFFFF;
	(pc) =	sbr.abs _section_cstart, $3  }
0xc0: {  	[dreg:$0x1] =	wrdreg $0xFFFFFFFF  }
0xc1: {  	_ =	task.clear_ibuf [dreg:s6], $0x2FFFF;
	_ =	strace $0x9FFFFFFF  }
0xc2: {  	(tm) =	ssettm $0x7FFFFFFF  }
0xc3: {  	_ =	shalt  }
tec
execute0_lowered:
.L_overlay_start_1:
0x0: {  	(tag) =	ssettag $0x1  }
0x1: {  	s0 =	rddreg [dreg:$0x0]  }
0x2: {  	s1 =	rddreg [dreg:$0x1]  }
0x3: {  	s13 =	simm.s32 $0x0;
	s2 =	srdreg.scid;
	s11 =	stileid.u32  }
0x4: {  	[smem:$0x7FF] =	sst s13;
	s6 =	smul.u32 $0x188, s11  }
0x5: {  	s4 =	sadd.s32 $0xDEA00, s0;
	s5 =	sadd.s32 $0xC6200, s0;
	s9 =	smul.u32 $0x1880, s11  }
0x6: {  	s2 =	sand.u32 $0x1, s2;
	s7 =	sadd.s32 $0xF7200, s0;
	s10 =	smul.u32 $0x31000, s11  }
0x7: {  	s8 =	sadd.s32 $0x2200, s0;
	s11 =	smul.u32 $0x32000, s11;
	s3 =	ssub.s32 $0x2, s2  }
0x8: {  	_ =	strace $0x8000004A;
	s2 =	sshll.u32 s2, $0x2;
	s26 =	sshrl.u32 s3, $0x1  }
0x9: {  	[dreg:$0x4] =	wrdreg s2;
	s12 =	sadd.s32 s4, s9;
	s14 =	sadd.s32 s5, s9  }
0xa: {  	s15 =	sshrl.u32 s10, $0x2;
	s2 =	sshrl.u32 s11, $0x2;
	[dreg:$0x5] =	wrdreg s12  }
0xb: {  	s17 =	sadd.s32 $0x38, s6;
	s18 =	sadd.s32 $0x70, s6;
	[dreg:$0x6] =	wrdreg s14  }
0xc: {  	s19 =	sadd.s32 $0xA8, s6;
	s20 =	sadd.s32 $0xE0, s6;
	[dreg:$0x8] =	wrdreg s17  }
0xd: {  	s21 =	sadd.s32 $0x118, s6;
	s0 =	ssub.s32 s3, s26;
	[dreg:$0x9] =	wrdreg s18  }
0xe: {  	s16 =	sadd.s32 s15, s1;
	s14 =	sadd.s32 s2, s1;
	[dreg:$0xa] =	wrdreg s19  }
0xf: {  	s2 =	sshll.u32 s17, $0x7;
	s3 =	sshll.u32 s18, $0x7;
	[dreg:$0xb] =	wrdreg s20  }
0x10: {  	s9 =	sshll.u32 s19, $0x7;
	s10 =	sshll.u32 s20, $0x7;
	[dreg:$0xc] =	wrdreg s21  }
0x11: {  	s11 =	sshll.u32 s21, $0x7;
	s12 =	sadd.s32 $0x150, s6;
	s0 =	smax.u32 s0, $0x1  }
0x12: {  	s2 =	sadd.s32 s2, s1;
	s3 =	sadd.s32 s3, s1;
	s9 =	sadd.s32 s9, s1  }
0x13: {  	s10 =	sadd.s32 s10, s1;
	s11 =	sadd.s32 s11, s1;
	[dreg:$0xd] =	wrdreg s12  }
0x14: {  	s12 =	sshll.u32 s12, $0x7;
	s28 =	sadd.s32 $0x2800, s14;
	s29 =	sadd.s32 $0x5000, s14  }
0x15: {  	s30 =	sadd.s32 $0x7800, s14;
	s31 =	sadd.s32 $0xA000, s14;
	[dreg:$0x7] =	wrdreg s0  }
0x16: {  	s12 =	sadd.s32 s12, s1;
	s0 =	sshrl.u32 s16, $0x3;
	s22 =	sshrl.u32 s2, $0x3  }
0x17: {  	s23 =	sshrl.u32 s3, $0x3;
	s24 =	sshrl.u32 s9, $0x3;
	[dreg:$0xe] =	wrdreg s0  }
0x18: {  	s25 =	sshrl.u32 s10, $0x3;
	s26 =	sshrl.u32 s11, $0x3;
	[dreg:$0xf] =	wrdreg s22  }
.Ltmp0:
0x19: {  	s2 =	simm.s32 $0x80;
	[dreg:$0x10] =	wrdreg s23;
	(pc) =	sbr.rel .LBB2_1-.Ltmp0, $4  }
0x1a: {  	v0 =	vimm.f32 $0.0e+00;
	v1 =	vlaneseq.u32;
	s3 =	simm.s32 $0x10800;
	s9 =	simm.s32 $0x3;
	[dreg:$0x11] =	wrdreg s24  }
0x1b: {  	v2 =	vimm.s32 $0x1880;
	v3 =	vimm.s32 $0x0;
	v4 =	vor.u32 $0x30, v1;
	s10 =	simm.s32 $0x1;
	s11 =	simm.s32 $0x40;
	[dreg:$0x12] =	wrdreg s25  }
0x1c: {  	v5 =	vor.u32 $0x20, v1;
	v6 =	vor.u32 $0x10, v1;
	v7 =	vor.u32 $0x40, v1;
	[dreg:$0x13] =	wrdreg s26;
	s26 =	sshrl.u32 s12, $0x3;
	s25 =	smov.u32 s14  }
0x1d: {  	v8 =	vor.u32 $0x50, v1;
	v9 =	vor.u32 $0x60, v1;
	v10 =	vor.u32 $0x70, v1;
	s0 =	simm.s32 $0xC800;
	s12 =	simm.s32 $0x4;
	s14 =	simm.s32 $0x2  }
.LBB2_14:
0x1e: {  	s13 =	rddreg [dreg:$0x3]  }
0x1f: {  	s15 =	rddreg [dreg:$0x7];
	s13 =	sadd.s32 $0x1, s13  }
0x20: {  	p0 =	sne.s32 s13, s15  }
.Ltmp1:
0x21: {  	_ = 	snop;
	(pc) =	sbr.rel @!p0 .LBB2_15-.Ltmp1, $1  }
0x22: {  	_ =	sdelay $0x3  }
.LBB2_1:
.Ltmp2:
0x23: {  	(pc) =	sbr.rel .LBB2_2-.Ltmp2, $2  }
0x24: {  	_ =	sdelay $0x2  }
0x25: {  	[dreg:$0x3] =	wrdreg s13;
	s13 =	simm.s32 $0x0  }
.LBB2_12:
0x26: {  	v14 =	vld [tilespmem:$0x1B810]  }
0x27: {  	v15 =	vld [tilespmem:$0x1B990]  }
0x28: {  	v16 =	vld [tilespmem:$0x1B820]  }
0x29: {  	v17 =	vld [tilespmem:$0x1B9A0]  }
0x2a: {  	[tilespmem:$0x1BB80] =	vst v13;
	v50 =	vld [tilespmem:$0x1B830]  }
0x2b: {  	[tilespmem:$0x1BC80] =	vst v12;
	v52 =	vld [tilespmem:$0x1B9B0];
	v51 =	vnsel vm2, $0x0, v14  }
0x2c: {  	v53 =	vld [tilespmem:$0x1B840];
	v15 =	vnsel vm2, $0x1880, v15;
	[tilespmem:$0x1BB90] =	vst v51  }
0x2d: {  	v55 =	vld [tilespmem:$0x1B9C0];
	v54 =	vnsel vm1, $0x0, v16;
	[tilespmem:$0x1BC90] =	vst v15  }
0x2e: {  	v57 =	vld [tilespmem:$0x1B9D0];
	v17 =	vnsel vm1, $0x1880, v17;
	[tilespmem:$0x1BBA0] =	vst v54  }
0x2f: {  	v59 =	vld [tilespmem:$0x1B9E0];
	v13 =	vnsel vm0, $0x0, v50;
	[tilespmem:$0x1BCA0] =	vst v17  }
0x30: {  	vm12 =	vgt.s32 v11, v7;
	v61 =	vld [tilespmem:$0x1B9F0];
	v14 =	vnsel vm0, $0x1880, v52;
	[tilespmem:$0x1BBB0] =	vst v13  }
0x31: {  	v56 =	vld [tilespmem:$0x1B850];
	v12 =	vnsel vm12, $0x0, v53;
	[tilespmem:$0x1BCB0] =	vst v14  }
0x32: {  	v58 =	vld [tilespmem:$0x1B860];
	vm13 =	vgt.s32 v11, v8;
	v16 =	vnsel vm12, $0x1880, v55;
	[tilespmem:$0x1BBC0] =	vst v12  }
0x33: {  	v60 =	vld [tilespmem:$0x1B870];
	vm14 =	vgt.s32 v11, v9;
	v62 =	vnsel vm13, $0x1880, v57;
	[tilespmem:$0x1BCC0] =	vst v16  }
0x34: {  	vm15 =	vgt.s32 v11, v10;
	v11 =	vnsel vm14, $0x1880, v59;
	[tilespmem:$0x1BCD0] =	vst v62  }
0x35: {  	v63 =	vnsel vm15, $0x1880, v61;
	[tilespmem:$0x1BCE0] =	vst v11  }
0x36: {  	v15 =	vnsel vm13, $0x0, v56;
	[tilespmem:$0x1BCF0] =	vst v63  }
0x37: {  	v13 =	vnsel vm14, $0x0, v58;
	[tilespmem:$0x1BBD0] =	vst v15  }
0x38: {  	v11 =	vnsel vm15, $0x0, v60;
	[tilespmem:$0x1BBE0] =	vst v13  }
0x39: {  	s16 =	simm.s32 $0x1BB80;
	[tilespmem:$0x1BBF0] =	vst v11  }
0x3a: {  	[tilespmem:s3], [sflag:$0x2] =	stream.indirect.gather [hbm4b:s7+s11], $0x80, s16, s11, $0xb8;
	[tilespmem:$0x1BD00] =	vst v63  }
0x3b: {  	s23 =	simm.s32 $0x1BBC0;
	s17 =	simm.s32 $0x12800  }
0x3c: {  	[tilespmem:s17], [sflag:$0x2] =	stream.indirect.gather [hbm4b:s7+s11], $0x80, s23, s11, $0xb8;
	[tilespmem:$0x1BD00] =	vst v63  }
0x3d: {  	_ =	swait.ge [sflag:s14], $0x2000  }
0x3e: {  	[sflag:s14] =	ssyncset.done $0x0  }
0x3f: {  	[sflag:s14] =	ssyncadd.s32 $0xFFFFE000  }
0x40: {  	_ =	swait.ge [sflag:s14], $0x2000  }
0x41: {  	[sflag:s14] =	ssyncset.done $0x0  }
0x42: {  	s24 =	simm.s32 $0x1BC80;
	[sflag:s14] =	ssyncadd.s32 $0xFFFFE000  }
0x43: {  	[spmem:s1] =	stream.indirect.scatter.add.f32 [tilespmem:s3], [sflag:$0x1], $0x80, s24, s2, $0xb8;
	[tilespmem:$0x1BD00] =	vst v63  }
.LBB2_13:
0x44: {  	_ =	swait.ge [sflag:s10], $0x4000  }
0x45: {  	[sflag:s10] =	ssyncset.done $0x0  }
0x46: {  	[sflag:s10] =	ssyncadd.s32 $0xFFFFC000  }
0x47: {  	_ =	swait.ge [sflag:s10], $0x4000  }
0x48: {  	[sflag:s10] =	ssyncset.done $0x0  }
0x49: {  	s16 =	sadd.s32 s15, s6;
	s17 =	stileid.u32;
	[sflag:s10] =	ssyncadd.s32 $0xFFFFC000  }
0x4a: {  	s16 =	sshll.u32 s16, $0x4;
	s17 =	sshll.u32 s17, $0x6;
	[bflag:$0x0] =	sbarrier.arrive $0xFFFF  }
0x4b: {  	s16 =	sadd.s32 s8, s16;
	s17 =	sor.u32 $0x1C04, s17;
	s18 =	rddreg [dreg:$0xe]  }
0x4c: {  	[hbm:s16], [sflag:s17] =	dma.local [spmem:s18], $0x380  }
0x4d: {  	_ =	swait.ge [sflag:s12], $0x380  }
0x4e: {  	s19 =	rddreg [dreg:$0x8]  }
0x4f: {  	s16 =	sadd.s32 s15, s19  }
0x50: {  	[sflag:s12] =	ssyncset.done $0x0;
	s16 =	sshll.u32 s16, $0x4  }
0x51: {  	s20 =	rddreg [dreg:$0xf];
	[sflag:s12] =	ssyncadd.s32 $0xFFFFFC80;
	s16 =	sadd.s32 s8, s16  }
0x52: {  	[hbm:s16], [sflag:s17] =	dma.local [spmem:s20], $0x380  }
0x53: {  	_ =	swait.ge [sflag:s12], $0x380  }
0x54: {  	s21 =	rddreg [dreg:$0x9]  }
0x55: {  	s16 =	sadd.s32 s15, s21  }
0x56: {  	[sflag:s12] =	ssyncset.done $0x0;
	s16 =	sshll.u32 s16, $0x4  }
0x57: {  	s22 =	rddreg [dreg:$0x10];
	[sflag:s12] =	ssyncadd.s32 $0xFFFFFC80;
	s16 =	sadd.s32 s8, s16  }
0x58: {  	[hbm:s16], [sflag:s17] =	dma.local [spmem:s22], $0x380  }
0x59: {  	_ =	swait.ge [sflag:s12], $0x380  }
0x5a: {  	s23 =	rddreg [dreg:$0xa]  }
0x5b: {  	s16 =	sadd.s32 s15, s23  }
0x5c: {  	[sflag:s12] =	ssyncset.done $0x0;
	s16 =	sshll.u32 s16, $0x4  }
0x5d: {  	s24 =	rddreg [dreg:$0x11];
	[sflag:s12] =	ssyncadd.s32 $0xFFFFFC80;
	s16 =	sadd.s32 s8, s16  }
0x5e: {  	[hbm:s16], [sflag:s17] =	dma.local [spmem:s24], $0x380  }
0x5f: {  	_ =	swait.ge [sflag:s12], $0x380  }
0x60: {  	s19 =	rddreg [dreg:$0xb]  }
0x61: {  	s16 =	sadd.s32 s15, s19  }
0x62: {  	[sflag:s12] =	ssyncset.done $0x0;
	s16 =	sshll.u32 s16, $0x4  }
0x63: {  	s20 =	rddreg [dreg:$0x12];
	[sflag:s12] =	ssyncadd.s32 $0xFFFFFC80;
	s16 =	sadd.s32 s8, s16  }
0x64: {  	[hbm:s16], [sflag:s17] =	dma.local [spmem:s20], $0x380  }
0x65: {  	_ =	swait.ge [sflag:s12], $0x380  }
0x66: {  	s21 =	rddreg [dreg:$0xc]  }
0x67: {  	s16 =	sadd.s32 s15, s21  }
0x68: {  	[sflag:s12] =	ssyncset.done $0x0;
	s16 =	sshll.u32 s16, $0x4  }
0x69: {  	s22 =	rddreg [dreg:$0x13];
	[sflag:s12] =	ssyncadd.s32 $0xFFFFFC80;
	s16 =	sadd.s32 s8, s16  }
0x6a: {  	[hbm:s16], [sflag:s17] =	dma.local [spmem:s22], $0x380  }
0x6b: {  	_ =	swait.ge [sflag:s12], $0x380  }
0x6c: {  	s23 =	rddreg [dreg:$0xd]  }
0x6d: {  	s24 =	sadd.s32 s15, s23  }
0x6e: {  	s13 =	sadd.s32 $0x1, s13;
	[sflag:s12] =	ssyncset.done $0x0;
	s15 =	sshll.u32 s24, $0x4  }
0x6f: {  	p0 =	sne.s32 s13, $0x4;
	[sflag:s12] =	ssyncadd.s32 $0xFFFFFC80;
	s15 =	sadd.s32 s8, s15  }
0x70: {  	[hbm:s15], [sflag:s17] =	dma.local [spmem:s26], $0x380  }
.Ltmp3:
0x71: {  	_ =	swait.ge [sflag:s12], $0x380;
	(pc) =	sbr.rel @!p0 .LBB2_14-.Ltmp3, $3  }
0x72: {  	[sflag:s12] =	ssyncset.done $0x0  }
0x73: {  	[sflag:s12] =	ssyncadd.s32 $0xFFFFFC80  }
0x74: {  	[bflag:$0x0] =	sbarrier.arrive $0xFFFF;
	_ =	sdelay $0x1  }
.LBB2_2:
0x75: {  	s15 =	simm.s32 $0x0;
	s16 =	simm.s32 $0x200  }
.LBB2_3:
0x76: {  	p0 =	sne.s32 s16, $0xFE00;
	[tilespmem:s15+$0xC870] =	vst v0  }
0x77: {  	[tilespmem:s15+$0xC800] =	vst v0  }
0x78: {  	[tilespmem:s15+$0xC810] =	vst v0  }
.Ltmp4:
0x79: {  	[tilespmem:s15+$0xC820] =	vst v0;
	(pc) =	sbr.rel @p0 .LBB2_3-.Ltmp4, $4  }
0x7a: {  	[tilespmem:s15+$0xC830] =	vst v0  }
0x7b: {  	[tilespmem:s15+$0xC840] =	vst v0  }
0x7c: {  	[tilespmem:s15+$0xC850] =	vst v0  }
0x7d: {  	[tilespmem:s15+$0xC860] =	vst v0;
	s15 =	sshra.s32 s16, $0x2;
	s16 =	sadd.s32 $0x200, s16  }
0x7e: {  	[tilespmem:s15+$0xC870] =	vst v0  }
0x7f: {  	[tilespmem:s15+$0xC800] =	vst v0  }
0x80: {  	[tilespmem:s15+$0xC810] =	vst v0  }
0x81: {  	[tilespmem:s15+$0xC820] =	vst v0  }
0x82: {  	[tilespmem:s15+$0xC830] =	vst v0  }
0x83: {  	[tilespmem:s15+$0xC840] =	vst v0  }
0x84: {  	[tilespmem:s15+$0xC850] =	vst v0  }
0x85: {  	[tilespmem:s15+$0xC860] =	vst v0  }
0x86: {  	[spmem:s25] =	stream.linear.scatter [tilespmem:s0], [sflag:$0x4], $0x2800, $0x38;
	[tilespmem:$0x1BD00] =	vst v63  }
0x87: {  	_ =	swait.ge [sflag:s12], $0x2800  }
0x88: {  	[sflag:s12] =	ssyncset.done $0x0  }
0x89: {  	[sflag:s12] =	ssyncadd.s32 $0xFFFFD800  }
0x8a: {  	[spmem:s28] =	stream.linear.scatter [tilespmem:s0], [sflag:$0x4], $0x2800, $0x38;
	[tilespmem:$0x1BD00] =	vst v63  }
0x8b: {  	_ =	swait.ge [sflag:s12], $0x2800  }
0x8c: {  	[sflag:s12] =	ssyncset.done $0x0  }
0x8d: {  	[sflag:s12] =	ssyncadd.s32 $0xFFFFD800  }
0x8e: {  	[spmem:s29] =	stream.linear.scatter [tilespmem:s0], [sflag:$0x4], $0x2800, $0x38;
	[tilespmem:$0x1BD00] =	vst v63  }
0x8f: {  	_ =	swait.ge [sflag:s12], $0x2800  }
0x90: {  	[sflag:s12] =	ssyncset.done $0x0  }
0x91: {  	[sflag:s12] =	ssyncadd.s32 $0xFFFFD800  }
0x92: {  	[spmem:s30] =	stream.linear.scatter [tilespmem:s0], [sflag:$0x4], $0x2800, $0x38;
	[tilespmem:$0x1BD00] =	vst v63  }
0x93: {  	_ =	swait.ge [sflag:s12], $0x2800  }
0x94: {  	[sflag:s12] =	ssyncset.done $0x0  }
0x95: {  	[sflag:s12] =	ssyncadd.s32 $0xFFFFD800  }
0x96: {  	[spmem:s31] =	stream.linear.scatter [tilespmem:s0], [sflag:$0x4], $0x2800, $0x38;
	[tilespmem:$0x1BD00] =	vst v63  }
0x97: {  	_ =	swait.ge [sflag:s12], $0x2800  }
0x98: {  	[sflag:s12] =	ssyncset.done $0x0  }
0x99: {  	[sflag:s12] =	ssyncadd.s32 $0xFFFFD800  }
0x9a: {  	[bflag:$0x0] =	sbarrier.arrive $0xFFFF  }
0x9b: {  	[tilespmem:$0x1BC00] =	vst v2  }
0x9c: {  	[tilespmem:$0x1BC80] =	vst v2  }
0x9d: {  	[tilespmem:$0x1BC10] =	vst v2  }
0x9e: {  	[tilespmem:$0x1BC90] =	vst v2  }
0x9f: {  	[tilespmem:$0x1BC20] =	vst v2  }
0xa0: {  	[tilespmem:$0x1BCA0] =	vst v2  }
0xa1: {  	[tilespmem:$0x1BC30] =	vst v2  }
0xa2: {  	[tilespmem:$0x1BCB0] =	vst v2  }
0xa3: {  	[tilespmem:$0x1BC40] =	vst v2  }
0xa4: {  	[tilespmem:$0x1BCC0] =	vst v2  }
0xa5: {  	[tilespmem:$0x1BC50] =	vst v2  }
0xa6: {  	[tilespmem:$0x1BCD0] =	vst v2  }
0xa7: {  	[tilespmem:$0x1BC60] =	vst v2  }
0xa8: {  	[tilespmem:$0x1BCE0] =	vst v2  }
0xa9: {  	[tilespmem:$0x1BC70] =	vst v2  }
0xaa: {  	s20 =	simm.s32 $0x1BC00;
	[tilespmem:$0x1BCF0] =	vst v2  }
0xab: {  	[spmem:s1] =	stream.indirect.scatter.add.f32 [tilespmem:s0], [sflag:$0x1], $0x80, s20, s2, $0xb8;
	[tilespmem:$0x1BD00] =	vst v63  }
0xac: {  	s21 =	simm.s32 $0x1BC80;
	s17 =	simm.s32 $0x0;
	s22 =	rddreg [dreg:$0x4]  }
0xad: {  	[spmem:s1] =	stream.indirect.scatter.add.f32 [tilespmem:s3], [sflag:$0x1], $0x80, s21, s2, $0xb8;
	[tilespmem:$0x1BD00] =	vst v63  }
.Ltmp5:
0xae: {  	s18 =	simm.s32 $0x14800;
	s15 =	sadd.s32 s22, s13;
	(pc) =	sbr.rel .LBB2_6-.Ltmp5, $4  }
0xaf: {  	s24 =	simm.s32 $0x18000;
	s16 =	rddreg [dreg:$0x5];
	s15 =	smul.u32 $0x1880, s15  }
0xb0: {  	[tilespmem:s18], [sflag:$0x3] =	stream.linear.gather [hbm4b:s16+s17], $0x1C00, $0x38;
	[tilespmem:$0x1BD00] =	vst v63  }
0xb1: {  	s19 =	simm.s32 $0x0;
	s23 =	rddreg [dreg:$0x6];
	s16 =	simm.s32 $0x0  }
0xb2: {  	v11 =	vmov s15;
	[tilespmem:s24], [sflag:$0x3] =	stream.linear.gather [hbm4b:s23+s17], $0x1C00, $0x38;
	[tilespmem:$0x1BD00] =	vst v63  }
.LBB2_5:
0xb3: {  	p0 =	seq.s32 s17, $0x7  }
.Ltmp6:
0xb4: {  	_ = 	snop;
	(pc) =	sbr.rel @p0 .LBB2_10-.Ltmp6, $1  }
0xb5: {  	_ =	sdelay $0x3  }
.LBB2_6:
0xb6: {  	s18 =	smov.u32 s17;
	_ =	swait.ge [sflag:s9], $0x1C00  }
0xb7: {  	s17 =	sadd.s32 $0x1, s17;
	p0 =	seq.s32 s18, $0x6;
	[sflag:s9] =	ssyncset.done $0x0  }
0xb8: {  	s18 =	sand.u32 $0x1, s18;
	s20 =	sand.u32 @!p0 $0x1, s17;
	[sflag:s9] =	ssyncadd.s32 $0xFFFFE400  }
0xb9: {  	s21 =	smul.u32 @!p0 $0x38, s17;
	s24 =	simm.s32 @!p0 $0x0;
	p1 =	seq.s32 @!p0 s20, $0x1  }
0xba: {  	s20 =	simm.s32 @!p0 $0x1C00;
	_ =	swait.ge [sflag:s9], $0x1C00;
	p1 =	por !p1, p0  }
0xbb: {  	s20 =	simm.s32 @p1 $0x0;
	p1 =	seq.s32 s18, $0x1;
	s18 =	sadd.s32 @!p0 s6, s21  }
0xbc: {  	[sflag:s9] =	ssyncset.done $0x0;
	s21 =	simm.s32 $0x38;
	s18 =	sshll.u32 @!p0 s18, $0x4  }
0xbd: {  	[sflag:s9] =	ssyncadd.s32 $0xFFFFE400;
	s22 =	sadd.s32 @!p0 $0x14800, s20;
	s23 =	sadd.s32 @!p0 s4, s18  }
0xbe: {  	[tilespmem:s22], [sflag:$0x3] =	stream.linear.gather @!p0 [hbm4b:s23+s24], $0x1C00, $0x38;
	[tilespmem:$0x1BD00] =	vst v63  }
.Ltmp7:
0xbf: {  	s21 =	simm.s32 @!p1 $0x0;
	(pc) =	sbr.rel .LBB2_7-.Ltmp7, $4  }
0xc0: {  	s20 =	sor.u32 @!p0 $0x18000, s20;
	s18 =	sadd.s32 @!p0 s5, s18;
	s23 =	sshll.u32 s21, $0x7  }
0xc1: {  	[tilespmem:s20], [sflag:$0x3] =	stream.linear.gather @!p0 [hbm4b:s18+s24], $0x1C00, $0x38;
	[tilespmem:$0x1BD00] =	vst v63  }
0xc2: {  	s24 =	sadd.s32 $0x14840, s23;
	s18 =	sor.u32 $0x18070, s23  }
0xc3: {  	v12 =	vmov s24;
	v13 =	vmov s18;
	s18 =	simm.s32 $0x0  }
.LBB2_9:
0xc4: {  	s18 =	sadd.s32 $0x200, s18  }
0xc5: {  	p0 =	seq.s32 s18, $0x7000  }
.Ltmp8:
0xc6: {  	_ = 	snop;
	(pc) =	sbr.rel @p0 .LBB2_5-.Ltmp8, $1  }
0xc7: {  	_ =	sdelay $0x3  }
.LBB2_7:
0xc8: {  	_ =	sdelay $0x2  }
0xc9: {  	s20 =	sshra.s32 s18, $0x2  }
0xca: {  	v14 =	vld.idx.msk [tilespmem:v13+s20+$0xFFFFFF90 ss:$0x1], $0xffff;
	_ =	sdelay $0x1  }
0xcb: {  	v15 =	vld.idx.msk [tilespmem:v12+s20+$0xFFFFFFC0 ss:$0x1], $0xffff;
	_ =	sdelay $0x2  }
0xcc: {  	v14 =	vsub.s32 v14, v11  }
0xcd: {  	vm0 =	vlt.u32 v14, $0x1880  }
0xce: {  	[tilespmem:s19+$0x1B800] =	vst.msk vm0, v15;
	v15 =	vsel vm0, $0x1, v3  }
0xcf: {  	[tilespmem:s19+$0x1B980] =	vst.msk vm0, v14;
	(xrf0) =	vadd.scan.msk.s32 $0xffff, v15  }
0xd0: {  	v14 =	vld.idx.msk [tilespmem:v13+s20+$0xFFFFFFA0 ss:$0x1], $0xffff;
	_ =	sdelay $0x4  }
0xd1: {  	v15, _, _ =	vpop (xrf0);
	v14 =	vsub.s32 v14, v11  }
0xd2: {  	(v2sf) =	vpush v15, $0xF;
	vm9 =	vlt.u32 v14, $0x1880  }
0xd3: {  	v15 =	vsel vm9, $0x1, v3  }
0xd4: {  	(xrf0) =	vadd.scan.msk.s32 $0xffff, v15;
	_ =	sdelay $0x5  }
0xd5: {  	v15, _, _ =	vpop (xrf0)  }
0xd6: {  	(v2sf) =	vpush v15, $0xF;
	_ =	sdelay $0x2  }
0xd7: {  	v15 =	vld.idx.msk [tilespmem:v12+s20+$0xFFFFFFD0 ss:$0x1], $0xffff;
	_ =	sdelay $0x2  }
0xd8: {  	s21 =	spop (v2sf)  }
0xd9: {  	s23 =	sadd.s32 s19, s21  }
0xda: {  	[tilespmem:s23+$0x1B800] =	vst.msk vm9, v15  }
0xdb: {  	[tilespmem:s23+$0x1B980] =	vst.msk vm9, v14  }
0xdc: {  	v14 =	vld.idx.msk [tilespmem:v13+s20+$0xFFFFFFB0 ss:$0x1], $0xffff;
	_ =	sdelay $0x1  }
0xdd: {  	v15 =	vld.idx.msk [tilespmem:v12+s20+$0xFFFFFFE0 ss:$0x1], $0xffff;
	_ =	sdelay $0x2  }
0xde: {  	s24 =	spop (v2sf);
	v14 =	vsub.s32 v14, v11  }
0xdf: {  	s19 =	sadd.s32 s23, s24;
	vm10 =	vlt.u32 v14, $0x1880  }
0xe0: {  	[tilespmem:s19+$0x1B800] =	vst.msk vm10, v15;
	v15 =	vsel vm10, $0x1, v3  }
0xe1: {  	[tilespmem:s19+$0x1B980] =	vst.msk vm10, v14;
	(xrf0) =	vadd.scan.msk.s32 $0xffff, v15  }
0xe2: {  	v14 =	vld.idx.msk [tilespmem:v13+s20+$0xFFFFFFC0 ss:$0x1], $0xffff;
	_ =	sdelay $0x4  }
0xe3: {  	v15, _, _ =	vpop (xrf0);
	v14 =	vsub.s32 v14, v11  }
0xe4: {  	(v2sf) =	vpush v15, $0xF;
	vm11 =	vlt.u32 v14, $0x1880  }
0xe5: {  	v15 =	vsel vm11, $0x1, v3  }
0xe6: {  	(xrf0) =	vadd.scan.msk.s32 $0xffff, v15;
	_ =	sdelay $0x5  }
0xe7: {  	v15, _, _ =	vpop (xrf0)  }
0xe8: {  	(v2sf) =	vpush v15, $0xF;
	_ =	sdelay $0x2  }
0xe9: {  	v15 =	vld.idx.msk [tilespmem:v12+s20+$0xFFFFFFF0 ss:$0x1], $0xffff;
	_ =	sdelay $0x2  }
0xea: {  	s22 =	spop (v2sf)  }
0xeb: {  	s19 =	sadd.s32 s19, s22  }
0xec: {  	[tilespmem:s19+$0x1B800] =	vst.msk vm11, v15  }
0xed: {  	[tilespmem:s19+$0x1B980] =	vst.msk vm11, v14  }
0xee: {  	v14 =	vld.idx.msk [tilespmem:v13+s20+$0xFFFFFFD0 ss:$0x1], $0xffff;
	_ =	sdelay $0x1  }
0xef: {  	v15 =	vld.idx.msk [tilespmem:v12+s20+$0x0 ss:$0x1], $0xffff;
	_ =	sdelay $0x2  }
0xf0: {  	s23 =	spop (v2sf);
	v14 =	vsub.s32 v14, v11  }
0xf1: {  	s19 =	sadd.s32 s19, s23;
	vm12 =	vlt.u32 v14, $0x1880  }
0xf2: {  	[tilespmem:s19+$0x1B800] =	vst.msk vm12, v15;
	v15 =	vsel vm12, $0x1, v3  }
0xf3: {  	[tilespmem:s19+$0x1B980] =	vst.msk vm12, v14;
	(xrf0) =	vadd.scan.msk.s32 $0xffff, v15  }
0xf4: {  	v14 =	vld.idx.msk [tilespmem:v13+s20+$0xFFFFFFE0 ss:$0x1], $0xffff;
	_ =	sdelay $0x4  }
0xf5: {  	v15, _, _ =	vpop (xrf0);
	v14 =	vsub.s32 v14, v11  }
0xf6: {  	(v2sf) =	vpush v15, $0xF;
	vm13 =	vlt.u32 v14, $0x1880  }
0xf7: {  	v15 =	vsel vm13, $0x1, v3  }
0xf8: {  	(xrf0) =	vadd.scan.msk.s32 $0xffff, v15;
	_ =	sdelay $0x5  }
0xf9: {  	v15, _, _ =	vpop (xrf0)  }
0xfa: {  	(v2sf) =	vpush v15, $0xF;
	_ =	sdelay $0x2  }
0xfb: {  	v15 =	vld.idx.msk [tilespmem:v12+s20+$0x10 ss:$0x1], $0xffff;
	_ =	sdelay $0x2  }
0xfc: {  	s24 =	spop (v2sf)  }
0xfd: {  	s19 =	sadd.s32 s19, s24  }
0xfe: {  	[tilespmem:s19+$0x1B800] =	vst.msk vm13, v15  }
0xff: {  	[tilespmem:s19+$0x1B980] =	vst.msk vm13, v14  }
0x100: {  	v14 =	vld.idx.msk [tilespmem:v13+s20+$0xFFFFFFF0 ss:$0x1], $0xffff;
	_ =	sdelay $0x1  }
0x101: {  	v15 =	vld.idx.msk [tilespmem:v12+s20+$0x20 ss:$0x1], $0xffff;
	_ =	sdelay $0x2  }
0x102: {  	s22 =	spop (v2sf);
	v14 =	vsub.s32 v14, v11  }
0x103: {  	s19 =	sadd.s32 s19, s22;
	vm14 =	vlt.u32 v14, $0x1880  }
0x104: {  	[tilespmem:s19+$0x1B800] =	vst.msk vm14, v15  }
0x105: {  	[tilespmem:s19+$0x1B980] =	vst.msk vm14, v14  }
0x106: {  	v14 =	vld.idx.msk [tilespmem:v13+s20+$0x0 ss:$0x1], $0xffff;
	_ =	sdelay $0x4  }
0x107: {  	v14 =	vsub.s32 v14, v11  }
0x108: {  	v15 =	vsel vm14, $0x1, v3;
	vm15 =	vlt.u32 v14, $0x1880  }
0x109: {  	(xrf0) =	vadd.scan.msk.s32 $0xffff, v15;
	v15 =	vsel vm15, $0x1, v3  }
0x10a: {  	(xrf0) =	vadd.scan.msk.s32 $0xffff, v15;
	_ =	sdelay $0x4  }
0x10b: {  	v15, _, _ =	vpop (xrf0)  }
0x10c: {  	(v2sf) =	vpush v15, $0xF;
	v15, _, _ =	vpop (xrf0)  }
0x10d: {  	(v2sf) =	vpush v15, $0xF;
	_ =	sdelay $0xd  }
0x10e: {  	s23 =	spop (v2sf)  }
0x10f: {  	v15 =	vld.idx.msk [tilespmem:v12+s20+$0x30 ss:$0x1], $0xffff;
	s20 =	sadd.s32 s19, s23;
	s24 =	spop (v2sf)  }
0x110: {  	s19 =	sadd.s32 s20, s24  }
0x111: {  	p0 =	slt.s32 s19, $0x80  }
.Ltmp9:
0x112: {  	_ = 	snop;
	(pc) =	sbr.rel @p0 .LBB2_9-.Ltmp9, $3  }
0x113: {  	_ =	sdelay $0x1  }
0x114: {  	[tilespmem:s20+$0x1B800] =	vst.msk vm15, v15  }
0x115: {  	[tilespmem:s20+$0x1B980] =	vst.msk vm15, v14  }
0x116: {  	_ =	swait.ge [sflag:s10], $0x4000  }
0x117: {  	s20 =	sand.u32 $0x1, s16;
	[sflag:s10] =	ssyncset.done $0x0  }
0x118: {  	p0 =	seq.s32 s20, $0x1;
	[sflag:s10] =	ssyncadd.s32 $0xFFFFC000  }
0x119: {  	v14 =	vld @p0 [tilespmem:$0x1B810]  }
0x11a: {  	v15 =	vld @p0 [tilespmem:$0x1B990]  }
0x11b: {  	v16 =	vld @p0 [tilespmem:$0x1B820]  }
0x11c: {  	v17 =	vld @p0 [tilespmem:$0x1B9A0]  }
0x11d: {  	v18 =	vld @p0 [tilespmem:$0x1B830]  }
0x11e: {  	[tilespmem:$0x1BB90] =	vst @p0 v14;
	v14 =	vld @p0 [tilespmem:$0x1B9B0]  }
0x11f: {  	[tilespmem:$0x1BC90] =	vst @p0 v15;
	v15 =	vld @p0 [tilespmem:$0x1B840]  }
0x120: {  	[tilespmem:$0x1BBA0] =	vst @p0 v16;
	v16 =	vld @p0 [tilespmem:$0x1B9C0]  }
0x121: {  	[tilespmem:$0x1BCA0] =	vst @p0 v17;
	v17 =	vld @p0 [tilespmem:$0x1B850]  }
0x122: {  	[tilespmem:$0x1BBB0] =	vst @p0 v18;
	v18 =	vld @p0 [tilespmem:$0x1B9D0]  }
0x123: {  	[tilespmem:$0x1BCB0] =	vst @p0 v14;
	v14 =	vld @p0 [tilespmem:$0x1B860]  }
0x124: {  	[tilespmem:$0x1BBC0] =	vst @p0 v15;
	v15 =	vld [tilespmem:$0x1B800]  }
0x125: {  	[tilespmem:$0x1BCC0] =	vst @p0 v16;
	v16 =	vld [tilespmem:$0x1B980]  }
0x126: {  	[tilespmem:$0x1BBD0] =	vst @p0 v17;
	v17 =	vld @p0 [tilespmem:$0x1B9E0]  }
0x127: {  	[tilespmem:$0x1BCD0] =	vst @p0 v18;
	v18 =	vld @p0 [tilespmem:$0x1B870]  }
0x128: {  	[tilespmem:$0x1BBE0] =	vst @p0 v14;
	v14 =	vld @p0 [tilespmem:$0x1B9F0]  }
0x129: {  	[tilespmem:$0x1BB80] =	vst @p0 v15  }
0x12a: {  	[tilespmem:$0x1BC80] =	vst @p0 v16  }
0x12b: {  	[tilespmem:$0x1BCE0] =	vst @p0 v17  }
0x12c: {  	[tilespmem:$0x1BBF0] =	vst @p0 v18  }
0x12d: {  	s20 =	simm.s32 @p0 $0x40;
	s21 =	simm.s32 @p0 $0x1BB80;
	s22 =	simm.s32 @p0 $0x10800;
	[tilespmem:$0x1BCF0] =	vst @p0 v14  }
0x12e: {  	[tilespmem:s22], [sflag:$0x2] =	stream.indirect.gather @p0 [hbm4b:s7+s20], $0x80, s21, s20, $0xb8;
	[tilespmem:$0x1BD00] =	vst v63  }
0x12f: {  	s23 =	simm.s32 @p0 $0x12800;
	s21 =	simm.s32 @p0 $0x1BBC0  }
0x130: {  	[tilespmem:s23], [sflag:$0x2] =	stream.indirect.gather @p0 [hbm4b:s7+s20], $0x80, s21, s20, $0xb8;
	[tilespmem:$0x1BD00] =	vst v63  }
0x131: {  	s20 =	simm.s32 @p0 $0x2  }
0x132: {  	_ =	swait.ge @p0 [sflag:s20], $0x2000  }
0x133: {  	[sflag:s20] =	ssyncset.done @p0 $0x0  }
0x134: {  	[sflag:s20] =	ssyncadd.s32 @p0 $0xFFFFE000  }
0x135: {  	_ =	swait.ge @p0 [sflag:s20], $0x2000  }
0x136: {  	[sflag:s20] =	ssyncset.done @p0 $0x0  }
0x137: {  	s21 =	simm.s32 @p0 $0x1BC80;
	[sflag:s20] =	ssyncadd.s32 @p0 $0xFFFFE000;
	s20 =	simm.s32 @p0 $0x80  }
0x138: {  	[spmem:s1] =	stream.indirect.scatter.add.f32 @p0 [tilespmem:s22], [sflag:$0x1], $0x80, s21, s20, $0xb8;
	[tilespmem:$0x1BD00] =	vst v63  }
0x139: {  	v14 =	vld @!p0 [tilespmem:$0x1B810]  }
0x13a: {  	v17 =	vld @!p0 [tilespmem:$0x1B990]  }
0x13b: {  	v18 =	vld @!p0 [tilespmem:$0x1B820]  }
0x13c: {  	[tilespmem:$0x1BB00] =	vst @!p0 v15;
	v15 =	vld @!p0 [tilespmem:$0x1B9A0]  }
0x13d: {  	[tilespmem:$0x1BC00] =	vst @!p0 v16;
	v16 =	vld @!p0 [tilespmem:$0x1B830]  }
0x13e: {  	[tilespmem:$0x1BB10] =	vst @!p0 v14;
	v14 =	vld @!p0 [tilespmem:$0x1B9B0]  }
0x13f: {  	[tilespmem:$0x1BC10] =	vst @!p0 v17;
	v17 =	vld @!p0 [tilespmem:$0x1B840]  }
0x140: {  	[tilespmem:$0x1BB20] =	vst @!p0 v18;
	v18 =	vld @!p0 [tilespmem:$0x1B9C0]  }
0x141: {  	[tilespmem:$0x1BC20] =	vst @!p0 v15;
	v15 =	vld @!p0 [tilespmem:$0x1B850]  }
0x142: {  	[tilespmem:$0x1BB30] =	vst @!p0 v16;
	v16 =	vld @!p0 [tilespmem:$0x1B9D0]  }
0x143: {  	[tilespmem:$0x1BC30] =	vst @!p0 v14;
	v14 =	vld @!p0 [tilespmem:$0x1B860]  }
0x144: {  	[tilespmem:$0x1BB40] =	vst @!p0 v17;
	v17 =	vld @!p0 [tilespmem:$0x1B9E0]  }
0x145: {  	[tilespmem:$0x1BC40] =	vst @!p0 v18;
	v18 =	vld @!p0 [tilespmem:$0x1B870]  }
0x146: {  	[tilespmem:$0x1BB50] =	vst @!p0 v15;
	v15 =	vld @!p0 [tilespmem:$0x1B9F0]  }
0x147: {  	[tilespmem:$0x1BC50] =	vst @!p0 v16  }
0x148: {  	[tilespmem:$0x1BB60] =	vst @!p0 v14  }
0x149: {  	[tilespmem:$0x1BC60] =	vst @!p0 v17  }
0x14a: {  	[tilespmem:$0x1BB70] =	vst @!p0 v18  }
0x14b: {  	s20 =	simm.s32 @!p0 $0x40;
	s21 =	simm.s32 @!p0 $0x1BB00;
	s22 =	simm.s32 @!p0 $0xC800;
	[tilespmem:$0x1BC70] =	vst @!p0 v15  }
0x14c: {  	[tilespmem:s22], [sflag:$0x2] =	stream.indirect.gather @!p0 [hbm4b:s7+s20], $0x80, s21, s20, $0xb8;
	[tilespmem:$0x1BD00] =	vst v63  }
0x14d: {  	s23 =	simm.s32 @!p0 $0xE800;
	s21 =	simm.s32 @!p0 $0x1BB40  }
0x14e: {  	[tilespmem:s23], [sflag:$0x2] =	stream.indirect.gather @!p0 [hbm4b:s7+s20], $0x80, s21, s20, $0xb8;
	[tilespmem:$0x1BD00] =	vst v63  }
0x14f: {  	s20 =	simm.s32 @!p0 $0x2  }
0x150: {  	_ =	swait.ge @!p0 [sflag:s20], $0x2000  }
0x151: {  	[sflag:s20] =	ssyncset.done @!p0 $0x0  }
0x152: {  	[sflag:s20] =	ssyncadd.s32 @!p0 $0xFFFFE000  }
0x153: {  	_ =	swait.ge @!p0 [sflag:s20], $0x2000  }
0x154: {  	[sflag:s20] =	ssyncset.done @!p0 $0x0  }
0x155: {  	s21 =	simm.s32 @!p0 $0x1BC00;
	[sflag:s20] =	ssyncadd.s32 @!p0 $0xFFFFE000;
	s20 =	simm.s32 @!p0 $0x80  }
0x156: {  	[spmem:s1] =	stream.indirect.scatter.add.f32 @!p0 [tilespmem:s22], [sflag:$0x1], $0x80, s21, s20, $0xb8;
	[tilespmem:$0x1BD00] =	vst v63  }
0x157: {  	v14 =	vld [tilespmem:$0x1B880]  }
0x158: {  	v15 =	vld [tilespmem:$0x1BA00]  }
0x159: {  	v55 =	vld [tilespmem:$0x1B890]  }
0x15a: {  	v56 =	vld [tilespmem:$0x1BA10]  }
0x15b: {  	v57 =	vld [tilespmem:$0x1B8A0]  }
0x15c: {  	[tilespmem:$0x1B800] =	vst v14;
	v14 =	vld [tilespmem:$0x1BA20]  }
0x15d: {  	v58 =	vld [tilespmem:$0x1BA30];
	[tilespmem:$0x1B980] =	vst v15  }
0x15e: {  	v59 =	vld [tilespmem:$0x1B8C0];
	[tilespmem:$0x1B810] =	vst v55  }
0x15f: {  	v60 =	vld [tilespmem:$0x1BA40];
	[tilespmem:$0x1B990] =	vst v56  }
0x160: {  	v15 =	vld [tilespmem:$0x1B8B0];
	[tilespmem:$0x1B820] =	vst v57  }
0x161: {  	[tilespmem:$0x1B9A0] =	vst v14;
	v14 =	vld [tilespmem:$0x1B8D0]  }
0x162: {  	v61 =	vld [tilespmem:$0x1B8E0];
	[tilespmem:$0x1B9B0] =	vst v58  }
0x163: {  	v62 =	vld [tilespmem:$0x1BA60];
	[tilespmem:$0x1B840] =	vst v59  }
0x164: {  	v63 =	vld [tilespmem:$0x1B8F0];
	[tilespmem:$0x1B9C0] =	vst v60  }
0x165: {  	[tilespmem:$0x1B830] =	vst v15;
	v15 =	vld [tilespmem:$0x1BA50]  }
0x166: {  	[tilespmem:$0x1B850] =	vst v14;
	v14 =	vld [tilespmem:$0x1BA70]  }
.Ltmp10:
0x167: {  	[tilespmem:$0x1B860] =	vst v61;
	(pc) =	sbr.rel .LBB2_9-.Ltmp10, $4  }
0x168: {  	[tilespmem:$0x1B9E0] =	vst v62  }
0x169: {  	[tilespmem:$0x1B870] =	vst v63  }
0x16a: {  	[tilespmem:$0x1B9D0] =	vst v15  }
0x16b: {  	s19 =	sadd.s32 $0xFFFFFF80, s19;
	s16 =	sadd.s32 $0x1, s16;
	[tilespmem:$0x1B9F0] =	vst v14  }
.LBB2_10:
0x16c: {  	_ =	swait.ge [sflag:s10], $0x4000  }
0x16d: {  	[sflag:s10] =	ssyncset.done $0x0  }
0x16e: {  	[sflag:s10] =	ssyncadd.s32 $0xFFFFC000  }
0x16f: {  	s16 =	sand.u32 $0x1, s16;
	v12 =	vld [tilespmem:$0x1B800]  }
0x170: {  	p0 =	seq.s32 s16, $0x1;
	v14 =	vld [tilespmem:$0x1B980]  }
.Ltmp11:
0x171: {  	_ = 	snop;
	(pc) =	sbr.rel @p0 .LBB2_12-.Ltmp11, $4  }
0x172: {  	_ = 	snop  }
0x173: {  	v11 =	vmov s19  }
0x174: {  	vm0 =	vgt.s32 v11, v1;
	vm1 =	vgt.s32 v11, v5;
	vm2 =	vgt.s32 v11, v6  }
0x175: {  	v13 =	vnsel vm0, $0x0, v12;
	v12 =	vnsel vm0, $0x1880, v14;
	vm0 =	vgt.s32 v11, v4  }
0x176: {  	v14 =	vld [tilespmem:$0x1B810]  }
0x177: {  	v15 =	vld [tilespmem:$0x1B990]  }
0x178: {  	v16 =	vld [tilespmem:$0x1B820]  }
0x179: {  	v17 =	vld [tilespmem:$0x1B9A0]  }
0x17a: {  	[tilespmem:$0x1BB00] =	vst v13;
	v50 =	vld [tilespmem:$0x1B830]  }
0x17b: {  	[tilespmem:$0x1BC00] =	vst v12;
	v52 =	vld [tilespmem:$0x1B9B0];
	v51 =	vnsel vm2, $0x0, v14  }
0x17c: {  	v53 =	vld [tilespmem:$0x1B840];
	v15 =	vnsel vm2, $0x1880, v15;
	[tilespmem:$0x1BB10] =	vst v51  }
0x17d: {  	v55 =	vld [tilespmem:$0x1B9C0];
	v54 =	vnsel vm1, $0x0, v16;
	[tilespmem:$0x1BC10] =	vst v15  }
0x17e: {  	v57 =	vld [tilespmem:$0x1B9D0];
	v17 =	vnsel vm1, $0x1880, v17;
	[tilespmem:$0x1BB20] =	vst v54  }
0x17f: {  	v59 =	vld [tilespmem:$0x1B9E0];
	v13 =	vnsel vm0, $0x0, v50;
	[tilespmem:$0x1BC20] =	vst v17  }
0x180: {  	vm12 =	vgt.s32 v11, v7;
	v61 =	vld [tilespmem:$0x1B9F0];
	v14 =	vnsel vm0, $0x1880, v52;
	[tilespmem:$0x1BB30] =	vst v13  }
0x181: {  	v56 =	vld [tilespmem:$0x1B850];
	v12 =	vnsel vm12, $0x0, v53;
	[tilespmem:$0x1BC30] =	vst v14  }
0x182: {  	v58 =	vld [tilespmem:$0x1B860];
	vm13 =	vgt.s32 v11, v8;
	v16 =	vnsel vm12, $0x1880, v55;
	[tilespmem:$0x1BB40] =	vst v12  }
0x183: {  	v60 =	vld [tilespmem:$0x1B870];
	vm14 =	vgt.s32 v11, v9;
	v62 =	vnsel vm13, $0x1880, v57;
	[tilespmem:$0x1BC40] =	vst v16  }
0x184: {  	vm15 =	vgt.s32 v11, v10;
	v11 =	vnsel vm14, $0x1880, v59;
	[tilespmem:$0x1BC50] =	vst v62  }
0x185: {  	v63 =	vnsel vm15, $0x1880, v61;
	[tilespmem:$0x1BC60] =	vst v11  }
0x186: {  	v15 =	vnsel vm13, $0x0, v56;
	[tilespmem:$0x1BC70] =	vst v63  }
0x187: {  	v13 =	vnsel vm14, $0x0, v58;
	[tilespmem:$0x1BB50] =	vst v15  }
0x188: {  	v11 =	vnsel vm15, $0x0, v60;
	[tilespmem:$0x1BB60] =	vst v13  }
0x189: {  	s16 =	simm.s32 $0x1BB00;
	[tilespmem:$0x1BB70] =	vst v11  }
0x18a: {  	[tilespmem:s0], [sflag:$0x2] =	stream.indirect.gather [hbm4b:s7+s11], $0x80, s16, s11, $0xb8;
	[tilespmem:$0x1BD00] =	vst v63  }
0x18b: {  	s23 =	simm.s32 $0x1BB40;
	s17 =	simm.s32 $0xE800  }
0x18c: {  	[tilespmem:s17], [sflag:$0x2] =	stream.indirect.gather [hbm4b:s7+s11], $0x80, s23, s11, $0xb8;
	[tilespmem:$0x1BD00] =	vst v63  }
0x18d: {  	_ =	swait.ge [sflag:s14], $0x2000  }
0x18e: {  	[sflag:s14] =	ssyncset.done $0x0  }
.Ltmp12:
0x18f: {  	[sflag:s14] =	ssyncadd.s32 $0xFFFFE000;
	(pc) =	sbr.rel .LBB2_13-.Ltmp12, $4  }
0x190: {  	_ =	swait.ge [sflag:s14], $0x2000  }
0x191: {  	[sflag:s14] =	ssyncset.done $0x0  }
0x192: {  	s24 =	simm.s32 $0x1BC00;
	[sflag:s14] =	ssyncadd.s32 $0xFFFFE000  }
0x193: {  	[spmem:s1] =	stream.indirect.scatter.add.f32 [tilespmem:s0], [sflag:$0x1], $0x80, s24, s2, $0xb8;
	[tilespmem:$0x1BD00] =	vst v63  }
.LBB2_15:
0x194: {  	_ =	sfence.sel $0x180000  }
0x195: {  	[bflag:$0x0] =	sbarrier.arrive $0xFFFF  }
0x196: {  	_ =	strace $0x9000004A  }
0x197: {  	s0 =	stileid.u32;
	[bflag:$0x2] =	sbarrier.arrive $0xFFFF  }
0x198: {  	p0 =	sne.s32 s0, $0x0;
	s0 =	rddreg [dreg:$0x2]  }
0x199: {  	s0 =	sadd.s32 @!p0 $0x100000, s0  }
0x19a: {  	[sflag:s0] =	ssyncadd.tile.s32 @!p0 $0x1;
	_ =	shalt  }
.Lfunc_end2:
_tile_overlayer_lowered:
.L_overlay_start_2:
0x19b: {  	(tag) =	ssettag $0x2  }
0x19c: {  	s0 =	rddreg [dreg:$0x0];
	s2 =	stileid.u32  }
0x19d: {  	s1 =	rddreg [dreg:$0x1];
	p0 =	sne.s32 s2, $0x0  }
0x19e: {  	s3 =	rddreg [dreg:$0x2];
	[bflag:$0x3] =	sbarrier.arrive $0xFFFF;
	s2 =	simm.s32 @!p0 $0x1C04  }
0x19f: {  	[timem:s3], [sflag:s2] =	dma.local @!p0 [hbm:s0], s1  }
0x1a0: {  	s0 =	simm.s32 @!p0 $0x4  }
0x1a1: {  	_ =	swait.ge @!p0 [sflag:s0], s1  }
0x1a2: {  	s1 =	ssub.s32 @!p0 $0x0, s1;
	[sflag:s0] =	ssyncset.done @!p0 $0x0  }
0x1a3: {  	[sflag:s0] =	ssyncadd.s32 @!p0 s1  }
0x1a4: {  	[bflag:$0x3] =	sbarrier.arrive $0xFFFF  }
0x1a5: {  	_ =	shalt  }

// kernel: kernel.7.cloned.1.call-start
scs
__scs_entry_jumppad:
0x0: {  	(pc) =	sbr.rel $0x88, $3  }
0x1: {  	(tag) =	ssettag $0x0;
	lr =	simm.s32 $0x1  }
0x2: {  	[smem:$0x3F95] =	sst lr;
	_ =	strace $0xD0000000  }
0x3: {  	_ = 	snop  }
0x4: {  	_ = 	snop  }
0x5: {  	_ = 	snop  }
0x6: {  	_ = 	snop  }
0x7: {  	_ = 	snop  }
__scs_overlays_trampoline_lowered:
0x8: {  	[smem:$0x3FA4] =	sst s0  }
0x9: {  	[smem:$0x3FA5] =	sst s1  }
0xa: {  	[smem:$0x3FA6] =	sst s2  }
0xb: {  	[smem:$0x3FA7] =	sst s3  }
0xc: {  	[smem:$0x3FA8] =	sst s4  }
0xd: {  	[smem:$0x3FA9] =	sst s5  }
0xe: {  	[smem:$0x3FAA] =	sst s6  }
0xf: {  	[smem:$0x3FAB] =	sst s7  }
0x10: {  	[smem:$0x3FAC] =	sst s8  }
0x11: {  	[smem:$0x3FAD] =	sst s9;
	s0 =	simm.s32 @!p0 $0x0  }
0x12: {  	s1 =	sld [smem:$0x3F93];
	s0 =	simm.s32 @p0 $0x1  }
0x13: {  	[smem:$0x3FAE] =	sst s0;
	s0 =	simm.s32 @!p1 $0x0  }
0x14: {  	s2 =	sld [smem:$0x3F92];
	s0 =	simm.s32 @p1 $0x1  }
0x15: {  	[smem:$0x3FAF] =	sst s0;
	s0 =	simm.s32 @!p2 $0x0  }
0x16: {  	s3 =	sld [smem:$0x3FDB];
	s0 =	simm.s32 @p2 $0x1  }
0x17: {  	s4 =	simm.s32 $0x1BF5;
	[smem:$0x3FB1] =	sst s0  }
0x18: {  	s0 =	sld [smem:$0x3F94];
	_ =	swait.ge [sflag:s4], $0x0  }
0x19: {  	s7 =	sld [smem:$0x3F95]  }
0x1a: {  	s8 =	sadd.s32 $0xFFFFE003, lr  }
0x1b: {  	s9 =	sadd.s32 $0xFFFFFEF7, lr;
	s5 =	simm.s32 $0xFFFFFFFF;
	p2 =	slt.u32 s8, $0xFFFFF086  }
0x1c: {  	p1 =	slt.u32 s9, $0xF7A;
	s5 =	simm.s32 @!p2 $0x0  }
0x1d: {  	s5 =	simm.s32 @p1 $0x1;
	p0 =	seq.s32 s7, s2  }
0x1e: {  	s7 =	smul.u32 @!p0 $0xF7A, s2;
	p2 =	seq.s32 @!p0 s5, $0x0  }
0x1f: {  	s9 =	smul.u32 $0xF7A, s1;
	s8 =	simm.s32 @!p0 $0x1BF5;
	p2 =	por !p2, p0  }
0x20: {  	[sflag:s8] =	ssyncset.s32 @!p0 $0xFFFFF086;
	s6 =	sadd.s32 @!p0 s3, s7;
	s7 =	simm.s32 @!p0 $0x108  }
0x21: {  	s3 =	sadd.s32 s3, s9;
	s6 =	sadd.s32 @!p0 $0x88, s6;
	s7 =	simm.s32 @p2 $0x1082  }
0x22: {  	[simem:s7], [sflag:s8] =	dma.local @!p0 [hbm:s6], $0xF7A  }
0x23: {  	s9 =	sor.u32 $0xD0000000, s2;
	s6 =	simm.s32 $0x108;
	_ =	swait.ge @!p0 [sflag:s8], $0x0  }
0x24: {  	s3 =	sadd.s32 $0x88, s3;
	s6 =	simm.s32 @!p1 $0x1082;
	[sflag:s4] =	ssyncset.s32 $0xFFFFF086  }
0x25: {  	[simem:s6], [sflag:s4] =	dma.local [hbm:s3], $0xF7A  }
0x26: {  	[smem:$0x3F95] =	sst s1;
	(tag) =	ssettag s2;
	_ =	strace s9  }
0x27: {  	s1 =	sld [smem:$0x3FA5]  }
0x28: {  	s2 =	sld [smem:$0x3FA6]  }
0x29: {  	s4 =	sld [smem:$0x3FA8]  }
0x2a: {  	p0 =	seq.s32 s5, $0x0;
	s5 =	sld [smem:$0x3FA9]  }
0x2b: {  	s6 =	sld [smem:$0x3FAA]  }
0x2c: {  	s7 =	sld [smem:$0x3FAB]  }
0x2d: {  	s3 =	simm.s32 $0x108;
	s8 =	sld [smem:$0x3FAC]  }
0x2e: {  	s3 =	simm.s32 @!p0 $0x1082;
	s9 =	sld [smem:$0x3FAD]  }
0x2f: {  	lr =	sadd.s32 s0, s3;
	s0 =	sld [smem:$0x3FA4]  }
0x30: {  	s3 =	sld [smem:$0x3FA7]  }
0x31: {  	[smem:$0x3FB0] =	sst s10  }
0x32: {  	s10 =	sld [smem:$0x3FAE];
	_ =	sdelay $0x3  }
0x33: {  	p0 =	seq.s32 s10, $0x1;
	s10 =	sld [smem:$0x3FB0];
	_ =	sdelay $0x3  }
0x34: {  	[smem:$0x3FB0] =	sst s10  }
0x35: {  	s10 =	sld [smem:$0x3FAF];
	_ =	sdelay $0x3  }
0x36: {  	p1 =	seq.s32 s10, $0x1;
	s10 =	sld [smem:$0x3FB0];
	_ =	sdelay $0x3  }
0x37: {  	[smem:$0x3FB0] =	sst s10  }
0x38: {  	s10 =	sld [smem:$0x3FB1]  }
0x39: {  	_ = 	snop;
	(pc) =	sbr.ind lr, $3  }
0x3a: {  	_ = 	snop  }
0x3b: {  	_ = 	snop  }
0x3c: {  	p2 =	seq.s32 s10, $0x1;
	s10 =	sld [smem:$0x3FB0]  }
0x3d: {  	_ =	shalt  }
0x3e: {  	_ =	shalt  }
0x3f: {  	_ =	shalt  }
0x40: {  	_ =	shalt  }
0x41: {  	_ =	shalt  }
0x42: {  	_ =	shalt  }
0x43: {  	_ =	shalt  }
0x44: {  	_ =	shalt  }
0x45: {  	_ =	shalt  }
0x46: {  	_ =	shalt  }
0x47: {  	_ =	shalt  }
0x48: {  	_ =	shalt  }
0x49: {  	_ =	shalt  }
0x4a: {  	_ =	shalt  }
0x4b: {  	_ =	shalt  }
0x4c: {  	_ =	shalt  }
0x4d: {  	_ =	shalt  }
0x4e: {  	_ =	shalt  }
0x4f: {  	_ =	shalt  }
0x50: {  	_ =	shalt  }
0x51: {  	_ =	shalt  }
0x52: {  	_ =	shalt  }
0x53: {  	_ =	shalt  }
0x54: {  	_ =	shalt  }
0x55: {  	_ =	shalt  }
0x56: {  	_ =	shalt  }
0x57: {  	_ =	shalt  }
0x58: {  	_ =	shalt  }
0x59: {  	_ =	shalt  }
0x5a: {  	_ =	shalt  }
0x5b: {  	_ =	shalt  }
0x5c: {  	_ =	shalt  }
0x5d: {  	_ =	shalt  }
0x5e: {  	_ =	shalt  }
0x5f: {  	_ =	shalt  }
0x60: {  	_ =	shalt  }
0x61: {  	_ =	shalt  }
0x62: {  	_ =	shalt  }
0x63: {  	_ =	shalt  }
0x64: {  	_ =	shalt  }
0x65: {  	_ =	shalt  }
0x66: {  	_ =	shalt  }
0x67: {  	_ =	shalt  }
0x68: {  	_ =	shalt  }
0x69: {  	_ =	shalt  }
0x6a: {  	_ =	shalt  }
0x6b: {  	_ =	shalt  }
0x6c: {  	_ =	shalt  }
0x6d: {  	_ =	shalt  }
0x6e: {  	_ =	shalt  }
0x6f: {  	_ =	shalt  }
0x70: {  	_ =	shalt  }
0x71: {  	_ =	shalt  }
0x72: {  	_ =	shalt  }
0x73: {  	_ =	shalt  }
0x74: {  	_ =	shalt  }
0x75: {  	_ =	shalt  }
0x76: {  	_ =	shalt  }
0x77: {  	_ =	shalt  }
0x78: {  	_ =	shalt  }
0x79: {  	_ =	shalt  }
0x7a: {  	_ =	shalt  }
0x7b: {  	_ =	shalt  }
0x7c: {  	_ =	shalt  }
0x7d: {  	_ =	shalt  }
0x7e: {  	_ =	shalt  }
0x7f: {  	_ =	shalt  }
0x80: {  	_ =	shalt  }
0x81: {  	_ =	shalt  }
0x82: {  	_ =	shalt  }
0x83: {  	_ =	shalt  }
0x84: {  	_ =	shalt  }
0x85: {  	_ =	shalt  }
0x86: {  	_ =	shalt  }
0x87: {  	_ =	shalt  }
.Lfunc_end0:
.L_simem_size_0:
called_computation_lowered:
.L_overlay_start_0:
0x88: {  	s2 =	sld [smem:$0x3FD9]  }
0x89: {  	s3 =	sld [smem:$0x3FFE];
	_ =	sdelay $0x1  }
0x8a: {  	s1 =	srdreg.scid  }
0x8b: {  	s0 =	sand.u32 $0x1, s1  }
0x8c: {  	s16 =	sshll.u32 s0, $0xA;
	s2 =	sadd.s32 s3, s2  }
0x8d: {  	s2 =	sadd.s32 s2, s16  }
0x8e: {  	[smem:$0x3FBC] =	sst s2  }
0x8f: {  	_ = 	snop  }
0x90: {  	(tm) =	ssettm $0x1  }
0x91: {  	s17 =	sld [smem:$0x3FFB];
	_ =	sdelay $0x3  }
0x92: {  	_ =	strace s17  }
0x93: {  	s2 =	sld [smem:$0x3FFC];
	_ =	sdelay $0x3  }
0x94: {  	_ =	strace s2  }
0x95: {  	s2 =	sld [smem:$0x3FFD];
	_ =	sdelay $0x3  }
0x96: {  	_ =	strace s2  }
0x97: {  	_ =	strace $0x8FFFFFFF  }
0x98: {  	s18 =	sld [smem:$0x3FDB];
	_ =	sdelay $0x1  }
0x99: {  	s19 =	simm.s32 $_scs_section_size  }
0x9a: {  	s4 =	simm.s32 $_size__tile_overlayer_lowered;
	s5 =	simm.s32 $_tile_overlayer_lowered  }
0x9b: {  	s22 =	simm.s32 $0x1BFF;
	s21 =	sshll.u32 s5, $0x1;
	s2 =	sadd.s32 s19, s18  }
0x9c: {  	s6 =	simm.s32 $0x0;
	s20 =	sshll.u32 s4, $0x1;
	s4 =	sadd.s32 s21, s2  }
0x9d: {  	[timem:s6], [sflag:s22] =	dma.local [hbm:s4], s20  }
0x9e: {  	_ =	swait.ge [sflag:s22], s20  }
0x9f: {  	s3 =	ssub.s32 $0x0, s20;
	[sflag:s22] =	ssyncset.done $0x0  }
0xa0: {  	[sflag:s22] =	ssyncadd.s32 s3;
	_ =	sdelay $0x1  }
0xa1: {  	s23 =	simm.s32 $0x1B8B  }
0xa2: {  	_ =	swait.ge [sflag:s23], $0x1  }
0xa3: {  	[sflag:s23] =	ssyncset.done $0x0  }
0xa4: {  	s25 =	simm.s32 $0x1B8E;
	s24 =	sld [smem:$0x3FFE];
	[sflag:s23] =	ssyncadd.s32 $0xFFFFFFFF  }
0xa5: {  	s26 =	simm.s32 $execute0_lowered;
	[smem:$0x3FD2] =	sst s25  }
0xa6: {  	s4 =	sshll.u32 s26, $0x1;
	_ =	strace $0x80000046;
	[dreg:$0x1] =	wrdreg $0xFFFFFFFF  }
0xa7: {  	s28 =	simm.s32 $_size_execute0_lowered;
	s2 =	sadd.s32 s2, s4;
	[dreg:$0x0] =	wrdreg $0x0  }
0xa8: {  	s4 =	sshll.u32 s28, $0x1;
	[dreg:$0x2] =	wrdreg s2  }
0xa9: {  	[dreg:$0x3] =	wrdreg s4  }
0xaa: {  	[dreg:$0x4] =	wrdreg $0xC0  }
0xab: {  	_ =	task [dreg:s6], $0x5FFFF  }
0xac: {  	[dreg:$0x1] =	wrdreg $0xFFFFFFFF  }
0xad: {  	[dreg:$0x0] =	wrdreg $0x60  }
0xae: {  	[dreg:$0x2] =	wrdreg s24  }
0xaf: {  	[dreg:$0x3] =	wrdreg $0x0  }
0xb0: {  	[dreg:$0x4] =	wrdreg $0x9  }
0xb1: {  	_ =	task.clear_ibuf [dreg:s6], $0x5FFFF;
	_ =	strace $0x90000046  }
0xb2: {  	s29 =	simm.s32 $0x9;
	_ =	strace $0x80000048  }
0xb3: {  	_ =	swait.ge [sflag:s29], $0x1  }
0xb4: {  	[sflag:s29] =	ssyncadd.s32 $0xFFFFFFFF  }
0xb5: {  	_ =	strace $0x90000048  }
0xb6: {  	_ =	sfence  }
0xb7: {  	s30 =	sld [smem:$0x0];
	_ =	sdelay $0x2  }
0xb8: {  	s31 =	sshll.u32 s1, $0xD;
	s1 =	sshrl.u32 s1, $0x2  }
0xb9: {  	s3 =	sand.u32 $0x4000, s31;
	s1 =	sadd.s32 s1, s30  }
0xba: {  	s0 =	sor.u32 s3, s0;
	s1 =	sshll.u32 s1, $0x11  }
0xbb: {  	s0 =	sor.u32 s1, s0  }
0xbc: {  	s0 =	sadd.s32 $0x8F2B, s0  }
0xbd: {  	[sflag:s0] =	ssyncadd.remote.s32 $0x1  }
0xbe: {  	_ =	sfence.sel $0xFFFF  }
0xbf: {  	[dreg:$0x0] =	wrdreg $0xFFFFFFFF;
	(pc) =	sbr.abs _section_cstart, $3  }
0xc0: {  	[dreg:$0x1] =	wrdreg $0xFFFFFFFF  }
0xc1: {  	_ =	task.clear_ibuf [dreg:s6], $0x2FFFF;
	_ =	strace $0x9FFFFFFF  }
0xc2: {  	(tm) =	ssettm $0x7FFFFFFF  }
0xc3: {  	_ =	shalt  }
tec
execute0_lowered:
.L_overlay_start_1:
0x0: {  	(tag) =	ssettag $0x1  }
0x1: {  	s0 =	rddreg [dreg:$0x0]  }
0x2: {  	s1 =	rddreg [dreg:$0x1]  }
0x3: {  	s13 =	simm.s32 $0x0;
	s2 =	srdreg.scid;
	s11 =	stileid.u32  }
0x4: {  	[smem:$0x7FF] =	sst s13;
	s6 =	smul.u32 $0x188, s11  }
0x5: {  	s4 =	sadd.s32 $0xDEA00, s0;
	s5 =	sadd.s32 $0xC6200, s0;
	s9 =	smul.u32 $0x1880, s11  }
0x6: {  	s2 =	sand.u32 $0x1, s2;
	s7 =	sadd.s32 $0xF7200, s0;
	s10 =	smul.u32 $0x31000, s11  }
0x7: {  	s8 =	sadd.s32 $0x2200, s0;
	s11 =	smul.u32 $0x32000, s11;
	s3 =	ssub.s32 $0x2, s2  }
0x8: {  	_ =	strace $0x80000047;
	s2 =	sshll.u32 s2, $0x2;
	s26 =	sshrl.u32 s3, $0x1  }
0x9: {  	[dreg:$0x4] =	wrdreg s2;
	s12 =	sadd.s32 s4, s9;
	s14 =	sadd.s32 s5, s9  }
0xa: {  	s15 =	sshrl.u32 s10, $0x2;
	s2 =	sshrl.u32 s11, $0x2;
	[dreg:$0x5] =	wrdreg s12  }
0xb: {  	s17 =	sadd.s32 $0x38, s6;
	s18 =	sadd.s32 $0x70, s6;
	[dreg:$0x6] =	wrdreg s14  }
0xc: {  	s19 =	sadd.s32 $0xA8, s6;
	s20 =	sadd.s32 $0xE0, s6;
	[dreg:$0x8] =	wrdreg s17  }
0xd: {  	s21 =	sadd.s32 $0x118, s6;
	s0 =	ssub.s32 s3, s26;
	[dreg:$0x9] =	wrdreg s18  }
0xe: {  	s16 =	sadd.s32 s15, s1;
	s14 =	sadd.s32 s2, s1;
	[dreg:$0xa] =	wrdreg s19  }
0xf: {  	s2 =	sshll.u32 s17, $0x7;
	s3 =	sshll.u32 s18, $0x7;
	[dreg:$0xb] =	wrdreg s20  }
0x10: {  	s9 =	sshll.u32 s19, $0x7;
	s10 =	sshll.u32 s20, $0x7;
	[dreg:$0xc] =	wrdreg s21  }
0x11: {  	s11 =	sshll.u32 s21, $0x7;
	s12 =	sadd.s32 $0x150, s6;
	s0 =	smax.u32 s0, $0x1  }
0x12: {  	s2 =	sadd.s32 s2, s1;
	s3 =	sadd.s32 s3, s1;
	s9 =	sadd.s32 s9, s1  }
0x13: {  	s10 =	sadd.s32 s10, s1;
	s11 =	sadd.s32 s11, s1;
	[dreg:$0xd] =	wrdreg s12  }
0x14: {  	s12 =	sshll.u32 s12, $0x7;
	s28 =	sadd.s32 $0x2800, s14;
	s29 =	sadd.s32 $0x5000, s14  }
0x15: {  	s30 =	sadd.s32 $0x7800, s14;
	s31 =	sadd.s32 $0xA000, s14;
	[dreg:$0x7] =	wrdreg s0  }
0x16: {  	s12 =	sadd.s32 s12, s1;
	s0 =	sshrl.u32 s16, $0x3;
	s22 =	sshrl.u32 s2, $0x3  }
0x17: {  	s23 =	sshrl.u32 s3, $0x3;
	s24 =	sshrl.u32 s9, $0x3;
	[dreg:$0xe] =	wrdreg s0  }
0x18: {  	s25 =	sshrl.u32 s10, $0x3;
	s26 =	sshrl.u32 s11, $0x3;
	[dreg:$0xf] =	wrdreg s22  }
.Ltmp0:
0x19: {  	s2 =	simm.s32 $0x80;
	[dreg:$0x10] =	wrdreg s23;
	(pc) =	sbr.rel .LBB2_1-.Ltmp0, $4  }
0x1a: {  	v0 =	vimm.f32 $0.0e+00;
	v1 =	vlaneseq.u32;
	s3 =	simm.s32 $0x10800;
	s9 =	simm.s32 $0x3;
	[dreg:$0x11] =	wrdreg s24  }
0x1b: {  	v2 =	vimm.s32 $0x1880;
	v3 =	vimm.s32 $0x0;
	v4 =	vor.u32 $0x30, v1;
	s10 =	simm.s32 $0x1;
	s11 =	simm.s32 $0x40;
	[dreg:$0x12] =	wrdreg s25  }
0x1c: {  	v5 =	vor.u32 $0x20, v1;
	v6 =	vor.u32 $0x10, v1;
	v7 =	vor.u32 $0x40, v1;
	[dreg:$0x13] =	wrdreg s26;
	s26 =	sshrl.u32 s12, $0x3;
	s25 =	smov.u32 s14  }
0x1d: {  	v8 =	vor.u32 $0x50, v1;
	v9 =	vor.u32 $0x60, v1;
	v10 =	vor.u32 $0x70, v1;
	s0 =	simm.s32 $0xC800;
	s12 =	simm.s32 $0x4;
	s14 =	simm.s32 $0x2  }
.LBB2_14:
0x1e: {  	s13 =	rddreg [dreg:$0x3]  }
0x1f: {  	s15 =	rddreg [dreg:$0x7];
	s13 =	sadd.s32 $0x1, s13  }
0x20: {  	p0 =	sne.s32 s13, s15  }
.Ltmp1:
0x21: {  	_ = 	snop;
	(pc) =	sbr.rel @!p0 .LBB2_15-.Ltmp1, $1  }
0x22: {  	_ =	sdelay $0x3  }
.LBB2_1:
.Ltmp2:
0x23: {  	(pc) =	sbr.rel .LBB2_2-.Ltmp2, $2  }
0x24: {  	_ =	sdelay $0x2  }
0x25: {  	[dreg:$0x3] =	wrdreg s13;
	s13 =	simm.s32 $0x0  }
.LBB2_12:
0x26: {  	v14 =	vld [tilespmem:$0x1B810]  }
0x27: {  	v15 =	vld [tilespmem:$0x1B990]  }
0x28: {  	v16 =	vld [tilespmem:$0x1B820]  }
0x29: {  	v17 =	vld [tilespmem:$0x1B9A0]  }
0x2a: {  	[tilespmem:$0x1BB80] =	vst v13;
	v50 =	vld [tilespmem:$0x1B830]  }
0x2b: {  	[tilespmem:$0x1BC80] =	vst v12;
	v52 =	vld [tilespmem:$0x1B9B0];
	v51 =	vnsel vm2, $0x0, v14  }
0x2c: {  	v53 =	vld [tilespmem:$0x1B840];
	v15 =	vnsel vm2, $0x1880, v15;
	[tilespmem:$0x1BB90] =	vst v51  }
0x2d: {  	v55 =	vld [tilespmem:$0x1B9C0];
	v54 =	vnsel vm1, $0x0, v16;
	[tilespmem:$0x1BC90] =	vst v15  }
0x2e: {  	v57 =	vld [tilespmem:$0x1B9D0];
	v17 =	vnsel vm1, $0x1880, v17;
	[tilespmem:$0x1BBA0] =	vst v54  }
0x2f: {  	v59 =	vld [tilespmem:$0x1B9E0];
	v13 =	vnsel vm0, $0x0, v50;
	[tilespmem:$0x1BCA0] =	vst v17  }
0x30: {  	vm12 =	vgt.s32 v11, v7;
	v61 =	vld [tilespmem:$0x1B9F0];
	v14 =	vnsel vm0, $0x1880, v52;
	[tilespmem:$0x1BBB0] =	vst v13  }
0x31: {  	v56 =	vld [tilespmem:$0x1B850];
	v12 =	vnsel vm12, $0x0, v53;
	[tilespmem:$0x1BCB0] =	vst v14  }
0x32: {  	v58 =	vld [tilespmem:$0x1B860];
	vm13 =	vgt.s32 v11, v8;
	v16 =	vnsel vm12, $0x1880, v55;
	[tilespmem:$0x1BBC0] =	vst v12  }
0x33: {  	v60 =	vld [tilespmem:$0x1B870];
	vm14 =	vgt.s32 v11, v9;
	v62 =	vnsel vm13, $0x1880, v57;
	[tilespmem:$0x1BCC0] =	vst v16  }
0x34: {  	vm15 =	vgt.s32 v11, v10;
	v11 =	vnsel vm14, $0x1880, v59;
	[tilespmem:$0x1BCD0] =	vst v62  }
0x35: {  	v63 =	vnsel vm15, $0x1880, v61;
	[tilespmem:$0x1BCE0] =	vst v11  }
0x36: {  	v15 =	vnsel vm13, $0x0, v56;
	[tilespmem:$0x1BCF0] =	vst v63  }
0x37: {  	v13 =	vnsel vm14, $0x0, v58;
	[tilespmem:$0x1BBD0] =	vst v15  }
0x38: {  	v11 =	vnsel vm15, $0x0, v60;
	[tilespmem:$0x1BBE0] =	vst v13  }
0x39: {  	s16 =	simm.s32 $0x1BB80;
	[tilespmem:$0x1BBF0] =	vst v11  }
0x3a: {  	[tilespmem:s3], [sflag:$0x2] =	stream.indirect.gather [hbm4b:s7+s11], $0x80, s16, s11, $0xb8;
	[tilespmem:$0x1BD00] =	vst v63  }
0x3b: {  	s23 =	simm.s32 $0x1BBC0;
	s17 =	simm.s32 $0x12800  }
0x3c: {  	[tilespmem:s17], [sflag:$0x2] =	stream.indirect.gather [hbm4b:s7+s11], $0x80, s23, s11, $0xb8;
	[tilespmem:$0x1BD00] =	vst v63  }
0x3d: {  	_ =	swait.ge [sflag:s14], $0x2000  }
0x3e: {  	[sflag:s14] =	ssyncset.done $0x0  }
0x3f: {  	[sflag:s14] =	ssyncadd.s32 $0xFFFFE000  }
0x40: {  	_ =	swait.ge [sflag:s14], $0x2000  }
0x41: {  	[sflag:s14] =	ssyncset.done $0x0  }
0x42: {  	s24 =	simm.s32 $0x1BC80;
	[sflag:s14] =	ssyncadd.s32 $0xFFFFE000  }
0x43: {  	[spmem:s1] =	stream.indirect.scatter.add.f32 [tilespmem:s3], [sflag:$0x1], $0x80, s24, s2, $0xb8;
	[tilespmem:$0x1BD00] =	vst v63  }
.LBB2_13:
0x44: {  	_ =	swait.ge [sflag:s10], $0x4000  }
0x45: {  	[sflag:s10] =	ssyncset.done $0x0  }
0x46: {  	[sflag:s10] =	ssyncadd.s32 $0xFFFFC000  }
0x47: {  	_ =	swait.ge [sflag:s10], $0x4000  }
0x48: {  	[sflag:s10] =	ssyncset.done $0x0  }
0x49: {  	s16 =	sadd.s32 s15, s6;
	s17 =	stileid.u32;
	[sflag:s10] =	ssyncadd.s32 $0xFFFFC000  }
0x4a: {  	s16 =	sshll.u32 s16, $0x4;
	s17 =	sshll.u32 s17, $0x6;
	[bflag:$0x0] =	sbarrier.arrive $0xFFFF  }
0x4b: {  	s16 =	sadd.s32 s8, s16;
	s17 =	sor.u32 $0x1C04, s17;
	s18 =	rddreg [dreg:$0xe]  }
0x4c: {  	[hbm:s16], [sflag:s17] =	dma.local [spmem:s18], $0x380  }
0x4d: {  	_ =	swait.ge [sflag:s12], $0x380  }
0x4e: {  	s19 =	rddreg [dreg:$0x8]  }
0x4f: {  	s16 =	sadd.s32 s15, s19  }
0x50: {  	[sflag:s12] =	ssyncset.done $0x0;
	s16 =	sshll.u32 s16, $0x4  }
0x51: {  	s20 =	rddreg [dreg:$0xf];
	[sflag:s12] =	ssyncadd.s32 $0xFFFFFC80;
	s16 =	sadd.s32 s8, s16  }
0x52: {  	[hbm:s16], [sflag:s17] =	dma.local [spmem:s20], $0x380  }
0x53: {  	_ =	swait.ge [sflag:s12], $0x380  }
0x54: {  	s21 =	rddreg [dreg:$0x9]  }
0x55: {  	s16 =	sadd.s32 s15, s21  }
0x56: {  	[sflag:s12] =	ssyncset.done $0x0;
	s16 =	sshll.u32 s16, $0x4  }
0x57: {  	s22 =	rddreg [dreg:$0x10];
	[sflag:s12] =	ssyncadd.s32 $0xFFFFFC80;
	s16 =	sadd.s32 s8, s16  }
0x58: {  	[hbm:s16], [sflag:s17] =	dma.local [spmem:s22], $0x380  }
0x59: {  	_ =	swait.ge [sflag:s12], $0x380  }
0x5a: {  	s23 =	rddreg [dreg:$0xa]  }
0x5b: {  	s16 =	sadd.s32 s15, s23  }
0x5c: {  	[sflag:s12] =	ssyncset.done $0x0;
	s16 =	sshll.u32 s16, $0x4  }
0x5d: {  	s24 =	rddreg [dreg:$0x11];
	[sflag:s12] =	ssyncadd.s32 $0xFFFFFC80;
	s16 =	sadd.s32 s8, s16  }
0x5e: {  	[hbm:s16], [sflag:s17] =	dma.local [spmem:s24], $0x380  }
0x5f: {  	_ =	swait.ge [sflag:s12], $0x380  }
0x60: {  	s19 =	rddreg [dreg:$0xb]  }
0x61: {  	s16 =	sadd.s32 s15, s19  }
0x62: {  	[sflag:s12] =	ssyncset.done $0x0;
	s16 =	sshll.u32 s16, $0x4  }
0x63: {  	s20 =	rddreg [dreg:$0x12];
	[sflag:s12] =	ssyncadd.s32 $0xFFFFFC80;
	s16 =	sadd.s32 s8, s16  }
0x64: {  	[hbm:s16], [sflag:s17] =	dma.local [spmem:s20], $0x380  }
0x65: {  	_ =	swait.ge [sflag:s12], $0x380  }
0x66: {  	s21 =	rddreg [dreg:$0xc]  }
0x67: {  	s16 =	sadd.s32 s15, s21  }
0x68: {  	[sflag:s12] =	ssyncset.done $0x0;
	s16 =	sshll.u32 s16, $0x4  }
0x69: {  	s22 =	rddreg [dreg:$0x13];
	[sflag:s12] =	ssyncadd.s32 $0xFFFFFC80;
	s16 =	sadd.s32 s8, s16  }
0x6a: {  	[hbm:s16], [sflag:s17] =	dma.local [spmem:s22], $0x380  }
0x6b: {  	_ =	swait.ge [sflag:s12], $0x380  }
0x6c: {  	s23 =	rddreg [dreg:$0xd]  }
0x6d: {  	s24 =	sadd.s32 s15, s23  }
0x6e: {  	s13 =	sadd.s32 $0x1, s13;
	[sflag:s12] =	ssyncset.done $0x0;
	s15 =	sshll.u32 s24, $0x4  }
0x6f: {  	p0 =	sne.s32 s13, $0x4;
	[sflag:s12] =	ssyncadd.s32 $0xFFFFFC80;
	s15 =	sadd.s32 s8, s15  }
0x70: {  	[hbm:s15], [sflag:s17] =	dma.local [spmem:s26], $0x380  }
.Ltmp3:
0x71: {  	_ =	swait.ge [sflag:s12], $0x380;
	(pc) =	sbr.rel @!p0 .LBB2_14-.Ltmp3, $3  }
0x72: {  	[sflag:s12] =	ssyncset.done $0x0  }
0x73: {  	[sflag:s12] =	ssyncadd.s32 $0xFFFFFC80  }
0x74: {  	[bflag:$0x0] =	sbarrier.arrive $0xFFFF;
	_ =	sdelay $0x1  }
.LBB2_2:
0x75: {  	s15 =	simm.s32 $0x0;
	s16 =	simm.s32 $0x200  }
.LBB2_3:
0x76: {  	p0 =	sne.s32 s16, $0xFE00;
	[tilespmem:s15+$0xC870] =	vst v0  }
0x77: {  	[tilespmem:s15+$0xC800] =	vst v0  }
0x78: {  	[tilespmem:s15+$0xC810] =	vst v0  }
.Ltmp4:
0x79: {  	[tilespmem:s15+$0xC820] =	vst v0;
	(pc) =	sbr.rel @p0 .LBB2_3-.Ltmp4, $4  }
0x7a: {  	[tilespmem:s15+$0xC830] =	vst v0  }
0x7b: {  	[tilespmem:s15+$0xC840] =	vst v0  }
0x7c: {  	[tilespmem:s15+$0xC850] =	vst v0  }
0x7d: {  	[tilespmem:s15+$0xC860] =	vst v0;
	s15 =	sshra.s32 s16, $0x2;
	s16 =	sadd.s32 $0x200, s16  }
0x7e: {  	[tilespmem:s15+$0xC870] =	vst v0  }
0x7f: {  	[tilespmem:s15+$0xC800] =	vst v0  }
0x80: {  	[tilespmem:s15+$0xC810] =	vst v0  }
0x81: {  	[tilespmem:s15+$0xC820] =	vst v0  }
0x82: {  	[tilespmem:s15+$0xC830] =	vst v0  }
0x83: {  	[tilespmem:s15+$0xC840] =	vst v0  }
0x84: {  	[tilespmem:s15+$0xC850] =	vst v0  }
0x85: {  	[tilespmem:s15+$0xC860] =	vst v0  }
0x86: {  	[spmem:s25] =	stream.linear.scatter [tilespmem:s0], [sflag:$0x4], $0x2800, $0x38;
	[tilespmem:$0x1BD00] =	vst v63  }
0x87: {  	_ =	swait.ge [sflag:s12], $0x2800  }
0x88: {  	[sflag:s12] =	ssyncset.done $0x0  }
0x89: {  	[sflag:s12] =	ssyncadd.s32 $0xFFFFD800  }
0x8a: {  	[spmem:s28] =	stream.linear.scatter [tilespmem:s0], [sflag:$0x4], $0x2800, $0x38;
	[tilespmem:$0x1BD00] =	vst v63  }
0x8b: {  	_ =	swait.ge [sflag:s12], $0x2800  }
0x8c: {  	[sflag:s12] =	ssyncset.done $0x0  }
0x8d: {  	[sflag:s12] =	ssyncadd.s32 $0xFFFFD800  }
0x8e: {  	[spmem:s29] =	stream.linear.scatter [tilespmem:s0], [sflag:$0x4], $0x2800, $0x38;
	[tilespmem:$0x1BD00] =	vst v63  }
0x8f: {  	_ =	swait.ge [sflag:s12], $0x2800  }
0x90: {  	[sflag:s12] =	ssyncset.done $0x0  }
0x91: {  	[sflag:s12] =	ssyncadd.s32 $0xFFFFD800  }
0x92: {  	[spmem:s30] =	stream.linear.scatter [tilespmem:s0], [sflag:$0x4], $0x2800, $0x38;
	[tilespmem:$0x1BD00] =	vst v63  }
0x93: {  	_ =	swait.ge [sflag:s12], $0x2800  }
0x94: {  	[sflag:s12] =	ssyncset.done $0x0  }
0x95: {  	[sflag:s12] =	ssyncadd.s32 $0xFFFFD800  }
0x96: {  	[spmem:s31] =	stream.linear.scatter [tilespmem:s0], [sflag:$0x4], $0x2800, $0x38;
	[tilespmem:$0x1BD00] =	vst v63  }
0x97: {  	_ =	swait.ge [sflag:s12], $0x2800  }
0x98: {  	[sflag:s12] =	ssyncset.done $0x0  }
0x99: {  	[sflag:s12] =	ssyncadd.s32 $0xFFFFD800  }
0x9a: {  	[bflag:$0x0] =	sbarrier.arrive $0xFFFF  }
0x9b: {  	[tilespmem:$0x1BC00] =	vst v2  }
0x9c: {  	[tilespmem:$0x1BC80] =	vst v2  }
0x9d: {  	[tilespmem:$0x1BC10] =	vst v2  }
0x9e: {  	[tilespmem:$0x1BC90] =	vst v2  }
0x9f: {  	[tilespmem:$0x1BC20] =	vst v2  }
0xa0: {  	[tilespmem:$0x1BCA0] =	vst v2  }
0xa1: {  	[tilespmem:$0x1BC30] =	vst v2  }
0xa2: {  	[tilespmem:$0x1BCB0] =	vst v2  }
0xa3: {  	[tilespmem:$0x1BC40] =	vst v2  }
0xa4: {  	[tilespmem:$0x1BCC0] =	vst v2  }
0xa5: {  	[tilespmem:$0x1BC50] =	vst v2  }
0xa6: {  	[tilespmem:$0x1BCD0] =	vst v2  }
0xa7: {  	[tilespmem:$0x1BC60] =	vst v2  }
0xa8: {  	[tilespmem:$0x1BCE0] =	vst v2  }
0xa9: {  	[tilespmem:$0x1BC70] =	vst v2  }
0xaa: {  	s20 =	simm.s32 $0x1BC00;
	[tilespmem:$0x1BCF0] =	vst v2  }
0xab: {  	[spmem:s1] =	stream.indirect.scatter.add.f32 [tilespmem:s0], [sflag:$0x1], $0x80, s20, s2, $0xb8;
	[tilespmem:$0x1BD00] =	vst v63  }
0xac: {  	s21 =	simm.s32 $0x1BC80;
	s17 =	simm.s32 $0x0;
	s22 =	rddreg [dreg:$0x4]  }
0xad: {  	[spmem:s1] =	stream.indirect.scatter.add.f32 [tilespmem:s3], [sflag:$0x1], $0x80, s21, s2, $0xb8;
	[tilespmem:$0x1BD00] =	vst v63  }
.Ltmp5:
0xae: {  	s18 =	simm.s32 $0x14800;
	s15 =	sadd.s32 s22, s13;
	(pc) =	sbr.rel .LBB2_6-.Ltmp5, $4  }
0xaf: {  	s24 =	simm.s32 $0x18000;
	s16 =	rddreg [dreg:$0x5];
	s15 =	smul.u32 $0x1880, s15  }
0xb0: {  	[tilespmem:s18], [sflag:$0x3] =	stream.linear.gather [hbm4b:s16+s17], $0x1C00, $0x38;
	[tilespmem:$0x1BD00] =	vst v63  }
0xb1: {  	s19 =	simm.s32 $0x0;
	s23 =	rddreg [dreg:$0x6];
	s16 =	simm.s32 $0x0  }
0xb2: {  	v11 =	vmov s15;
	[tilespmem:s24], [sflag:$0x3] =	stream.linear.gather [hbm4b:s23+s17], $0x1C00, $0x38;
	[tilespmem:$0x1BD00] =	vst v63  }
.LBB2_5:
0xb3: {  	p0 =	seq.s32 s17, $0x7  }
.Ltmp6:
0xb4: {  	_ = 	snop;
	(pc) =	sbr.rel @p0 .LBB2_10-.Ltmp6, $1  }
0xb5: {  	_ =	sdelay $0x3  }
.LBB2_6:
0xb6: {  	s18 =	smov.u32 s17;
	_ =	swait.ge [sflag:s9], $0x1C00  }
0xb7: {  	s17 =	sadd.s32 $0x1, s17;
	p0 =	seq.s32 s18, $0x6;
	[sflag:s9] =	ssyncset.done $0x0  }
0xb8: {  	s18 =	sand.u32 $0x1, s18;
	s20 =	sand.u32 @!p0 $0x1, s17;
	[sflag:s9] =	ssyncadd.s32 $0xFFFFE400  }
0xb9: {  	s21 =	smul.u32 @!p0 $0x38, s17;
	s24 =	simm.s32 @!p0 $0x0;
	p1 =	seq.s32 @!p0 s20, $0x1  }
0xba: {  	s20 =	simm.s32 @!p0 $0x1C00;
	_ =	swait.ge [sflag:s9], $0x1C00;
	p1 =	por !p1, p0  }
0xbb: {  	s20 =	simm.s32 @p1 $0x0;
	p1 =	seq.s32 s18, $0x1;
	s18 =	sadd.s32 @!p0 s6, s21  }
0xbc: {  	[sflag:s9] =	ssyncset.done $0x0;
	s21 =	simm.s32 $0x38;
	s18 =	sshll.u32 @!p0 s18, $0x4  }
0xbd: {  	[sflag:s9] =	ssyncadd.s32 $0xFFFFE400;
	s22 =	sadd.s32 @!p0 $0x14800, s20;
	s23 =	sadd.s32 @!p0 s4, s18  }
0xbe: {  	[tilespmem:s22], [sflag:$0x3] =	stream.linear.gather @!p0 [hbm4b:s23+s24], $0x1C00, $0x38;
	[tilespmem:$0x1BD00] =	vst v63  }
.Ltmp7:
0xbf: {  	s21 =	simm.s32 @!p1 $0x0;
	(pc) =	sbr.rel .LBB2_7-.Ltmp7, $4  }
0xc0: {  	s20 =	sor.u32 @!p0 $0x18000, s20;
	s18 =	sadd.s32 @!p0 s5, s18;
	s23 =	sshll.u32 s21, $0x7  }
0xc1: {  	[tilespmem:s20], [sflag:$0x3] =	stream.linear.gather @!p0 [hbm4b:s18+s24], $0x1C00, $0x38;
	[tilespmem:$0x1BD00] =	vst v63  }
0xc2: {  	s24 =	sadd.s32 $0x14840, s23;
	s18 =	sor.u32 $0x18070, s23  }
0xc3: {  	v12 =	vmov s24;
	v13 =	vmov s18;
	s18 =	simm.s32 $0x0  }
.LBB2_9:
0xc4: {  	s18 =	sadd.s32 $0x200, s18  }
0xc5: {  	p0 =	seq.s32 s18, $0x7000  }
.Ltmp8:
0xc6: {  	_ = 	snop;
	(pc) =	sbr.rel @p0 .LBB2_5-.Ltmp8, $1  }
0xc7: {  	_ =	sdelay $0x3  }
.LBB2_7:
0xc8: {  	_ =	sdelay $0x2  }
0xc9: {  	s20 =	sshra.s32 s18, $0x2  }
0xca: {  	v14 =	vld.idx.msk [tilespmem:v13+s20+$0xFFFFFF90 ss:$0x1], $0xffff;
	_ =	sdelay $0x1  }
0xcb: {  	v15 =	vld.idx.msk [tilespmem:v12+s20+$0xFFFFFFC0 ss:$0x1], $0xffff;
	_ =	sdelay $0x2  }
0xcc: {  	v14 =	vsub.s32 v14, v11  }
0xcd: {  	vm0 =	vlt.u32 v14, $0x1880  }
0xce: {  	[tilespmem:s19+$0x1B800] =	vst.msk vm0, v15;
	v15 =	vsel vm0, $0x1, v3  }
0xcf: {  	[tilespmem:s19+$0x1B980] =	vst.msk vm0, v14;
	(xrf0) =	vadd.scan.msk.s32 $0xffff, v15  }
0xd0: {  	v14 =	vld.idx.msk [tilespmem:v13+s20+$0xFFFFFFA0 ss:$0x1], $0xffff;
	_ =	sdelay $0x4  }
0xd1: {  	v15, _, _ =	vpop (xrf0);
	v14 =	vsub.s32 v14, v11  }
0xd2: {  	(v2sf) =	vpush v15, $0xF;
	vm9 =	vlt.u32 v14, $0x1880  }
0xd3: {  	v15 =	vsel vm9, $0x1, v3  }
0xd4: {  	(xrf0) =	vadd.scan.msk.s32 $0xffff, v15;
	_ =	sdelay $0x5  }
0xd5: {  	v15, _, _ =	vpop (xrf0)  }
0xd6: {  	(v2sf) =	vpush v15, $0xF;
	_ =	sdelay $0x2  }
0xd7: {  	v15 =	vld.idx.msk [tilespmem:v12+s20+$0xFFFFFFD0 ss:$0x1], $0xffff;
	_ =	sdelay $0x2  }
0xd8: {  	s21 =	spop (v2sf)  }
0xd9: {  	s23 =	sadd.s32 s19, s21  }
0xda: {  	[tilespmem:s23+$0x1B800] =	vst.msk vm9, v15  }
0xdb: {  	[tilespmem:s23+$0x1B980] =	vst.msk vm9, v14  }
0xdc: {  	v14 =	vld.idx.msk [tilespmem:v13+s20+$0xFFFFFFB0 ss:$0x1], $0xffff;
	_ =	sdelay $0x1  }
0xdd: {  	v15 =	vld.idx.msk [tilespmem:v12+s20+$0xFFFFFFE0 ss:$0x1], $0xffff;
	_ =	sdelay $0x2  }
0xde: {  	s24 =	spop (v2sf);
	v14 =	vsub.s32 v14, v11  }
0xdf: {  	s19 =	sadd.s32 s23, s24;
	vm10 =	vlt.u32 v14, $0x1880  }
0xe0: {  	[tilespmem:s19+$0x1B800] =	vst.msk vm10, v15;
	v15 =	vsel vm10, $0x1, v3  }
0xe1: {  	[tilespmem:s19+$0x1B980] =	vst.msk vm10, v14;
	(xrf0) =	vadd.scan.msk.s32 $0xffff, v15  }
0xe2: {  	v14 =	vld.idx.msk [tilespmem:v13+s20+$0xFFFFFFC0 ss:$0x1], $0xffff;
	_ =	sdelay $0x4  }
0xe3: {  	v15, _, _ =	vpop (xrf0);
	v14 =	vsub.s32 v14, v11  }
0xe4: {  	(v2sf) =	vpush v15, $0xF;
	vm11 =	vlt.u32 v14, $0x1880  }
0xe5: {  	v15 =	vsel vm11, $0x1, v3  }
0xe6: {  	(xrf0) =	vadd.scan.msk.s32 $0xffff, v15;
	_ =	sdelay $0x5  }
0xe7: {  	v15, _, _ =	vpop (xrf0)  }
0xe8: {  	(v2sf) =	vpush v15, $0xF;
	_ =	sdelay $0x2  }
0xe9: {  	v15 =	vld.idx.msk [tilespmem:v12+s20+$0xFFFFFFF0 ss:$0x1], $0xffff;
	_ =	sdelay $0x2  }
0xea: {  	s22 =	spop (v2sf)  }
0xeb: {  	s19 =	sadd.s32 s19, s22  }
0xec: {  	[tilespmem:s19+$0x1B800] =	vst.msk vm11, v15  }
0xed: {  	[tilespmem:s19+$0x1B980] =	vst.msk vm11, v14  }
0xee: {  	v14 =	vld.idx.msk [tilespmem:v13+s20+$0xFFFFFFD0 ss:$0x1], $0xffff;
	_ =	sdelay $0x1  }
0xef: {  	v15 =	vld.idx.msk [tilespmem:v12+s20+$0x0 ss:$0x1], $0xffff;
	_ =	sdelay $0x2  }
0xf0: {  	s23 =	spop (v2sf);
	v14 =	vsub.s32 v14, v11  }
0xf1: {  	s19 =	sadd.s32 s19, s23;
	vm12 =	vlt.u32 v14, $0x1880  }
0xf2: {  	[tilespmem:s19+$0x1B800] =	vst.msk vm12, v15;
	v15 =	vsel vm12, $0x1, v3  }
0xf3: {  	[tilespmem:s19+$0x1B980] =	vst.msk vm12, v14;
	(xrf0) =	vadd.scan.msk.s32 $0xffff, v15  }
0xf4: {  	v14 =	vld.idx.msk [tilespmem:v13+s20+$0xFFFFFFE0 ss:$0x1], $0xffff;
	_ =	sdelay $0x4  }
0xf5: {  	v15, _, _ =	vpop (xrf0);
	v14 =	vsub.s32 v14, v11  }
0xf6: {  	(v2sf) =	vpush v15, $0xF;
	vm13 =	vlt.u32 v14, $0x1880  }
0xf7: {  	v15 =	vsel vm13, $0x1, v3  }
0xf8: {  	(xrf0) =	vadd.scan.msk.s32 $0xffff, v15;
	_ =	sdelay $0x5  }
0xf9: {  	v15, _, _ =	vpop (xrf0)  }
0xfa: {  	(v2sf) =	vpush v15, $0xF;
	_ =	sdelay $0x2  }
0xfb: {  	v15 =	vld.idx.msk [tilespmem:v12+s20+$0x10 ss:$0x1], $0xffff;
	_ =	sdelay $0x2  }
0xfc: {  	s24 =	spop (v2sf)  }
0xfd: {  	s19 =	sadd.s32 s19, s24  }
0xfe: {  	[tilespmem:s19+$0x1B800] =	vst.msk vm13, v15  }
0xff: {  	[tilespmem:s19+$0x1B980] =	vst.msk vm13, v14  }
0x100: {  	v14 =	vld.idx.msk [tilespmem:v13+s20+$0xFFFFFFF0 ss:$0x1], $0xffff;
	_ =	sdelay $0x1  }
0x101: {  	v15 =	vld.idx.msk [tilespmem:v12+s20+$0x20 ss:$0x1], $0xffff;
	_ =	sdelay $0x2  }
0x102: {  	s22 =	spop (v2sf);
	v14 =	vsub.s32 v14, v11  }
0x103: {  	s19 =	sadd.s32 s19, s22;
	vm14 =	vlt.u32 v14, $0x1880  }
0x104: {  	[tilespmem:s19+$0x1B800] =	vst.msk vm14, v15  }
0x105: {  	[tilespmem:s19+$0x1B980] =	vst.msk vm14, v14  }
0x106: {  	v14 =	vld.idx.msk [tilespmem:v13+s20+$0x0 ss:$0x1], $0xffff;
	_ =	sdelay $0x4  }
0x107: {  	v14 =	vsub.s32 v14, v11  }
0x108: {  	v15 =	vsel vm14, $0x1, v3;
	vm15 =	vlt.u32 v14, $0x1880  }
0x109: {  	(xrf0) =	vadd.scan.msk.s32 $0xffff, v15;
	v15 =	vsel vm15, $0x1, v3  }
0x10a: {  	(xrf0) =	vadd.scan.msk.s32 $0xffff, v15;
	_ =	sdelay $0x4  }
0x10b: {  	v15, _, _ =	vpop (xrf0)  }
0x10c: {  	(v2sf) =	vpush v15, $0xF;
	v15, _, _ =	vpop (xrf0)  }
0x10d: {  	(v2sf) =	vpush v15, $0xF;
	_ =	sdelay $0xd  }
0x10e: {  	s23 =	spop (v2sf)  }
0x10f: {  	v15 =	vld.idx.msk [tilespmem:v12+s20+$0x30 ss:$0x1], $0xffff;
	s20 =	sadd.s32 s19, s23;
	s24 =	spop (v2sf)  }
0x110: {  	s19 =	sadd.s32 s20, s24  }
0x111: {  	p0 =	slt.s32 s19, $0x80  }
.Ltmp9:
0x112: {  	_ = 	snop;
	(pc) =	sbr.rel @p0 .LBB2_9-.Ltmp9, $3  }
0x113: {  	_ =	sdelay $0x1  }
0x114: {  	[tilespmem:s20+$0x1B800] =	vst.msk vm15, v15  }
0x115: {  	[tilespmem:s20+$0x1B980] =	vst.msk vm15, v14  }
0x116: {  	_ =	swait.ge [sflag:s10], $0x4000  }
0x117: {  	s20 =	sand.u32 $0x1, s16;
	[sflag:s10] =	ssyncset.done $0x0  }
0x118: {  	p0 =	seq.s32 s20, $0x1;
	[sflag:s10] =	ssyncadd.s32 $0xFFFFC000  }
0x119: {  	v14 =	vld @p0 [tilespmem:$0x1B810]  }
0x11a: {  	v15 =	vld @p0 [tilespmem:$0x1B990]  }
0x11b: {  	v16 =	vld @p0 [tilespmem:$0x1B820]  }
0x11c: {  	v17 =	vld @p0 [tilespmem:$0x1B9A0]  }
0x11d: {  	v18 =	vld @p0 [tilespmem:$0x1B830]  }
0x11e: {  	[tilespmem:$0x1BB90] =	vst @p0 v14;
	v14 =	vld @p0 [tilespmem:$0x1B9B0]  }
0x11f: {  	[tilespmem:$0x1BC90] =	vst @p0 v15;
	v15 =	vld @p0 [tilespmem:$0x1B840]  }
0x120: {  	[tilespmem:$0x1BBA0] =	vst @p0 v16;
	v16 =	vld @p0 [tilespmem:$0x1B9C0]  }
0x121: {  	[tilespmem:$0x1BCA0] =	vst @p0 v17;
	v17 =	vld @p0 [tilespmem:$0x1B850]  }
0x122: {  	[tilespmem:$0x1BBB0] =	vst @p0 v18;
	v18 =	vld @p0 [tilespmem:$0x1B9D0]  }
0x123: {  	[tilespmem:$0x1BCB0] =	vst @p0 v14;
	v14 =	vld @p0 [tilespmem:$0x1B860]  }
0x124: {  	[tilespmem:$0x1BBC0] =	vst @p0 v15;
	v15 =	vld [tilespmem:$0x1B800]  }
0x125: {  	[tilespmem:$0x1BCC0] =	vst @p0 v16;
	v16 =	vld [tilespmem:$0x1B980]  }
0x126: {  	[tilespmem:$0x1BBD0] =	vst @p0 v17;
	v17 =	vld @p0 [tilespmem:$0x1B9E0]  }
0x127: {  	[tilespmem:$0x1BCD0] =	vst @p0 v18;
	v18 =	vld @p0 [tilespmem:$0x1B870]  }
0x128: {  	[tilespmem:$0x1BBE0] =	vst @p0 v14;
	v14 =	vld @p0 [tilespmem:$0x1B9F0]  }
0x129: {  	[tilespmem:$0x1BB80] =	vst @p0 v15  }
0x12a: {  	[tilespmem:$0x1BC80] =	vst @p0 v16  }
0x12b: {  	[tilespmem:$0x1BCE0] =	vst @p0 v17  }
0x12c: {  	[tilespmem:$0x1BBF0] =	vst @p0 v18  }
0x12d: {  	s20 =	simm.s32 @p0 $0x40;
	s21 =	simm.s32 @p0 $0x1BB80;
	s22 =	simm.s32 @p0 $0x10800;
	[tilespmem:$0x1BCF0] =	vst @p0 v14  }
0x12e: {  	[tilespmem:s22], [sflag:$0x2] =	stream.indirect.gather @p0 [hbm4b:s7+s20], $0x80, s21, s20, $0xb8;
	[tilespmem:$0x1BD00] =	vst v63  }
0x12f: {  	s23 =	simm.s32 @p0 $0x12800;
	s21 =	simm.s32 @p0 $0x1BBC0  }
0x130: {  	[tilespmem:s23], [sflag:$0x2] =	stream.indirect.gather @p0 [hbm4b:s7+s20], $0x80, s21, s20, $0xb8;
	[tilespmem:$0x1BD00] =	vst v63  }
0x131: {  	s20 =	simm.s32 @p0 $0x2  }
0x132: {  	_ =	swait.ge @p0 [sflag:s20], $0x2000  }
0x133: {  	[sflag:s20] =	ssyncset.done @p0 $0x0  }
0x134: {  	[sflag:s20] =	ssyncadd.s32 @p0 $0xFFFFE000  }
0x135: {  	_ =	swait.ge @p0 [sflag:s20], $0x2000  }
0x136: {  	[sflag:s20] =	ssyncset.done @p0 $0x0  }
0x137: {  	s21 =	simm.s32 @p0 $0x1BC80;
	[sflag:s20] =	ssyncadd.s32 @p0 $0xFFFFE000;
	s20 =	simm.s32 @p0 $0x80  }
0x138: {  	[spmem:s1] =	stream.indirect.scatter.add.f32 @p0 [tilespmem:s22], [sflag:$0x1], $0x80, s21, s20, $0xb8;
	[tilespmem:$0x1BD00] =	vst v63  }
0x139: {  	v14 =	vld @!p0 [tilespmem:$0x1B810]  }
0x13a: {  	v17 =	vld @!p0 [tilespmem:$0x1B990]  }
0x13b: {  	v18 =	vld @!p0 [tilespmem:$0x1B820]  }
0x13c: {  	[tilespmem:$0x1BB00] =	vst @!p0 v15;
	v15 =	vld @!p0 [tilespmem:$0x1B9A0]  }
0x13d: {  	[tilespmem:$0x1BC00] =	vst @!p0 v16;
	v16 =	vld @!p0 [tilespmem:$0x1B830]  }
0x13e: {  	[tilespmem:$0x1BB10] =	vst @!p0 v14;
	v14 =	vld @!p0 [tilespmem:$0x1B9B0]  }
0x13f: {  	[tilespmem:$0x1BC10] =	vst @!p0 v17;
	v17 =	vld @!p0 [tilespmem:$0x1B840]  }
0x140: {  	[tilespmem:$0x1BB20] =	vst @!p0 v18;
	v18 =	vld @!p0 [tilespmem:$0x1B9C0]  }
0x141: {  	[tilespmem:$0x1BC20] =	vst @!p0 v15;
	v15 =	vld @!p0 [tilespmem:$0x1B850]  }
0x142: {  	[tilespmem:$0x1BB30] =	vst @!p0 v16;
	v16 =	vld @!p0 [tilespmem:$0x1B9D0]  }
0x143: {  	[tilespmem:$0x1BC30] =	vst @!p0 v14;
	v14 =	vld @!p0 [tilespmem:$0x1B860]  }
0x144: {  	[tilespmem:$0x1BB40] =	vst @!p0 v17;
	v17 =	vld @!p0 [tilespmem:$0x1B9E0]  }
0x145: {  	[tilespmem:$0x1BC40] =	vst @!p0 v18;
	v18 =	vld @!p0 [tilespmem:$0x1B870]  }
0x146: {  	[tilespmem:$0x1BB50] =	vst @!p0 v15;
	v15 =	vld @!p0 [tilespmem:$0x1B9F0]  }
0x147: {  	[tilespmem:$0x1BC50] =	vst @!p0 v16  }
0x148: {  	[tilespmem:$0x1BB60] =	vst @!p0 v14  }
0x149: {  	[tilespmem:$0x1BC60] =	vst @!p0 v17  }
0x14a: {  	[tilespmem:$0x1BB70] =	vst @!p0 v18  }
0x14b: {  	s20 =	simm.s32 @!p0 $0x40;
	s21 =	simm.s32 @!p0 $0x1BB00;
	s22 =	simm.s32 @!p0 $0xC800;
	[tilespmem:$0x1BC70] =	vst @!p0 v15  }
0x14c: {  	[tilespmem:s22], [sflag:$0x2] =	stream.indirect.gather @!p0 [hbm4b:s7+s20], $0x80, s21, s20, $0xb8;
	[tilespmem:$0x1BD00] =	vst v63  }
0x14d: {  	s23 =	simm.s32 @!p0 $0xE800;
	s21 =	simm.s32 @!p0 $0x1BB40  }
0x14e: {  	[tilespmem:s23], [sflag:$0x2] =	stream.indirect.gather @!p0 [hbm4b:s7+s20], $0x80, s21, s20, $0xb8;
	[tilespmem:$0x1BD00] =	vst v63  }
0x14f: {  	s20 =	simm.s32 @!p0 $0x2  }
0x150: {  	_ =	swait.ge @!p0 [sflag:s20], $0x2000  }
0x151: {  	[sflag:s20] =	ssyncset.done @!p0 $0x0  }
0x152: {  	[sflag:s20] =	ssyncadd.s32 @!p0 $0xFFFFE000  }
0x153: {  	_ =	swait.ge @!p0 [sflag:s20], $0x2000  }
0x154: {  	[sflag:s20] =	ssyncset.done @!p0 $0x0  }
0x155: {  	s21 =	simm.s32 @!p0 $0x1BC00;
	[sflag:s20] =	ssyncadd.s32 @!p0 $0xFFFFE000;
	s20 =	simm.s32 @!p0 $0x80  }
0x156: {  	[spmem:s1] =	stream.indirect.scatter.add.f32 @!p0 [tilespmem:s22], [sflag:$0x1], $0x80, s21, s20, $0xb8;
	[tilespmem:$0x1BD00] =	vst v63  }
0x157: {  	v14 =	vld [tilespmem:$0x1B880]  }
0x158: {  	v15 =	vld [tilespmem:$0x1BA00]  }
0x159: {  	v55 =	vld [tilespmem:$0x1B890]  }
0x15a: {  	v56 =	vld [tilespmem:$0x1BA10]  }
0x15b: {  	v57 =	vld [tilespmem:$0x1B8A0]  }
0x15c: {  	[tilespmem:$0x1B800] =	vst v14;
	v14 =	vld [tilespmem:$0x1BA20]  }
0x15d: {  	v58 =	vld [tilespmem:$0x1BA30];
	[tilespmem:$0x1B980] =	vst v15  }
0x15e: {  	v59 =	vld [tilespmem:$0x1B8C0];
	[tilespmem:$0x1B810] =	vst v55  }
0x15f: {  	v60 =	vld [tilespmem:$0x1BA40];
	[tilespmem:$0x1B990] =	vst v56  }
0x160: {  	v15 =	vld [tilespmem:$0x1B8B0];
	[tilespmem:$0x1B820] =	vst v57  }
0x161: {  	[tilespmem:$0x1B9A0] =	vst v14;
	v14 =	vld [tilespmem:$0x1B8D0]  }
0x162: {  	v61 =	vld [tilespmem:$0x1B8E0];
	[tilespmem:$0x1B9B0] =	vst v58  }
0x163: {  	v62 =	vld [tilespmem:$0x1BA60];
	[tilespmem:$0x1B840] =	vst v59  }
0x164: {  	v63 =	vld [tilespmem:$0x1B8F0];
	[tilespmem:$0x1B9C0] =	vst v60  }
0x165: {  	[tilespmem:$0x1B830] =	vst v15;
	v15 =	vld [tilespmem:$0x1BA50]  }
0x166: {  	[tilespmem:$0x1B850] =	vst v14;
	v14 =	vld [tilespmem:$0x1BA70]  }
.Ltmp10:
0x167: {  	[tilespmem:$0x1B860] =	vst v61;
	(pc) =	sbr.rel .LBB2_9-.Ltmp10, $4  }
0x168: {  	[tilespmem:$0x1B9E0] =	vst v62  }
0x169: {  	[tilespmem:$0x1B870] =	vst v63  }
0x16a: {  	[tilespmem:$0x1B9D0] =	vst v15  }
0x16b: {  	s19 =	sadd.s32 $0xFFFFFF80, s19;
	s16 =	sadd.s32 $0x1, s16;
	[tilespmem:$0x1B9F0] =	vst v14  }
.LBB2_10:
0x16c: {  	_ =	swait.ge [sflag:s10], $0x4000  }
0x16d: {  	[sflag:s10] =	ssyncset.done $0x0  }
0x16e: {  	[sflag:s10] =	ssyncadd.s32 $0xFFFFC000  }
0x16f: {  	s16 =	sand.u32 $0x1, s16;
	v12 =	vld [tilespmem:$0x1B800]  }
0x170: {  	p0 =	seq.s32 s16, $0x1;
	v14 =	vld [tilespmem:$0x1B980]  }
.Ltmp11:
0x171: {  	_ = 	snop;
	(pc) =	sbr.rel @p0 .LBB2_12-.Ltmp11, $4  }
0x172: {  	_ = 	snop  }
0x173: {  	v11 =	vmov s19  }
0x174: {  	vm0 =	vgt.s32 v11, v1;
	vm1 =	vgt.s32 v11, v5;
	vm2 =	vgt.s32 v11, v6  }
0x175: {  	v13 =	vnsel vm0, $0x0, v12;
	v12 =	vnsel vm0, $0x1880, v14;
	vm0 =	vgt.s32 v11, v4  }
0x176: {  	v14 =	vld [tilespmem:$0x1B810]  }
0x177: {  	v15 =	vld [tilespmem:$0x1B990]  }
0x178: {  	v16 =	vld [tilespmem:$0x1B820]  }
0x179: {  	v17 =	vld [tilespmem:$0x1B9A0]  }
0x17a: {  	[tilespmem:$0x1BB00] =	vst v13;
	v50 =	vld [tilespmem:$0x1B830]  }
0x17b: {  	[tilespmem:$0x1BC00] =	vst v12;
	v52 =	vld [tilespmem:$0x1B9B0];
	v51 =	vnsel vm2, $0x0, v14  }
0x17c: {  	v53 =	vld [tilespmem:$0x1B840];
	v15 =	vnsel vm2, $0x1880, v15;
	[tilespmem:$0x1BB10] =	vst v51  }
0x17d: {  	v55 =	vld [tilespmem:$0x1B9C0];
	v54 =	vnsel vm1, $0x0, v16;
	[tilespmem:$0x1BC10] =	vst v15  }
0x17e: {  	v57 =	vld [tilespmem:$0x1B9D0];
	v17 =	vnsel vm1, $0x1880, v17;
	[tilespmem:$0x1BB20] =	vst v54  }
0x17f: {  	v59 =	vld [tilespmem:$0x1B9E0];
	v13 =	vnsel vm0, $0x0, v50;
	[tilespmem:$0x1BC20] =	vst v17  }
0x180: {  	vm12 =	vgt.s32 v11, v7;
	v61 =	vld [tilespmem:$0x1B9F0];
	v14 =	vnsel vm0, $0x1880, v52;
	[tilespmem:$0x1BB30] =	vst v13  }
0x181: {  	v56 =	vld [tilespmem:$0x1B850];
	v12 =	vnsel vm12, $0x0, v53;
	[tilespmem:$0x1BC30] =	vst v14  }
0x182: {  	v58 =	vld [tilespmem:$0x1B860];
	vm13 =	vgt.s32 v11, v8;
	v16 =	vnsel vm12, $0x1880, v55;
	[tilespmem:$0x1BB40] =	vst v12  }
0x183: {  	v60 =	vld [tilespmem:$0x1B870];
	vm14 =	vgt.s32 v11, v9;
	v62 =	vnsel vm13, $0x1880, v57;
	[tilespmem:$0x1BC40] =	vst v16  }
0x184: {  	vm15 =	vgt.s32 v11, v10;
	v11 =	vnsel vm14, $0x1880, v59;
	[tilespmem:$0x1BC50] =	vst v62  }
0x185: {  	v63 =	vnsel vm15, $0x1880, v61;
	[tilespmem:$0x1BC60] =	vst v11  }
0x186: {  	v15 =	vnsel vm13, $0x0, v56;
	[tilespmem:$0x1BC70] =	vst v63  }
0x187: {  	v13 =	vnsel vm14, $0x0, v58;
	[tilespmem:$0x1BB50] =	vst v15  }
0x188: {  	v11 =	vnsel vm15, $0x0, v60;
	[tilespmem:$0x1BB60] =	vst v13  }
0x189: {  	s16 =	simm.s32 $0x1BB00;
	[tilespmem:$0x1BB70] =	vst v11  }
0x18a: {  	[tilespmem:s0], [sflag:$0x2] =	stream.indirect.gather [hbm4b:s7+s11], $0x80, s16, s11, $0xb8;
	[tilespmem:$0x1BD00] =	vst v63  }
0x18b: {  	s23 =	simm.s32 $0x1BB40;
	s17 =	simm.s32 $0xE800  }
0x18c: {  	[tilespmem:s17], [sflag:$0x2] =	stream.indirect.gather [hbm4b:s7+s11], $0x80, s23, s11, $0xb8;
	[tilespmem:$0x1BD00] =	vst v63  }
0x18d: {  	_ =	swait.ge [sflag:s14], $0x2000  }
0x18e: {  	[sflag:s14] =	ssyncset.done $0x0  }
.Ltmp12:
0x18f: {  	[sflag:s14] =	ssyncadd.s32 $0xFFFFE000;
	(pc) =	sbr.rel .LBB2_13-.Ltmp12, $4  }
0x190: {  	_ =	swait.ge [sflag:s14], $0x2000  }
0x191: {  	[sflag:s14] =	ssyncset.done $0x0  }
0x192: {  	s24 =	simm.s32 $0x1BC00;
	[sflag:s14] =	ssyncadd.s32 $0xFFFFE000  }
0x193: {  	[spmem:s1] =	stream.indirect.scatter.add.f32 [tilespmem:s0], [sflag:$0x1], $0x80, s24, s2, $0xb8;
	[tilespmem:$0x1BD00] =	vst v63  }
.LBB2_15:
0x194: {  	_ =	sfence.sel $0x180000  }
0x195: {  	[bflag:$0x0] =	sbarrier.arrive $0xFFFF  }
0x196: {  	_ =	strace $0x90000047  }
0x197: {  	s0 =	stileid.u32;
	[bflag:$0x2] =	sbarrier.arrive $0xFFFF  }
0x198: {  	p0 =	sne.s32 s0, $0x0;
	s0 =	rddreg [dreg:$0x2]  }
0x199: {  	s0 =	sadd.s32 @!p0 $0x100000, s0  }
0x19a: {  	[sflag:s0] =	ssyncadd.tile.s32 @!p0 $0x1;
	_ =	shalt  }
.Lfunc_end2:
_tile_overlayer_lowered:
.L_overlay_start_2:
0x19b: {  	(tag) =	ssettag $0x2  }
0x19c: {  	s0 =	rddreg [dreg:$0x0];
	s2 =	stileid.u32  }
0x19d: {  	s1 =	rddreg [dreg:$0x1];
	p0 =	sne.s32 s2, $0x0  }
0x19e: {  	s3 =	rddreg [dreg:$0x2];
	[bflag:$0x3] =	sbarrier.arrive $0xFFFF;
	s2 =	simm.s32 @!p0 $0x1C04  }
0x19f: {  	[timem:s3], [sflag:s2] =	dma.local @!p0 [hbm:s0], s1  }
0x1a0: {  	s0 =	simm.s32 @!p0 $0x4  }
0x1a1: {  	_ =	swait.ge @!p0 [sflag:s0], s1  }
0x1a2: {  	s1 =	ssub.s32 @!p0 $0x0, s1;
	[sflag:s0] =	ssyncset.done @!p0 $0x0  }
0x1a3: {  	[sflag:s0] =	ssyncadd.s32 @!p0 s1  }
0x1a4: {  	[bflag:$0x3] =	sbarrier.arrive $0xFFFF  }
0x1a5: {  	_ =	shalt  }

</sc_bundles>
